<compile_context>
chip_gen: v7x
topology: tpu7x:2x2x1
jax: 0.10.2.dev20260603
libtpu: 0.0.44.dev20260713+nightly
codegen_flags: <defaults>
</compile_context>

<pallas_src>
import jax
import jax.numpy as jnp
from jax import lax
from jax.experimental import pallas as pl
from jax.experimental.pallas import tpu as pltpu
from jax.experimental.pallas import tpu_sc as plsc

C = 19
B = 256
NB = 2 * B
HW = 512 * 512
NBATCH = 4
P = NBATCH * HW
NW = 32
PPW = P // NW
CHUNK = 1024
NBUF = 4
NCHUNK = PPW // CHUNK
GROUPS = CHUNK // 16
W_PER_BATCH = NW // NBATCH
HVREGS = C * NB // 16


def _sc_body(pred_hbm, tgt_hbm, out_hbm, xbuf, tbuf, hist, sem):
  wid = lax.axis_index("c") * 16 + lax.axis_index("s")
  b = wid // W_PER_BATCH
  base = (wid % W_PER_BATCH) * PPW

  zeros = jnp.zeros((16,), jnp.float32)
  ones = jnp.ones((16,), jnp.float32)

  def _copies(ch, par):
    off = base + ch * CHUNK
    return (
        pltpu.make_async_copy(
            pred_hbm.at[pl.ds(b, 1), :, pl.ds(off, CHUNK)],
            xbuf.at[pl.ds(par, 1)], sem),
        pltpu.make_async_copy(
            tgt_hbm.at[pl.ds(b, 1), pl.ds(off, CHUNK)],
            tbuf.at[pl.ds(par, 1)], sem),
    )

  def issue(ch, par):
    for cp in _copies(ch, par):
      cp.start()

  def wait(ch, par):
    for cp in _copies(ch, par):
      cp.wait()

  def compute(par):
    def one_group(sl):
      ts = [jnp.exp(xbuf[par, c, sl]) for c in range(C)]
      acc = ts
      while len(acc) > 1:
        acc = [acc[i] + acc[i + 1] for i in range(0, len(acc) - 1, 2)] + (
            [acc[-1]] if len(acc) % 2 else [])
      r = 1.0 / acc[0]
      tv = tbuf[par, sl]
      for c in range(C):
        p = ts[c] * r
        fg = tv == c
        w = jnp.where(fg, 2.0 - p, p)
        k = (w * float(B) + float(c * NB)).astype(jnp.int32)
        idx = jnp.minimum(k, c * NB + (NB - 1))
        plsc.addupdate_scatter(hist, [idx], ones)

    def group_body(g, _):
      one_group(pl.ds(g * 32, 16))
      one_group(pl.ds(g * 32 + 16, 16))
      return 0

    lax.fori_loop(0, GROUPS // 2, group_body, 0)

  for j in range(NBUF - 1):
    issue(j, j)

  def zero_body(i, _):
    hist[pl.ds(i * 16, 16)] = zeros
    return 0

  lax.fori_loop(0, HVREGS, zero_body, 0)

  def ring_body(i, _):
    for j in range(NBUF):
      ch = i * NBUF + j
      wait(ch, j)
      compute(j)

      @pl.when(ch + NBUF - 1 < NCHUNK)
      def _():
        issue(ch + NBUF - 1, (j + NBUF - 1) % NBUF)

    return 0

  lax.fori_loop(0, NCHUNK // NBUF, ring_body, 0)
  pltpu.sync_copy(hist, out_hbm.at[wid])


_sc_histogram = pl.kernel(
    _sc_body,
    out_type=jax.ShapeDtypeStruct((NW, C * NB), jnp.float32),
    mesh=plsc.VectorSubcoreMesh(core_axis_name="c", subcore_axis_name="s"),
    scratch_types=[
        pltpu.VMEM((NBUF, C, CHUNK), jnp.float32),
        pltpu.VMEM((NBUF, CHUNK), jnp.int32),
        pltpu.VMEM((C * NB,), jnp.float32),
        pltpu.SemaphoreType.DMA,
    ],
    compiler_params=pltpu.CompilerParams(needs_layout_passes=False),
)


def _tc_body(hist_ref, out_ref):
  h = jnp.sum(hist_ref[...], axis=0).reshape(C, NB)
  n1 = h[:, B:]
  n = h[:, :B] + n1
  gts = jnp.sum(n1, axis=1, keepdims=True)

  ii = lax.broadcasted_iota(jnp.int32, (B, B), 0)
  jj = lax.broadcasted_iota(jnp.int32, (B, B), 1)
  incl = (ii >= jj).astype(jnp.float32)
  n_incl = jnp.dot(n, incl, preferred_element_type=jnp.float32)
  g_incl = jnp.dot(n1, incl, preferred_element_type=jnp.float32)
  n_above = n_incl - n
  g_above = g_incl - n1

  def jac(nn, gg):
    return 1.0 - (gts - gg) / jnp.maximum(gts + nn - gg, 1.0)

  dj = jac(n_incl, g_incl) - jac(n_above, g_above)
  mid = (lax.broadcasted_iota(jnp.int32, (C, B), 1).astype(jnp.float32)
         + 0.5) * (1.0 / B)
  losses = jnp.sum(mid * dj, axis=1)
  present = (gts[:, 0] > 0).astype(jnp.float32)
  loss = jnp.sum(losses * present) / jnp.maximum(jnp.sum(present), 1.0)
  out_ref[...] = jnp.broadcast_to(loss, (1, 1))


_tc_finalize = pl.pallas_call(
    _tc_body,
    out_shape=jax.ShapeDtypeStruct((1, 1), jnp.float32),
)


@jax.jit
def kernel(pred, target):
  pred3 = pred.reshape(NBATCH, C, HW)
  tgt2 = target.reshape(NBATCH, HW).astype(jnp.int32)
  hist = _sc_histogram(pred3, tgt2)
  return _tc_finalize(hist).reshape(())

# --- scband reference (transcript-rebuilt; emitter-appended) ---
"""Pipeline reference for scband-lovasz-softmax-loss-15719580304131 (READ-ONLY COPY).

The authoritative reference and input builder live on the scoring server;
editing this copy changes nothing except your own understanding.
"""

import jax, jax.numpy as jnp
import numpy as np


def setup_inputs(seed: int = 0) -> dict:
    key = jax.random.key(seed)
    k1, k2 = jax.random.split(key)
    pred = jax.random.normal(k1, (4, 19, 512, 512), dtype=jnp.float32)
    target = jax.random.randint(k2, (4, 512, 512), 0, 19)
    return {"pred": pred, "target": target}


def _lovasz_softmax_loss(pred, target, loss_weight=1.0):
    # F.softmax over channel dim
    prob = jax.nn.softmax(pred, axis=1)
    C = prob.shape[1]
    # flatten_probs: (B,C,H,W) -> (P,C); labels -> (P,)
    probs = jnp.transpose(prob, (0, 2, 3, 1)).reshape(-1, C)
    labels = target.reshape(-1)
    # ignore_index=-1: labels are in [0, C-1], so all pixels are valid
    losses = []
    presents = []
    for c in range(C):
        fg = (labels == c).astype(jnp.float32)
        present = fg.sum() > 0  # classes='present'
        class_pred = probs[:, c]
        errors = jnp.abs(fg - class_pred)
        perm = jnp.argsort(-errors)  # descending sort order
        errors_sorted = errors[perm]
        fg_sorted = fg[perm]
        # lovasz_grad
        gts = fg_sorted.sum()
        intersection = gts - jnp.cumsum(fg_sorted)
        union = gts + jnp.cumsum(1.0 - fg_sorted)
        jaccard = 1.0 - intersection / union
        jaccard = jnp.concatenate([jaccard[:1], jaccard[1:] - jaccard[:-1]])
        losses.append(jnp.dot(errors_sorted, jaccard))
        presents.append(present)
    losses = jnp.stack(losses)
    presents = jnp.stack(presents).astype(jnp.float32)
    # mean over present classes
    loss = jnp.sum(losses * presents) / jnp.maximum(jnp.sum(presents), 1.0)
    return loss * loss_weight


def reference(pred, target):
    return _lovasz_softmax_loss(pred, target, loss_weight=1.0)

if __name__ == "__main__":
    import jax
    _d = setup_inputs()
    print(jax.jit(kernel)(*tuple(_d.values())))

</pallas_src>

<mosaic_0001>
#map = affine_map<(d0, d1) -> (0, 0, 0)>
#map1 = affine_map<(d0, d1) -> (0, 0)>
module attributes {stable_mosaic.version = 14 : i64} {
  func.func @_sc_body(%arg0: i32, %arg1: i32, %arg2: memref<4x19x262144xf32, #tpu.memory_space<hbm>>, %arg3: memref<4x262144xi32, #tpu.memory_space<hbm>>, %arg4: memref<32x9728xf32, #tpu.memory_space<hbm>>, %arg5: memref<4x19x1024xf32, #tpu.memory_space<vmem>>, %arg6: memref<4x1024xi32, #tpu.memory_space<vmem>>, %arg7: memref<9728xf32, #tpu.memory_space<vmem>>, %arg8: memref<!tpu.dma_semaphore, #tpu.memory_space<semaphore_mem>>) attributes {dimension_semantics = [#tpu.dimension_semantics<core_parallel>, #tpu.dimension_semantics<subcore_parallel>], iteration_bounds = array<i64: 2, 16>, scalar_prefetch = 0 : i64, scratch_operands = 4 : i64, tpu.core_type = #tpu.core_type<sc_vector_subcore>, window_params = [{transform_indices = #map}, {transform_indices = #map1}, {transform_indices = #map1}]} {
    %mul3A = arith.constant 16 : i32
    %mul3A_0 = arith.muli %arg0, %mul3A : i32
    %add3A = arith.addi %mul3A_0, %arg1 : i32
    %jit3A = arith.constant 8 : i32
    %div3A = arith.divsi %add3A, %jit3A : i32
    %sign3A = arith.constant 0 : i32
    %sign3A_1 = arith.cmpi sgt, %add3A, %sign3A : i32
    %sign3A_2 = arith.extui %sign3A_1 : i1 to i32
    %sign3A_3 = arith.constant 0 : i32
    %sign3A_4 = arith.cmpi slt, %add3A, %sign3A_3 : i32
    %sign3A_5 = arith.extui %sign3A_4 : i1 to i32
    %sign3A_6 = arith.subi %sign3A_2, %sign3A_5 : i32
    %sign3A_7 = arith.constant 0 : i32
    %sign3A_8 = arith.cmpi sgt, %jit3A, %sign3A_7 : i32
    %sign3A_9 = arith.extui %sign3A_8 : i1 to i32
    %sign3A_10 = arith.constant 0 : i32
    %sign3A_11 = arith.cmpi slt, %jit3A, %sign3A_10 : i32
    %sign3A_12 = arith.extui %sign3A_11 : i1 to i32
    %sign3A_13 = arith.subi %sign3A_9, %sign3A_12 : i32
    %ne3A = arith.cmpi ne, %sign3A_6, %sign3A_13 : i32
    %rem3A = arith.remsi %add3A, %jit3A : i32
    %ne3A_14 = arith.constant 0 : i32
    %ne3A_15 = arith.cmpi ne, %rem3A, %ne3A_14 : i32
    %and3A = arith.andi %ne3A, %ne3A_15 : i1
    %sub3A = arith.constant 1 : i32
    %sub3A_16 = arith.subi %div3A, %sub3A : i32
    %select_n3A = arith.select %and3A, %sub3A_16, %div3A : i32
    %jit3A_17 = arith.constant 8 : i32
    %eq3A = arith.constant 0 : i32
    %eq3A_18 = arith.cmpi eq, %jit3A_17, %eq3A : i32
    %jit3A_19 = arith.constant 1 : i32
    %select_n3A_20 = arith.select %eq3A_18, %jit3A_19, %jit3A_17 : i32
    %rem3A_21 = arith.remsi %add3A, %select_n3A_20 : i32
    %ne3A_22 = arith.constant 0 : i32
    %ne3A_23 = arith.cmpi ne, %rem3A_21, %ne3A_22 : i32
    %lt3A = arith.constant 0 : i32
    %lt3A_24 = arith.cmpi slt, %rem3A_21, %lt3A : i32
    %lt3A_25 = arith.constant 0 : i32
    %lt3A_26 = arith.cmpi slt, %select_n3A_20, %lt3A_25 : i32
    %ne3A_27 = arith.xori %lt3A_24, %lt3A_26 : i1
    %and3A_28 = arith.andi %ne3A_27, %ne3A_23 : i1
    %add3A_29 = arith.addi %rem3A_21, %select_n3A_20 : i32
    %select_n3A_30 = arith.select %and3A_28, %add3A_29, %rem3A_21 : i32
    %mul3A_31 = arith.constant 32768 : i32
    %mul3A_32 = arith.muli %select_n3A_30, %mul3A_31 : i32
    %broadcast_in_dim3A = arith.constant 0.000000e+00 : f32
    %broadcast_in_dim3A_33 = vector.broadcast %broadcast_in_dim3A : f32 to vector<16xf32>
    %broadcast_in_dim3A_34 = arith.constant 1.000000e+00 : f32
    %broadcast_in_dim3A_35 = vector.broadcast %broadcast_in_dim3A_34 : f32 to vector<16xf32>
    %add3A_36 = arith.constant 0 : i32
    %add3A_37 = arith.addi %mul3A_32, %add3A_36 : i32
    %dma_start3A = arith.constant 0 : i32
    %dma_start3A_38 = arith.constant 0 : i32
    %dma_start3A_39 = arith.constant 0 : i32
    %dma_start3A_40 = tpu.memref_slice %arg5[%dma_start3A, %dma_start3A_38, %dma_start3A_39] : memref<4x19x1024xf32, #tpu.memory_space<vmem>> -> memref<1x19x1024xf32, #tpu.memory_space<vmem>>
    %dma_start3A_41 = arith.constant 0 : i32
    %dma_start3A_42 = tpu.memref_slice %arg2[%select_n3A, %dma_start3A_41, %add3A_37] : memref<4x19x262144xf32, #tpu.memory_space<hbm>> -> memref<1x19x1024xf32, #tpu.memory_space<hbm>>
    %dma_start3A_43 = arith.constant 0 : i32
    %dma_start3A_44 = arith.constant 0 : i32
    %dma_start3A_45 = arith.constant 0 : i32
    %dma_start3A_46 = tpu.memref_slice %arg5[%dma_start3A_43, %dma_start3A_44, %dma_start3A_45] : memref<4x19x1024xf32, #tpu.memory_space<vmem>> -> memref<1x19x1024xf32, #tpu.memory_space<vmem>>
    %dma_start3A_47 = arith.constant 0 : i32
    %dma_start3A_48 = tpu.memref_slice %arg2[%select_n3A, %dma_start3A_47, %add3A_37] : memref<4x19x262144xf32, #tpu.memory_space<hbm>> -> memref<1x19x1024xf32, #tpu.memory_space<hbm>>
    tpu.enqueue_dma source(%dma_start3A_48 : memref<1x19x1024xf32, #tpu.memory_space<hbm>>) target(%dma_start3A_46 : memref<1x19x1024xf32, #tpu.memory_space<vmem>>) target_semaphore(%arg8 : memref<!tpu.dma_semaphore, #tpu.memory_space<semaphore_mem>>)
    %dma_start3A_49 = arith.constant 0 : i32
    %dma_start3A_50 = arith.constant 0 : i32
    %dma_start3A_51 = tpu.memref_slice %arg6[%dma_start3A_49, %dma_start3A_50] : memref<4x1024xi32, #tpu.memory_space<vmem>> -> memref<1x1024xi32, #tpu.memory_space<vmem>>
    %dma_start3A_52 = tpu.memref_slice %arg3[%select_n3A, %add3A_37] : memref<4x262144xi32, #tpu.memory_space<hbm>> -> memref<1x1024xi32, #tpu.memory_space<hbm>>
    %dma_start3A_53 = arith.constant 0 : i32
    %dma_start3A_54 = arith.constant 0 : i32
    %dma_start3A_55 = tpu.memref_slice %arg6[%dma_start3A_53, %dma_start3A_54] : memref<4x1024xi32, #tpu.memory_space<vmem>> -> memref<1x1024xi32, #tpu.memory_space<vmem>>
    %dma_start3A_56 = tpu.memref_slice %arg3[%select_n3A, %add3A_37] : memref<4x262144xi32, #tpu.memory_space<hbm>> -> memref<1x1024xi32, #tpu.memory_space<hbm>>
    tpu.enqueue_dma source(%dma_start3A_56 : memref<1x1024xi32, #tpu.memory_space<hbm>>) target(%dma_start3A_55 : memref<1x1024xi32, #tpu.memory_space<vmem>>) target_semaphore(%arg8 : memref<!tpu.dma_semaphore, #tpu.memory_space<semaphore_mem>>)
    %add3A_57 = arith.constant 1024 : i32
    %add3A_58 = arith.addi %mul3A_32, %add3A_57 : i32
    %dma_start3A_59 = arith.constant 1 : i32
    %dma_start3A_60 = arith.constant 0 : i32
    %dma_start3A_61 = arith.constant 0 : i32
    %dma_start3A_62 = tpu.memref_slice %arg5[%dma_start3A_59, %dma_start3A_60, %dma_start3A_61] : memref<4x19x1024xf32, #tpu.memory_space<vmem>> -> memref<1x19x1024xf32, #tpu.memory_space<vmem>>
    %dma_start3A_63 = arith.constant 0 : i32
    %dma_start3A_64 = tpu.memref_slice %arg2[%select_n3A, %dma_start3A_63, %add3A_58] : memref<4x19x262144xf32, #tpu.memory_space<hbm>> -> memref<1x19x1024xf32, #tpu.memory_space<hbm>>
    %dma_start3A_65 = arith.constant 1 : i32
    %dma_start3A_66 = arith.constant 0 : i32
    %dma_start3A_67 = arith.constant 0 : i32
    %dma_start3A_68 = tpu.memref_slice %arg5[%dma_start3A_65, %dma_start3A_66, %dma_start3A_67] : memref<4x19x1024xf32, #tpu.memory_space<vmem>> -> memref<1x19x1024xf32, #tpu.memory_space<vmem>>
    %dma_start3A_69 = arith.constant 0 : i32
    %dma_start3A_70 = tpu.memref_slice %arg2[%select_n3A, %dma_start3A_69, %add3A_58] : memref<4x19x262144xf32, #tpu.memory_space<hbm>> -> memref<1x19x1024xf32, #tpu.memory_space<hbm>>
    tpu.enqueue_dma source(%dma_start3A_70 : memref<1x19x1024xf32, #tpu.memory_space<hbm>>) target(%dma_start3A_68 : memref<1x19x1024xf32, #tpu.memory_space<vmem>>) target_semaphore(%arg8 : memref<!tpu.dma_semaphore, #tpu.memory_space<semaphore_mem>>)
    %dma_start3A_71 = arith.constant 1 : i32
    %dma_start3A_72 = arith.constant 0 : i32
    %dma_start3A_73 = tpu.memref_slice %arg6[%dma_start3A_71, %dma_start3A_72] : memref<4x1024xi32, #tpu.memory_space<vmem>> -> memref<1x1024xi32, #tpu.memory_space<vmem>>
    %dma_start3A_74 = tpu.memref_slice %arg3[%select_n3A, %add3A_58] : memref<4x262144xi32, #tpu.memory_space<hbm>> -> memref<1x1024xi32, #tpu.memory_space<hbm>>
    %dma_start3A_75 = arith.constant 1 : i32
    %dma_start3A_76 = arith.constant 0 : i32
    %dma_start3A_77 = tpu.memref_slice %arg6[%dma_start3A_75, %dma_start3A_76] : memref<4x1024xi32, #tpu.memory_space<vmem>> -> memref<1x1024xi32, #tpu.memory_space<vmem>>
    %dma_start3A_78 = tpu.memref_slice %arg3[%select_n3A, %add3A_58] : memref<4x262144xi32, #tpu.memory_space<hbm>> -> memref<1x1024xi32, #tpu.memory_space<hbm>>
    tpu.enqueue_dma source(%dma_start3A_78 : memref<1x1024xi32, #tpu.memory_space<hbm>>) target(%dma_start3A_77 : memref<1x1024xi32, #tpu.memory_space<vmem>>) target_semaphore(%arg8 : memref<!tpu.dma_semaphore, #tpu.memory_space<semaphore_mem>>)
    %add3A_79 = arith.constant 2048 : i32
    %add3A_80 = arith.addi %mul3A_32, %add3A_79 : i32
    %dma_start3A_81 = arith.constant 2 : i32
    %dma_start3A_82 = arith.constant 0 : i32
    %dma_start3A_83 = arith.constant 0 : i32
    %dma_start3A_84 = tpu.memref_slice %arg5[%dma_start3A_81, %dma_start3A_82, %dma_start3A_83] : memref<4x19x1024xf32, #tpu.memory_space<vmem>> -> memref<1x19x1024xf32, #tpu.memory_space<vmem>>
    %dma_start3A_85 = arith.constant 0 : i32
    %dma_start3A_86 = tpu.memref_slice %arg2[%select_n3A, %dma_start3A_85, %add3A_80] : memref<4x19x262144xf32, #tpu.memory_space<hbm>> -> memref<1x19x1024xf32, #tpu.memory_space<hbm>>
    %dma_start3A_87 = arith.constant 2 : i32
    %dma_start3A_88 = arith.constant 0 : i32
    %dma_start3A_89 = arith.constant 0 : i32
    %dma_start3A_90 = tpu.memref_slice %arg5[%dma_start3A_87, %dma_start3A_88, %dma_start3A_89] : memref<4x19x1024xf32, #tpu.memory_space<vmem>> -> memref<1x19x1024xf32, #tpu.memory_space<vmem>>
    %dma_start3A_91 = arith.constant 0 : i32
    %dma_start3A_92 = tpu.memref_slice %arg2[%select_n3A, %dma_start3A_91, %add3A_80] : memref<4x19x262144xf32, #tpu.memory_space<hbm>> -> memref<1x19x1024xf32, #tpu.memory_space<hbm>>
    tpu.enqueue_dma source(%dma_start3A_92 : memref<1x19x1024xf32, #tpu.memory_space<hbm>>) target(%dma_start3A_90 : memref<1x19x1024xf32, #tpu.memory_space<vmem>>) target_semaphore(%arg8 : memref<!tpu.dma_semaphore, #tpu.memory_space<semaphore_mem>>)
    %dma_start3A_93 = arith.constant 2 : i32
    %dma_start3A_94 = arith.constant 0 : i32
    %dma_start3A_95 = tpu.memref_slice %arg6[%dma_start3A_93, %dma_start3A_94] : memref<4x1024xi32, #tpu.memory_space<vmem>> -> memref<1x1024xi32, #tpu.memory_space<vmem>>
    %dma_start3A_96 = tpu.memref_slice %arg3[%select_n3A, %add3A_80] : memref<4x262144xi32, #tpu.memory_space<hbm>> -> memref<1x1024xi32, #tpu.memory_space<hbm>>
    %dma_start3A_97 = arith.constant 2 : i32
    %dma_start3A_98 = arith.constant 0 : i32
    %dma_start3A_99 = tpu.memref_slice %arg6[%dma_start3A_97, %dma_start3A_98] : memref<4x1024xi32, #tpu.memory_space<vmem>> -> memref<1x1024xi32, #tpu.memory_space<vmem>>
    %dma_start3A_100 = tpu.memref_slice %arg3[%select_n3A, %add3A_80] : memref<4x262144xi32, #tpu.memory_space<hbm>> -> memref<1x1024xi32, #tpu.memory_space<hbm>>
    tpu.enqueue_dma source(%dma_start3A_100 : memref<1x1024xi32, #tpu.memory_space<hbm>>) target(%dma_start3A_99 : memref<1x1024xi32, #tpu.memory_space<vmem>>) target_semaphore(%arg8 : memref<!tpu.dma_semaphore, #tpu.memory_space<semaphore_mem>>)
    %scan3A = arith.constant 0 : i32
    %scan3A_101 = arith.constant 0 : i32
    %scan3A_102 = arith.constant 608 : i32
    %scan3A_103 = arith.addi %scan3A_101, %scan3A_102 : i32
    %scan3A_104 = arith.constant 1 : i32
    %scan3A_105 = scf.for %scan3A_114 = %scan3A_101 to %scan3A_103 step %scan3A_104 iter_args(%scan3A_115 = %scan3A) -> (i32)  : i32 {
      %mul3A_116 = arith.constant 16 : i32
      %mul3A_117 = arith.muli %scan3A_114, %mul3A_116 : i32
      %swap3A = arith.index_cast %mul3A_117 : i32 to index
      %swap3A_118 = tpu.vector_load %arg7[%swap3A] {strides = array<i32>} : memref<9728xf32, #tpu.memory_space<vmem>>, vector<16xf32>,
      tpu.vector_store %arg7[%swap3A], %broadcast_in_dim3A_33 {strides = array<i32>} : memref<9728xf32, #tpu.memory_space<vmem>>, vector<16xf32>,
      %scan3A_119 = arith.constant 0 : i32
      scf.yield %scan3A_119 : i32
    }
    %scan3A_106 = arith.constant 608 : i32
    %scan3A_107 = arith.constant 0 : i32
    %scan3A_108 = arith.constant 0 : i32
    %scan3A_109 = arith.constant 8 : i32
    %scan3A_110 = arith.addi %scan3A_108, %scan3A_109 : i32
    %scan3A_111 = arith.constant 1 : i32
    %scan3A_112 = scf.for %scan3A_114 = %scan3A_108 to %scan3A_110 step %scan3A_111 iter_args(%scan3A_115 = %scan3A_107) -> (i32)  : i32 {
      %mul3A_116 = arith.constant 4 : i32
      %mul3A_117 = arith.muli %scan3A_114, %mul3A_116 : i32
      %add3A_118 = arith.constant 0 : i32
      %add3A_119 = arith.addi %mul3A_117, %add3A_118 : i32
      %mul3A_120 = arith.constant 1024 : i32
      %mul3A_121 = arith.muli %add3A_119, %mul3A_120 : i32
      %add3A_122 = arith.addi %mul3A_32, %mul3A_121 : i32
      %dma_wait3A = arith.constant 0 : i32
      %dma_wait3A_123 = arith.constant 0 : i32
      %dma_wait3A_124 = arith.constant 0 : i32
      %dma_wait3A_125 = tpu.memref_slice %arg5[%dma_wait3A, %dma_wait3A_123, %dma_wait3A_124] : memref<4x19x1024xf32, #tpu.memory_space<vmem>> -> memref<1x19x1024xf32, #tpu.memory_space<vmem>>
      %dma_wait3A_126 = arith.constant 0 : i32
      %dma_wait3A_127 = tpu.memref_slice %arg2[%select_n3A, %dma_wait3A_126, %add3A_122] : memref<4x19x262144xf32, #tpu.memory_space<hbm>> -> memref<1x19x1024xf32, #tpu.memory_space<hbm>>
      %dma_wait3A_128 = arith.constant 0 : i32
      %dma_wait3A_129 = arith.constant 0 : i32
      %dma_wait3A_130 = arith.constant 0 : i32
      %dma_wait3A_131 = tpu.memref_slice %arg5[%dma_wait3A_128, %dma_wait3A_129, %dma_wait3A_130] : memref<4x19x1024xf32, #tpu.memory_space<vmem>> -> memref<1x19x1024xf32, #tpu.memory_space<vmem>>
      %dma_wait3A_132 = arith.constant 0 : i32
      %dma_wait3A_133 = tpu.memref_slice %arg2[%select_n3A, %dma_wait3A_132, %add3A_122] : memref<4x19x262144xf32, #tpu.memory_space<hbm>> -> memref<1x19x1024xf32, #tpu.memory_space<hbm>>
      tpu.wait_dma2 semaphore(%arg8 : memref<!tpu.dma_semaphore, #tpu.memory_space<semaphore_mem>>) src(%dma_wait3A_133 : memref<1x19x1024xf32, #tpu.memory_space<hbm>>) dst(%dma_wait3A_131 : memref<1x19x1024xf32, #tpu.memory_space<vmem>>)
      %dma_wait3A_134 = arith.constant 0 : i32
      %dma_wait3A_135 = arith.constant 0 : i32
      %dma_wait3A_136 = tpu.memref_slice %arg6[%dma_wait3A_134, %dma_wait3A_135] : memref<4x1024xi32, #tpu.memory_space<vmem>> -> memref<1x1024xi32, #tpu.memory_space<vmem>>
      %dma_wait3A_137 = tpu.memref_slice %arg3[%select_n3A, %add3A_122] : memref<4x262144xi32, #tpu.memory_space<hbm>> -> memref<1x1024xi32, #tpu.memory_space<hbm>>
      %dma_wait3A_138 = arith.constant 0 : i32
      %dma_wait3A_139 = arith.constant 0 : i32
      %dma_wait3A_140 = tpu.memref_slice %arg6[%dma_wait3A_138, %dma_wait3A_139] : memref<4x1024xi32, #tpu.memory_space<vmem>> -> memref<1x1024xi32, #tpu.memory_space<vmem>>
      %dma_wait3A_141 = tpu.memref_slice %arg3[%select_n3A, %add3A_122] : memref<4x262144xi32, #tpu.memory_space<hbm>> -> memref<1x1024xi32, #tpu.memory_space<hbm>>
      tpu.wait_dma2 semaphore(%arg8 : memref<!tpu.dma_semaphore, #tpu.memory_space<semaphore_mem>>) src(%dma_wait3A_141 : memref<1x1024xi32, #tpu.memory_space<hbm>>) dst(%dma_wait3A_140 : memref<1x1024xi32, #tpu.memory_space<vmem>>)
      %scan3A_142 = arith.constant 0 : i32
      %scan3A_143 = arith.constant 0 : i32
      %scan3A_144 = arith.constant 32 : i32
      %scan3A_145 = arith.addi %scan3A_143, %scan3A_144 : i32
      %scan3A_146 = arith.constant 1 : i32
      %scan3A_147 = scf.for %scan3A_286 = %scan3A_143 to %scan3A_145 step %scan3A_146 iter_args(%scan3A_287 = %scan3A_142) -> (i32)  : i32 {
        %mul3A_288 = arith.constant 32 : i32
        %mul3A_289 = arith.muli %scan3A_286, %mul3A_288 : i32
        %get3A = arith.constant 0 : i32
        %get3A_290 = arith.constant 0 : i32
        %get3A_291 = arith.index_cast %get3A : i32 to index
        %get3A_292 = arith.index_cast %get3A_290 : i32 to index
        %get3A_293 = arith.index_cast %mul3A_289 : i32 to index
        %get3A_294 = tpu.vector_load %arg5[%get3A_291, %get3A_292, %get3A_293] {strides = array<i32>} : memref<4x19x1024xf32, #tpu.memory_space<vmem>>, vector<16xf32>,
        %exp3A = math.exp %get3A_294 : vector<16xf32>
        %get3A_295 = arith.constant 0 : i32
        %get3A_296 = arith.constant 1 : i32
        %get3A_297 = arith.index_cast %get3A_295 : i32 to index
        %get3A_298 = arith.index_cast %get3A_296 : i32 to index
        %get3A_299 = arith.index_cast %mul3A_289 : i32 to index
        %get3A_300 = tpu.vector_load %arg5[%get3A_297, %get3A_298, %get3A_299] {strides = array<i32>} : memref<4x19x1024xf32, #tpu.memory_space<vmem>>, vector<16xf32>,
        %exp3A_301 = math.exp %get3A_300 : vector<16xf32>
        %get3A_302 = arith.constant 0 : i32
        %get3A_303 = arith.constant 2 : i32
        %get3A_304 = arith.index_cast %get3A_302 : i32 to index
        %get3A_305 = arith.index_cast %get3A_303 : i32 to index
        %get3A_306 = arith.index_cast %mul3A_289 : i32 to index
        %get3A_307 = tpu.vector_load %arg5[%get3A_304, %get3A_305, %get3A_306] {strides = array<i32>} : memref<4x19x1024xf32, #tpu.memory_space<vmem>>, vector<16xf32>,
        %exp3A_308 = math.exp %get3A_307 : vector<16xf32>
        %get3A_309 = arith.constant 0 : i32
        %get3A_310 = arith.constant 3 : i32
        %get3A_311 = arith.index_cast %get3A_309 : i32 to index
        %get3A_312 = arith.index_cast %get3A_310 : i32 to index
        %get3A_313 = arith.index_cast %mul3A_289 : i32 to index
        %get3A_314 = tpu.vector_load %arg5[%get3A_311, %get3A_312, %get3A_313] {strides = array<i32>} : memref<4x19x1024xf32, #tpu.memory_space<vmem>>, vector<16xf32>,
        %exp3A_315 = math.exp %get3A_314 : vector<16xf32>
        %get3A_316 = arith.constant 0 : i32
        %get3A_317 = arith.constant 4 : i32
        %get3A_318 = arith.index_cast %get3A_316 : i32 to index
        %get3A_319 = arith.index_cast %get3A_317 : i32 to index
        %get3A_320 = arith.index_cast %mul3A_289 : i32 to index
        %get3A_321 = tpu.vector_load %arg5[%get3A_318, %get3A_319, %get3A_320] {strides = array<i32>} : memref<4x19x1024xf32, #tpu.memory_space<vmem>>, vector<16xf32>,
        %exp3A_322 = math.exp %get3A_321 : vector<16xf32>
        %get3A_323 = arith.constant 0 : i32
        %get3A_324 = arith.constant 5 : i32
        %get3A_325 = arith.index_cast %get3A_323 : i32 to index
        %get3A_326 = arith.index_cast %get3A_324 : i32 to index
        %get3A_327 = arith.index_cast %mul3A_289 : i32 to index
        %get3A_328 = tpu.vector_load %arg5[%get3A_325, %get3A_326, %get3A_327] {strides = array<i32>} : memref<4x19x1024xf32, #tpu.memory_space<vmem>>, vector<16xf32>,
        %exp3A_329 = math.exp %get3A_328 : vector<16xf32>
        %get3A_330 = arith.constant 0 : i32
        %get3A_331 = arith.constant 6 : i32
        %get3A_332 = arith.index_cast %get3A_330 : i32 to index
        %get3A_333 = arith.index_cast %get3A_331 : i32 to index
        %get3A_334 = arith.index_cast %mul3A_289 : i32 to index
        %get3A_335 = tpu.vector_load %arg5[%get3A_332, %get3A_333, %get3A_334] {strides = array<i32>} : memref<4x19x1024xf32, #tpu.memory_space<vmem>>, vector<16xf32>,
        %exp3A_336 = math.exp %get3A_335 : vector<16xf32>
        %get3A_337 = arith.constant 0 : i32
        %get3A_338 = arith.constant 7 : i32
        %get3A_339 = arith.index_cast %get3A_337 : i32 to index
        %get3A_340 = arith.index_cast %get3A_338 : i32 to index
        %get3A_341 = arith.index_cast %mul3A_289 : i32 to index
        %get3A_342 = tpu.vector_load %arg5[%get3A_339, %get3A_340, %get3A_341] {strides = array<i32>} : memref<4x19x1024xf32, #tpu.memory_space<vmem>>, vector<16xf32>,
        %exp3A_343 = math.exp %get3A_342 : vector<16xf32>
        %get3A_344 = arith.constant 0 : i32
        %get3A_345 = arith.constant 8 : i32
        %get3A_346 = arith.index_cast %get3A_344 : i32 to index
        %get3A_347 = arith.index_cast %get3A_345 : i32 to index
        %get3A_348 = arith.index_cast %mul3A_289 : i32 to index
        %get3A_349 = tpu.vector_load %arg5[%get3A_346, %get3A_347, %get3A_348] {strides = array<i32>} : memref<4x19x1024xf32, #tpu.memory_space<vmem>>, vector<16xf32>,
        %exp3A_350 = math.exp %get3A_349 : vector<16xf32>
        %get3A_351 = arith.constant 0 : i32
        %get3A_352 = arith.constant 9 : i32
        %get3A_353 = arith.index_cast %get3A_351 : i32 to index
        %get3A_354 = arith.index_cast %get3A_352 : i32 to index
        %get3A_355 = arith.index_cast %mul3A_289 : i32 to index
        %get3A_356 = tpu.vector_load %arg5[%get3A_353, %get3A_354, %get3A_355] {strides = array<i32>} : memref<4x19x1024xf32, #tpu.memory_space<vmem>>, vector<16xf32>,
        %exp3A_357 = math.exp %get3A_356 : vector<16xf32>
        %get3A_358 = arith.constant 0 : i32
        %get3A_359 = arith.constant 10 : i32
        %get3A_360 = arith.index_cast %get3A_358 : i32 to index
        %get3A_361 = arith.index_cast %get3A_359 : i32 to index
        %get3A_362 = arith.index_cast %mul3A_289 : i32 to index
        %get3A_363 = tpu.vector_load %arg5[%get3A_360, %get3A_361, %get3A_362] {strides = array<i32>} : memref<4x19x1024xf32, #tpu.memory_space<vmem>>, vector<16xf32>,
        %exp3A_364 = math.exp %get3A_363 : vector<16xf32>
        %get3A_365 = arith.constant 0 : i32
        %get3A_366 = arith.constant 11 : i32
        %get3A_367 = arith.index_cast %get3A_365 : i32 to index
        %get3A_368 = arith.index_cast %get3A_366 : i32 to index
        %get3A_369 = arith.index_cast %mul3A_289 : i32 to index
        %get3A_370 = tpu.vector_load %arg5[%get3A_367, %get3A_368, %get3A_369] {strides = array<i32>} : memref<4x19x1024xf32, #tpu.memory_space<vmem>>, vector<16xf32>,
        %exp3A_371 = math.exp %get3A_370 : vector<16xf32>
        %get3A_372 = arith.constant 0 : i32
        %get3A_373 = arith.constant 12 : i32
        %get3A_374 = arith.index_cast %get3A_372 : i32 to index
        %get3A_375 = arith.index_cast %get3A_373 : i32 to index
        %get3A_376 = arith.index_cast %mul3A_289 : i32 to index
        %get3A_377 = tpu.vector_load %arg5[%get3A_374, %get3A_375, %get3A_376] {strides = array<i32>} : memref<4x19x1024xf32, #tpu.memory_space<vmem>>, vector<16xf32>,
        %exp3A_378 = math.exp %get3A_377 : vector<16xf32>
        %get3A_379 = arith.constant 0 : i32
        %get3A_380 = arith.constant 13 : i32
        %get3A_381 = arith.index_cast %get3A_379 : i32 to index
        %get3A_382 = arith.index_cast %get3A_380 : i32 to index
        %get3A_383 = arith.index_cast %mul3A_289 : i32 to index
        %get3A_384 = tpu.vector_load %arg5[%get3A_381, %get3A_382, %get3A_383] {strides = array<i32>} : memref<4x19x1024xf32, #tpu.memory_space<vmem>>, vector<16xf32>,
        %exp3A_385 = math.exp %get3A_384 : vector<16xf32>
        %get3A_386 = arith.constant 0 : i32
        %get3A_387 = arith.constant 14 : i32
        %get3A_388 = arith.index_cast %get3A_386 : i32 to index
        %get3A_389 = arith.index_cast %get3A_387 : i32 to index
        %get3A_390 = arith.index_cast %mul3A_289 : i32 to index
        %get3A_391 = tpu.vector_load %arg5[%get3A_388, %get3A_389, %get3A_390] {strides = array<i32>} : memref<4x19x1024xf32, #tpu.memory_space<vmem>>, vector<16xf32>,
        %exp3A_392 = math.exp %get3A_391 : vector<16xf32>
        %get3A_393 = arith.constant 0 : i32
        %get3A_394 = arith.constant 15 : i32
        %get3A_395 = arith.index_cast %get3A_393 : i32 to index
        %get3A_396 = arith.index_cast %get3A_394 : i32 to index
        %get3A_397 = arith.index_cast %mul3A_289 : i32 to index
        %get3A_398 = tpu.vector_load %arg5[%get3A_395, %get3A_396, %get3A_397] {strides = array<i32>} : memref<4x19x1024xf32, #tpu.memory_space<vmem>>, vector<16xf32>,
        %exp3A_399 = math.exp %get3A_398 : vector<16xf32>
        %get3A_400 = arith.constant 0 : i32
        %get3A_401 = arith.constant 16 : i32
        %get3A_402 = arith.index_cast %get3A_400 : i32 to index
        %get3A_403 = arith.index_cast %get3A_401 : i32 to index
        %get3A_404 = arith.index_cast %mul3A_289 : i32 to index
        %get3A_405 = tpu.vector_load %arg5[%get3A_402, %get3A_403, %get3A_404] {strides = array<i32>} : memref<4x19x1024xf32, #tpu.memory_space<vmem>>, vector<16xf32>,
        %exp3A_406 = math.exp %get3A_405 : vector<16xf32>
        %get3A_407 = arith.constant 0 : i32
        %get3A_408 = arith.constant 17 : i32
        %get3A_409 = arith.index_cast %get3A_407 : i32 to index
        %get3A_410 = arith.index_cast %get3A_408 : i32 to index
        %get3A_411 = arith.index_cast %mul3A_289 : i32 to index
        %get3A_412 = tpu.vector_load %arg5[%get3A_409, %get3A_410, %get3A_411] {strides = array<i32>} : memref<4x19x1024xf32, #tpu.memory_space<vmem>>, vector<16xf32>,
        %exp3A_413 = math.exp %get3A_412 : vector<16xf32>
        %get3A_414 = arith.constant 0 : i32
        %get3A_415 = arith.constant 18 : i32
        %get3A_416 = arith.index_cast %get3A_414 : i32 to index
        %get3A_417 = arith.index_cast %get3A_415 : i32 to index
        %get3A_418 = arith.index_cast %mul3A_289 : i32 to index
        %get3A_419 = tpu.vector_load %arg5[%get3A_416, %get3A_417, %get3A_418] {strides = array<i32>} : memref<4x19x1024xf32, #tpu.memory_space<vmem>>, vector<16xf32>,
        %exp3A_420 = math.exp %get3A_419 : vector<16xf32>
        %add3A_421 = arith.addf %exp3A, %exp3A_301 : vector<16xf32>
        %add3A_422 = arith.addf %exp3A_308, %exp3A_315 : vector<16xf32>
        %add3A_423 = arith.addf %exp3A_322, %exp3A_329 : vector<16xf32>
        %add3A_424 = arith.addf %exp3A_336, %exp3A_343 : vector<16xf32>
        %add3A_425 = arith.addf %exp3A_350, %exp3A_357 : vector<16xf32>
        %add3A_426 = arith.addf %exp3A_364, %exp3A_371 : vector<16xf32>
        %add3A_427 = arith.addf %exp3A_378, %exp3A_385 : vector<16xf32>
        %add3A_428 = arith.addf %exp3A_392, %exp3A_399 : vector<16xf32>
        %add3A_429 = arith.addf %exp3A_406, %exp3A_413 : vector<16xf32>
        %add3A_430 = arith.addf %add3A_421, %add3A_422 : vector<16xf32>
        %add3A_431 = arith.addf %add3A_423, %add3A_424 : vector<16xf32>
        %add3A_432 = arith.addf %add3A_425, %add3A_426 : vector<16xf32>
        %add3A_433 = arith.addf %add3A_427, %add3A_428 : vector<16xf32>
        %add3A_434 = arith.addf %add3A_429, %exp3A_420 : vector<16xf32>
        %add3A_435 = arith.addf %add3A_430, %add3A_431 : vector<16xf32>
        %add3A_436 = arith.addf %add3A_432, %add3A_433 : vector<16xf32>
        %add3A_437 = arith.addf %add3A_435, %add3A_436 : vector<16xf32>
        %add3A_438 = arith.addf %add3A_437, %add3A_434 : vector<16xf32>
        %div3A_439 = arith.constant 1.000000e+00 : f32
        %div3A_440 = vector.broadcast %div3A_439 : f32 to vector<16xf32>
        %div3A_441 = arith.divf %div3A_440, %add3A_438 : vector<16xf32>
        %get3A_442 = arith.constant 0 : i32
        %get3A_443 = arith.index_cast %get3A_442 : i32 to index
        %get3A_444 = arith.index_cast %mul3A_289 : i32 to index
        %get3A_445 = tpu.vector_load %arg6[%get3A_443, %get3A_444] {strides = array<i32>} : memref<4x1024xi32, #tpu.memory_space<vmem>>, vector<16xi32>,
        %mul3A_446 = arith.mulf %exp3A, %div3A_441 : vector<16xf32>
        %eq3A_447 = arith.constant 0 : i32
        %eq3A_448 = vector.broadcast %eq3A_447 : i32 to vector<16xi32>
        %eq3A_449 = arith.cmpi eq, %get3A_445, %eq3A_448 : vector<16xi32>
        %sub3A_450 = arith.constant 2.000000e+00 : f32
        %sub3A_451 = vector.broadcast %sub3A_450 : f32 to vector<16xf32>
        %sub3A_452 = arith.subf %sub3A_451, %mul3A_446 : vector<16xf32>
        %select_n3A_453 = arith.select %eq3A_449, %sub3A_452, %mul3A_446 : vector<16xi1>, vector<16xf32>
        %mul3A_454 = arith.constant 2.560000e+02 : f32
        %mul3A_455 = vector.broadcast %mul3A_454 : f32 to vector<16xf32>
        %mul3A_456 = arith.mulf %select_n3A_453, %mul3A_455 : vector<16xf32>
        %add3A_457 = arith.constant 0.000000e+00 : f32
        %add3A_458 = vector.broadcast %add3A_457 : f32 to vector<16xf32>
        %add3A_459 = arith.addf %mul3A_456, %add3A_458 : vector<16xf32>
        %convert_element_type3A_460 = arith.fptosi %add3A_459 : vector<16xf32> to vector<16xi32>
        %min3A = arith.constant 511 : i32
        %min3A_461 = vector.broadcast %min3A : i32 to vector<16xi32>
        %min3A_462 = arith.minsi %convert_element_type3A_460, %min3A_461 : vector<16xi32>
        tpu.vector_store_idx %arg7[%min3A_462], %broadcast_in_dim3A_35 {add = true} : memref<9728xf32, #tpu.memory_space<vmem>>[vector<16xi32>], vector<16xf32>,
        %mul3A_463 = arith.mulf %exp3A_301, %div3A_441 : vector<16xf32>
        %eq3A_464 = arith.constant 1 : i32
        %eq3A_465 = vector.broadcast %eq3A_464 : i32 to vector<16xi32>
        %eq3A_466 = arith.cmpi eq, %get3A_445, %eq3A_465 : vector<16xi32>
        %sub3A_467 = arith.constant 2.000000e+00 : f32
        %sub3A_468 = vector.broadcast %sub3A_467 : f32 to vector<16xf32>
        %sub3A_469 = arith.subf %sub3A_468, %mul3A_463 : vector<16xf32>
        %select_n3A_470 = arith.select %eq3A_466, %sub3A_469, %mul3A_463 : vector<16xi1>, vector<16xf32>
        %mul3A_471 = arith.constant 2.560000e+02 : f32
        %mul3A_472 = vector.broadcast %mul3A_471 : f32 to vector<16xf32>
        %mul3A_473 = arith.mulf %select_n3A_470, %mul3A_472 : vector<16xf32>
        %add3A_474 = arith.constant 5.120000e+02 : f32
        %add3A_475 = vector.broadcast %add3A_474 : f32 to vector<16xf32>
        %add3A_476 = arith.addf %mul3A_473, %add3A_475 : vector<16xf32>
        %convert_element_type3A_477 = arith.fptosi %add3A_476 : vector<16xf32> to vector<16xi32>
        %min3A_478 = arith.constant 1023 : i32
        %min3A_479 = vector.broadcast %min3A_478 : i32 to vector<16xi32>
        %min3A_480 = arith.minsi %convert_element_type3A_477, %min3A_479 : vector<16xi32>
        tpu.vector_store_idx %arg7[%min3A_480], %broadcast_in_dim3A_35 {add = true} : memref<9728xf32, #tpu.memory_space<vmem>>[vector<16xi32>], vector<16xf32>,
        %mul3A_481 = arith.mulf %exp3A_308, %div3A_441 : vector<16xf32>
        %eq3A_482 = arith.constant 2 : i32
        %eq3A_483 = vector.broadcast %eq3A_482 : i32 to vector<16xi32>
        %eq3A_484 = arith.cmpi eq, %get3A_445, %eq3A_483 : vector<16xi32>
        %sub3A_485 = arith.constant 2.000000e+00 : f32
        %sub3A_486 = vector.broadcast %sub3A_485 : f32 to vector<16xf32>
        %sub3A_487 = arith.subf %sub3A_486, %mul3A_481 : vector<16xf32>
        %select_n3A_488 = arith.select %eq3A_484, %sub3A_487, %mul3A_481 : vector<16xi1>, vector<16xf32>
        %mul3A_489 = arith.constant 2.560000e+02 : f32
        %mul3A_490 = vector.broadcast %mul3A_489 : f32 to vector<16xf32>
        %mul3A_491 = arith.mulf %select_n3A_488, %mul3A_490 : vector<16xf32>
        %add3A_492 = arith.constant 1.024000e+03 : f32
        %add3A_493 = vector.broadcast %add3A_492 : f32 to vector<16xf32>
        %add3A_494 = arith.addf %mul3A_491, %add3A_493 : vector<16xf32>
        %convert_element_type3A_495 = arith.fptosi %add3A_494 : vector<16xf32> to vector<16xi32>
        %min3A_496 = arith.constant 1535 : i32
        %min3A_497 = vector.broadcast %min3A_496 : i32 to vector<16xi32>
        %min3A_498 = arith.minsi %convert_element_type3A_495, %min3A_497 : vector<16xi32>
        tpu.vector_store_idx %arg7[%min3A_498], %broadcast_in_dim3A_35 {add = true} : memref<9728xf32, #tpu.memory_space<vmem>>[vector<16xi32>], vector<16xf32>,
        %mul3A_499 = arith.mulf %exp3A_315, %div3A_441 : vector<16xf32>
        %eq3A_500 = arith.constant 3 : i32
        %eq3A_501 = vector.broadcast %eq3A_500 : i32 to vector<16xi32>
        %eq3A_502 = arith.cmpi eq, %get3A_445, %eq3A_501 : vector<16xi32>
        %sub3A_503 = arith.constant 2.000000e+00 : f32
        %sub3A_504 = vector.broadcast %sub3A_503 : f32 to vector<16xf32>
        %sub3A_505 = arith.subf %sub3A_504, %mul3A_499 : vector<16xf32>
        %select_n3A_506 = arith.select %eq3A_502, %sub3A_505, %mul3A_499 : vector<16xi1>, vector<16xf32>
        %mul3A_507 = arith.constant 2.560000e+02 : f32
        %mul3A_508 = vector.broadcast %mul3A_507 : f32 to vector<16xf32>
        %mul3A_509 = arith.mulf %select_n3A_506, %mul3A_508 : vector<16xf32>
        %add3A_510 = arith.constant 1.536000e+03 : f32
        %add3A_511 = vector.broadcast %add3A_510 : f32 to vector<16xf32>
        %add3A_512 = arith.addf %mul3A_509, %add3A_511 : vector<16xf32>
        %convert_element_type3A_513 = arith.fptosi %add3A_512 : vector<16xf32> to vector<16xi32>
        %min3A_514 = arith.constant 2047 : i32
        %min3A_515 = vector.broadcast %min3A_514 : i32 to vector<16xi32>
        %min3A_516 = arith.minsi %convert_element_type3A_513, %min3A_515 : vector<16xi32>
        tpu.vector_store_idx %arg7[%min3A_516], %broadcast_in_dim3A_35 {add = true} : memref<9728xf32, #tpu.memory_space<vmem>>[vector<16xi32>], vector<16xf32>,
        %mul3A_517 = arith.mulf %exp3A_322, %div3A_441 : vector<16xf32>
        %eq3A_518 = arith.constant 4 : i32
        %eq3A_519 = vector.broadcast %eq3A_518 : i32 to vector<16xi32>
        %eq3A_520 = arith.cmpi eq, %get3A_445, %eq3A_519 : vector<16xi32>
        %sub3A_521 = arith.constant 2.000000e+00 : f32
        %sub3A_522 = vector.broadcast %sub3A_521 : f32 to vector<16xf32>
        %sub3A_523 = arith.subf %sub3A_522, %mul3A_517 : vector<16xf32>
        %select_n3A_524 = arith.select %eq3A_520, %sub3A_523, %mul3A_517 : vector<16xi1>, vector<16xf32>
        %mul3A_525 = arith.constant 2.560000e+02 : f32
        %mul3A_526 = vector.broadcast %mul3A_525 : f32 to vector<16xf32>
        %mul3A_527 = arith.mulf %select_n3A_524, %mul3A_526 : vector<16xf32>
        %add3A_528 = arith.constant 2.048000e+03 : f32
        %add3A_529 = vector.broadcast %add3A_528 : f32 to vector<16xf32>
        %add3A_530 = arith.addf %mul3A_527, %add3A_529 : vector<16xf32>
        %convert_element_type3A_531 = arith.fptosi %add3A_530 : vector<16xf32> to vector<16xi32>
        %min3A_532 = arith.constant 2559 : i32
        %min3A_533 = vector.broadcast %min3A_532 : i32 to vector<16xi32>
        %min3A_534 = arith.minsi %convert_element_type3A_531, %min3A_533 : vector<16xi32>
        tpu.vector_store_idx %arg7[%min3A_534], %broadcast_in_dim3A_35 {add = true} : memref<9728xf32, #tpu.memory_space<vmem>>[vector<16xi32>], vector<16xf32>,
        %mul3A_535 = arith.mulf %exp3A_329, %div3A_441 : vector<16xf32>
        %eq3A_536 = arith.constant 5 : i32
        %eq3A_537 = vector.broadcast %eq3A_536 : i32 to vector<16xi32>
        %eq3A_538 = arith.cmpi eq, %get3A_445, %eq3A_537 : vector<16xi32>
        %sub3A_539 = arith.constant 2.000000e+00 : f32
        %sub3A_540 = vector.broadcast %sub3A_539 : f32 to vector<16xf32>
        %sub3A_541 = arith.subf %sub3A_540, %mul3A_535 : vector<16xf32>
        %select_n3A_542 = arith.select %eq3A_538, %sub3A_541, %mul3A_535 : vector<16xi1>, vector<16xf32>
        %mul3A_543 = arith.constant 2.560000e+02 : f32
        %mul3A_544 = vector.broadcast %mul3A_543 : f32 to vector<16xf32>
        %mul3A_545 = arith.mulf %select_n3A_542, %mul3A_544 : vector<16xf32>
        %add3A_546 = arith.constant 2.560000e+03 : f32
        %add3A_547 = vector.broadcast %add3A_546 : f32 to vector<16xf32>
        %add3A_548 = arith.addf %mul3A_545, %add3A_547 : vector<16xf32>
        %convert_element_type3A_549 = arith.fptosi %add3A_548 : vector<16xf32> to vector<16xi32>
        %min3A_550 = arith.constant 3071 : i32
        %min3A_551 = vector.broadcast %min3A_550 : i32 to vector<16xi32>
        %min3A_552 = arith.minsi %convert_element_type3A_549, %min3A_551 : vector<16xi32>
        tpu.vector_store_idx %arg7[%min3A_552], %broadcast_in_dim3A_35 {add = true} : memref<9728xf32, #tpu.memory_space<vmem>>[vector<16xi32>], vector<16xf32>,
        %mul3A_553 = arith.mulf %exp3A_336, %div3A_441 : vector<16xf32>
        %eq3A_554 = arith.constant 6 : i32
        %eq3A_555 = vector.broadcast %eq3A_554 : i32 to vector<16xi32>
        %eq3A_556 = arith.cmpi eq, %get3A_445, %eq3A_555 : vector<16xi32>
        %sub3A_557 = arith.constant 2.000000e+00 : f32
        %sub3A_558 = vector.broadcast %sub3A_557 : f32 to vector<16xf32>
        %sub3A_559 = arith.subf %sub3A_558, %mul3A_553 : vector<16xf32>
        %select_n3A_560 = arith.select %eq3A_556, %sub3A_559, %mul3A_553 : vector<16xi1>, vector<16xf32>
        %mul3A_561 = arith.constant 2.560000e+02 : f32
        %mul3A_562 = vector.broadcast %mul3A_561 : f32 to vector<16xf32>
        %mul3A_563 = arith.mulf %select_n3A_560, %mul3A_562 : vector<16xf32>
        %add3A_564 = arith.constant 3.072000e+03 : f32
        %add3A_565 = vector.broadcast %add3A_564 : f32 to vector<16xf32>
        %add3A_566 = arith.addf %mul3A_563, %add3A_565 : vector<16xf32>
        %convert_element_type3A_567 = arith.fptosi %add3A_566 : vector<16xf32> to vector<16xi32>
        %min3A_568 = arith.constant 3583 : i32
        %min3A_569 = vector.broadcast %min3A_568 : i32 to vector<16xi32>
        %min3A_570 = arith.minsi %convert_element_type3A_567, %min3A_569 : vector<16xi32>
        tpu.vector_store_idx %arg7[%min3A_570], %broadcast_in_dim3A_35 {add = true} : memref<9728xf32, #tpu.memory_space<vmem>>[vector<16xi32>], vector<16xf32>,
        %mul3A_571 = arith.mulf %exp3A_343, %div3A_441 : vector<16xf32>
        %eq3A_572 = arith.constant 7 : i32
        %eq3A_573 = vector.broadcast %eq3A_572 : i32 to vector<16xi32>
        %eq3A_574 = arith.cmpi eq, %get3A_445, %eq3A_573 : vector<16xi32>
        %sub3A_575 = arith.constant 2.000000e+00 : f32
        %sub3A_576 = vector.broadcast %sub3A_575 : f32 to vector<16xf32>
        %sub3A_577 = arith.subf %sub3A_576, %mul3A_571 : vector<16xf32>
        %select_n3A_578 = arith.select %eq3A_574, %sub3A_577, %mul3A_571 : vector<16xi1>, vector<16xf32>
        %mul3A_579 = arith.constant 2.560000e+02 : f32
        %mul3A_580 = vector.broadcast %mul3A_579 : f32 to vector<16xf32>
        %mul3A_581 = arith.mulf %select_n3A_578, %mul3A_580 : vector<16xf32>
        %add3A_582 = arith.constant 3.584000e+03 : f32
        %add3A_583 = vector.broadcast %add3A_582 : f32 to vector<16xf32>
        %add3A_584 = arith.addf %mul3A_581, %add3A_583 : vector<16xf32>
        %convert_element_type3A_585 = arith.fptosi %add3A_584 : vector<16xf32> to vector<16xi32>
        %min3A_586 = arith.constant 4095 : i32
        %min3A_587 = vector.broadcast %min3A_586 : i32 to vector<16xi32>
        %min3A_588 = arith.minsi %convert_element_type3A_585, %min3A_587 : vector<16xi32>
        tpu.vector_store_idx %arg7[%min3A_588], %broadcast_in_dim3A_35 {add = true} : memref<9728xf32, #tpu.memory_space<vmem>>[vector<16xi32>], vector<16xf32>,
        %mul3A_589 = arith.mulf %exp3A_350, %div3A_441 : vector<16xf32>
        %eq3A_590 = arith.constant 8 : i32
        %eq3A_591 = vector.broadcast %eq3A_590 : i32 to vector<16xi32>
        %eq3A_592 = arith.cmpi eq, %get3A_445, %eq3A_591 : vector<16xi32>
        %sub3A_593 = arith.constant 2.000000e+00 : f32
        %sub3A_594 = vector.broadcast %sub3A_593 : f32 to vector<16xf32>
        %sub3A_595 = arith.subf %sub3A_594, %mul3A_589 : vector<16xf32>
        %select_n3A_596 = arith.select %eq3A_592, %sub3A_595, %mul3A_589 : vector<16xi1>, vector<16xf32>
        %mul3A_597 = arith.constant 2.560000e+02 : f32
        %mul3A_598 = vector.broadcast %mul3A_597 : f32 to vector<16xf32>
        %mul3A_599 = arith.mulf %select_n3A_596, %mul3A_598 : vector<16xf32>
        %add3A_600 = arith.constant 4.096000e+03 : f32
        %add3A_601 = vector.broadcast %add3A_600 : f32 to vector<16xf32>
        %add3A_602 = arith.addf %mul3A_599, %add3A_601 : vector<16xf32>
        %convert_element_type3A_603 = arith.fptosi %add3A_602 : vector<16xf32> to vector<16xi32>
        %min3A_604 = arith.constant 4607 : i32
        %min3A_605 = vector.broadcast %min3A_604 : i32 to vector<16xi32>
        %min3A_606 = arith.minsi %convert_element_type3A_603, %min3A_605 : vector<16xi32>
        tpu.vector_store_idx %arg7[%min3A_606], %broadcast_in_dim3A_35 {add = true} : memref<9728xf32, #tpu.memory_space<vmem>>[vector<16xi32>], vector<16xf32>,
        %mul3A_607 = arith.mulf %exp3A_357, %div3A_441 : vector<16xf32>
        %eq3A_608 = arith.constant 9 : i32
        %eq3A_609 = vector.broadcast %eq3A_608 : i32 to vector<16xi32>
        %eq3A_610 = arith.cmpi eq, %get3A_445, %eq3A_609 : vector<16xi32>
        %sub3A_611 = arith.constant 2.000000e+00 : f32
        %sub3A_612 = vector.broadcast %sub3A_611 : f32 to vector<16xf32>
        %sub3A_613 = arith.subf %sub3A_612, %mul3A_607 : vector<16xf32>
        %select_n3A_614 = arith.select %eq3A_610, %sub3A_613, %mul3A_607 : vector<16xi1>, vector<16xf32>
        %mul3A_615 = arith.constant 2.560000e+02 : f32
        %mul3A_616 = vector.broadcast %mul3A_615 : f32 to vector<16xf32>
        %mul3A_617 = arith.mulf %select_n3A_614, %mul3A_616 : vector<16xf32>
        %add3A_618 = arith.constant 4.608000e+03 : f32
        %add3A_619 = vector.broadcast %add3A_618 : f32 to vector<16xf32>
        %add3A_620 = arith.addf %mul3A_617, %add3A_619 : vector<16xf32>
        %convert_element_type3A_621 = arith.fptosi %add3A_620 : vector<16xf32> to vector<16xi32>
        %min3A_622 = arith.constant 5119 : i32
        %min3A_623 = vector.broadcast %min3A_622 : i32 to vector<16xi32>
        %min3A_624 = arith.minsi %convert_element_type3A_621, %min3A_623 : vector<16xi32>
        tpu.vector_store_idx %arg7[%min3A_624], %broadcast_in_dim3A_35 {add = true} : memref<9728xf32, #tpu.memory_space<vmem>>[vector<16xi32>], vector<16xf32>,
        %mul3A_625 = arith.mulf %exp3A_364, %div3A_441 : vector<16xf32>
        %eq3A_626 = arith.constant 10 : i32
        %eq3A_627 = vector.broadcast %eq3A_626 : i32 to vector<16xi32>
        %eq3A_628 = arith.cmpi eq, %get3A_445, %eq3A_627 : vector<16xi32>
        %sub3A_629 = arith.constant 2.000000e+00 : f32
        %sub3A_630 = vector.broadcast %sub3A_629 : f32 to vector<16xf32>
        %sub3A_631 = arith.subf %sub3A_630, %mul3A_625 : vector<16xf32>
        %select_n3A_632 = arith.select %eq3A_628, %sub3A_631, %mul3A_625 : vector<16xi1>, vector<16xf32>
        %mul3A_633 = arith.constant 2.560000e+02 : f32
        %mul3A_634 = vector.broadcast %mul3A_633 : f32 to vector<16xf32>
        %mul3A_635 = arith.mulf %select_n3A_632, %mul3A_634 : vector<16xf32>
        %add3A_636 = arith.constant 5.120000e+03 : f32
        %add3A_637 = vector.broadcast %add3A_636 : f32 to vector<16xf32>
        %add3A_638 = arith.addf %mul3A_635, %add3A_637 : vector<16xf32>
        %convert_element_type3A_639 = arith.fptosi %add3A_638 : vector<16xf32> to vector<16xi32>
        %min3A_640 = arith.constant 5631 : i32
        %min3A_641 = vector.broadcast %min3A_640 : i32 to vector<16xi32>
        %min3A_642 = arith.minsi %convert_element_type3A_639, %min3A_641 : vector<16xi32>
        tpu.vector_store_idx %arg7[%min3A_642], %broadcast_in_dim3A_35 {add = true} : memref<9728xf32, #tpu.memory_space<vmem>>[vector<16xi32>], vector<16xf32>,
        %mul3A_643 = arith.mulf %exp3A_371, %div3A_441 : vector<16xf32>
        %eq3A_644 = arith.constant 11 : i32
        %eq3A_645 = vector.broadcast %eq3A_644 : i32 to vector<16xi32>
        %eq3A_646 = arith.cmpi eq, %get3A_445, %eq3A_645 : vector<16xi32>
        %sub3A_647 = arith.constant 2.000000e+00 : f32
        %sub3A_648 = vector.broadcast %sub3A_647 : f32 to vector<16xf32>
        %sub3A_649 = arith.subf %sub3A_648, %mul3A_643 : vector<16xf32>
        %select_n3A_650 = arith.select %eq3A_646, %sub3A_649, %mul3A_643 : vector<16xi1>, vector<16xf32>
        %mul3A_651 = arith.constant 2.560000e+02 : f32
        %mul3A_652 = vector.broadcast %mul3A_651 : f32 to vector<16xf32>
        %mul3A_653 = arith.mulf %select_n3A_650, %mul3A_652 : vector<16xf32>
        %add3A_654 = arith.constant 5.632000e+03 : f32
        %add3A_655 = vector.broadcast %add3A_654 : f32 to vector<16xf32>
        %add3A_656 = arith.addf %mul3A_653, %add3A_655 : vector<16xf32>
        %convert_element_type3A_657 = arith.fptosi %add3A_656 : vector<16xf32> to vector<16xi32>
        %min3A_658 = arith.constant 6143 : i32
        %min3A_659 = vector.broadcast %min3A_658 : i32 to vector<16xi32>
        %min3A_660 = arith.minsi %convert_element_type3A_657, %min3A_659 : vector<16xi32>
        tpu.vector_store_idx %arg7[%min3A_660], %broadcast_in_dim3A_35 {add = true} : memref<9728xf32, #tpu.memory_space<vmem>>[vector<16xi32>], vector<16xf32>,
        %mul3A_661 = arith.mulf %exp3A_378, %div3A_441 : vector<16xf32>
        %eq3A_662 = arith.constant 12 : i32
        %eq3A_663 = vector.broadcast %eq3A_662 : i32 to vector<16xi32>
        %eq3A_664 = arith.cmpi eq, %get3A_445, %eq3A_663 : vector<16xi32>
        %sub3A_665 = arith.constant 2.000000e+00 : f32
        %sub3A_666 = vector.broadcast %sub3A_665 : f32 to vector<16xf32>
        %sub3A_667 = arith.subf %sub3A_666, %mul3A_661 : vector<16xf32>
        %select_n3A_668 = arith.select %eq3A_664, %sub3A_667, %mul3A_661 : vector<16xi1>, vector<16xf32>
        %mul3A_669 = arith.constant 2.560000e+02 : f32
        %mul3A_670 = vector.broadcast %mul3A_669 : f32 to vector<16xf32>
        %mul3A_671 = arith.mulf %select_n3A_668, %mul3A_670 : vector<16xf32>
        %add3A_672 = arith.constant 6.144000e+03 : f32
        %add3A_673 = vector.broadcast %add3A_672 : f32 to vector<16xf32>
        %add3A_674 = arith.addf %mul3A_671, %add3A_673 : vector<16xf32>
        %convert_element_type3A_675 = arith.fptosi %add3A_674 : vector<16xf32> to vector<16xi32>
        %min3A_676 = arith.constant 6655 : i32
        %min3A_677 = vector.broadcast %min3A_676 : i32 to vector<16xi32>
        %min3A_678 = arith.minsi %convert_element_type3A_675, %min3A_677 : vector<16xi32>
        tpu.vector_store_idx %arg7[%min3A_678], %broadcast_in_dim3A_35 {add = true} : memref<9728xf32, #tpu.memory_space<vmem>>[vector<16xi32>], vector<16xf32>,
        %mul3A_679 = arith.mulf %exp3A_385, %div3A_441 : vector<16xf32>
        %eq3A_680 = arith.constant 13 : i32
        %eq3A_681 = vector.broadcast %eq3A_680 : i32 to vector<16xi32>
        %eq3A_682 = arith.cmpi eq, %get3A_445, %eq3A_681 : vector<16xi32>
        %sub3A_683 = arith.constant 2.000000e+00 : f32
        %sub3A_684 = vector.broadcast %sub3A_683 : f32 to vector<16xf32>
        %sub3A_685 = arith.subf %sub3A_684, %mul3A_679 : vector<16xf32>
        %select_n3A_686 = arith.select %eq3A_682, %sub3A_685, %mul3A_679 : vector<16xi1>, vector<16xf32>
        %mul3A_687 = arith.constant 2.560000e+02 : f32
        %mul3A_688 = vector.broadcast %mul3A_687 : f32 to vector<16xf32>
        %mul3A_689 = arith.mulf %select_n3A_686, %mul3A_688 : vector<16xf32>
        %add3A_690 = arith.constant 6.656000e+03 : f32
        %add3A_691 = vector.broadcast %add3A_690 : f32 to vector<16xf32>
        %add3A_692 = arith.addf %mul3A_689, %add3A_691 : vector<16xf32>
        %convert_element_type3A_693 = arith.fptosi %add3A_692 : vector<16xf32> to vector<16xi32>
        %min3A_694 = arith.constant 7167 : i32
        %min3A_695 = vector.broadcast %min3A_694 : i32 to vector<16xi32>
        %min3A_696 = arith.minsi %convert_element_type3A_693, %min3A_695 : vector<16xi32>
        tpu.vector_store_idx %arg7[%min3A_696], %broadcast_in_dim3A_35 {add = true} : memref<9728xf32, #tpu.memory_space<vmem>>[vector<16xi32>], vector<16xf32>,
        %mul3A_697 = arith.mulf %exp3A_392, %div3A_441 : vector<16xf32>
        %eq3A_698 = arith.constant 14 : i32
        %eq3A_699 = vector.broadcast %eq3A_698 : i32 to vector<16xi32>
        %eq3A_700 = arith.cmpi eq, %get3A_445, %eq3A_699 : vector<16xi32>
        %sub3A_701 = arith.constant 2.000000e+00 : f32
        %sub3A_702 = vector.broadcast %sub3A_701 : f32 to vector<16xf32>
        %sub3A_703 = arith.subf %sub3A_702, %mul3A_697 : vector<16xf32>
        %select_n3A_704 = arith.select %eq3A_700, %sub3A_703, %mul3A_697 : vector<16xi1>, vector<16xf32>
        %mul3A_705 = arith.constant 2.560000e+02 : f32
        %mul3A_706 = vector.broadcast %mul3A_705 : f32 to vector<16xf32>
        %mul3A_707 = arith.mulf %select_n3A_704, %mul3A_706 : vector<16xf32>
        %add3A_708 = arith.constant 7.168000e+03 : f32
        %add3A_709 = vector.broadcast %add3A_708 : f32 to vector<16xf32>
        %add3A_710 = arith.addf %mul3A_707, %add3A_709 : vector<16xf32>
        %convert_element_type3A_711 = arith.fptosi %add3A_710 : vector<16xf32> to vector<16xi32>
        %min3A_712 = arith.constant 7679 : i32
        %min3A_713 = vector.broadcast %min3A_712 : i32 to vector<16xi32>
        %min3A_714 = arith.minsi %convert_element_type3A_711, %min3A_713 : vector<16xi32>
        tpu.vector_store_idx %arg7[%min3A_714], %broadcast_in_dim3A_35 {add = true} : memref<9728xf32, #tpu.memory_space<vmem>>[vector<16xi32>], vector<16xf32>,
        %mul3A_715 = arith.mulf %exp3A_399, %div3A_441 : vector<16xf32>
        %eq3A_716 = arith.constant 15 : i32
        %eq3A_717 = vector.broadcast %eq3A_716 : i32 to vector<16xi32>
        %eq3A_718 = arith.cmpi eq, %get3A_445, %eq3A_717 : vector<16xi32>
        %sub3A_719 = arith.constant 2.000000e+00 : f32
        %sub3A_720 = vector.broadcast %sub3A_719 : f32 to vector<16xf32>
        %sub3A_721 = arith.subf %sub3A_720, %mul3A_715 : vector<16xf32>
        %select_n3A_722 = arith.select %eq3A_718, %sub3A_721, %mul3A_715 : vector<16xi1>, vector<16xf32>
        %mul3A_723 = arith.constant 2.560000e+02 : f32
        %mul3A_724 = vector.broadcast %mul3A_723 : f32 to vector<16xf32>
        %mul3A_725 = arith.mulf %select_n3A_722, %mul3A_724 : vector<16xf32>
        %add3A_726 = arith.constant 7.680000e+03 : f32
        %add3A_727 = vector.broadcast %add3A_726 : f32 to vector<16xf32>
        %add3A_728 = arith.addf %mul3A_725, %add3A_727 : vector<16xf32>
        %convert_element_type3A_729 = arith.fptosi %add3A_728 : vector<16xf32> to vector<16xi32>
        %min3A_730 = arith.constant 8191 : i32
        %min3A_731 = vector.broadcast %min3A_730 : i32 to vector<16xi32>
        %min3A_732 = arith.minsi %convert_element_type3A_729, %min3A_731 : vector<16xi32>
        tpu.vector_store_idx %arg7[%min3A_732], %broadcast_in_dim3A_35 {add = true} : memref<9728xf32, #tpu.memory_space<vmem>>[vector<16xi32>], vector<16xf32>,
        %mul3A_733 = arith.mulf %exp3A_406, %div3A_441 : vector<16xf32>
        %eq3A_734 = arith.constant 16 : i32
        %eq3A_735 = vector.broadcast %eq3A_734 : i32 to vector<16xi32>
        %eq3A_736 = arith.cmpi eq, %get3A_445, %eq3A_735 : vector<16xi32>
        %sub3A_737 = arith.constant 2.000000e+00 : f32
        %sub3A_738 = vector.broadcast %sub3A_737 : f32 to vector<16xf32>
        %sub3A_739 = arith.subf %sub3A_738, %mul3A_733 : vector<16xf32>
        %select_n3A_740 = arith.select %eq3A_736, %sub3A_739, %mul3A_733 : vector<16xi1>, vector<16xf32>
        %mul3A_741 = arith.constant 2.560000e+02 : f32
        %mul3A_742 = vector.broadcast %mul3A_741 : f32 to vector<16xf32>
        %mul3A_743 = arith.mulf %select_n3A_740, %mul3A_742 : vector<16xf32>
        %add3A_744 = arith.constant 8.192000e+03 : f32
        %add3A_745 = vector.broadcast %add3A_744 : f32 to vector<16xf32>
        %add3A_746 = arith.addf %mul3A_743, %add3A_745 : vector<16xf32>
        %convert_element_type3A_747 = arith.fptosi %add3A_746 : vector<16xf32> to vector<16xi32>
        %min3A_748 = arith.constant 8703 : i32
        %min3A_749 = vector.broadcast %min3A_748 : i32 to vector<16xi32>
        %min3A_750 = arith.minsi %convert_element_type3A_747, %min3A_749 : vector<16xi32>
        tpu.vector_store_idx %arg7[%min3A_750], %broadcast_in_dim3A_35 {add = true} : memref<9728xf32, #tpu.memory_space<vmem>>[vector<16xi32>], vector<16xf32>,
        %mul3A_751 = arith.mulf %exp3A_413, %div3A_441 : vector<16xf32>
        %eq3A_752 = arith.constant 17 : i32
        %eq3A_753 = vector.broadcast %eq3A_752 : i32 to vector<16xi32>
        %eq3A_754 = arith.cmpi eq, %get3A_445, %eq3A_753 : vector<16xi32>
        %sub3A_755 = arith.constant 2.000000e+00 : f32
        %sub3A_756 = vector.broadcast %sub3A_755 : f32 to vector<16xf32>
        %sub3A_757 = arith.subf %sub3A_756, %mul3A_751 : vector<16xf32>
        %select_n3A_758 = arith.select %eq3A_754, %sub3A_757, %mul3A_751 : vector<16xi1>, vector<16xf32>
        %mul3A_759 = arith.constant 2.560000e+02 : f32
        %mul3A_760 = vector.broadcast %mul3A_759 : f32 to vector<16xf32>
        %mul3A_761 = arith.mulf %select_n3A_758, %mul3A_760 : vector<16xf32>
        %add3A_762 = arith.constant 8.704000e+03 : f32
        %add3A_763 = vector.broadcast %add3A_762 : f32 to vector<16xf32>
        %add3A_764 = arith.addf %mul3A_761, %add3A_763 : vector<16xf32>
        %convert_element_type3A_765 = arith.fptosi %add3A_764 : vector<16xf32> to vector<16xi32>
        %min3A_766 = arith.constant 9215 : i32
        %min3A_767 = vector.broadcast %min3A_766 : i32 to vector<16xi32>
        %min3A_768 = arith.minsi %convert_element_type3A_765, %min3A_767 : vector<16xi32>
        tpu.vector_store_idx %arg7[%min3A_768], %broadcast_in_dim3A_35 {add = true} : memref<9728xf32, #tpu.memory_space<vmem>>[vector<16xi32>], vector<16xf32>,
        %mul3A_769 = arith.mulf %exp3A_420, %div3A_441 : vector<16xf32>
        %eq3A_770 = arith.constant 18 : i32
        %eq3A_771 = vector.broadcast %eq3A_770 : i32 to vector<16xi32>
        %eq3A_772 = arith.cmpi eq, %get3A_445, %eq3A_771 : vector<16xi32>
        %sub3A_773 = arith.constant 2.000000e+00 : f32
        %sub3A_774 = vector.broadcast %sub3A_773 : f32 to vector<16xf32>
        %sub3A_775 = arith.subf %sub3A_774, %mul3A_769 : vector<16xf32>
        %select_n3A_776 = arith.select %eq3A_772, %sub3A_775, %mul3A_769 : vector<16xi1>, vector<16xf32>
        %mul3A_777 = arith.constant 2.560000e+02 : f32
        %mul3A_778 = vector.broadcast %mul3A_777 : f32 to vector<16xf32>
        %mul3A_779 = arith.mulf %select_n3A_776, %mul3A_778 : vector<16xf32>
        %add3A_780 = arith.constant 9.216000e+03 : f32
        %add3A_781 = vector.broadcast %add3A_780 : f32 to vector<16xf32>
        %add3A_782 = arith.addf %mul3A_779, %add3A_781 : vector<16xf32>
        %convert_element_type3A_783 = arith.fptosi %add3A_782 : vector<16xf32> to vector<16xi32>
        %min3A_784 = arith.constant 9727 : i32
        %min3A_785 = vector.broadcast %min3A_784 : i32 to vector<16xi32>
        %min3A_786 = arith.minsi %convert_element_type3A_783, %min3A_785 : vector<16xi32>
        tpu.vector_store_idx %arg7[%min3A_786], %broadcast_in_dim3A_35 {add = true} : memref<9728xf32, #tpu.memory_space<vmem>>[vector<16xi32>], vector<16xf32>,
        %mul3A_787 = arith.constant 32 : i32
        %mul3A_788 = arith.muli %scan3A_286, %mul3A_787 : i32
        %add3A_789 = arith.constant 16 : i32
        %add3A_790 = arith.addi %mul3A_788, %add3A_789 : i32
        %get3A_791 = arith.constant 0 : i32
        %get3A_792 = arith.constant 0 : i32
        %get3A_793 = arith.index_cast %get3A_791 : i32 to index
        %get3A_794 = arith.index_cast %get3A_792 : i32 to index
        %get3A_795 = arith.index_cast %add3A_790 : i32 to index
        %get3A_796 = tpu.vector_load %arg5[%get3A_793, %get3A_794, %get3A_795] {strides = array<i32>} : memref<4x19x1024xf32, #tpu.memory_space<vmem>>, vector<16xf32>,
        %exp3A_797 = math.exp %get3A_796 : vector<16xf32>
        %get3A_798 = arith.constant 0 : i32
        %get3A_799 = arith.constant 1 : i32
        %get3A_800 = arith.index_cast %get3A_798 : i32 to index
        %get3A_801 = arith.index_cast %get3A_799 : i32 to index
        %get3A_802 = arith.index_cast %add3A_790 : i32 to index
        %get3A_803 = tpu.vector_load %arg5[%get3A_800, %get3A_801, %get3A_802] {strides = array<i32>} : memref<4x19x1024xf32, #tpu.memory_space<vmem>>, vector<16xf32>,
        %exp3A_804 = math.exp %get3A_803 : vector<16xf32>
        %get3A_805 = arith.constant 0 : i32
        %get3A_806 = arith.constant 2 : i32
        %get3A_807 = arith.index_cast %get3A_805 : i32 to index
        %get3A_808 = arith.index_cast %get3A_806 : i32 to index
        %get3A_809 = arith.index_cast %add3A_790 : i32 to index
        %get3A_810 = tpu.vector_load %arg5[%get3A_807, %get3A_808, %get3A_809] {strides = array<i32>} : memref<4x19x1024xf32, #tpu.memory_space<vmem>>, vector<16xf32>,
        %exp3A_811 = math.exp %get3A_810 : vector<16xf32>
        %get3A_812 = arith.constant 0 : i32
        %get3A_813 = arith.constant 3 : i32
        %get3A_814 = arith.index_cast %get3A_812 : i32 to index
        %get3A_815 = arith.index_cast %get3A_813 : i32 to index
        %get3A_816 = arith.index_cast %add3A_790 : i32 to index
        %get3A_817 = tpu.vector_load %arg5[%get3A_814, %get3A_815, %get3A_816] {strides = array<i32>} : memref<4x19x1024xf32, #tpu.memory_space<vmem>>, vector<16xf32>,
        %exp3A_818 = math.exp %get3A_817 : vector<16xf32>
        %get3A_819 = arith.constant 0 : i32
        %get3A_820 = arith.constant 4 : i32
        %get3A_821 = arith.index_cast %get3A_819 : i32 to index
        %get3A_822 = arith.index_cast %get3A_820 : i32 to index
        %get3A_823 = arith.index_cast %add3A_790 : i32 to index
        %get3A_824 = tpu.vector_load %arg5[%get3A_821, %get3A_822, %get3A_823] {strides = array<i32>} : memref<4x19x1024xf32, #tpu.memory_space<vmem>>, vector<16xf32>,
        %exp3A_825 = math.exp %get3A_824 : vector<16xf32>
        %get3A_826 = arith.constant 0 : i32
        %get3A_827 = arith.constant 5 : i32
        %get3A_828 = arith.index_cast %get3A_826 : i32 to index
        %get3A_829 = arith.index_cast %get3A_827 : i32 to index
        %get3A_830 = arith.index_cast %add3A_790 : i32 to index
        %get3A_831 = tpu.vector_load %arg5[%get3A_828, %get3A_829, %get3A_830] {strides = array<i32>} : memref<4x19x1024xf32, #tpu.memory_space<vmem>>, vector<16xf32>,
        %exp3A_832 = math.exp %get3A_831 : vector<16xf32>
        %get3A_833 = arith.constant 0 : i32
        %get3A_834 = arith.constant 6 : i32
        %get3A_835 = arith.index_cast %get3A_833 : i32 to index
        %get3A_836 = arith.index_cast %get3A_834 : i32 to index
        %get3A_837 = arith.index_cast %add3A_790 : i32 to index
        %get3A_838 = tpu.vector_load %arg5[%get3A_835, %get3A_836, %get3A_837] {strides = array<i32>} : memref<4x19x1024xf32, #tpu.memory_space<vmem>>, vector<16xf32>,
        %exp3A_839 = math.exp %get3A_838 : vector<16xf32>
        %get3A_840 = arith.constant 0 : i32
        %get3A_841 = arith.constant 7 : i32
        %get3A_842 = arith.index_cast %get3A_840 : i32 to index
        %get3A_843 = arith.index_cast %get3A_841 : i32 to index
        %get3A_844 = arith.index_cast %add3A_790 : i32 to index
        %get3A_845 = tpu.vector_load %arg5[%get3A_842, %get3A_843, %get3A_844] {strides = array<i32>} : memref<4x19x1024xf32, #tpu.memory_space<vmem>>, vector<16xf32>,
        %exp3A_846 = math.exp %get3A_845 : vector<16xf32>
        %get3A_847 = arith.constant 0 : i32
        %get3A_848 = arith.constant 8 : i32
        %get3A_849 = arith.index_cast %get3A_847 : i32 to index
        %get3A_850 = arith.index_cast %get3A_848 : i32 to index
        %get3A_851 = arith.index_cast %add3A_790 : i32 to index
        %get3A_852 = tpu.vector_load %arg5[%get3A_849, %get3A_850, %get3A_851] {strides = array<i32>} : memref<4x19x1024xf32, #tpu.memory_space<vmem>>, vector<16xf32>,
        %exp3A_853 = math.exp %get3A_852 : vector<16xf32>
        %get3A_854 = arith.constant 0 : i32
        %get3A_855 = arith.constant 9 : i32
        %get3A_856 = arith.index_cast %get3A_854 : i32 to index
        %get3A_857 = arith.index_cast %get3A_855 : i32 to index
        %get3A_858 = arith.index_cast %add3A_790 : i32 to index
        %get3A_859 = tpu.vector_load %arg5[%get3A_856, %get3A_857, %get3A_858] {strides = array<i32>} : memref<4x19x1024xf32, #tpu.memory_space<vmem>>, vector<16xf32>,
        %exp3A_860 = math.exp %get3A_859 : vector<16xf32>
        %get3A_861 = arith.constant 0 : i32
        %get3A_862 = arith.constant 10 : i32
        %get3A_863 = arith.index_cast %get3A_861 : i32 to index
        %get3A_864 = arith.index_cast %get3A_862 : i32 to index
        %get3A_865 = arith.index_cast %add3A_790 : i32 to index
        %get3A_866 = tpu.vector_load %arg5[%get3A_863, %get3A_864, %get3A_865] {strides = array<i32>} : memref<4x19x1024xf32, #tpu.memory_space<vmem>>, vector<16xf32>,
        %exp3A_867 = math.exp %get3A_866 : vector<16xf32>
        %get3A_868 = arith.constant 0 : i32
        %get3A_869 = arith.constant 11 : i32
        %get3A_870 = arith.index_cast %get3A_868 : i32 to index
        %get3A_871 = arith.index_cast %get3A_869 : i32 to index
        %get3A_872 = arith.index_cast %add3A_790 : i32 to index
        %get3A_873 = tpu.vector_load %arg5[%get3A_870, %get3A_871, %get3A_872] {strides = array<i32>} : memref<4x19x1024xf32, #tpu.memory_space<vmem>>, vector<16xf32>,
        %exp3A_874 = math.exp %get3A_873 : vector<16xf32>
        %get3A_875 = arith.constant 0 : i32
        %get3A_876 = arith.constant 12 : i32
        %get3A_877 = arith.index_cast %get3A_875 : i32 to index
        %get3A_878 = arith.index_cast %get3A_876 : i32 to index
        %get3A_879 = arith.index_cast %add3A_790 : i32 to index
        %get3A_880 = tpu.vector_load %arg5[%get3A_877, %get3A_878, %get3A_879] {strides = array<i32>} : memref<4x19x1024xf32, #tpu.memory_space<vmem>>, vector<16xf32>,
        %exp3A_881 = math.exp %get3A_880 : vector<16xf32>
        %get3A_882 = arith.constant 0 : i32
        %get3A_883 = arith.constant 13 : i32
        %get3A_884 = arith.index_cast %get3A_882 : i32 to index
        %get3A_885 = arith.index_cast %get3A_883 : i32 to index
        %get3A_886 = arith.index_cast %add3A_790 : i32 to index
        %get3A_887 = tpu.vector_load %arg5[%get3A_884, %get3A_885, %get3A_886] {strides = array<i32>} : memref<4x19x1024xf32, #tpu.memory_space<vmem>>, vector<16xf32>,
        %exp3A_888 = math.exp %get3A_887 : vector<16xf32>
        %get3A_889 = arith.constant 0 : i32
        %get3A_890 = arith.constant 14 : i32
        %get3A_891 = arith.index_cast %get3A_889 : i32 to index
        %get3A_892 = arith.index_cast %get3A_890 : i32 to index
        %get3A_893 = arith.index_cast %add3A_790 : i32 to index
        %get3A_894 = tpu.vector_load %arg5[%get3A_891, %get3A_892, %get3A_893] {strides = array<i32>} : memref<4x19x1024xf32, #tpu.memory_space<vmem>>, vector<16xf32>,
        %exp3A_895 = math.exp %get3A_894 : vector<16xf32>
        %get3A_896 = arith.constant 0 : i32
        %get3A_897 = arith.constant 15 : i32
        %get3A_898 = arith.index_cast %get3A_896 : i32 to index
        %get3A_899 = arith.index_cast %get3A_897 : i32 to index
        %get3A_900 = arith.index_cast %add3A_790 : i32 to index
        %get3A_901 = tpu.vector_load %arg5[%get3A_898, %get3A_899, %get3A_900] {strides = array<i32>} : memref<4x19x1024xf32, #tpu.memory_space<vmem>>, vector<16xf32>,
        %exp3A_902 = math.exp %get3A_901 : vector<16xf32>
        %get3A_903 = arith.constant 0 : i32
        %get3A_904 = arith.constant 16 : i32
        %get3A_905 = arith.index_cast %get3A_903 : i32 to index
        %get3A_906 = arith.index_cast %get3A_904 : i32 to index
        %get3A_907 = arith.index_cast %add3A_790 : i32 to index
        %get3A_908 = tpu.vector_load %arg5[%get3A_905, %get3A_906, %get3A_907] {strides = array<i32>} : memref<4x19x1024xf32, #tpu.memory_space<vmem>>, vector<16xf32>,
        %exp3A_909 = math.exp %get3A_908 : vector<16xf32>
        %get3A_910 = arith.constant 0 : i32
        %get3A_911 = arith.constant 17 : i32
        %get3A_912 = arith.index_cast %get3A_910 : i32 to index
        %get3A_913 = arith.index_cast %get3A_911 : i32 to index
        %get3A_914 = arith.index_cast %add3A_790 : i32 to index
        %get3A_915 = tpu.vector_load %arg5[%get3A_912, %get3A_913, %get3A_914] {strides = array<i32>} : memref<4x19x1024xf32, #tpu.memory_space<vmem>>, vector<16xf32>,
        %exp3A_916 = math.exp %get3A_915 : vector<16xf32>
        %get3A_917 = arith.constant 0 : i32
        %get3A_918 = arith.constant 18 : i32
        %get3A_919 = arith.index_cast %get3A_917 : i32 to index
        %get3A_920 = arith.index_cast %get3A_918 : i32 to index
        %get3A_921 = arith.index_cast %add3A_790 : i32 to index
        %get3A_922 = tpu.vector_load %arg5[%get3A_919, %get3A_920, %get3A_921] {strides = array<i32>} : memref<4x19x1024xf32, #tpu.memory_space<vmem>>, vector<16xf32>,
        %exp3A_923 = math.exp %get3A_922 : vector<16xf32>
        %add3A_924 = arith.addf %exp3A_797, %exp3A_804 : vector<16xf32>
        %add3A_925 = arith.addf %exp3A_811, %exp3A_818 : vector<16xf32>
        %add3A_926 = arith.addf %exp3A_825, %exp3A_832 : vector<16xf32>
        %add3A_927 = arith.addf %exp3A_839, %exp3A_846 : vector<16xf32>
        %add3A_928 = arith.addf %exp3A_853, %exp3A_860 : vector<16xf32>
        %add3A_929 = arith.addf %exp3A_867, %exp3A_874 : vector<16xf32>
        %add3A_930 = arith.addf %exp3A_881, %exp3A_888 : vector<16xf32>
        %add3A_931 = arith.addf %exp3A_895, %exp3A_902 : vector<16xf32>
        %add3A_932 = arith.addf %exp3A_909, %exp3A_916 : vector<16xf32>
        %add3A_933 = arith.addf %add3A_924, %add3A_925 : vector<16xf32>
        %add3A_934 = arith.addf %add3A_926, %add3A_927 : vector<16xf32>
        %add3A_935 = arith.addf %add3A_928, %add3A_929 : vector<16xf32>
        %add3A_936 = arith.addf %add3A_930, %add3A_931 : vector<16xf32>
        %add3A_937 = arith.addf %add3A_932, %exp3A_923 : vector<16xf32>
        %add3A_938 = arith.addf %add3A_933, %add3A_934 : vector<16xf32>
        %add3A_939 = arith.addf %add3A_935, %add3A_936 : vector<16xf32>
        %add3A_940 = arith.addf %add3A_938, %add3A_939 : vector<16xf32>
        %add3A_941 = arith.addf %add3A_940, %add3A_937 : vector<16xf32>
        %div3A_942 = arith.constant 1.000000e+00 : f32
        %div3A_943 = vector.broadcast %div3A_942 : f32 to vector<16xf32>
        %div3A_944 = arith.divf %div3A_943, %add3A_941 : vector<16xf32>
        %get3A_945 = arith.constant 0 : i32
        %get3A_946 = arith.index_cast %get3A_945 : i32 to index
        %get3A_947 = arith.index_cast %add3A_790 : i32 to index
        %get3A_948 = tpu.vector_load %arg6[%get3A_946, %get3A_947] {strides = array<i32>} : memref<4x1024xi32, #tpu.memory_space<vmem>>, vector<16xi32>,
        %mul3A_949 = arith.mulf %exp3A_797, %div3A_944 : vector<16xf32>
        %eq3A_950 = arith.constant 0 : i32
        %eq3A_951 = vector.broadcast %eq3A_950 : i32 to vector<16xi32>
        %eq3A_952 = arith.cmpi eq, %get3A_948, %eq3A_951 : vector<16xi32>
        %sub3A_953 = arith.constant 2.000000e+00 : f32
        %sub3A_954 = vector.broadcast %sub3A_953 : f32 to vector<16xf32>
        %sub3A_955 = arith.subf %sub3A_954, %mul3A_949 : vector<16xf32>
        %select_n3A_956 = arith.select %eq3A_952, %sub3A_955, %mul3A_949 : vector<16xi1>, vector<16xf32>
        %mul3A_957 = arith.constant 2.560000e+02 : f32
        %mul3A_958 = vector.broadcast %mul3A_957 : f32 to vector<16xf32>
        %mul3A_959 = arith.mulf %select_n3A_956, %mul3A_958 : vector<16xf32>
        %add3A_960 = arith.constant 0.000000e+00 : f32
        %add3A_961 = vector.broadcast %add3A_960 : f32 to vector<16xf32>
        %add3A_962 = arith.addf %mul3A_959, %add3A_961 : vector<16xf32>
        %convert_element_type3A_963 = arith.fptosi %add3A_962 : vector<16xf32> to vector<16xi32>
        %min3A_964 = arith.constant 511 : i32
        %min3A_965 = vector.broadcast %min3A_964 : i32 to vector<16xi32>
        %min3A_966 = arith.minsi %convert_element_type3A_963, %min3A_965 : vector<16xi32>
        tpu.vector_store_idx %arg7[%min3A_966], %broadcast_in_dim3A_35 {add = true} : memref<9728xf32, #tpu.memory_space<vmem>>[vector<16xi32>], vector<16xf32>,
        %mul3A_967 = arith.mulf %exp3A_804, %div3A_944 : vector<16xf32>
        %eq3A_968 = arith.constant 1 : i32
        %eq3A_969 = vector.broadcast %eq3A_968 : i32 to vector<16xi32>
        %eq3A_970 = arith.cmpi eq, %get3A_948, %eq3A_969 : vector<16xi32>
        %sub3A_971 = arith.constant 2.000000e+00 : f32
        %sub3A_972 = vector.broadcast %sub3A_971 : f32 to vector<16xf32>
        %sub3A_973 = arith.subf %sub3A_972, %mul3A_967 : vector<16xf32>
        %select_n3A_974 = arith.select %eq3A_970, %sub3A_973, %mul3A_967 : vector<16xi1>, vector<16xf32>
        %mul3A_975 = arith.constant 2.560000e+02 : f32
        %mul3A_976 = vector.broadcast %mul3A_975 : f32 to vector<16xf32>
        %mul3A_977 = arith.mulf %select_n3A_974, %mul3A_976 : vector<16xf32>
        %add3A_978 = arith.constant 5.120000e+02 : f32
        %add3A_979 = vector.broadcast %add3A_978 : f32 to vector<16xf32>
        %add3A_980 = arith.addf %mul3A_977, %add3A_979 : vector<16xf32>
        %convert_element_type3A_981 = arith.fptosi %add3A_980 : vector<16xf32> to vector<16xi32>
        %min3A_982 = arith.constant 1023 : i32
        %min3A_983 = vector.broadcast %min3A_982 : i32 to vector<16xi32>
        %min3A_984 = arith.minsi %convert_element_type3A_981, %min3A_983 : vector<16xi32>
        tpu.vector_store_idx %arg7[%min3A_984], %broadcast_in_dim3A_35 {add = true} : memref<9728xf32, #tpu.memory_space<vmem>>[vector<16xi32>], vector<16xf32>,
        %mul3A_985 = arith.mulf %exp3A_811, %div3A_944 : vector<16xf32>
        %eq3A_986 = arith.constant 2 : i32
        %eq3A_987 = vector.broadcast %eq3A_986 : i32 to vector<16xi32>
        %eq3A_988 = arith.cmpi eq, %get3A_948, %eq3A_987 : vector<16xi32>
        %sub3A_989 = arith.constant 2.000000e+00 : f32
        %sub3A_990 = vector.broadcast %sub3A_989 : f32 to vector<16xf32>
        %sub3A_991 = arith.subf %sub3A_990, %mul3A_985 : vector<16xf32>
        %select_n3A_992 = arith.select %eq3A_988, %sub3A_991, %mul3A_985 : vector<16xi1>, vector<16xf32>
        %mul3A_993 = arith.constant 2.560000e+02 : f32
        %mul3A_994 = vector.broadcast %mul3A_993 : f32 to vector<16xf32>
        %mul3A_995 = arith.mulf %select_n3A_992, %mul3A_994 : vector<16xf32>
        %add3A_996 = arith.constant 1.024000e+03 : f32
        %add3A_997 = vector.broadcast %add3A_996 : f32 to vector<16xf32>
        %add3A_998 = arith.addf %mul3A_995, %add3A_997 : vector<16xf32>
        %convert_element_type3A_999 = arith.fptosi %add3A_998 : vector<16xf32> to vector<16xi32>
        %min3A_1000 = arith.constant 1535 : i32
        %min3A_1001 = vector.broadcast %min3A_1000 : i32 to vector<16xi32>
        %min3A_1002 = arith.minsi %convert_element_type3A_999, %min3A_1001 : vector<16xi32>
        tpu.vector_store_idx %arg7[%min3A_1002], %broadcast_in_dim3A_35 {add = true} : memref<9728xf32, #tpu.memory_space<vmem>>[vector<16xi32>], vector<16xf32>,
        %mul3A_1003 = arith.mulf %exp3A_818, %div3A_944 : vector<16xf32>
        %eq3A_1004 = arith.constant 3 : i32
        %eq3A_1005 = vector.broadcast %eq3A_1004 : i32 to vector<16xi32>
        %eq3A_1006 = arith.cmpi eq, %get3A_948, %eq3A_1005 : vector<16xi32>
        %sub3A_1007 = arith.constant 2.000000e+00 : f32
        %sub3A_1008 = vector.broadcast %sub3A_1007 : f32 to vector<16xf32>
        %sub3A_1009 = arith.subf %sub3A_1008, %mul3A_1003 : vector<16xf32>
        %select_n3A_1010 = arith.select %eq3A_1006, %sub3A_1009, %mul3A_1003 : vector<16xi1>, vector<16xf32>
        %mul3A_1011 = arith.constant 2.560000e+02 : f32
        %mul3A_1012 = vector.broadcast %mul3A_1011 : f32 to vector<16xf32>
        %mul3A_1013 = arith.mulf %select_n3A_1010, %mul3A_1012 : vector<16xf32>
        %add3A_1014 = arith.constant 1.536000e+03 : f32
        %add3A_1015 = vector.broadcast %add3A_1014 : f32 to vector<16xf32>
        %add3A_1016 = arith.addf %mul3A_1013, %add3A_1015 : vector<16xf32>
        %convert_element_type3A_1017 = arith.fptosi %add3A_1016 : vector<16xf32> to vector<16xi32>
        %min3A_1018 = arith.constant 2047 : i32
        %min3A_1019 = vector.broadcast %min3A_1018 : i32 to vector<16xi32>
        %min3A_1020 = arith.minsi %convert_element_type3A_1017, %min3A_1019 : vector<16xi32>
        tpu.vector_store_idx %arg7[%min3A_1020], %broadcast_in_dim3A_35 {add = true} : memref<9728xf32, #tpu.memory_space<vmem>>[vector<16xi32>], vector<16xf32>,
        %mul3A_1021 = arith.mulf %exp3A_825, %div3A_944 : vector<16xf32>
        %eq3A_1022 = arith.constant 4 : i32
        %eq3A_1023 = vector.broadcast %eq3A_1022 : i32 to vector<16xi32>
        %eq3A_1024 = arith.cmpi eq, %get3A_948, %eq3A_1023 : vector<16xi32>
        %sub3A_1025 = arith.constant 2.000000e+00 : f32
        %sub3A_1026 = vector.broadcast %sub3A_1025 : f32 to vector<16xf32>
        %sub3A_1027 = arith.subf %sub3A_1026, %mul3A_1021 : vector<16xf32>
        %select_n3A_1028 = arith.select %eq3A_1024, %sub3A_1027, %mul3A_1021 : vector<16xi1>, vector<16xf32>
        %mul3A_1029 = arith.constant 2.560000e+02 : f32
        %mul3A_1030 = vector.broadcast %mul3A_1029 : f32 to vector<16xf32>
        %mul3A_1031 = arith.mulf %select_n3A_1028, %mul3A_1030 : vector<16xf32>
        %add3A_1032 = arith.constant 2.048000e+03 : f32
        %add3A_1033 = vector.broadcast %add3A_1032 : f32 to vector<16xf32>
        %add3A_1034 = arith.addf %mul3A_1031, %add3A_1033 : vector<16xf32>
        %convert_element_type3A_1035 = arith.fptosi %add3A_1034 : vector<16xf32> to vector<16xi32>
        %min3A_1036 = arith.constant 2559 : i32
        %min3A_1037 = vector.broadcast %min3A_1036 : i32 to vector<16xi32>
        %min3A_1038 = arith.minsi %convert_element_type3A_1035, %min3A_1037 : vector<16xi32>
        tpu.vector_store_idx %arg7[%min3A_1038], %broadcast_in_dim3A_35 {add = true} : memref<9728xf32, #tpu.memory_space<vmem>>[vector<16xi32>], vector<16xf32>,
        %mul3A_1039 = arith.mulf %exp3A_832, %div3A_944 : vector<16xf32>
        %eq3A_1040 = arith.constant 5 : i32
        %eq3A_1041 = vector.broadcast %eq3A_1040 : i32 to vector<16xi32>
        %eq3A_1042 = arith.cmpi eq, %get3A_948, %eq3A_1041 : vector<16xi32>
        %sub3A_1043 = arith.constant 2.000000e+00 : f32
        %sub3A_1044 = vector.broadcast %sub3A_1043 : f32 to vector<16xf32>
        %sub3A_1045 = arith.subf %sub3A_1044, %mul3A_1039 : vector<16xf32>
        %select_n3A_1046 = arith.select %eq3A_1042, %sub3A_1045, %mul3A_1039 : vector<16xi1>, vector<16xf32>
        %mul3A_1047 = arith.constant 2.560000e+02 : f32
        %mul3A_1048 = vector.broadcast %mul3A_1047 : f32 to vector<16xf32>
        %mul3A_1049 = arith.mulf %select_n3A_1046, %mul3A_1048 : vector<16xf32>
        %add3A_1050 = arith.constant 2.560000e+03 : f32
        %add3A_1051 = vector.broadcast %add3A_1050 : f32 to vector<16xf32>
        %add3A_1052 = arith.addf %mul3A_1049, %add3A_1051 : vector<16xf32>
        %convert_element_type3A_1053 = arith.fptosi %add3A_1052 : vector<16xf32> to vector<16xi32>
        %min3A_1054 = arith.constant 3071 : i32
        %min3A_1055 = vector.broadcast %min3A_1054 : i32 to vector<16xi32>
        %min3A_1056 = arith.minsi %convert_element_type3A_1053, %min3A_1055 : vector<16xi32>
        tpu.vector_store_idx %arg7[%min3A_1056], %broadcast_in_dim3A_35 {add = true} : memref<9728xf32, #tpu.memory_space<vmem>>[vector<16xi32>], vector<16xf32>,
        %mul3A_1057 = arith.mulf %exp3A_839, %div3A_944 : vector<16xf32>
        %eq3A_1058 = arith.constant 6 : i32
        %eq3A_1059 = vector.broadcast %eq3A_1058 : i32 to vector<16xi32>
        %eq3A_1060 = arith.cmpi eq, %get3A_948, %eq3A_1059 : vector<16xi32>
        %sub3A_1061 = arith.constant 2.000000e+00 : f32
        %sub3A_1062 = vector.broadcast %sub3A_1061 : f32 to vector<16xf32>
        %sub3A_1063 = arith.subf %sub3A_1062, %mul3A_1057 : vector<16xf32>
        %select_n3A_1064 = arith.select %eq3A_1060, %sub3A_1063, %mul3A_1057 : vector<16xi1>, vector<16xf32>
        %mul3A_1065 = arith.constant 2.560000e+02 : f32
        %mul3A_1066 = vector.broadcast %mul3A_1065 : f32 to vector<16xf32>
        %mul3A_1067 = arith.mulf %select_n3A_1064, %mul3A_1066 : vector<16xf32>
        %add3A_1068 = arith.constant 3.072000e+03 : f32
        %add3A_1069 = vector.broadcast %add3A_1068 : f32 to vector<16xf32>
        %add3A_1070 = arith.addf %mul3A_1067, %add3A_1069 : vector<16xf32>
        %convert_element_type3A_1071 = arith.fptosi %add3A_1070 : vector<16xf32> to vector<16xi32>
        %min3A_1072 = arith.constant 3583 : i32
        %min3A_1073 = vector.broadcast %min3A_1072 : i32 to vector<16xi32>
        %min3A_1074 = arith.minsi %convert_element_type3A_1071, %min3A_1073 : vector<16xi32>
        tpu.vector_store_idx %arg7[%min3A_1074], %broadcast_in_dim3A_35 {add = true} : memref<9728xf32, #tpu.memory_space<vmem>>[vector<16xi32>], vector<16xf32>,
        %mul3A_1075 = arith.mulf %exp3A_846, %div3A_944 : vector<16xf32>
        %eq3A_1076 = arith.constant 7 : i32
        %eq3A_1077 = vector.broadcast %eq3A_1076 : i32 to vector<16xi32>
        %eq3A_1078 = arith.cmpi eq, %get3A_948, %eq3A_1077 : vector<16xi32>
        %sub3A_1079 = arith.constant 2.000000e+00 : f32
        %sub3A_1080 = vector.broadcast %sub3A_1079 : f32 to vector<16xf32>
        %sub3A_1081 = arith.subf %sub3A_1080, %mul3A_1075 : vector<16xf32>
        %select_n3A_1082 = arith.select %eq3A_1078, %sub3A_1081, %mul3A_1075 : vector<16xi1>, vector<16xf32>
        %mul3A_1083 = arith.constant 2.560000e+02 : f32
        %mul3A_1084 = vector.broadcast %mul3A_1083 : f32 to vector<16xf32>
        %mul3A_1085 = arith.mulf %select_n3A_1082, %mul3A_1084 : vector<16xf32>
        %add3A_1086 = arith.constant 3.584000e+03 : f32
        %add3A_1087 = vector.broadcast %add3A_1086 : f32 to vector<16xf32>
        %add3A_1088 = arith.addf %mul3A_1085, %add3A_1087 : vector<16xf32>
        %convert_element_type3A_1089 = arith.fptosi %add3A_1088 : vector<16xf32> to vector<16xi32>
        %min3A_1090 = arith.constant 4095 : i32
        %min3A_1091 = vector.broadcast %min3A_1090 : i32 to vector<16xi32>
        %min3A_1092 = arith.minsi %convert_element_type3A_1089, %min3A_1091 : vector<16xi32>
        tpu.vector_store_idx %arg7[%min3A_1092], %broadcast_in_dim3A_35 {add = true} : memref<9728xf32, #tpu.memory_space<vmem>>[vector<16xi32>], vector<16xf32>,
        %mul3A_1093 = arith.mulf %exp3A_853, %div3A_944 : vector<16xf32>
        %eq3A_1094 = arith.constant 8 : i32
        %eq3A_1095 = vector.broadcast %eq3A_1094 : i32 to vector<16xi32>
        %eq3A_1096 = arith.cmpi eq, %get3A_948, %eq3A_1095 : vector<16xi32>
        %sub3A_1097 = arith.constant 2.000000e+00 : f32
        %sub3A_1098 = vector.broadcast %sub3A_1097 : f32 to vector<16xf32>
        %sub3A_1099 = arith.subf %sub3A_1098, %mul3A_1093 : vector<16xf32>
        %select_n3A_1100 = arith.select %eq3A_1096, %sub3A_1099, %mul3A_1093 : vector<16xi1>, vector<16xf32>
        %mul3A_1101 = arith.constant 2.560000e+02 : f32
        %mul3A_1102 = vector.broadcast %mul3A_1101 : f32 to vector<16xf32>
        %mul3A_1103 = arith.mulf %select_n3A_1100, %mul3A_1102 : vector<16xf32>
        %add3A_1104 = arith.constant 4.096000e+03 : f32
        %add3A_1105 = vector.broadcast %add3A_1104 : f32 to vector<16xf32>
        %add3A_1106 = arith.addf %mul3A_1103, %add3A_1105 : vector<16xf32>
        %convert_element_type3A_1107 = arith.fptosi %add3A_1106 : vector<16xf32> to vector<16xi32>
        %min3A_1108 = arith.constant 4607 : i32
        %min3A_1109 = vector.broadcast %min3A_1108 : i32 to vector<16xi32>
        %min3A_1110 = arith.minsi %convert_element_type3A_1107, %min3A_1109 : vector<16xi32>
        tpu.vector_store_idx %arg7[%min3A_1110], %broadcast_in_dim3A_35 {add = true} : memref<9728xf32, #tpu.memory_space<vmem>>[vector<16xi32>], vector<16xf32>,
        %mul3A_1111 = arith.mulf %exp3A_860, %div3A_944 : vector<16xf32>
        %eq3A_1112 = arith.constant 9 : i32
        %eq3A_1113 = vector.broadcast %eq3A_1112 : i32 to vector<16xi32>
        %eq3A_1114 = arith.cmpi eq, %get3A_948, %eq3A_1113 : vector<16xi32>
        %sub3A_1115 = arith.constant 2.000000e+00 : f32
        %sub3A_1116 = vector.broadcast %sub3A_1115 : f32 to vector<16xf32>
        %sub3A_1117 = arith.subf %sub3A_1116, %mul3A_1111 : vector<16xf32>
        %select_n3A_1118 = arith.select %eq3A_1114, %sub3A_1117, %mul3A_1111 : vector<16xi1>, vector<16xf32>
        %mul3A_1119 = arith.constant 2.560000e+02 : f32
        %mul3A_1120 = vector.broadcast %mul3A_1119 : f32 to vector<16xf32>
        %mul3A_1121 = arith.mulf %select_n3A_1118, %mul3A_1120 : vector<16xf32>
        %add3A_1122 = arith.constant 4.608000e+03 : f32
        %add3A_1123 = vector.broadcast %add3A_1122 : f32 to vector<16xf32>
        %add3A_1124 = arith.addf %mul3A_1121, %add3A_1123 : vector<16xf32>
        %convert_element_type3A_1125 = arith.fptosi %add3A_1124 : vector<16xf32> to vector<16xi32>
        %min3A_1126 = arith.constant 5119 : i32
        %min3A_1127 = vector.broadcast %min3A_1126 : i32 to vector<16xi32>
        %min3A_1128 = arith.minsi %convert_element_type3A_1125, %min3A_1127 : vector<16xi32>
        tpu.vector_store_idx %arg7[%min3A_1128], %broadcast_in_dim3A_35 {add = true} : memref<9728xf32, #tpu.memory_space<vmem>>[vector<16xi32>], vector<16xf32>,
        %mul3A_1129 = arith.mulf %exp3A_867, %div3A_944 : vector<16xf32>
        %eq3A_1130 = arith.constant 10 : i32
        %eq3A_1131 = vector.broadcast %eq3A_1130 : i32 to vector<16xi32>
        %eq3A_1132 = arith.cmpi eq, %get3A_948, %eq3A_1131 : vector<16xi32>
        %sub3A_1133 = arith.constant 2.000000e+00 : f32
        %sub3A_1134 = vector.broadcast %sub3A_1133 : f32 to vector<16xf32>
        %sub3A_1135 = arith.subf %sub3A_1134, %mul3A_1129 : vector<16xf32>
        %select_n3A_1136 = arith.select %eq3A_1132, %sub3A_1135, %mul3A_1129 : vector<16xi1>, vector<16xf32>
        %mul3A_1137 = arith.constant 2.560000e+02 : f32
        %mul3A_1138 = vector.broadcast %mul3A_1137 : f32 to vector<16xf32>
        %mul3A_1139 = arith.mulf %select_n3A_1136, %mul3A_1138 : vector<16xf32>
        %add3A_1140 = arith.constant 5.120000e+03 : f32
        %add3A_1141 = vector.broadcast %add3A_1140 : f32 to vector<16xf32>
        %add3A_1142 = arith.addf %mul3A_1139, %add3A_1141 : vector<16xf32>
        %convert_element_type3A_1143 = arith.fptosi %add3A_1142 : vector<16xf32> to vector<16xi32>
        %min3A_1144 = arith.constant 5631 : i32
        %min3A_1145 = vector.broadcast %min3A_1144 : i32 to vector<16xi32>
        %min3A_1146 = arith.minsi %convert_element_type3A_1143, %min3A_1145 : vector<16xi32>
        tpu.vector_store_idx %arg7[%min3A_1146], %broadcast_in_dim3A_35 {add = true} : memref<9728xf32, #tpu.memory_space<vmem>>[vector<16xi32>], vector<16xf32>,
        %mul3A_1147 = arith.mulf %exp3A_874, %div3A_944 : vector<16xf32>
        %eq3A_1148 = arith.constant 11 : i32
        %eq3A_1149 = vector.broadcast %eq3A_1148 : i32 to vector<16xi32>
        %eq3A_1150 = arith.cmpi eq, %get3A_948, %eq3A_1149 : vector<16xi32>
        %sub3A_1151 = arith.constant 2.000000e+00 : f32
        %sub3A_1152 = vector.broadcast %sub3A_1151 : f32 to vector<16xf32>
        %sub3A_1153 = arith.subf %sub3A_1152, %mul3A_1147 : vector<16xf32>
        %select_n3A_1154 = arith.select %eq3A_1150, %sub3A_1153, %mul3A_1147 : vector<16xi1>, vector<16xf32>
        %mul3A_1155 = arith.constant 2.560000e+02 : f32
        %mul3A_1156 = vector.broadcast %mul3A_1155 : f32 to vector<16xf32>
        %mul3A_1157 = arith.mulf %select_n3A_1154, %mul3A_1156 : vector<16xf32>
        %add3A_1158 = arith.constant 5.632000e+03 : f32
        %add3A_1159 = vector.broadcast %add3A_1158 : f32 to vector<16xf32>
        %add3A_1160 = arith.addf %mul3A_1157, %add3A_1159 : vector<16xf32>
        %convert_element_type3A_1161 = arith.fptosi %add3A_1160 : vector<16xf32> to vector<16xi32>
        %min3A_1162 = arith.constant 6143 : i32
        %min3A_1163 = vector.broadcast %min3A_1162 : i32 to vector<16xi32>
        %min3A_1164 = arith.minsi %convert_element_type3A_1161, %min3A_1163 : vector<16xi32>
        tpu.vector_store_idx %arg7[%min3A_1164], %broadcast_in_dim3A_35 {add = true} : memref<9728xf32, #tpu.memory_space<vmem>>[vector<16xi32>], vector<16xf32>,
        %mul3A_1165 = arith.mulf %exp3A_881, %div3A_944 : vector<16xf32>
        %eq3A_1166 = arith.constant 12 : i32
        %eq3A_1167 = vector.broadcast %eq3A_1166 : i32 to vector<16xi32>
        %eq3A_1168 = arith.cmpi eq, %get3A_948, %eq3A_1167 : vector<16xi32>
        %sub3A_1169 = arith.constant 2.000000e+00 : f32
        %sub3A_1170 = vector.broadcast %sub3A_1169 : f32 to vector<16xf32>
        %sub3A_1171 = arith.subf %sub3A_1170, %mul3A_1165 : vector<16xf32>
        %select_n3A_1172 = arith.select %eq3A_1168, %sub3A_1171, %mul3A_1165 : vector<16xi1>, vector<16xf32>
        %mul3A_1173 = arith.constant 2.560000e+02 : f32
        %mul3A_1174 = vector.broadcast %mul3A_1173 : f32 to vector<16xf32>
        %mul3A_1175 = arith.mulf %select_n3A_1172, %mul3A_1174 : vector<16xf32>
        %add3A_1176 = arith.constant 6.144000e+03 : f32
        %add3A_1177 = vector.broadcast %add3A_1176 : f32 to vector<16xf32>
        %add3A_1178 = arith.addf %mul3A_1175, %add3A_1177 : vector<16xf32>
        %convert_element_type3A_1179 = arith.fptosi %add3A_1178 : vector<16xf32> to vector<16xi32>
        %min3A_1180 = arith.constant 6655 : i32
        %min3A_1181 = vector.broadcast %min3A_1180 : i32 to vector<16xi32>
        %min3A_1182 = arith.minsi %convert_element_type3A_1179, %min3A_1181 : vector<16xi32>
        tpu.vector_store_idx %arg7[%min3A_1182], %broadcast_in_dim3A_35 {add = true} : memref<9728xf32, #tpu.memory_space<vmem>>[vector<16xi32>], vector<16xf32>,
        %mul3A_1183 = arith.mulf %exp3A_888, %div3A_944 : vector<16xf32>
        %eq3A_1184 = arith.constant 13 : i32
        %eq3A_1185 = vector.broadcast %eq3A_1184 : i32 to vector<16xi32>
        %eq3A_1186 = arith.cmpi eq, %get3A_948, %eq3A_1185 : vector<16xi32>
        %sub3A_1187 = arith.constant 2.000000e+00 : f32
        %sub3A_1188 = vector.broadcast %sub3A_1187 : f32 to vector<16xf32>
        %sub3A_1189 = arith.subf %sub3A_1188, %mul3A_1183 : vector<16xf32>
        %select_n3A_1190 = arith.select %eq3A_1186, %sub3A_1189, %mul3A_1183 : vector<16xi1>, vector<16xf32>
        %mul3A_1191 = arith.constant 2.560000e+02 : f32
        %mul3A_1192 = vector.broadcast %mul3A_1191 : f32 to vector<16xf32>
        %mul3A_1193 = arith.mulf %select_n3A_1190, %mul3A_1192 : vector<16xf32>
        %add3A_1194 = arith.constant 6.656000e+03 : f32
        %add3A_1195 = vector.broadcast %add3A_1194 : f32 to vector<16xf32>
        %add3A_1196 = arith.addf %mul3A_1193, %add3A_1195 : vector<16xf32>
        %convert_element_type3A_1197 = arith.fptosi %add3A_1196 : vector<16xf32> to vector<16xi32>
        %min3A_1198 = arith.constant 7167 : i32
        %min3A_1199 = vector.broadcast %min3A_1198 : i32 to vector<16xi32>
        %min3A_1200 = arith.minsi %convert_element_type3A_1197, %min3A_1199 : vector<16xi32>
        tpu.vector_store_idx %arg7[%min3A_1200], %broadcast_in_dim3A_35 {add = true} : memref<9728xf32, #tpu.memory_space<vmem>>[vector<16xi32>], vector<16xf32>,
        %mul3A_1201 = arith.mulf %exp3A_895, %div3A_944 : vector<16xf32>
        %eq3A_1202 = arith.constant 14 : i32
        %eq3A_1203 = vector.broadcast %eq3A_1202 : i32 to vector<16xi32>
        %eq3A_1204 = arith.cmpi eq, %get3A_948, %eq3A_1203 : vector<16xi32>
        %sub3A_1205 = arith.constant 2.000000e+00 : f32
        %sub3A_1206 = vector.broadcast %sub3A_1205 : f32 to vector<16xf32>
        %sub3A_1207 = arith.subf %sub3A_1206, %mul3A_1201 : vector<16xf32>
        %select_n3A_1208 = arith.select %eq3A_1204, %sub3A_1207, %mul3A_1201 : vector<16xi1>, vector<16xf32>
        %mul3A_1209 = arith.constant 2.560000e+02 : f32
        %mul3A_1210 = vector.broadcast %mul3A_1209 : f32 to vector<16xf32>
        %mul3A_1211 = arith.mulf %select_n3A_1208, %mul3A_1210 : vector<16xf32>
        %add3A_1212 = arith.constant 7.168000e+03 : f32
        %add3A_1213 = vector.broadcast %add3A_1212 : f32 to vector<16xf32>
        %add3A_1214 = arith.addf %mul3A_1211, %add3A_1213 : vector<16xf32>
        %convert_element_type3A_1215 = arith.fptosi %add3A_1214 : vector<16xf32> to vector<16xi32>
        %min3A_1216 = arith.constant 7679 : i32
        %min3A_1217 = vector.broadcast %min3A_1216 : i32 to vector<16xi32>
        %min3A_1218 = arith.minsi %convert_element_type3A_1215, %min3A_1217 : vector<16xi32>
        tpu.vector_store_idx %arg7[%min3A_1218], %broadcast_in_dim3A_35 {add = true} : memref<9728xf32, #tpu.memory_space<vmem>>[vector<16xi32>], vector<16xf32>,
        %mul3A_1219 = arith.mulf %exp3A_902, %div3A_944 : vector<16xf32>
        %eq3A_1220 = arith.constant 15 : i32
        %eq3A_1221 = vector.broadcast %eq3A_1220 : i32 to vector<16xi32>
        %eq3A_1222 = arith.cmpi eq, %get3A_948, %eq3A_1221 : vector<16xi32>
        %sub3A_1223 = arith.constant 2.000000e+00 : f32
        %sub3A_1224 = vector.broadcast %sub3A_1223 : f32 to vector<16xf32>
        %sub3A_1225 = arith.subf %sub3A_1224, %mul3A_1219 : vector<16xf32>
        %select_n3A_1226 = arith.select %eq3A_1222, %sub3A_1225, %mul3A_1219 : vector<16xi1>, vector<16xf32>
        %mul3A_1227 = arith.constant 2.560000e+02 : f32
        %mul3A_1228 = vector.broadcast %mul3A_1227 : f32 to vector<16xf32>
        %mul3A_1229 = arith.mulf %select_n3A_1226, %mul3A_1228 : vector<16xf32>
        %add3A_1230 = arith.constant 7.680000e+03 : f32
        %add3A_1231 = vector.broadcast %add3A_1230 : f32 to vector<16xf32>
        %add3A_1232 = arith.addf %mul3A_1229, %add3A_1231 : vector<16xf32>
        %convert_element_type3A_1233 = arith.fptosi %add3A_1232 : vector<16xf32> to vector<16xi32>
        %min3A_1234 = arith.constant 8191 : i32
        %min3A_1235 = vector.broadcast %min3A_1234 : i32 to vector<16xi32>
        %min3A_1236 = arith.minsi %convert_element_type3A_1233, %min3A_1235 : vector<16xi32>
        tpu.vector_store_idx %arg7[%min3A_1236], %broadcast_in_dim3A_35 {add = true} : memref<9728xf32, #tpu.memory_space<vmem>>[vector<16xi32>], vector<16xf32>,
        %mul3A_1237 = arith.mulf %exp3A_909, %div3A_944 : vector<16xf32>
        %eq3A_1238 = arith.constant 16 : i32
        %eq3A_1239 = vector.broadcast %eq3A_1238 : i32 to vector<16xi32>
        %eq3A_1240 = arith.cmpi eq, %get3A_948, %eq3A_1239 : vector<16xi32>
        %sub3A_1241 = arith.constant 2.000000e+00 : f32
        %sub3A_1242 = vector.broadcast %sub3A_1241 : f32 to vector<16xf32>
        %sub3A_1243 = arith.subf %sub3A_1242, %mul3A_1237 : vector<16xf32>
        %select_n3A_1244 = arith.select %eq3A_1240, %sub3A_1243, %mul3A_1237 : vector<16xi1>, vector<16xf32>
        %mul3A_1245 = arith.constant 2.560000e+02 : f32
        %mul3A_1246 = vector.broadcast %mul3A_1245 : f32 to vector<16xf32>
        %mul3A_1247 = arith.mulf %select_n3A_1244, %mul3A_1246 : vector<16xf32>
        %add3A_1248 = arith.constant 8.192000e+03 : f32
        %add3A_1249 = vector.broadcast %add3A_1248 : f32 to vector<16xf32>
        %add3A_1250 = arith.addf %mul3A_1247, %add3A_1249 : vector<16xf32>
        %convert_element_type3A_1251 = arith.fptosi %add3A_1250 : vector<16xf32> to vector<16xi32>
        %min3A_1252 = arith.constant 8703 : i32
        %min3A_1253 = vector.broadcast %min3A_1252 : i32 to vector<16xi32>
        %min3A_1254 = arith.minsi %convert_element_type3A_1251, %min3A_1253 : vector<16xi32>
        tpu.vector_store_idx %arg7[%min3A_1254], %broadcast_in_dim3A_35 {add = true} : memref<9728xf32, #tpu.memory_space<vmem>>[vector<16xi32>], vector<16xf32>,
        %mul3A_1255 = arith.mulf %exp3A_916, %div3A_944 : vector<16xf32>
        %eq3A_1256 = arith.constant 17 : i32
        %eq3A_1257 = vector.broadcast %eq3A_1256 : i32 to vector<16xi32>
        %eq3A_1258 = arith.cmpi eq, %get3A_948, %eq3A_1257 : vector<16xi32>
        %sub3A_1259 = arith.constant 2.000000e+00 : f32
        %sub3A_1260 = vector.broadcast %sub3A_1259 : f32 to vector<16xf32>
        %sub3A_1261 = arith.subf %sub3A_1260, %mul3A_1255 : vector<16xf32>
        %select_n3A_1262 = arith.select %eq3A_1258, %sub3A_1261, %mul3A_1255 : vector<16xi1>, vector<16xf32>
        %mul3A_1263 = arith.constant 2.560000e+02 : f32
        %mul3A_1264 = vector.broadcast %mul3A_1263 : f32 to vector<16xf32>
        %mul3A_1265 = arith.mulf %select_n3A_1262, %mul3A_1264 : vector<16xf32>
        %add3A_1266 = arith.constant 8.704000e+03 : f32
        %add3A_1267 = vector.broadcast %add3A_1266 : f32 to vector<16xf32>
        %add3A_1268 = arith.addf %mul3A_1265, %add3A_1267 : vector<16xf32>
        %convert_element_type3A_1269 = arith.fptosi %add3A_1268 : vector<16xf32> to vector<16xi32>
        %min3A_1270 = arith.constant 9215 : i32
        %min3A_1271 = vector.broadcast %min3A_1270 : i32 to vector<16xi32>
        %min3A_1272 = arith.minsi %convert_element_type3A_1269, %min3A_1271 : vector<16xi32>
        tpu.vector_store_idx %arg7[%min3A_1272], %broadcast_in_dim3A_35 {add = true} : memref<9728xf32, #tpu.memory_space<vmem>>[vector<16xi32>], vector<16xf32>,
        %mul3A_1273 = arith.mulf %exp3A_923, %div3A_944 : vector<16xf32>
        %eq3A_1274 = arith.constant 18 : i32
        %eq3A_1275 = vector.broadcast %eq3A_1274 : i32 to vector<16xi32>
        %eq3A_1276 = arith.cmpi eq, %get3A_948, %eq3A_1275 : vector<16xi32>
        %sub3A_1277 = arith.constant 2.000000e+00 : f32
        %sub3A_1278 = vector.broadcast %sub3A_1277 : f32 to vector<16xf32>
        %sub3A_1279 = arith.subf %sub3A_1278, %mul3A_1273 : vector<16xf32>
        %select_n3A_1280 = arith.select %eq3A_1276, %sub3A_1279, %mul3A_1273 : vector<16xi1>, vector<16xf32>
        %mul3A_1281 = arith.constant 2.560000e+02 : f32
        %mul3A_1282 = vector.broadcast %mul3A_1281 : f32 to vector<16xf32>
        %mul3A_1283 = arith.mulf %select_n3A_1280, %mul3A_1282 : vector<16xf32>
        %add3A_1284 = arith.constant 9.216000e+03 : f32
        %add3A_1285 = vector.broadcast %add3A_1284 : f32 to vector<16xf32>
        %add3A_1286 = arith.addf %mul3A_1283, %add3A_1285 : vector<16xf32>
        %convert_element_type3A_1287 = arith.fptosi %add3A_1286 : vector<16xf32> to vector<16xi32>
        %min3A_1288 = arith.constant 9727 : i32
        %min3A_1289 = vector.broadcast %min3A_1288 : i32 to vector<16xi32>
        %min3A_1290 = arith.minsi %convert_element_type3A_1287, %min3A_1289 : vector<16xi32>
        tpu.vector_store_idx %arg7[%min3A_1290], %broadcast_in_dim3A_35 {add = true} : memref<9728xf32, #tpu.memory_space<vmem>>[vector<16xi32>], vector<16xf32>,
        %scan3A_1291 = arith.constant 0 : i32
        scf.yield %scan3A_1291 : i32
      }
      %scan3A_148 = arith.constant 32 : i32
      %add3A_149 = arith.constant 4 : i32
      %add3A_150 = arith.addi %add3A_119, %add3A_149 : i32
      %sub3A_151 = arith.constant 1 : i32
      %sub3A_152 = arith.subi %add3A_150, %sub3A_151 : i32
      %lt3A_153 = arith.constant 32 : i32
      %lt3A_154 = arith.cmpi slt, %sub3A_152, %lt3A_153 : i32
      %convert_element_type3A = arith.extui %lt3A_154 : i1 to i32
      %cond3A = arith.constant 0 : i32
      %cond3A_155 = arith.cmpi ne, %convert_element_type3A, %cond3A : i32
      scf.if %cond3A_155 {
        %add3A_286 = arith.constant 4 : i32
        %add3A_287 = arith.addi %add3A_119, %add3A_286 : i32
        %sub3A_288 = arith.constant 1 : i32
        %sub3A_289 = arith.subi %add3A_287, %sub3A_288 : i32
        %mul3A_290 = arith.constant 1024 : i32
        %mul3A_291 = arith.muli %sub3A_289, %mul3A_290 : i32
        %add3A_292 = arith.addi %mul3A_32, %mul3A_291 : i32
        %dma_start3A_293 = arith.constant 3 : i32
        %dma_start3A_294 = arith.constant 0 : i32
        %dma_start3A_295 = arith.constant 0 : i32
        %dma_start3A_296 = tpu.memref_slice %arg5[%dma_start3A_293, %dma_start3A_294, %dma_start3A_295] : memref<4x19x1024xf32, #tpu.memory_space<vmem>> -> memref<1x19x1024xf32, #tpu.memory_space<vmem>>
        %dma_start3A_297 = arith.constant 0 : i32
        %dma_start3A_298 = tpu.memref_slice %arg2[%select_n3A, %dma_start3A_297, %add3A_292] : memref<4x19x262144xf32, #tpu.memory_space<hbm>> -> memref<1x19x1024xf32, #tpu.memory_space<hbm>>
        %dma_start3A_299 = arith.constant 3 : i32
        %dma_start3A_300 = arith.constant 0 : i32
        %dma_start3A_301 = arith.constant 0 : i32
        %dma_start3A_302 = tpu.memref_slice %arg5[%dma_start3A_299, %dma_start3A_300, %dma_start3A_301] : memref<4x19x1024xf32, #tpu.memory_space<vmem>> -> memref<1x19x1024xf32, #tpu.memory_space<vmem>>
        %dma_start3A_303 = arith.constant 0 : i32
        %dma_start3A_304 = tpu.memref_slice %arg2[%select_n3A, %dma_start3A_303, %add3A_292] : memref<4x19x262144xf32, #tpu.memory_space<hbm>> -> memref<1x19x1024xf32, #tpu.memory_space<hbm>>
        tpu.enqueue_dma source(%dma_start3A_304 : memref<1x19x1024xf32, #tpu.memory_space<hbm>>) target(%dma_start3A_302 : memref<1x19x1024xf32, #tpu.memory_space<vmem>>) target_semaphore(%arg8 : memref<!tpu.dma_semaphore, #tpu.memory_space<semaphore_mem>>)
        %dma_start3A_305 = arith.constant 3 : i32
        %dma_start3A_306 = arith.constant 0 : i32
        %dma_start3A_307 = tpu.memref_slice %arg6[%dma_start3A_305, %dma_start3A_306] : memref<4x1024xi32, #tpu.memory_space<vmem>> -> memref<1x1024xi32, #tpu.memory_space<vmem>>
        %dma_start3A_308 = tpu.memref_slice %arg3[%select_n3A, %add3A_292] : memref<4x262144xi32, #tpu.memory_space<hbm>> -> memref<1x1024xi32, #tpu.memory_space<hbm>>
        %dma_start3A_309 = arith.constant 3 : i32
        %dma_start3A_310 = arith.constant 0 : i32
        %dma_start3A_311 = tpu.memref_slice %arg6[%dma_start3A_309, %dma_start3A_310] : memref<4x1024xi32, #tpu.memory_space<vmem>> -> memref<1x1024xi32, #tpu.memory_space<vmem>>
        %dma_start3A_312 = tpu.memref_slice %arg3[%select_n3A, %add3A_292] : memref<4x262144xi32, #tpu.memory_space<hbm>> -> memref<1x1024xi32, #tpu.memory_space<hbm>>
        tpu.enqueue_dma source(%dma_start3A_312 : memref<1x1024xi32, #tpu.memory_space<hbm>>) target(%dma_start3A_311 : memref<1x1024xi32, #tpu.memory_space<vmem>>) target_semaphore(%arg8 : memref<!tpu.dma_semaphore, #tpu.memory_space<semaphore_mem>>)
      } else {
      }
      %mul3A_156 = arith.constant 4 : i32
      %mul3A_157 = arith.muli %scan3A_114, %mul3A_156 : i32
      %add3A_158 = arith.constant 1 : i32
      %add3A_159 = arith.addi %mul3A_157, %add3A_158 : i32
      %mul3A_160 = arith.constant 1024 : i32
      %mul3A_161 = arith.muli %add3A_159, %mul3A_160 : i32
      %add3A_162 = arith.addi %mul3A_32, %mul3A_161 : i32
      %dma_wait3A_163 = arith.constant 1 : i32
      %dma_wait3A_164 = arith.constant 0 : i32
      %dma_wait3A_165 = arith.constant 0 : i32
      %dma_wait3A_166 = tpu.memref_slice %arg5[%dma_wait3A_163, %dma_wait3A_164, %dma_wait3A_165] : memref<4x19x1024xf32, #tpu.memory_space<vmem>> -> memref<1x19x1024xf32, #tpu.memory_space<vmem>>
      %dma_wait3A_167 = arith.constant 0 : i32
      %dma_wait3A_168 = tpu.memref_slice %arg2[%select_n3A, %dma_wait3A_167, %add3A_162] : memref<4x19x262144xf32, #tpu.memory_space<hbm>> -> memref<1x19x1024xf32, #tpu.memory_space<hbm>>
      %dma_wait3A_169 = arith.constant 1 : i32
      %dma_wait3A_170 = arith.constant 0 : i32
      %dma_wait3A_171 = arith.constant 0 : i32
      %dma_wait3A_172 = tpu.memref_slice %arg5[%dma_wait3A_169, %dma_wait3A_170, %dma_wait3A_171] : memref<4x19x1024xf32, #tpu.memory_space<vmem>> -> memref<1x19x1024xf32, #tpu.memory_space<vmem>>
      %dma_wait3A_173 = arith.constant 0 : i32
      %dma_wait3A_174 = tpu.memref_slice %arg2[%select_n3A, %dma_wait3A_173, %add3A_162] : memref<4x19x262144xf32, #tpu.memory_space<hbm>> -> memref<1x19x1024xf32, #tpu.memory_space<hbm>>
      tpu.wait_dma2 semaphore(%arg8 : memref<!tpu.dma_semaphore, #tpu.memory_space<semaphore_mem>>) src(%dma_wait3A_174 : memref<1x19x1024xf32, #tpu.memory_space<hbm>>) dst(%dma_wait3A_172 : memref<1x19x1024xf32, #tpu.memory_space<vmem>>)
      %dma_wait3A_175 = arith.constant 1 : i32
      %dma_wait3A_176 = arith.constant 0 : i32
      %dma_wait3A_177 = tpu.memref_slice %arg6[%dma_wait3A_175, %dma_wait3A_176] : memref<4x1024xi32, #tpu.memory_space<vmem>> -> memref<1x1024xi32, #tpu.memory_space<vmem>>
      %dma_wait3A_178 = tpu.memref_slice %arg3[%select_n3A, %add3A_162] : memref<4x262144xi32, #tpu.memory_space<hbm>> -> memref<1x1024xi32, #tpu.memory_space<hbm>>
      %dma_wait3A_179 = arith.constant 1 : i32
      %dma_wait3A_180 = arith.constant 0 : i32
      %dma_wait3A_181 = tpu.memref_slice %arg6[%dma_wait3A_179, %dma_wait3A_180] : memref<4x1024xi32, #tpu.memory_space<vmem>> -> memref<1x1024xi32, #tpu.memory_space<vmem>>
      %dma_wait3A_182 = tpu.memref_slice %arg3[%select_n3A, %add3A_162] : memref<4x262144xi32, #tpu.memory_space<hbm>> -> memref<1x1024xi32, #tpu.memory_space<hbm>>
      tpu.wait_dma2 semaphore(%arg8 : memref<!tpu.dma_semaphore, #tpu.memory_space<semaphore_mem>>) src(%dma_wait3A_182 : memref<1x1024xi32, #tpu.memory_space<hbm>>) dst(%dma_wait3A_181 : memref<1x1024xi32, #tpu.memory_space<vmem>>)
      %scan3A_183 = arith.constant 0 : i32
      %scan3A_184 = arith.constant 0 : i32
      %scan3A_185 = arith.constant 32 : i32
      %scan3A_186 = arith.addi %scan3A_184, %scan3A_185 : i32
      %scan3A_187 = arith.constant 1 : i32
      %scan3A_188 = scf.for %scan3A_286 = %scan3A_184 to %scan3A_186 step %scan3A_187 iter_args(%scan3A_287 = %scan3A_183) -> (i32)  : i32 {
        %mul3A_288 = arith.constant 32 : i32
        %mul3A_289 = arith.muli %scan3A_286, %mul3A_288 : i32
        %get3A = arith.constant 1 : i32
        %get3A_290 = arith.constant 0 : i32
        %get3A_291 = arith.index_cast %get3A : i32 to index
        %get3A_292 = arith.index_cast %get3A_290 : i32 to index
        %get3A_293 = arith.index_cast %mul3A_289 : i32 to index
        %get3A_294 = tpu.vector_load %arg5[%get3A_291, %get3A_292, %get3A_293] {strides = array<i32>} : memref<4x19x1024xf32, #tpu.memory_space<vmem>>, vector<16xf32>,
        %exp3A = math.exp %get3A_294 : vector<16xf32>
        %get3A_295 = arith.constant 1 : i32
        %get3A_296 = arith.constant 1 : i32
        %get3A_297 = arith.index_cast %get3A_295 : i32 to index
        %get3A_298 = arith.index_cast %get3A_296 : i32 to index
        %get3A_299 = arith.index_cast %mul3A_289 : i32 to index
        %get3A_300 = tpu.vector_load %arg5[%get3A_297, %get3A_298, %get3A_299] {strides = array<i32>} : memref<4x19x1024xf32, #tpu.memory_space<vmem>>, vector<16xf32>,
        %exp3A_301 = math.exp %get3A_300 : vector<16xf32>
        %get3A_302 = arith.constant 1 : i32
        %get3A_303 = arith.constant 2 : i32
        %get3A_304 = arith.index_cast %get3A_302 : i32 to index
        %get3A_305 = arith.index_cast %get3A_303 : i32 to index
        %get3A_306 = arith.index_cast %mul3A_289 : i32 to index
        %get3A_307 = tpu.vector_load %arg5[%get3A_304, %get3A_305, %get3A_306] {strides = array<i32>} : memref<4x19x1024xf32, #tpu.memory_space<vmem>>, vector<16xf32>,
        %exp3A_308 = math.exp %get3A_307 : vector<16xf32>
        %get3A_309 = arith.constant 1 : i32
        %get3A_310 = arith.constant 3 : i32
        %get3A_311 = arith.index_cast %get3A_309 : i32 to index
        %get3A_312 = arith.index_cast %get3A_310 : i32 to index
        %get3A_313 = arith.index_cast %mul3A_289 : i32 to index
        %get3A_314 = tpu.vector_load %arg5[%get3A_311, %get3A_312, %get3A_313] {strides = array<i32>} : memref<4x19x1024xf32, #tpu.memory_space<vmem>>, vector<16xf32>,
        %exp3A_315 = math.exp %get3A_314 : vector<16xf32>
        %get3A_316 = arith.constant 1 : i32
        %get3A_317 = arith.constant 4 : i32
        %get3A_318 = arith.index_cast %get3A_316 : i32 to index
        %get3A_319 = arith.index_cast %get3A_317 : i32 to index
        %get3A_320 = arith.index_cast %mul3A_289 : i32 to index
        %get3A_321 = tpu.vector_load %arg5[%get3A_318, %get3A_319, %get3A_320] {strides = array<i32>} : memref<4x19x1024xf32, #tpu.memory_space<vmem>>, vector<16xf32>,
        %exp3A_322 = math.exp %get3A_321 : vector<16xf32>
        %get3A_323 = arith.constant 1 : i32
        %get3A_324 = arith.constant 5 : i32
        %get3A_325 = arith.index_cast %get3A_323 : i32 to index
        %get3A_326 = arith.index_cast %get3A_324 : i32 to index
        %get3A_327 = arith.index_cast %mul3A_289 : i32 to index
        %get3A_328 = tpu.vector_load %arg5[%get3A_325, %get3A_326, %get3A_327] {strides = array<i32>} : memref<4x19x1024xf32, #tpu.memory_space<vmem>>, vector<16xf32>,
        %exp3A_329 = math.exp %get3A_328 : vector<16xf32>
        %get3A_330 = arith.constant 1 : i32
        %get3A_331 = arith.constant 6 : i32
        %get3A_332 = arith.index_cast %get3A_330 : i32 to index
        %get3A_333 = arith.index_cast %get3A_331 : i32 to index
        %get3A_334 = arith.index_cast %mul3A_289 : i32 to index
        %get3A_335 = tpu.vector_load %arg5[%get3A_332, %get3A_333, %get3A_334] {strides = array<i32>} : memref<4x19x1024xf32, #tpu.memory_space<vmem>>, vector<16xf32>,
        %exp3A_336 = math.exp %get3A_335 : vector<16xf32>
        %get3A_337 = arith.constant 1 : i32
        %get3A_338 = arith.constant 7 : i32
        %get3A_339 = arith.index_cast %get3A_337 : i32 to index
        %get3A_340 = arith.index_cast %get3A_338 : i32 to index
        %get3A_341 = arith.index_cast %mul3A_289 : i32 to index
        %get3A_342 = tpu.vector_load %arg5[%get3A_339, %get3A_340, %get3A_341] {strides = array<i32>} : memref<4x19x1024xf32, #tpu.memory_space<vmem>>, vector<16xf32>,
        %exp3A_343 = math.exp %get3A_342 : vector<16xf32>
        %get3A_344 = arith.constant 1 : i32
        %get3A_345 = arith.constant 8 : i32
        %get3A_346 = arith.index_cast %get3A_344 : i32 to index
        %get3A_347 = arith.index_cast %get3A_345 : i32 to index
        %get3A_348 = arith.index_cast %mul3A_289 : i32 to index
        %get3A_349 = tpu.vector_load %arg5[%get3A_346, %get3A_347, %get3A_348] {strides = array<i32>} : memref<4x19x1024xf32, #tpu.memory_space<vmem>>, vector<16xf32>,
        %exp3A_350 = math.exp %get3A_349 : vector<16xf32>
        %get3A_351 = arith.constant 1 : i32
        %get3A_352 = arith.constant 9 : i32
        %get3A_353 = arith.index_cast %get3A_351 : i32 to index
        %get3A_354 = arith.index_cast %get3A_352 : i32 to index
        %get3A_355 = arith.index_cast %mul3A_289 : i32 to index
        %get3A_356 = tpu.vector_load %arg5[%get3A_353, %get3A_354, %get3A_355] {strides = array<i32>} : memref<4x19x1024xf32, #tpu.memory_space<vmem>>, vector<16xf32>,
        %exp3A_357 = math.exp %get3A_356 : vector<16xf32>
        %get3A_358 = arith.constant 1 : i32
        %get3A_359 = arith.constant 10 : i32
        %get3A_360 = arith.index_cast %get3A_358 : i32 to index
        %get3A_361 = arith.index_cast %get3A_359 : i32 to index
        %get3A_362 = arith.index_cast %mul3A_289 : i32 to index
        %get3A_363 = tpu.vector_load %arg5[%get3A_360, %get3A_361, %get3A_362] {strides = array<i32>} : memref<4x19x1024xf32, #tpu.memory_space<vmem>>, vector<16xf32>,
        %exp3A_364 = math.exp %get3A_363 : vector<16xf32>
        %get3A_365 = arith.constant 1 : i32
        %get3A_366 = arith.constant 11 : i32
        %get3A_367 = arith.index_cast %get3A_365 : i32 to index
        %get3A_368 = arith.index_cast %get3A_366 : i32 to index
        %get3A_369 = arith.index_cast %mul3A_289 : i32 to index
        %get3A_370 = tpu.vector_load %arg5[%get3A_367, %get3A_368, %get3A_369] {strides = array<i32>} : memref<4x19x1024xf32, #tpu.memory_space<vmem>>, vector<16xf32>,
        %exp3A_371 = math.exp %get3A_370 : vector<16xf32>
        %get3A_372 = arith.constant 1 : i32
        %get3A_373 = arith.constant 12 : i32
        %get3A_374 = arith.index_cast %get3A_372 : i32 to index
        %get3A_375 = arith.index_cast %get3A_373 : i32 to index
        %get3A_376 = arith.index_cast %mul3A_289 : i32 to index
        %get3A_377 = tpu.vector_load %arg5[%get3A_374, %get3A_375, %get3A_376] {strides = array<i32>} : memref<4x19x1024xf32, #tpu.memory_space<vmem>>, vector<16xf32>,
        %exp3A_378 = math.exp %get3A_377 : vector<16xf32>
        %get3A_379 = arith.constant 1 : i32
        %get3A_380 = arith.constant 13 : i32
        %get3A_381 = arith.index_cast %get3A_379 : i32 to index
        %get3A_382 = arith.index_cast %get3A_380 : i32 to index
        %get3A_383 = arith.index_cast %mul3A_289 : i32 to index
        %get3A_384 = tpu.vector_load %arg5[%get3A_381, %get3A_382, %get3A_383] {strides = array<i32>} : memref<4x19x1024xf32, #tpu.memory_space<vmem>>, vector<16xf32>,
        %exp3A_385 = math.exp %get3A_384 : vector<16xf32>
        %get3A_386 = arith.constant 1 : i32
        %get3A_387 = arith.constant 14 : i32
        %get3A_388 = arith.index_cast %get3A_386 : i32 to index
        %get3A_389 = arith.index_cast %get3A_387 : i32 to index
        %get3A_390 = arith.index_cast %mul3A_289 : i32 to index
        %get3A_391 = tpu.vector_load %arg5[%get3A_388, %get3A_389, %get3A_390] {strides = array<i32>} : memref<4x19x1024xf32, #tpu.memory_space<vmem>>, vector<16xf32>,
        %exp3A_392 = math.exp %get3A_391 : vector<16xf32>
        %get3A_393 = arith.constant 1 : i32
        %get3A_394 = arith.constant 15 : i32
        %get3A_395 = arith.index_cast %get3A_393 : i32 to index
        %get3A_396 = arith.index_cast %get3A_394 : i32 to index
        %get3A_397 = arith.index_cast %mul3A_289 : i32 to index
        %get3A_398 = tpu.vector_load %arg5[%get3A_395, %get3A_396, %get3A_397] {strides = array<i32>} : memref<4x19x1024xf32, #tpu.memory_space<vmem>>, vector<16xf32>,
        %exp3A_399 = math.exp %get3A_398 : vector<16xf32>
        %get3A_400 = arith.constant 1 : i32
        %get3A_401 = arith.constant 16 : i32
        %get3A_402 = arith.index_cast %get3A_400 : i32 to index
        %get3A_403 = arith.index_cast %get3A_401 : i32 to index
        %get3A_404 = arith.index_cast %mul3A_289 : i32 to index
        %get3A_405 = tpu.vector_load %arg5[%get3A_402, %get3A_403, %get3A_404] {strides = array<i32>} : memref<4x19x1024xf32, #tpu.memory_space<vmem>>, vector<16xf32>,
        %exp3A_406 = math.exp %get3A_405 : vector<16xf32>
        %get3A_407 = arith.constant 1 : i32
        %get3A_408 = arith.constant 17 : i32
        %get3A_409 = arith.index_cast %get3A_407 : i32 to index
        %get3A_410 = arith.index_cast %get3A_408 : i32 to index
        %get3A_411 = arith.index_cast %mul3A_289 : i32 to index
        %get3A_412 = tpu.vector_load %arg5[%get3A_409, %get3A_410, %get3A_411] {strides = array<i32>} : memref<4x19x1024xf32, #tpu.memory_space<vmem>>, vector<16xf32>,
        %exp3A_413 = math.exp %get3A_412 : vector<16xf32>
        %get3A_414 = arith.constant 1 : i32
        %get3A_415 = arith.constant 18 : i32
        %get3A_416 = arith.index_cast %get3A_414 : i32 to index
        %get3A_417 = arith.index_cast %get3A_415 : i32 to index
        %get3A_418 = arith.index_cast %mul3A_289 : i32 to index
        %get3A_419 = tpu.vector_load %arg5[%get3A_416, %get3A_417, %get3A_418] {strides = array<i32>} : memref<4x19x1024xf32, #tpu.memory_space<vmem>>, vector<16xf32>,
        %exp3A_420 = math.exp %get3A_419 : vector<16xf32>
        %add3A_421 = arith.addf %exp3A, %exp3A_301 : vector<16xf32>
        %add3A_422 = arith.addf %exp3A_308, %exp3A_315 : vector<16xf32>
        %add3A_423 = arith.addf %exp3A_322, %exp3A_329 : vector<16xf32>
        %add3A_424 = arith.addf %exp3A_336, %exp3A_343 : vector<16xf32>
        %add3A_425 = arith.addf %exp3A_350, %exp3A_357 : vector<16xf32>
        %add3A_426 = arith.addf %exp3A_364, %exp3A_371 : vector<16xf32>
        %add3A_427 = arith.addf %exp3A_378, %exp3A_385 : vector<16xf32>
        %add3A_428 = arith.addf %exp3A_392, %exp3A_399 : vector<16xf32>
        %add3A_429 = arith.addf %exp3A_406, %exp3A_413 : vector<16xf32>
        %add3A_430 = arith.addf %add3A_421, %add3A_422 : vector<16xf32>
        %add3A_431 = arith.addf %add3A_423, %add3A_424 : vector<16xf32>
        %add3A_432 = arith.addf %add3A_425, %add3A_426 : vector<16xf32>
        %add3A_433 = arith.addf %add3A_427, %add3A_428 : vector<16xf32>
        %add3A_434 = arith.addf %add3A_429, %exp3A_420 : vector<16xf32>
        %add3A_435 = arith.addf %add3A_430, %add3A_431 : vector<16xf32>
        %add3A_436 = arith.addf %add3A_432, %add3A_433 : vector<16xf32>
        %add3A_437 = arith.addf %add3A_435, %add3A_436 : vector<16xf32>
        %add3A_438 = arith.addf %add3A_437, %add3A_434 : vector<16xf32>
        %div3A_439 = arith.constant 1.000000e+00 : f32
        %div3A_440 = vector.broadcast %div3A_439 : f32 to vector<16xf32>
        %div3A_441 = arith.divf %div3A_440, %add3A_438 : vector<16xf32>
        %get3A_442 = arith.constant 1 : i32
        %get3A_443 = arith.index_cast %get3A_442 : i32 to index
        %get3A_444 = arith.index_cast %mul3A_289 : i32 to index
        %get3A_445 = tpu.vector_load %arg6[%get3A_443, %get3A_444] {strides = array<i32>} : memref<4x1024xi32, #tpu.memory_space<vmem>>, vector<16xi32>,
        %mul3A_446 = arith.mulf %exp3A, %div3A_441 : vector<16xf32>
        %eq3A_447 = arith.constant 0 : i32
        %eq3A_448 = vector.broadcast %eq3A_447 : i32 to vector<16xi32>
        %eq3A_449 = arith.cmpi eq, %get3A_445, %eq3A_448 : vector<16xi32>
        %sub3A_450 = arith.constant 2.000000e+00 : f32
        %sub3A_451 = vector.broadcast %sub3A_450 : f32 to vector<16xf32>
        %sub3A_452 = arith.subf %sub3A_451, %mul3A_446 : vector<16xf32>
        %select_n3A_453 = arith.select %eq3A_449, %sub3A_452, %mul3A_446 : vector<16xi1>, vector<16xf32>
        %mul3A_454 = arith.constant 2.560000e+02 : f32
        %mul3A_455 = vector.broadcast %mul3A_454 : f32 to vector<16xf32>
        %mul3A_456 = arith.mulf %select_n3A_453, %mul3A_455 : vector<16xf32>
        %add3A_457 = arith.constant 0.000000e+00 : f32
        %add3A_458 = vector.broadcast %add3A_457 : f32 to vector<16xf32>
        %add3A_459 = arith.addf %mul3A_456, %add3A_458 : vector<16xf32>
        %convert_element_type3A_460 = arith.fptosi %add3A_459 : vector<16xf32> to vector<16xi32>
        %min3A = arith.constant 511 : i32
        %min3A_461 = vector.broadcast %min3A : i32 to vector<16xi32>
        %min3A_462 = arith.minsi %convert_element_type3A_460, %min3A_461 : vector<16xi32>
        tpu.vector_store_idx %arg7[%min3A_462], %broadcast_in_dim3A_35 {add = true} : memref<9728xf32, #tpu.memory_space<vmem>>[vector<16xi32>], vector<16xf32>,
        %mul3A_463 = arith.mulf %exp3A_301, %div3A_441 : vector<16xf32>
        %eq3A_464 = arith.constant 1 : i32
        %eq3A_465 = vector.broadcast %eq3A_464 : i32 to vector<16xi32>
        %eq3A_466 = arith.cmpi eq, %get3A_445, %eq3A_465 : vector<16xi32>
        %sub3A_467 = arith.constant 2.000000e+00 : f32
        %sub3A_468 = vector.broadcast %sub3A_467 : f32 to vector<16xf32>
        %sub3A_469 = arith.subf %sub3A_468, %mul3A_463 : vector<16xf32>
        %select_n3A_470 = arith.select %eq3A_466, %sub3A_469, %mul3A_463 : vector<16xi1>, vector<16xf32>
        %mul3A_471 = arith.constant 2.560000e+02 : f32
        %mul3A_472 = vector.broadcast %mul3A_471 : f32 to vector<16xf32>
        %mul3A_473 = arith.mulf %select_n3A_470, %mul3A_472 : vector<16xf32>
        %add3A_474 = arith.constant 5.120000e+02 : f32
        %add3A_475 = vector.broadcast %add3A_474 : f32 to vector<16xf32>
        %add3A_476 = arith.addf %mul3A_473, %add3A_475 : vector<16xf32>
        %convert_element_type3A_477 = arith.fptosi %add3A_476 : vector<16xf32> to vector<16xi32>
        %min3A_478 = arith.constant 1023 : i32
        %min3A_479 = vector.broadcast %min3A_478 : i32 to vector<16xi32>
        %min3A_480 = arith.minsi %convert_element_type3A_477, %min3A_479 : vector<16xi32>
        tpu.vector_store_idx %arg7[%min3A_480], %broadcast_in_dim3A_35 {add = true} : memref<9728xf32, #tpu.memory_space<vmem>>[vector<16xi32>], vector<16xf32>,
        %mul3A_481 = arith.mulf %exp3A_308, %div3A_441 : vector<16xf32>
        %eq3A_482 = arith.constant 2 : i32
        %eq3A_483 = vector.broadcast %eq3A_482 : i32 to vector<16xi32>
        %eq3A_484 = arith.cmpi eq, %get3A_445, %eq3A_483 : vector<16xi32>
        %sub3A_485 = arith.constant 2.000000e+00 : f32
        %sub3A_486 = vector.broadcast %sub3A_485 : f32 to vector<16xf32>
        %sub3A_487 = arith.subf %sub3A_486, %mul3A_481 : vector<16xf32>
        %select_n3A_488 = arith.select %eq3A_484, %sub3A_487, %mul3A_481 : vector<16xi1>, vector<16xf32>
        %mul3A_489 = arith.constant 2.560000e+02 : f32
        %mul3A_490 = vector.broadcast %mul3A_489 : f32 to vector<16xf32>
        %mul3A_491 = arith.mulf %select_n3A_488, %mul3A_490 : vector<16xf32>
        %add3A_492 = arith.constant 1.024000e+03 : f32
        %add3A_493 = vector.broadcast %add3A_492 : f32 to vector<16xf32>
        %add3A_494 = arith.addf %mul3A_491, %add3A_493 : vector<16xf32>
        %convert_element_type3A_495 = arith.fptosi %add3A_494 : vector<16xf32> to vector<16xi32>
        %min3A_496 = arith.constant 1535 : i32
        %min3A_497 = vector.broadcast %min3A_496 : i32 to vector<16xi32>
        %min3A_498 = arith.minsi %convert_element_type3A_495, %min3A_497 : vector<16xi32>
        tpu.vector_store_idx %arg7[%min3A_498], %broadcast_in_dim3A_35 {add = true} : memref<9728xf32, #tpu.memory_space<vmem>>[vector<16xi32>], vector<16xf32>,
        %mul3A_499 = arith.mulf %exp3A_315, %div3A_441 : vector<16xf32>
        %eq3A_500 = arith.constant 3 : i32
        %eq3A_501 = vector.broadcast %eq3A_500 : i32 to vector<16xi32>
        %eq3A_502 = arith.cmpi eq, %get3A_445, %eq3A_501 : vector<16xi32>
        %sub3A_503 = arith.constant 2.000000e+00 : f32
        %sub3A_504 = vector.broadcast %sub3A_503 : f32 to vector<16xf32>
        %sub3A_505 = arith.subf %sub3A_504, %mul3A_499 : vector<16xf32>
        %select_n3A_506 = arith.select %eq3A_502, %sub3A_505, %mul3A_499 : vector<16xi1>, vector<16xf32>
        %mul3A_507 = arith.constant 2.560000e+02 : f32
        %mul3A_508 = vector.broadcast %mul3A_507 : f32 to vector<16xf32>
        %mul3A_509 = arith.mulf %select_n3A_506, %mul3A_508 : vector<16xf32>
        %add3A_510 = arith.constant 1.536000e+03 : f32
        %add3A_511 = vector.broadcast %add3A_510 : f32 to vector<16xf32>
        %add3A_512 = arith.addf %mul3A_509, %add3A_511 : vector<16xf32>
        %convert_element_type3A_513 = arith.fptosi %add3A_512 : vector<16xf32> to vector<16xi32>
        %min3A_514 = arith.constant 2047 : i32
        %min3A_515 = vector.broadcast %min3A_514 : i32 to vector<16xi32>
        %min3A_516 = arith.minsi %convert_element_type3A_513, %min3A_515 : vector<16xi32>
        tpu.vector_store_idx %arg7[%min3A_516], %broadcast_in_dim3A_35 {add = true} : memref<9728xf32, #tpu.memory_space<vmem>>[vector<16xi32>], vector<16xf32>,
        %mul3A_517 = arith.mulf %exp3A_322, %div3A_441 : vector<16xf32>
        %eq3A_518 = arith.constant 4 : i32
        %eq3A_519 = vector.broadcast %eq3A_518 : i32 to vector<16xi32>
        %eq3A_520 = arith.cmpi eq, %get3A_445, %eq3A_519 : vector<16xi32>
        %sub3A_521 = arith.constant 2.000000e+00 : f32
        %sub3A_522 = vector.broadcast %sub3A_521 : f32 to vector<16xf32>
        %sub3A_523 = arith.subf %sub3A_522, %mul3A_517 : vector<16xf32>
        %select_n3A_524 = arith.select %eq3A_520, %sub3A_523, %mul3A_517 : vector<16xi1>, vector<16xf32>
        %mul3A_525 = arith.constant 2.560000e+02 : f32
        %mul3A_526 = vector.broadcast %mul3A_525 : f32 to vector<16xf32>
        %mul3A_527 = arith.mulf %select_n3A_524, %mul3A_526 : vector<16xf32>
        %add3A_528 = arith.constant 2.048000e+03 : f32
        %add3A_529 = vector.broadcast %add3A_528 : f32 to vector<16xf32>
        %add3A_530 = arith.addf %mul3A_527, %add3A_529 : vector<16xf32>
        %convert_element_type3A_531 = arith.fptosi %add3A_530 : vector<16xf32> to vector<16xi32>
        %min3A_532 = arith.constant 2559 : i32
        %min3A_533 = vector.broadcast %min3A_532 : i32 to vector<16xi32>
        %min3A_534 = arith.minsi %convert_element_type3A_531, %min3A_533 : vector<16xi32>
        tpu.vector_store_idx %arg7[%min3A_534], %broadcast_in_dim3A_35 {add = true} : memref<9728xf32, #tpu.memory_space<vmem>>[vector<16xi32>], vector<16xf32>,
        %mul3A_535 = arith.mulf %exp3A_329, %div3A_441 : vector<16xf32>
        %eq3A_536 = arith.constant 5 : i32
        %eq3A_537 = vector.broadcast %eq3A_536 : i32 to vector<16xi32>
        %eq3A_538 = arith.cmpi eq, %get3A_445, %eq3A_537 : vector<16xi32>
        %sub3A_539 = arith.constant 2.000000e+00 : f32
        %sub3A_540 = vector.broadcast %sub3A_539 : f32 to vector<16xf32>
        %sub3A_541 = arith.subf %sub3A_540, %mul3A_535 : vector<16xf32>
        %select_n3A_542 = arith.select %eq3A_538, %sub3A_541, %mul3A_535 : vector<16xi1>, vector<16xf32>
        %mul3A_543 = arith.constant 2.560000e+02 : f32
        %mul3A_544 = vector.broadcast %mul3A_543 : f32 to vector<16xf32>
        %mul3A_545 = arith.mulf %select_n3A_542, %mul3A_544 : vector<16xf32>
        %add3A_546 = arith.constant 2.560000e+03 : f32
        %add3A_547 = vector.broadcast %add3A_546 : f32 to vector<16xf32>
        %add3A_548 = arith.addf %mul3A_545, %add3A_547 : vector<16xf32>
        %convert_element_type3A_549 = arith.fptosi %add3A_548 : vector<16xf32> to vector<16xi32>
        %min3A_550 = arith.constant 3071 : i32
        %min3A_551 = vector.broadcast %min3A_550 : i32 to vector<16xi32>
        %min3A_552 = arith.minsi %convert_element_type3A_549, %min3A_551 : vector<16xi32>
        tpu.vector_store_idx %arg7[%min3A_552], %broadcast_in_dim3A_35 {add = true} : memref<9728xf32, #tpu.memory_space<vmem>>[vector<16xi32>], vector<16xf32>,
        %mul3A_553 = arith.mulf %exp3A_336, %div3A_441 : vector<16xf32>
        %eq3A_554 = arith.constant 6 : i32
        %eq3A_555 = vector.broadcast %eq3A_554 : i32 to vector<16xi32>
        %eq3A_556 = arith.cmpi eq, %get3A_445, %eq3A_555 : vector<16xi32>
        %sub3A_557 = arith.constant 2.000000e+00 : f32
        %sub3A_558 = vector.broadcast %sub3A_557 : f32 to vector<16xf32>
        %sub3A_559 = arith.subf %sub3A_558, %mul3A_553 : vector<16xf32>
        %select_n3A_560 = arith.select %eq3A_556, %sub3A_559, %mul3A_553 : vector<16xi1>, vector<16xf32>
        %mul3A_561 = arith.constant 2.560000e+02 : f32
        %mul3A_562 = vector.broadcast %mul3A_561 : f32 to vector<16xf32>
        %mul3A_563 = arith.mulf %select_n3A_560, %mul3A_562 : vector<16xf32>
        %add3A_564 = arith.constant 3.072000e+03 : f32
        %add3A_565 = vector.broadcast %add3A_564 : f32 to vector<16xf32>
        %add3A_566 = arith.addf %mul3A_563, %add3A_565 : vector<16xf32>
        %convert_element_type3A_567 = arith.fptosi %add3A_566 : vector<16xf32> to vector<16xi32>
        %min3A_568 = arith.constant 3583 : i32
        %min3A_569 = vector.broadcast %min3A_568 : i32 to vector<16xi32>
        %min3A_570 = arith.minsi %convert_element_type3A_567, %min3A_569 : vector<16xi32>
        tpu.vector_store_idx %arg7[%min3A_570], %broadcast_in_dim3A_35 {add = true} : memref<9728xf32, #tpu.memory_space<vmem>>[vector<16xi32>], vector<16xf32>,
        %mul3A_571 = arith.mulf %exp3A_343, %div3A_441 : vector<16xf32>
        %eq3A_572 = arith.constant 7 : i32
        %eq3A_573 = vector.broadcast %eq3A_572 : i32 to vector<16xi32>
        %eq3A_574 = arith.cmpi eq, %get3A_445, %eq3A_573 : vector<16xi32>
        %sub3A_575 = arith.constant 2.000000e+00 : f32
        %sub3A_576 = vector.broadcast %sub3A_575 : f32 to vector<16xf32>
        %sub3A_577 = arith.subf %sub3A_576, %mul3A_571 : vector<16xf32>
        %select_n3A_578 = arith.select %eq3A_574, %sub3A_577, %mul3A_571 : vector<16xi1>, vector<16xf32>
        %mul3A_579 = arith.constant 2.560000e+02 : f32
        %mul3A_580 = vector.broadcast %mul3A_579 : f32 to vector<16xf32>
        %mul3A_581 = arith.mulf %select_n3A_578, %mul3A_580 : vector<16xf32>
        %add3A_582 = arith.constant 3.584000e+03 : f32
        %add3A_583 = vector.broadcast %add3A_582 : f32 to vector<16xf32>
        %add3A_584 = arith.addf %mul3A_581, %add3A_583 : vector<16xf32>
        %convert_element_type3A_585 = arith.fptosi %add3A_584 : vector<16xf32> to vector<16xi32>
        %min3A_586 = arith.constant 4095 : i32
        %min3A_587 = vector.broadcast %min3A_586 : i32 to vector<16xi32>
        %min3A_588 = arith.minsi %convert_element_type3A_585, %min3A_587 : vector<16xi32>
        tpu.vector_store_idx %arg7[%min3A_588], %broadcast_in_dim3A_35 {add = true} : memref<9728xf32, #tpu.memory_space<vmem>>[vector<16xi32>], vector<16xf32>,
        %mul3A_589 = arith.mulf %exp3A_350, %div3A_441 : vector<16xf32>
        %eq3A_590 = arith.constant 8 : i32
        %eq3A_591 = vector.broadcast %eq3A_590 : i32 to vector<16xi32>
        %eq3A_592 = arith.cmpi eq, %get3A_445, %eq3A_591 : vector<16xi32>
        %sub3A_593 = arith.constant 2.000000e+00 : f32
        %sub3A_594 = vector.broadcast %sub3A_593 : f32 to vector<16xf32>
        %sub3A_595 = arith.subf %sub3A_594, %mul3A_589 : vector<16xf32>
        %select_n3A_596 = arith.select %eq3A_592, %sub3A_595, %mul3A_589 : vector<16xi1>, vector<16xf32>
        %mul3A_597 = arith.constant 2.560000e+02 : f32
        %mul3A_598 = vector.broadcast %mul3A_597 : f32 to vector<16xf32>
        %mul3A_599 = arith.mulf %select_n3A_596, %mul3A_598 : vector<16xf32>
        %add3A_600 = arith.constant 4.096000e+03 : f32
        %add3A_601 = vector.broadcast %add3A_600 : f32 to vector<16xf32>
        %add3A_602 = arith.addf %mul3A_599, %add3A_601 : vector<16xf32>
        %convert_element_type3A_603 = arith.fptosi %add3A_602 : vector<16xf32> to vector<16xi32>
        %min3A_604 = arith.constant 4607 : i32
        %min3A_605 = vector.broadcast %min3A_604 : i32 to vector<16xi32>
        %min3A_606 = arith.minsi %convert_element_type3A_603, %min3A_605 : vector<16xi32>
        tpu.vector_store_idx %arg7[%min3A_606], %broadcast_in_dim3A_35 {add = true} : memref<9728xf32, #tpu.memory_space<vmem>>[vector<16xi32>], vector<16xf32>,
        %mul3A_607 = arith.mulf %exp3A_357, %div3A_441 : vector<16xf32>
        %eq3A_608 = arith.constant 9 : i32
        %eq3A_609 = vector.broadcast %eq3A_608 : i32 to vector<16xi32>
        %eq3A_610 = arith.cmpi eq, %get3A_445, %eq3A_609 : vector<16xi32>
        %sub3A_611 = arith.constant 2.000000e+00 : f32
        %sub3A_612 = vector.broadcast %sub3A_611 : f32 to vector<16xf32>
        %sub3A_613 = arith.subf %sub3A_612, %mul3A_607 : vector<16xf32>
        %select_n3A_614 = arith.select %eq3A_610, %sub3A_613, %mul3A_607 : vector<16xi1>, vector<16xf32>
        %mul3A_615 = arith.constant 2.560000e+02 : f32
        %mul3A_616 = vector.broadcast %mul3A_615 : f32 to vector<16xf32>
        %mul3A_617 = arith.mulf %select_n3A_614, %mul3A_616 : vector<16xf32>
        %add3A_618 = arith.constant 4.608000e+03 : f32
        %add3A_619 = vector.broadcast %add3A_618 : f32 to vector<16xf32>
        %add3A_620 = arith.addf %mul3A_617, %add3A_619 : vector<16xf32>
        %convert_element_type3A_621 = arith.fptosi %add3A_620 : vector<16xf32> to vector<16xi32>
        %min3A_622 = arith.constant 5119 : i32
        %min3A_623 = vector.broadcast %min3A_622 : i32 to vector<16xi32>
        %min3A_624 = arith.minsi %convert_element_type3A_621, %min3A_623 : vector<16xi32>
        tpu.vector_store_idx %arg7[%min3A_624], %broadcast_in_dim3A_35 {add = true} : memref<9728xf32, #tpu.memory_space<vmem>>[vector<16xi32>], vector<16xf32>,
        %mul3A_625 = arith.mulf %exp3A_364, %div3A_441 : vector<16xf32>
        %eq3A_626 = arith.constant 10 : i32
        %eq3A_627 = vector.broadcast %eq3A_626 : i32 to vector<16xi32>
        %eq3A_628 = arith.cmpi eq, %get3A_445, %eq3A_627 : vector<16xi32>
        %sub3A_629 = arith.constant 2.000000e+00 : f32
        %sub3A_630 = vector.broadcast %sub3A_629 : f32 to vector<16xf32>
        %sub3A_631 = arith.subf %sub3A_630, %mul3A_625 : vector<16xf32>
        %select_n3A_632 = arith.select %eq3A_628, %sub3A_631, %mul3A_625 : vector<16xi1>, vector<16xf32>
        %mul3A_633 = arith.constant 2.560000e+02 : f32
        %mul3A_634 = vector.broadcast %mul3A_633 : f32 to vector<16xf32>
        %mul3A_635 = arith.mulf %select_n3A_632, %mul3A_634 : vector<16xf32>
        %add3A_636 = arith.constant 5.120000e+03 : f32
        %add3A_637 = vector.broadcast %add3A_636 : f32 to vector<16xf32>
        %add3A_638 = arith.addf %mul3A_635, %add3A_637 : vector<16xf32>
        %convert_element_type3A_639 = arith.fptosi %add3A_638 : vector<16xf32> to vector<16xi32>
        %min3A_640 = arith.constant 5631 : i32
        %min3A_641 = vector.broadcast %min3A_640 : i32 to vector<16xi32>
        %min3A_642 = arith.minsi %convert_element_type3A_639, %min3A_641 : vector<16xi32>
        tpu.vector_store_idx %arg7[%min3A_642], %broadcast_in_dim3A_35 {add = true} : memref<9728xf32, #tpu.memory_space<vmem>>[vector<16xi32>], vector<16xf32>,
        %mul3A_643 = arith.mulf %exp3A_371, %div3A_441 : vector<16xf32>
        %eq3A_644 = arith.constant 11 : i32
        %eq3A_645 = vector.broadcast %eq3A_644 : i32 to vector<16xi32>
        %eq3A_646 = arith.cmpi eq, %get3A_445, %eq3A_645 : vector<16xi32>
        %sub3A_647 = arith.constant 2.000000e+00 : f32
        %sub3A_648 = vector.broadcast %sub3A_647 : f32 to vector<16xf32>
        %sub3A_649 = arith.subf %sub3A_648, %mul3A_643 : vector<16xf32>
        %select_n3A_650 = arith.select %eq3A_646, %sub3A_649, %mul3A_643 : vector<16xi1>, vector<16xf32>
        %mul3A_651 = arith.constant 2.560000e+02 : f32
        %mul3A_652 = vector.broadcast %mul3A_651 : f32 to vector<16xf32>
        %mul3A_653 = arith.mulf %select_n3A_650, %mul3A_652 : vector<16xf32>
        %add3A_654 = arith.constant 5.632000e+03 : f32
        %add3A_655 = vector.broadcast %add3A_654 : f32 to vector<16xf32>
        %add3A_656 = arith.addf %mul3A_653, %add3A_655 : vector<16xf32>
        %convert_element_type3A_657 = arith.fptosi %add3A_656 : vector<16xf32> to vector<16xi32>
        %min3A_658 = arith.constant 6143 : i32
        %min3A_659 = vector.broadcast %min3A_658 : i32 to vector<16xi32>
        %min3A_660 = arith.minsi %convert_element_type3A_657, %min3A_659 : vector<16xi32>
        tpu.vector_store_idx %arg7[%min3A_660], %broadcast_in_dim3A_35 {add = true} : memref<9728xf32, #tpu.memory_space<vmem>>[vector<16xi32>], vector<16xf32>,
        %mul3A_661 = arith.mulf %exp3A_378, %div3A_441 : vector<16xf32>
        %eq3A_662 = arith.constant 12 : i32
        %eq3A_663 = vector.broadcast %eq3A_662 : i32 to vector<16xi32>
        %eq3A_664 = arith.cmpi eq, %get3A_445, %eq3A_663 : vector<16xi32>
        %sub3A_665 = arith.constant 2.000000e+00 : f32
        %sub3A_666 = vector.broadcast %sub3A_665 : f32 to vector<16xf32>
        %sub3A_667 = arith.subf %sub3A_666, %mul3A_661 : vector<16xf32>
        %select_n3A_668 = arith.select %eq3A_664, %sub3A_667, %mul3A_661 : vector<16xi1>, vector<16xf32>
        %mul3A_669 = arith.constant 2.560000e+02 : f32
        %mul3A_670 = vector.broadcast %mul3A_669 : f32 to vector<16xf32>
        %mul3A_671 = arith.mulf %select_n3A_668, %mul3A_670 : vector<16xf32>
        %add3A_672 = arith.constant 6.144000e+03 : f32
        %add3A_673 = vector.broadcast %add3A_672 : f32 to vector<16xf32>
        %add3A_674 = arith.addf %mul3A_671, %add3A_673 : vector<16xf32>
        %convert_element_type3A_675 = arith.fptosi %add3A_674 : vector<16xf32> to vector<16xi32>
        %min3A_676 = arith.constant 6655 : i32
        %min3A_677 = vector.broadcast %min3A_676 : i32 to vector<16xi32>
        %min3A_678 = arith.minsi %convert_element_type3A_675, %min3A_677 : vector<16xi32>
        tpu.vector_store_idx %arg7[%min3A_678], %broadcast_in_dim3A_35 {add = true} : memref<9728xf32, #tpu.memory_space<vmem>>[vector<16xi32>], vector<16xf32>,
        %mul3A_679 = arith.mulf %exp3A_385, %div3A_441 : vector<16xf32>
        %eq3A_680 = arith.constant 13 : i32
        %eq3A_681 = vector.broadcast %eq3A_680 : i32 to vector<16xi32>
        %eq3A_682 = arith.cmpi eq, %get3A_445, %eq3A_681 : vector<16xi32>
        %sub3A_683 = arith.constant 2.000000e+00 : f32
        %sub3A_684 = vector.broadcast %sub3A_683 : f32 to vector<16xf32>
        %sub3A_685 = arith.subf %sub3A_684, %mul3A_679 : vector<16xf32>
        %select_n3A_686 = arith.select %eq3A_682, %sub3A_685, %mul3A_679 : vector<16xi1>, vector<16xf32>
        %mul3A_687 = arith.constant 2.560000e+02 : f32
        %mul3A_688 = vector.broadcast %mul3A_687 : f32 to vector<16xf32>
        %mul3A_689 = arith.mulf %select_n3A_686, %mul3A_688 : vector<16xf32>
        %add3A_690 = arith.constant 6.656000e+03 : f32
        %add3A_691 = vector.broadcast %add3A_690 : f32 to vector<16xf32>
        %add3A_692 = arith.addf %mul3A_689, %add3A_691 : vector<16xf32>
        %convert_element_type3A_693 = arith.fptosi %add3A_692 : vector<16xf32> to vector<16xi32>
        %min3A_694 = arith.constant 7167 : i32
        %min3A_695 = vector.broadcast %min3A_694 : i32 to vector<16xi32>
        %min3A_696 = arith.minsi %convert_element_type3A_693, %min3A_695 : vector<16xi32>
        tpu.vector_store_idx %arg7[%min3A_696], %broadcast_in_dim3A_35 {add = true} : memref<9728xf32, #tpu.memory_space<vmem>>[vector<16xi32>], vector<16xf32>,
        %mul3A_697 = arith.mulf %exp3A_392, %div3A_441 : vector<16xf32>
        %eq3A_698 = arith.constant 14 : i32
        %eq3A_699 = vector.broadcast %eq3A_698 : i32 to vector<16xi32>
        %eq3A_700 = arith.cmpi eq, %get3A_445, %eq3A_699 : vector<16xi32>
        %sub3A_701 = arith.constant 2.000000e+00 : f32
        %sub3A_702 = vector.broadcast %sub3A_701 : f32 to vector<16xf32>
        %sub3A_703 = arith.subf %sub3A_702, %mul3A_697 : vector<16xf32>
        %select_n3A_704 = arith.select %eq3A_700, %sub3A_703, %mul3A_697 : vector<16xi1>, vector<16xf32>
        %mul3A_705 = arith.constant 2.560000e+02 : f32
        %mul3A_706 = vector.broadcast %mul3A_705 : f32 to vector<16xf32>
        %mul3A_707 = arith.mulf %select_n3A_704, %mul3A_706 : vector<16xf32>
        %add3A_708 = arith.constant 7.168000e+03 : f32
        %add3A_709 = vector.broadcast %add3A_708 : f32 to vector<16xf32>
        %add3A_710 = arith.addf %mul3A_707, %add3A_709 : vector<16xf32>
        %convert_element_type3A_711 = arith.fptosi %add3A_710 : vector<16xf32> to vector<16xi32>
        %min3A_712 = arith.constant 7679 : i32
        %min3A_713 = vector.broadcast %min3A_712 : i32 to vector<16xi32>
        %min3A_714 = arith.minsi %convert_element_type3A_711, %min3A_713 : vector<16xi32>
        tpu.vector_store_idx %arg7[%min3A_714], %broadcast_in_dim3A_35 {add = true} : memref<9728xf32, #tpu.memory_space<vmem>>[vector<16xi32>], vector<16xf32>,
        %mul3A_715 = arith.mulf %exp3A_399, %div3A_441 : vector<16xf32>
        %eq3A_716 = arith.constant 15 : i32
        %eq3A_717 = vector.broadcast %eq3A_716 : i32 to vector<16xi32>
        %eq3A_718 = arith.cmpi eq, %get3A_445, %eq3A_717 : vector<16xi32>
        %sub3A_719 = arith.constant 2.000000e+00 : f32
        %sub3A_720 = vector.broadcast %sub3A_719 : f32 to vector<16xf32>
        %sub3A_721 = arith.subf %sub3A_720, %mul3A_715 : vector<16xf32>
        %select_n3A_722 = arith.select %eq3A_718, %sub3A_721, %mul3A_715 : vector<16xi1>, vector<16xf32>
        %mul3A_723 = arith.constant 2.560000e+02 : f32
        %mul3A_724 = vector.broadcast %mul3A_723 : f32 to vector<16xf32>
        %mul3A_725 = arith.mulf %select_n3A_722, %mul3A_724 : vector<16xf32>
        %add3A_726 = arith.constant 7.680000e+03 : f32
        %add3A_727 = vector.broadcast %add3A_726 : f32 to vector<16xf32>
        %add3A_728 = arith.addf %mul3A_725, %add3A_727 : vector<16xf32>
        %convert_element_type3A_729 = arith.fptosi %add3A_728 : vector<16xf32> to vector<16xi32>
        %min3A_730 = arith.constant 8191 : i32
        %min3A_731 = vector.broadcast %min3A_730 : i32 to vector<16xi32>
        %min3A_732 = arith.minsi %convert_element_type3A_729, %min3A_731 : vector<16xi32>
        tpu.vector_store_idx %arg7[%min3A_732], %broadcast_in_dim3A_35 {add = true} : memref<9728xf32, #tpu.memory_space<vmem>>[vector<16xi32>], vector<16xf32>,
        %mul3A_733 = arith.mulf %exp3A_406, %div3A_441 : vector<16xf32>
        %eq3A_734 = arith.constant 16 : i32
        %eq3A_735 = vector.broadcast %eq3A_734 : i32 to vector<16xi32>
        %eq3A_736 = arith.cmpi eq, %get3A_445, %eq3A_735 : vector<16xi32>
        %sub3A_737 = arith.constant 2.000000e+00 : f32
        %sub3A_738 = vector.broadcast %sub3A_737 : f32 to vector<16xf32>
        %sub3A_739 = arith.subf %sub3A_738, %mul3A_733 : vector<16xf32>
        %select_n3A_740 = arith.select %eq3A_736, %sub3A_739, %mul3A_733 : vector<16xi1>, vector<16xf32>
        %mul3A_741 = arith.constant 2.560000e+02 : f32
        %mul3A_742 = vector.broadcast %mul3A_741 : f32 to vector<16xf32>
        %mul3A_743 = arith.mulf %select_n3A_740, %mul3A_742 : vector<16xf32>
        %add3A_744 = arith.constant 8.192000e+03 : f32
        %add3A_745 = vector.broadcast %add3A_744 : f32 to vector<16xf32>
        %add3A_746 = arith.addf %mul3A_743, %add3A_745 : vector<16xf32>
        %convert_element_type3A_747 = arith.fptosi %add3A_746 : vector<16xf32> to vector<16xi32>
        %min3A_748 = arith.constant 8703 : i32
        %min3A_749 = vector.broadcast %min3A_748 : i32 to vector<16xi32>
        %min3A_750 = arith.minsi %convert_element_type3A_747, %min3A_749 : vector<16xi32>
        tpu.vector_store_idx %arg7[%min3A_750], %broadcast_in_dim3A_35 {add = true} : memref<9728xf32, #tpu.memory_space<vmem>>[vector<16xi32>], vector<16xf32>,
        %mul3A_751 = arith.mulf %exp3A_413, %div3A_441 : vector<16xf32>
        %eq3A_752 = arith.constant 17 : i32
        %eq3A_753 = vector.broadcast %eq3A_752 : i32 to vector<16xi32>
        %eq3A_754 = arith.cmpi eq, %get3A_445, %eq3A_753 : vector<16xi32>
        %sub3A_755 = arith.constant 2.000000e+00 : f32
        %sub3A_756 = vector.broadcast %sub3A_755 : f32 to vector<16xf32>
        %sub3A_757 = arith.subf %sub3A_756, %mul3A_751 : vector<16xf32>
        %select_n3A_758 = arith.select %eq3A_754, %sub3A_757, %mul3A_751 : vector<16xi1>, vector<16xf32>
        %mul3A_759 = arith.constant 2.560000e+02 : f32
        %mul3A_760 = vector.broadcast %mul3A_759 : f32 to vector<16xf32>
        %mul3A_761 = arith.mulf %select_n3A_758, %mul3A_760 : vector<16xf32>
        %add3A_762 = arith.constant 8.704000e+03 : f32
        %add3A_763 = vector.broadcast %add3A_762 : f32 to vector<16xf32>
        %add3A_764 = arith.addf %mul3A_761, %add3A_763 : vector<16xf32>
        %convert_element_type3A_765 = arith.fptosi %add3A_764 : vector<16xf32> to vector<16xi32>
        %min3A_766 = arith.constant 9215 : i32
        %min3A_767 = vector.broadcast %min3A_766 : i32 to vector<16xi32>
        %min3A_768 = arith.minsi %convert_element_type3A_765, %min3A_767 : vector<16xi32>
        tpu.vector_store_idx %arg7[%min3A_768], %broadcast_in_dim3A_35 {add = true} : memref<9728xf32, #tpu.memory_space<vmem>>[vector<16xi32>], vector<16xf32>,
        %mul3A_769 = arith.mulf %exp3A_420, %div3A_441 : vector<16xf32>
        %eq3A_770 = arith.constant 18 : i32
        %eq3A_771 = vector.broadcast %eq3A_770 : i32 to vector<16xi32>
        %eq3A_772 = arith.cmpi eq, %get3A_445, %eq3A_771 : vector<16xi32>
        %sub3A_773 = arith.constant 2.000000e+00 : f32
        %sub3A_774 = vector.broadcast %sub3A_773 : f32 to vector<16xf32>
        %sub3A_775 = arith.subf %sub3A_774, %mul3A_769 : vector<16xf32>
        %select_n3A_776 = arith.select %eq3A_772, %sub3A_775, %mul3A_769 : vector<16xi1>, vector<16xf32>
        %mul3A_777 = arith.constant 2.560000e+02 : f32
        %mul3A_778 = vector.broadcast %mul3A_777 : f32 to vector<16xf32>
        %mul3A_779 = arith.mulf %select_n3A_776, %mul3A_778 : vector<16xf32>
        %add3A_780 = arith.constant 9.216000e+03 : f32
        %add3A_781 = vector.broadcast %add3A_780 : f32 to vector<16xf32>
        %add3A_782 = arith.addf %mul3A_779, %add3A_781 : vector<16xf32>
        %convert_element_type3A_783 = arith.fptosi %add3A_782 : vector<16xf32> to vector<16xi32>
        %min3A_784 = arith.constant 9727 : i32
        %min3A_785 = vector.broadcast %min3A_784 : i32 to vector<16xi32>
        %min3A_786 = arith.minsi %convert_element_type3A_783, %min3A_785 : vector<16xi32>
        tpu.vector_store_idx %arg7[%min3A_786], %broadcast_in_dim3A_35 {add = true} : memref<9728xf32, #tpu.memory_space<vmem>>[vector<16xi32>], vector<16xf32>,
        %mul3A_787 = arith.constant 32 : i32
        %mul3A_788 = arith.muli %scan3A_286, %mul3A_787 : i32
        %add3A_789 = arith.constant 16 : i32
        %add3A_790 = arith.addi %mul3A_788, %add3A_789 : i32
        %get3A_791 = arith.constant 1 : i32
        %get3A_792 = arith.constant 0 : i32
        %get3A_793 = arith.index_cast %get3A_791 : i32 to index
        %get3A_794 = arith.index_cast %get3A_792 : i32 to index
        %get3A_795 = arith.index_cast %add3A_790 : i32 to index
        %get3A_796 = tpu.vector_load %arg5[%get3A_793, %get3A_794, %get3A_795] {strides = array<i32>} : memref<4x19x1024xf32, #tpu.memory_space<vmem>>, vector<16xf32>,
        %exp3A_797 = math.exp %get3A_796 : vector<16xf32>
        %get3A_798 = arith.constant 1 : i32
        %get3A_799 = arith.constant 1 : i32
        %get3A_800 = arith.index_cast %get3A_798 : i32 to index
        %get3A_801 = arith.index_cast %get3A_799 : i32 to index
        %get3A_802 = arith.index_cast %add3A_790 : i32 to index
        %get3A_803 = tpu.vector_load %arg5[%get3A_800, %get3A_801, %get3A_802] {strides = array<i32>} : memref<4x19x1024xf32, #tpu.memory_space<vmem>>, vector<16xf32>,
        %exp3A_804 = math.exp %get3A_803 : vector<16xf32>
        %get3A_805 = arith.constant 1 : i32
        %get3A_806 = arith.constant 2 : i32
        %get3A_807 = arith.index_cast %get3A_805 : i32 to index
        %get3A_808 = arith.index_cast %get3A_806 : i32 to index
        %get3A_809 = arith.index_cast %add3A_790 : i32 to index
        %get3A_810 = tpu.vector_load %arg5[%get3A_807, %get3A_808, %get3A_809] {strides = array<i32>} : memref<4x19x1024xf32, #tpu.memory_space<vmem>>, vector<16xf32>,
        %exp3A_811 = math.exp %get3A_810 : vector<16xf32>
        %get3A_812 = arith.constant 1 : i32
        %get3A_813 = arith.constant 3 : i32
        %get3A_814 = arith.index_cast %get3A_812 : i32 to index
        %get3A_815 = arith.index_cast %get3A_813 : i32 to index
        %get3A_816 = arith.index_cast %add3A_790 : i32 to index
        %get3A_817 = tpu.vector_load %arg5[%get3A_814, %get3A_815, %get3A_816] {strides = array<i32>} : memref<4x19x1024xf32, #tpu.memory_space<vmem>>, vector<16xf32>,
        %exp3A_818 = math.exp %get3A_817 : vector<16xf32>
        %get3A_819 = arith.constant 1 : i32
        %get3A_820 = arith.constant 4 : i32
        %get3A_821 = arith.index_cast %get3A_819 : i32 to index
        %get3A_822 = arith.index_cast %get3A_820 : i32 to index
        %get3A_823 = arith.index_cast %add3A_790 : i32 to index
        %get3A_824 = tpu.vector_load %arg5[%get3A_821, %get3A_822, %get3A_823] {strides = array<i32>} : memref<4x19x1024xf32, #tpu.memory_space<vmem>>, vector<16xf32>,
        %exp3A_825 = math.exp %get3A_824 : vector<16xf32>
        %get3A_826 = arith.constant 1 : i32
        %get3A_827 = arith.constant 5 : i32
        %get3A_828 = arith.index_cast %get3A_826 : i32 to index
        %get3A_829 = arith.index_cast %get3A_827 : i32 to index
        %get3A_830 = arith.index_cast %add3A_790 : i32 to index
        %get3A_831 = tpu.vector_load %arg5[%get3A_828, %get3A_829, %get3A_830] {strides = array<i32>} : memref<4x19x1024xf32, #tpu.memory_space<vmem>>, vector<16xf32>,
        %exp3A_832 = math.exp %get3A_831 : vector<16xf32>
        %get3A_833 = arith.constant 1 : i32
        %get3A_834 = arith.constant 6 : i32
        %get3A_835 = arith.index_cast %get3A_833 : i32 to index
        %get3A_836 = arith.index_cast %get3A_834 : i32 to index
        %get3A_837 = arith.index_cast %add3A_790 : i32 to index
        %get3A_838 = tpu.vector_load %arg5[%get3A_835, %get3A_836, %get3A_837] {strides = array<i32>} : memref<4x19x1024xf32, #tpu.memory_space<vmem>>, vector<16xf32>,
        %exp3A_839 = math.exp %get3A_838 : vector<16xf32>
        %get3A_840 = arith.constant 1 : i32
        %get3A_841 = arith.constant 7 : i32
        %get3A_842 = arith.index_cast %get3A_840 : i32 to index
        %get3A_843 = arith.index_cast %get3A_841 : i32 to index
        %get3A_844 = arith.index_cast %add3A_790 : i32 to index
        %get3A_845 = tpu.vector_load %arg5[%get3A_842, %get3A_843, %get3A_844] {strides = array<i32>} : memref<4x19x1024xf32, #tpu.memory_space<vmem>>, vector<16xf32>,
        %exp3A_846 = math.exp %get3A_845 : vector<16xf32>
        %get3A_847 = arith.constant 1 : i32
        %get3A_848 = arith.constant 8 : i32
        %get3A_849 = arith.index_cast %get3A_847 : i32 to index
        %get3A_850 = arith.index_cast %get3A_848 : i32 to index
        %get3A_851 = arith.index_cast %add3A_790 : i32 to index
        %get3A_852 = tpu.vector_load %arg5[%get3A_849, %get3A_850, %get3A_851] {strides = array<i32>} : memref<4x19x1024xf32, #tpu.memory_space<vmem>>, vector<16xf32>,
        %exp3A_853 = math.exp %get3A_852 : vector<16xf32>
        %get3A_854 = arith.constant 1 : i32
        %get3A_855 = arith.constant 9 : i32
        %get3A_856 = arith.index_cast %get3A_854 : i32 to index
        %get3A_857 = arith.index_cast %get3A_855 : i32 to index
        %get3A_858 = arith.index_cast %add3A_790 : i32 to index
        %get3A_859 = tpu.vector_load %arg5[%get3A_856, %get3A_857, %get3A_858] {strides = array<i32>} : memref<4x19x1024xf32, #tpu.memory_space<vmem>>, vector<16xf32>,
        %exp3A_860 = math.exp %get3A_859 : vector<16xf32>
        %get3A_861 = arith.constant 1 : i32
        %get3A_862 = arith.constant 10 : i32
        %get3A_863 = arith.index_cast %get3A_861 : i32 to index
        %get3A_864 = arith.index_cast %get3A_862 : i32 to index
        %get3A_865 = arith.index_cast %add3A_790 : i32 to index
        %get3A_866 = tpu.vector_load %arg5[%get3A_863, %get3A_864, %get3A_865] {strides = array<i32>} : memref<4x19x1024xf32, #tpu.memory_space<vmem>>, vector<16xf32>,
        %exp3A_867 = math.exp %get3A_866 : vector<16xf32>
        %get3A_868 = arith.constant 1 : i32
        %get3A_869 = arith.constant 11 : i32
        %get3A_870 = arith.index_cast %get3A_868 : i32 to index
        %get3A_871 = arith.index_cast %get3A_869 : i32 to index
        %get3A_872 = arith.index_cast %add3A_790 : i32 to index
        %get3A_873 = tpu.vector_load %arg5[%get3A_870, %get3A_871, %get3A_872] {strides = array<i32>} : memref<4x19x1024xf32, #tpu.memory_space<vmem>>, vector<16xf32>,
        %exp3A_874 = math.exp %get3A_873 : vector<16xf32>
        %get3A_875 = arith.constant 1 : i32
        %get3A_876 = arith.constant 12 : i32
        %get3A_877 = arith.index_cast %get3A_875 : i32 to index
        %get3A_878 = arith.index_cast %get3A_876 : i32 to index
        %get3A_879 = arith.index_cast %add3A_790 : i32 to index
        %get3A_880 = tpu.vector_load %arg5[%get3A_877, %get3A_878, %get3A_879] {strides = array<i32>} : memref<4x19x1024xf32, #tpu.memory_space<vmem>>, vector<16xf32>,
        %exp3A_881 = math.exp %get3A_880 : vector<16xf32>
        %get3A_882 = arith.constant 1 : i32
        %get3A_883 = arith.constant 13 : i32
        %get3A_884 = arith.index_cast %get3A_882 : i32 to index
        %get3A_885 = arith.index_cast %get3A_883 : i32 to index
        %get3A_886 = arith.index_cast %add3A_790 : i32 to index
        %get3A_887 = tpu.vector_load %arg5[%get3A_884, %get3A_885, %get3A_886] {strides = array<i32>} : memref<4x19x1024xf32, #tpu.memory_space<vmem>>, vector<16xf32>,
        %exp3A_888 = math.exp %get3A_887 : vector<16xf32>
        %get3A_889 = arith.constant 1 : i32
        %get3A_890 = arith.constant 14 : i32
        %get3A_891 = arith.index_cast %get3A_889 : i32 to index
        %get3A_892 = arith.index_cast %get3A_890 : i32 to index
        %get3A_893 = arith.index_cast %add3A_790 : i32 to index
        %get3A_894 = tpu.vector_load %arg5[%get3A_891, %get3A_892, %get3A_893] {strides = array<i32>} : memref<4x19x1024xf32, #tpu.memory_space<vmem>>, vector<16xf32>,
        %exp3A_895 = math.exp %get3A_894 : vector<16xf32>
        %get3A_896 = arith.constant 1 : i32
        %get3A_897 = arith.constant 15 : i32
        %get3A_898 = arith.index_cast %get3A_896 : i32 to index
        %get3A_899 = arith.index_cast %get3A_897 : i32 to index
        %get3A_900 = arith.index_cast %add3A_790 : i32 to index
        %get3A_901 = tpu.vector_load %arg5[%get3A_898, %get3A_899, %get3A_900] {strides = array<i32>} : memref<4x19x1024xf32, #tpu.memory_space<vmem>>, vector<16xf32>,
        %exp3A_902 = math.exp %get3A_901 : vector<16xf32>
        %get3A_903 = arith.constant 1 : i32
        %get3A_904 = arith.constant 16 : i32
        %get3A_905 = arith.index_cast %get3A_903 : i32 to index
        %get3A_906 = arith.index_cast %get3A_904 : i32 to index
        %get3A_907 = arith.index_cast %add3A_790 : i32 to index
        %get3A_908 = tpu.vector_load %arg5[%get3A_905, %get3A_906, %get3A_907] {strides = array<i32>} : memref<4x19x1024xf32, #tpu.memory_space<vmem>>, vector<16xf32>,
        %exp3A_909 = math.exp %get3A_908 : vector<16xf32>
        %get3A_910 = arith.constant 1 : i32
        %get3A_911 = arith.constant 17 : i32
        %get3A_912 = arith.index_cast %get3A_910 : i32 to index
        %get3A_913 = arith.index_cast %get3A_911 : i32 to index
        %get3A_914 = arith.index_cast %add3A_790 : i32 to index
        %get3A_915 = tpu.vector_load %arg5[%get3A_912, %get3A_913, %get3A_914] {strides = array<i32>} : memref<4x19x1024xf32, #tpu.memory_space<vmem>>, vector<16xf32>,
        %exp3A_916 = math.exp %get3A_915 : vector<16xf32>
        %get3A_917 = arith.constant 1 : i32
        %get3A_918 = arith.constant 18 : i32
        %get3A_919 = arith.index_cast %get3A_917 : i32 to index
        %get3A_920 = arith.index_cast %get3A_918 : i32 to index
        %get3A_921 = arith.index_cast %add3A_790 : i32 to index
        %get3A_922 = tpu.vector_load %arg5[%get3A_919, %get3A_920, %get3A_921] {strides = array<i32>} : memref<4x19x1024xf32, #tpu.memory_space<vmem>>, vector<16xf32>,
        %exp3A_923 = math.exp %get3A_922 : vector<16xf32>
        %add3A_924 = arith.addf %exp3A_797, %exp3A_804 : vector<16xf32>
        %add3A_925 = arith.addf %exp3A_811, %exp3A_818 : vector<16xf32>
        %add3A_926 = arith.addf %exp3A_825, %exp3A_832 : vector<16xf32>
        %add3A_927 = arith.addf %exp3A_839, %exp3A_846 : vector<16xf32>
        %add3A_928 = arith.addf %exp3A_853, %exp3A_860 : vector<16xf32>
        %add3A_929 = arith.addf %exp3A_867, %exp3A_874 : vector<16xf32>
        %add3A_930 = arith.addf %exp3A_881, %exp3A_888 : vector<16xf32>
        %add3A_931 = arith.addf %exp3A_895, %exp3A_902 : vector<16xf32>
        %add3A_932 = arith.addf %exp3A_909, %exp3A_916 : vector<16xf32>
        %add3A_933 = arith.addf %add3A_924, %add3A_925 : vector<16xf32>
        %add3A_934 = arith.addf %add3A_926, %add3A_927 : vector<16xf32>
        %add3A_935 = arith.addf %add3A_928, %add3A_929 : vector<16xf32>
        %add3A_936 = arith.addf %add3A_930, %add3A_931 : vector<16xf32>
        %add3A_937 = arith.addf %add3A_932, %exp3A_923 : vector<16xf32>
        %add3A_938 = arith.addf %add3A_933, %add3A_934 : vector<16xf32>
        %add3A_939 = arith.addf %add3A_935, %add3A_936 : vector<16xf32>
        %add3A_940 = arith.addf %add3A_938, %add3A_939 : vector<16xf32>
        %add3A_941 = arith.addf %add3A_940, %add3A_937 : vector<16xf32>
        %div3A_942 = arith.constant 1.000000e+00 : f32
        %div3A_943 = vector.broadcast %div3A_942 : f32 to vector<16xf32>
        %div3A_944 = arith.divf %div3A_943, %add3A_941 : vector<16xf32>
        %get3A_945 = arith.constant 1 : i32
        %get3A_946 = arith.index_cast %get3A_945 : i32 to index
        %get3A_947 = arith.index_cast %add3A_790 : i32 to index
        %get3A_948 = tpu.vector_load %arg6[%get3A_946, %get3A_947] {strides = array<i32>} : memref<4x1024xi32, #tpu.memory_space<vmem>>, vector<16xi32>,
        %mul3A_949 = arith.mulf %exp3A_797, %div3A_944 : vector<16xf32>
        %eq3A_950 = arith.constant 0 : i32
        %eq3A_951 = vector.broadcast %eq3A_950 : i32 to vector<16xi32>
        %eq3A_952 = arith.cmpi eq, %get3A_948, %eq3A_951 : vector<16xi32>
        %sub3A_953 = arith.constant 2.000000e+00 : f32
        %sub3A_954 = vector.broadcast %sub3A_953 : f32 to vector<16xf32>
        %sub3A_955 = arith.subf %sub3A_954, %mul3A_949 : vector<16xf32>
        %select_n3A_956 = arith.select %eq3A_952, %sub3A_955, %mul3A_949 : vector<16xi1>, vector<16xf32>
        %mul3A_957 = arith.constant 2.560000e+02 : f32
        %mul3A_958 = vector.broadcast %mul3A_957 : f32 to vector<16xf32>
        %mul3A_959 = arith.mulf %select_n3A_956, %mul3A_958 : vector<16xf32>
        %add3A_960 = arith.constant 0.000000e+00 : f32
        %add3A_961 = vector.broadcast %add3A_960 : f32 to vector<16xf32>
        %add3A_962 = arith.addf %mul3A_959, %add3A_961 : vector<16xf32>
        %convert_element_type3A_963 = arith.fptosi %add3A_962 : vector<16xf32> to vector<16xi32>
        %min3A_964 = arith.constant 511 : i32
        %min3A_965 = vector.broadcast %min3A_964 : i32 to vector<16xi32>
        %min3A_966 = arith.minsi %convert_element_type3A_963, %min3A_965 : vector<16xi32>
        tpu.vector_store_idx %arg7[%min3A_966], %broadcast_in_dim3A_35 {add = true} : memref<9728xf32, #tpu.memory_space<vmem>>[vector<16xi32>], vector<16xf32>,
        %mul3A_967 = arith.mulf %exp3A_804, %div3A_944 : vector<16xf32>
        %eq3A_968 = arith.constant 1 : i32
        %eq3A_969 = vector.broadcast %eq3A_968 : i32 to vector<16xi32>
        %eq3A_970 = arith.cmpi eq, %get3A_948, %eq3A_969 : vector<16xi32>
        %sub3A_971 = arith.constant 2.000000e+00 : f32
        %sub3A_972 = vector.broadcast %sub3A_971 : f32 to vector<16xf32>
        %sub3A_973 = arith.subf %sub3A_972, %mul3A_967 : vector<16xf32>
        %select_n3A_974 = arith.select %eq3A_970, %sub3A_973, %mul3A_967 : vector<16xi1>, vector<16xf32>
        %mul3A_975 = arith.constant 2.560000e+02 : f32
        %mul3A_976 = vector.broadcast %mul3A_975 : f32 to vector<16xf32>
        %mul3A_977 = arith.mulf %select_n3A_974, %mul3A_976 : vector<16xf32>
        %add3A_978 = arith.constant 5.120000e+02 : f32
        %add3A_979 = vector.broadcast %add3A_978 : f32 to vector<16xf32>
        %add3A_980 = arith.addf %mul3A_977, %add3A_979 : vector<16xf32>
        %convert_element_type3A_981 = arith.fptosi %add3A_980 : vector<16xf32> to vector<16xi32>
        %min3A_982 = arith.constant 1023 : i32
        %min3A_983 = vector.broadcast %min3A_982 : i32 to vector<16xi32>
        %min3A_984 = arith.minsi %convert_element_type3A_981, %min3A_983 : vector<16xi32>
        tpu.vector_store_idx %arg7[%min3A_984], %broadcast_in_dim3A_35 {add = true} : memref<9728xf32, #tpu.memory_space<vmem>>[vector<16xi32>], vector<16xf32>,
        %mul3A_985 = arith.mulf %exp3A_811, %div3A_944 : vector<16xf32>
        %eq3A_986 = arith.constant 2 : i32
        %eq3A_987 = vector.broadcast %eq3A_986 : i32 to vector<16xi32>
        %eq3A_988 = arith.cmpi eq, %get3A_948, %eq3A_987 : vector<16xi32>
        %sub3A_989 = arith.constant 2.000000e+00 : f32
        %sub3A_990 = vector.broadcast %sub3A_989 : f32 to vector<16xf32>
        %sub3A_991 = arith.subf %sub3A_990, %mul3A_985 : vector<16xf32>
        %select_n3A_992 = arith.select %eq3A_988, %sub3A_991, %mul3A_985 : vector<16xi1>, vector<16xf32>
        %mul3A_993 = arith.constant 2.560000e+02 : f32
        %mul3A_994 = vector.broadcast %mul3A_993 : f32 to vector<16xf32>
        %mul3A_995 = arith.mulf %select_n3A_992, %mul3A_994 : vector<16xf32>
        %add3A_996 = arith.constant 1.024000e+03 : f32
        %add3A_997 = vector.broadcast %add3A_996 : f32 to vector<16xf32>
        %add3A_998 = arith.addf %mul3A_995, %add3A_997 : vector<16xf32>
        %convert_element_type3A_999 = arith.fptosi %add3A_998 : vector<16xf32> to vector<16xi32>
        %min3A_1000 = arith.constant 1535 : i32
        %min3A_1001 = vector.broadcast %min3A_1000 : i32 to vector<16xi32>
        %min3A_1002 = arith.minsi %convert_element_type3A_999, %min3A_1001 : vector<16xi32>
        tpu.vector_store_idx %arg7[%min3A_1002], %broadcast_in_dim3A_35 {add = true} : memref<9728xf32, #tpu.memory_space<vmem>>[vector<16xi32>], vector<16xf32>,
        %mul3A_1003 = arith.mulf %exp3A_818, %div3A_944 : vector<16xf32>
        %eq3A_1004 = arith.constant 3 : i32
        %eq3A_1005 = vector.broadcast %eq3A_1004 : i32 to vector<16xi32>
        %eq3A_1006 = arith.cmpi eq, %get3A_948, %eq3A_1005 : vector<16xi32>
        %sub3A_1007 = arith.constant 2.000000e+00 : f32
        %sub3A_1008 = vector.broadcast %sub3A_1007 : f32 to vector<16xf32>
        %sub3A_1009 = arith.subf %sub3A_1008, %mul3A_1003 : vector<16xf32>
        %select_n3A_1010 = arith.select %eq3A_1006, %sub3A_1009, %mul3A_1003 : vector<16xi1>, vector<16xf32>
        %mul3A_1011 = arith.constant 2.560000e+02 : f32
        %mul3A_1012 = vector.broadcast %mul3A_1011 : f32 to vector<16xf32>
        %mul3A_1013 = arith.mulf %select_n3A_1010, %mul3A_1012 : vector<16xf32>
        %add3A_1014 = arith.constant 1.536000e+03 : f32
        %add3A_1015 = vector.broadcast %add3A_1014 : f32 to vector<16xf32>
        %add3A_1016 = arith.addf %mul3A_1013, %add3A_1015 : vector<16xf32>
        %convert_element_type3A_1017 = arith.fptosi %add3A_1016 : vector<16xf32> to vector<16xi32>
        %min3A_1018 = arith.constant 2047 : i32
        %min3A_1019 = vector.broadcast %min3A_1018 : i32 to vector<16xi32>
        %min3A_1020 = arith.minsi %convert_element_type3A_1017, %min3A_1019 : vector<16xi32>
        tpu.vector_store_idx %arg7[%min3A_1020], %broadcast_in_dim3A_35 {add = true} : memref<9728xf32, #tpu.memory_space<vmem>>[vector<16xi32>], vector<16xf32>,
        %mul3A_1021 = arith.mulf %exp3A_825, %div3A_944 : vector<16xf32>
        %eq3A_1022 = arith.constant 4 : i32
        %eq3A_1023 = vector.broadcast %eq3A_1022 : i32 to vector<16xi32>
        %eq3A_1024 = arith.cmpi eq, %get3A_948, %eq3A_1023 : vector<16xi32>
        %sub3A_1025 = arith.constant 2.000000e+00 : f32
        %sub3A_1026 = vector.broadcast %sub3A_1025 : f32 to vector<16xf32>
        %sub3A_1027 = arith.subf %sub3A_1026, %mul3A_1021 : vector<16xf32>
        %select_n3A_1028 = arith.select %eq3A_1024, %sub3A_1027, %mul3A_1021 : vector<16xi1>, vector<16xf32>
        %mul3A_1029 = arith.constant 2.560000e+02 : f32
        %mul3A_1030 = vector.broadcast %mul3A_1029 : f32 to vector<16xf32>
        %mul3A_1031 = arith.mulf %select_n3A_1028, %mul3A_1030 : vector<16xf32>
        %add3A_1032 = arith.constant 2.048000e+03 : f32
        %add3A_1033 = vector.broadcast %add3A_1032 : f32 to vector<16xf32>
        %add3A_1034 = arith.addf %mul3A_1031, %add3A_1033 : vector<16xf32>
        %convert_element_type3A_1035 = arith.fptosi %add3A_1034 : vector<16xf32> to vector<16xi32>
        %min3A_1036 = arith.constant 2559 : i32
        %min3A_1037 = vector.broadcast %min3A_1036 : i32 to vector<16xi32>
        %min3A_1038 = arith.minsi %convert_element_type3A_1035, %min3A_1037 : vector<16xi32>
        tpu.vector_store_idx %arg7[%min3A_1038], %broadcast_in_dim3A_35 {add = true} : memref<9728xf32, #tpu.memory_space<vmem>>[vector<16xi32>], vector<16xf32>,
        %mul3A_1039 = arith.mulf %exp3A_832, %div3A_944 : vector<16xf32>
        %eq3A_1040 = arith.constant 5 : i32
        %eq3A_1041 = vector.broadcast %eq3A_1040 : i32 to vector<16xi32>
        %eq3A_1042 = arith.cmpi eq, %get3A_948, %eq3A_1041 : vector<16xi32>
        %sub3A_1043 = arith.constant 2.000000e+00 : f32
        %sub3A_1044 = vector.broadcast %sub3A_1043 : f32 to vector<16xf32>
        %sub3A_1045 = arith.subf %sub3A_1044, %mul3A_1039 : vector<16xf32>
        %select_n3A_1046 = arith.select %eq3A_1042, %sub3A_1045, %mul3A_1039 : vector<16xi1>, vector<16xf32>
        %mul3A_1047 = arith.constant 2.560000e+02 : f32
        %mul3A_1048 = vector.broadcast %mul3A_1047 : f32 to vector<16xf32>
        %mul3A_1049 = arith.mulf %select_n3A_1046, %mul3A_1048 : vector<16xf32>
        %add3A_1050 = arith.constant 2.560000e+03 : f32
        %add3A_1051 = vector.broadcast %add3A_1050 : f32 to vector<16xf32>
        %add3A_1052 = arith.addf %mul3A_1049, %add3A_1051 : vector<16xf32>
        %convert_element_type3A_1053 = arith.fptosi %add3A_1052 : vector<16xf32> to vector<16xi32>
        %min3A_1054 = arith.constant 3071 : i32
        %min3A_1055 = vector.broadcast %min3A_1054 : i32 to vector<16xi32>
        %min3A_1056 = arith.minsi %convert_element_type3A_1053, %min3A_1055 : vector<16xi32>
        tpu.vector_store_idx %arg7[%min3A_1056], %broadcast_in_dim3A_35 {add = true} : memref<9728xf32, #tpu.memory_space<vmem>>[vector<16xi32>], vector<16xf32>,
        %mul3A_1057 = arith.mulf %exp3A_839, %div3A_944 : vector<16xf32>
        %eq3A_1058 = arith.constant 6 : i32
        %eq3A_1059 = vector.broadcast %eq3A_1058 : i32 to vector<16xi32>
        %eq3A_1060 = arith.cmpi eq, %get3A_948, %eq3A_1059 : vector<16xi32>
        %sub3A_1061 = arith.constant 2.000000e+00 : f32
        %sub3A_1062 = vector.broadcast %sub3A_1061 : f32 to vector<16xf32>
        %sub3A_1063 = arith.subf %sub3A_1062, %mul3A_1057 : vector<16xf32>
        %select_n3A_1064 = arith.select %eq3A_1060, %sub3A_1063, %mul3A_1057 : vector<16xi1>, vector<16xf32>
        %mul3A_1065 = arith.constant 2.560000e+02 : f32
        %mul3A_1066 = vector.broadcast %mul3A_1065 : f32 to vector<16xf32>
        %mul3A_1067 = arith.mulf %select_n3A_1064, %mul3A_1066 : vector<16xf32>
        %add3A_1068 = arith.constant 3.072000e+03 : f32
        %add3A_1069 = vector.broadcast %add3A_1068 : f32 to vector<16xf32>
        %add3A_1070 = arith.addf %mul3A_1067, %add3A_1069 : vector<16xf32>
        %convert_element_type3A_1071 = arith.fptosi %add3A_1070 : vector<16xf32> to vector<16xi32>
        %min3A_1072 = arith.constant 3583 : i32
        %min3A_1073 = vector.broadcast %min3A_1072 : i32 to vector<16xi32>
        %min3A_1074 = arith.minsi %convert_element_type3A_1071, %min3A_1073 : vector<16xi32>
        tpu.vector_store_idx %arg7[%min3A_1074], %broadcast_in_dim3A_35 {add = true} : memref<9728xf32, #tpu.memory_space<vmem>>[vector<16xi32>], vector<16xf32>,
        %mul3A_1075 = arith.mulf %exp3A_846, %div3A_944 : vector<16xf32>
        %eq3A_1076 = arith.constant 7 : i32
        %eq3A_1077 = vector.broadcast %eq3A_1076 : i32 to vector<16xi32>
        %eq3A_1078 = arith.cmpi eq, %get3A_948, %eq3A_1077 : vector<16xi32>
        %sub3A_1079 = arith.constant 2.000000e+00 : f32
        %sub3A_1080 = vector.broadcast %sub3A_1079 : f32 to vector<16xf32>
        %sub3A_1081 = arith.subf %sub3A_1080, %mul3A_1075 : vector<16xf32>
        %select_n3A_1082 = arith.select %eq3A_1078, %sub3A_1081, %mul3A_1075 : vector<16xi1>, vector<16xf32>
        %mul3A_1083 = arith.constant 2.560000e+02 : f32
        %mul3A_1084 = vector.broadcast %mul3A_1083 : f32 to vector<16xf32>
        %mul3A_1085 = arith.mulf %select_n3A_1082, %mul3A_1084 : vector<16xf32>
        %add3A_1086 = arith.constant 3.584000e+03 : f32
        %add3A_1087 = vector.broadcast %add3A_1086 : f32 to vector<16xf32>
        %add3A_1088 = arith.addf %mul3A_1085, %add3A_1087 : vector<16xf32>
        %convert_element_type3A_1089 = arith.fptosi %add3A_1088 : vector<16xf32> to vector<16xi32>
        %min3A_1090 = arith.constant 4095 : i32
        %min3A_1091 = vector.broadcast %min3A_1090 : i32 to vector<16xi32>
        %min3A_1092 = arith.minsi %convert_element_type3A_1089, %min3A_1091 : vector<16xi32>
        tpu.vector_store_idx %arg7[%min3A_1092], %broadcast_in_dim3A_35 {add = true} : memref<9728xf32, #tpu.memory_space<vmem>>[vector<16xi32>], vector<16xf32>,
        %mul3A_1093 = arith.mulf %exp3A_853, %div3A_944 : vector<16xf32>
        %eq3A_1094 = arith.constant 8 : i32
        %eq3A_1095 = vector.broadcast %eq3A_1094 : i32 to vector<16xi32>
        %eq3A_1096 = arith.cmpi eq, %get3A_948, %eq3A_1095 : vector<16xi32>
        %sub3A_1097 = arith.constant 2.000000e+00 : f32
        %sub3A_1098 = vector.broadcast %sub3A_1097 : f32 to vector<16xf32>
        %sub3A_1099 = arith.subf %sub3A_1098, %mul3A_1093 : vector<16xf32>
        %select_n3A_1100 = arith.select %eq3A_1096, %sub3A_1099, %mul3A_1093 : vector<16xi1>, vector<16xf32>
        %mul3A_1101 = arith.constant 2.560000e+02 : f32
        %mul3A_1102 = vector.broadcast %mul3A_1101 : f32 to vector<16xf32>
        %mul3A_1103 = arith.mulf %select_n3A_1100, %mul3A_1102 : vector<16xf32>
        %add3A_1104 = arith.constant 4.096000e+03 : f32
        %add3A_1105 = vector.broadcast %add3A_1104 : f32 to vector<16xf32>
        %add3A_1106 = arith.addf %mul3A_1103, %add3A_1105 : vector<16xf32>
        %convert_element_type3A_1107 = arith.fptosi %add3A_1106 : vector<16xf32> to vector<16xi32>
        %min3A_1108 = arith.constant 4607 : i32
        %min3A_1109 = vector.broadcast %min3A_1108 : i32 to vector<16xi32>
        %min3A_1110 = arith.minsi %convert_element_type3A_1107, %min3A_1109 : vector<16xi32>
        tpu.vector_store_idx %arg7[%min3A_1110], %broadcast_in_dim3A_35 {add = true} : memref<9728xf32, #tpu.memory_space<vmem>>[vector<16xi32>], vector<16xf32>,
        %mul3A_1111 = arith.mulf %exp3A_860, %div3A_944 : vector<16xf32>
        %eq3A_1112 = arith.constant 9 : i32
        %eq3A_1113 = vector.broadcast %eq3A_1112 : i32 to vector<16xi32>
        %eq3A_1114 = arith.cmpi eq, %get3A_948, %eq3A_1113 : vector<16xi32>
        %sub3A_1115 = arith.constant 2.000000e+00 : f32
        %sub3A_1116 = vector.broadcast %sub3A_1115 : f32 to vector<16xf32>
        %sub3A_1117 = arith.subf %sub3A_1116, %mul3A_1111 : vector<16xf32>
        %select_n3A_1118 = arith.select %eq3A_1114, %sub3A_1117, %mul3A_1111 : vector<16xi1>, vector<16xf32>
        %mul3A_1119 = arith.constant 2.560000e+02 : f32
        %mul3A_1120 = vector.broadcast %mul3A_1119 : f32 to vector<16xf32>
        %mul3A_1121 = arith.mulf %select_n3A_1118, %mul3A_1120 : vector<16xf32>
        %add3A_1122 = arith.constant 4.608000e+03 : f32
        %add3A_1123 = vector.broadcast %add3A_1122 : f32 to vector<16xf32>
        %add3A_1124 = arith.addf %mul3A_1121, %add3A_1123 : vector<16xf32>
        %convert_element_type3A_1125 = arith.fptosi %add3A_1124 : vector<16xf32> to vector<16xi32>
        %min3A_1126 = arith.constant 5119 : i32
        %min3A_1127 = vector.broadcast %min3A_1126 : i32 to vector<16xi32>
        %min3A_1128 = arith.minsi %convert_element_type3A_1125, %min3A_1127 : vector<16xi32>
        tpu.vector_store_idx %arg7[%min3A_1128], %broadcast_in_dim3A_35 {add = true} : memref<9728xf32, #tpu.memory_space<vmem>>[vector<16xi32>], vector<16xf32>,
        %mul3A_1129 = arith.mulf %exp3A_867, %div3A_944 : vector<16xf32>
        %eq3A_1130 = arith.constant 10 : i32
        %eq3A_1131 = vector.broadcast %eq3A_1130 : i32 to vector<16xi32>
        %eq3A_1132 = arith.cmpi eq, %get3A_948, %eq3A_1131 : vector<16xi32>
        %sub3A_1133 = arith.constant 2.000000e+00 : f32
        %sub3A_1134 = vector.broadcast %sub3A_1133 : f32 to vector<16xf32>
        %sub3A_1135 = arith.subf %sub3A_1134, %mul3A_1129 : vector<16xf32>
        %select_n3A_1136 = arith.select %eq3A_1132, %sub3A_1135, %mul3A_1129 : vector<16xi1>, vector<16xf32>
        %mul3A_1137 = arith.constant 2.560000e+02 : f32
        %mul3A_1138 = vector.broadcast %mul3A_1137 : f32 to vector<16xf32>
        %mul3A_1139 = arith.mulf %select_n3A_1136, %mul3A_1138 : vector<16xf32>
        %add3A_1140 = arith.constant 5.120000e+03 : f32
        %add3A_1141 = vector.broadcast %add3A_1140 : f32 to vector<16xf32>
        %add3A_1142 = arith.addf %mul3A_1139, %add3A_1141 : vector<16xf32>
        %convert_element_type3A_1143 = arith.fptosi %add3A_1142 : vector<16xf32> to vector<16xi32>
        %min3A_1144 = arith.constant 5631 : i32
        %min3A_1145 = vector.broadcast %min3A_1144 : i32 to vector<16xi32>
        %min3A_1146 = arith.minsi %convert_element_type3A_1143, %min3A_1145 : vector<16xi32>
        tpu.vector_store_idx %arg7[%min3A_1146], %broadcast_in_dim3A_35 {add = true} : memref<9728xf32, #tpu.memory_space<vmem>>[vector<16xi32>], vector<16xf32>,
        %mul3A_1147 = arith.mulf %exp3A_874, %div3A_944 : vector<16xf32>
        %eq3A_1148 = arith.constant 11 : i32
        %eq3A_1149 = vector.broadcast %eq3A_1148 : i32 to vector<16xi32>
        %eq3A_1150 = arith.cmpi eq, %get3A_948, %eq3A_1149 : vector<16xi32>
        %sub3A_1151 = arith.constant 2.000000e+00 : f32
        %sub3A_1152 = vector.broadcast %sub3A_1151 : f32 to vector<16xf32>
        %sub3A_1153 = arith.subf %sub3A_1152, %mul3A_1147 : vector<16xf32>
        %select_n3A_1154 = arith.select %eq3A_1150, %sub3A_1153, %mul3A_1147 : vector<16xi1>, vector<16xf32>
        %mul3A_1155 = arith.constant 2.560000e+02 : f32
        %mul3A_1156 = vector.broadcast %mul3A_1155 : f32 to vector<16xf32>
        %mul3A_1157 = arith.mulf %select_n3A_1154, %mul3A_1156 : vector<16xf32>
        %add3A_1158 = arith.constant 5.632000e+03 : f32
        %add3A_1159 = vector.broadcast %add3A_1158 : f32 to vector<16xf32>
        %add3A_1160 = arith.addf %mul3A_1157, %add3A_1159 : vector<16xf32>
        %convert_element_type3A_1161 = arith.fptosi %add3A_1160 : vector<16xf32> to vector<16xi32>
        %min3A_1162 = arith.constant 6143 : i32
        %min3A_1163 = vector.broadcast %min3A_1162 : i32 to vector<16xi32>
        %min3A_1164 = arith.minsi %convert_element_type3A_1161, %min3A_1163 : vector<16xi32>
        tpu.vector_store_idx %arg7[%min3A_1164], %broadcast_in_dim3A_35 {add = true} : memref<9728xf32, #tpu.memory_space<vmem>>[vector<16xi32>], vector<16xf32>,
        %mul3A_1165 = arith.mulf %exp3A_881, %div3A_944 : vector<16xf32>
        %eq3A_1166 = arith.constant 12 : i32
        %eq3A_1167 = vector.broadcast %eq3A_1166 : i32 to vector<16xi32>
        %eq3A_1168 = arith.cmpi eq, %get3A_948, %eq3A_1167 : vector<16xi32>
        %sub3A_1169 = arith.constant 2.000000e+00 : f32
        %sub3A_1170 = vector.broadcast %sub3A_1169 : f32 to vector<16xf32>
        %sub3A_1171 = arith.subf %sub3A_1170, %mul3A_1165 : vector<16xf32>
        %select_n3A_1172 = arith.select %eq3A_1168, %sub3A_1171, %mul3A_1165 : vector<16xi1>, vector<16xf32>
        %mul3A_1173 = arith.constant 2.560000e+02 : f32
        %mul3A_1174 = vector.broadcast %mul3A_1173 : f32 to vector<16xf32>
        %mul3A_1175 = arith.mulf %select_n3A_1172, %mul3A_1174 : vector<16xf32>
        %add3A_1176 = arith.constant 6.144000e+03 : f32
        %add3A_1177 = vector.broadcast %add3A_1176 : f32 to vector<16xf32>
        %add3A_1178 = arith.addf %mul3A_1175, %add3A_1177 : vector<16xf32>
        %convert_element_type3A_1179 = arith.fptosi %add3A_1178 : vector<16xf32> to vector<16xi32>
        %min3A_1180 = arith.constant 6655 : i32
        %min3A_1181 = vector.broadcast %min3A_1180 : i32 to vector<16xi32>
        %min3A_1182 = arith.minsi %convert_element_type3A_1179, %min3A_1181 : vector<16xi32>
        tpu.vector_store_idx %arg7[%min3A_1182], %broadcast_in_dim3A_35 {add = true} : memref<9728xf32, #tpu.memory_space<vmem>>[vector<16xi32>], vector<16xf32>,
        %mul3A_1183 = arith.mulf %exp3A_888, %div3A_944 : vector<16xf32>
        %eq3A_1184 = arith.constant 13 : i32
        %eq3A_1185 = vector.broadcast %eq3A_1184 : i32 to vector<16xi32>
        %eq3A_1186 = arith.cmpi eq, %get3A_948, %eq3A_1185 : vector<16xi32>
        %sub3A_1187 = arith.constant 2.000000e+00 : f32
        %sub3A_1188 = vector.broadcast %sub3A_1187 : f32 to vector<16xf32>
        %sub3A_1189 = arith.subf %sub3A_1188, %mul3A_1183 : vector<16xf32>
        %select_n3A_1190 = arith.select %eq3A_1186, %sub3A_1189, %mul3A_1183 : vector<16xi1>, vector<16xf32>
        %mul3A_1191 = arith.constant 2.560000e+02 : f32
        %mul3A_1192 = vector.broadcast %mul3A_1191 : f32 to vector<16xf32>
        %mul3A_1193 = arith.mulf %select_n3A_1190, %mul3A_1192 : vector<16xf32>
        %add3A_1194 = arith.constant 6.656000e+03 : f32
        %add3A_1195 = vector.broadcast %add3A_1194 : f32 to vector<16xf32>
        %add3A_1196 = arith.addf %mul3A_1193, %add3A_1195 : vector<16xf32>
        %convert_element_type3A_1197 = arith.fptosi %add3A_1196 : vector<16xf32> to vector<16xi32>
        %min3A_1198 = arith.constant 7167 : i32
        %min3A_1199 = vector.broadcast %min3A_1198 : i32 to vector<16xi32>
        %min3A_1200 = arith.minsi %convert_element_type3A_1197, %min3A_1199 : vector<16xi32>
        tpu.vector_store_idx %arg7[%min3A_1200], %broadcast_in_dim3A_35 {add = true} : memref<9728xf32, #tpu.memory_space<vmem>>[vector<16xi32>], vector<16xf32>,
        %mul3A_1201 = arith.mulf %exp3A_895, %div3A_944 : vector<16xf32>
        %eq3A_1202 = arith.constant 14 : i32
        %eq3A_1203 = vector.broadcast %eq3A_1202 : i32 to vector<16xi32>
        %eq3A_1204 = arith.cmpi eq, %get3A_948, %eq3A_1203 : vector<16xi32>
        %sub3A_1205 = arith.constant 2.000000e+00 : f32
        %sub3A_1206 = vector.broadcast %sub3A_1205 : f32 to vector<16xf32>
        %sub3A_1207 = arith.subf %sub3A_1206, %mul3A_1201 : vector<16xf32>
        %select_n3A_1208 = arith.select %eq3A_1204, %sub3A_1207, %mul3A_1201 : vector<16xi1>, vector<16xf32>
        %mul3A_1209 = arith.constant 2.560000e+02 : f32
        %mul3A_1210 = vector.broadcast %mul3A_1209 : f32 to vector<16xf32>
        %mul3A_1211 = arith.mulf %select_n3A_1208, %mul3A_1210 : vector<16xf32>
        %add3A_1212 = arith.constant 7.168000e+03 : f32
        %add3A_1213 = vector.broadcast %add3A_1212 : f32 to vector<16xf32>
        %add3A_1214 = arith.addf %mul3A_1211, %add3A_1213 : vector<16xf32>
        %convert_element_type3A_1215 = arith.fptosi %add3A_1214 : vector<16xf32> to vector<16xi32>
        %min3A_1216 = arith.constant 7679 : i32
        %min3A_1217 = vector.broadcast %min3A_1216 : i32 to vector<16xi32>
        %min3A_1218 = arith.minsi %convert_element_type3A_1215, %min3A_1217 : vector<16xi32>
        tpu.vector_store_idx %arg7[%min3A_1218], %broadcast_in_dim3A_35 {add = true} : memref<9728xf32, #tpu.memory_space<vmem>>[vector<16xi32>], vector<16xf32>,
        %mul3A_1219 = arith.mulf %exp3A_902, %div3A_944 : vector<16xf32>
        %eq3A_1220 = arith.constant 15 : i32
        %eq3A_1221 = vector.broadcast %eq3A_1220 : i32 to vector<16xi32>
        %eq3A_1222 = arith.cmpi eq, %get3A_948, %eq3A_1221 : vector<16xi32>
        %sub3A_1223 = arith.constant 2.000000e+00 : f32
        %sub3A_1224 = vector.broadcast %sub3A_1223 : f32 to vector<16xf32>
        %sub3A_1225 = arith.subf %sub3A_1224, %mul3A_1219 : vector<16xf32>
        %select_n3A_1226 = arith.select %eq3A_1222, %sub3A_1225, %mul3A_1219 : vector<16xi1>, vector<16xf32>
        %mul3A_1227 = arith.constant 2.560000e+02 : f32
        %mul3A_1228 = vector.broadcast %mul3A_1227 : f32 to vector<16xf32>
        %mul3A_1229 = arith.mulf %select_n3A_1226, %mul3A_1228 : vector<16xf32>
        %add3A_1230 = arith.constant 7.680000e+03 : f32
        %add3A_1231 = vector.broadcast %add3A_1230 : f32 to vector<16xf32>
        %add3A_1232 = arith.addf %mul3A_1229, %add3A_1231 : vector<16xf32>
        %convert_element_type3A_1233 = arith.fptosi %add3A_1232 : vector<16xf32> to vector<16xi32>
        %min3A_1234 = arith.constant 8191 : i32
        %min3A_1235 = vector.broadcast %min3A_1234 : i32 to vector<16xi32>
        %min3A_1236 = arith.minsi %convert_element_type3A_1233, %min3A_1235 : vector<16xi32>
        tpu.vector_store_idx %arg7[%min3A_1236], %broadcast_in_dim3A_35 {add = true} : memref<9728xf32, #tpu.memory_space<vmem>>[vector<16xi32>], vector<16xf32>,
        %mul3A_1237 = arith.mulf %exp3A_909, %div3A_944 : vector<16xf32>
        %eq3A_1238 = arith.constant 16 : i32
        %eq3A_1239 = vector.broadcast %eq3A_1238 : i32 to vector<16xi32>
        %eq3A_1240 = arith.cmpi eq, %get3A_948, %eq3A_1239 : vector<16xi32>
        %sub3A_1241 = arith.constant 2.000000e+00 : f32
        %sub3A_1242 = vector.broadcast %sub3A_1241 : f32 to vector<16xf32>
        %sub3A_1243 = arith.subf %sub3A_1242, %mul3A_1237 : vector<16xf32>
        %select_n3A_1244 = arith.select %eq3A_1240, %sub3A_1243, %mul3A_1237 : vector<16xi1>, vector<16xf32>
        %mul3A_1245 = arith.constant 2.560000e+02 : f32
        %mul3A_1246 = vector.broadcast %mul3A_1245 : f32 to vector<16xf32>
        %mul3A_1247 = arith.mulf %select_n3A_1244, %mul3A_1246 : vector<16xf32>
        %add3A_1248 = arith.constant 8.192000e+03 : f32
        %add3A_1249 = vector.broadcast %add3A_1248 : f32 to vector<16xf32>
        %add3A_1250 = arith.addf %mul3A_1247, %add3A_1249 : vector<16xf32>
        %convert_element_type3A_1251 = arith.fptosi %add3A_1250 : vector<16xf32> to vector<16xi32>
        %min3A_1252 = arith.constant 8703 : i32
        %min3A_1253 = vector.broadcast %min3A_1252 : i32 to vector<16xi32>
        %min3A_1254 = arith.minsi %convert_element_type3A_1251, %min3A_1253 : vector<16xi32>
        tpu.vector_store_idx %arg7[%min3A_1254], %broadcast_in_dim3A_35 {add = true} : memref<9728xf32, #tpu.memory_space<vmem>>[vector<16xi32>], vector<16xf32>,
        %mul3A_1255 = arith.mulf %exp3A_916, %div3A_944 : vector<16xf32>
        %eq3A_1256 = arith.constant 17 : i32
        %eq3A_1257 = vector.broadcast %eq3A_1256 : i32 to vector<16xi32>
        %eq3A_1258 = arith.cmpi eq, %get3A_948, %eq3A_1257 : vector<16xi32>
        %sub3A_1259 = arith.constant 2.000000e+00 : f32
        %sub3A_1260 = vector.broadcast %sub3A_1259 : f32 to vector<16xf32>
        %sub3A_1261 = arith.subf %sub3A_1260, %mul3A_1255 : vector<16xf32>
        %select_n3A_1262 = arith.select %eq3A_1258, %sub3A_1261, %mul3A_1255 : vector<16xi1>, vector<16xf32>
        %mul3A_1263 = arith.constant 2.560000e+02 : f32
        %mul3A_1264 = vector.broadcast %mul3A_1263 : f32 to vector<16xf32>
        %mul3A_1265 = arith.mulf %select_n3A_1262, %mul3A_1264 : vector<16xf32>
        %add3A_1266 = arith.constant 8.704000e+03 : f32
        %add3A_1267 = vector.broadcast %add3A_1266 : f32 to vector<16xf32>
        %add3A_1268 = arith.addf %mul3A_1265, %add3A_1267 : vector<16xf32>
        %convert_element_type3A_1269 = arith.fptosi %add3A_1268 : vector<16xf32> to vector<16xi32>
        %min3A_1270 = arith.constant 9215 : i32
        %min3A_1271 = vector.broadcast %min3A_1270 : i32 to vector<16xi32>
        %min3A_1272 = arith.minsi %convert_element_type3A_1269, %min3A_1271 : vector<16xi32>
        tpu.vector_store_idx %arg7[%min3A_1272], %broadcast_in_dim3A_35 {add = true} : memref<9728xf32, #tpu.memory_space<vmem>>[vector<16xi32>], vector<16xf32>,
        %mul3A_1273 = arith.mulf %exp3A_923, %div3A_944 : vector<16xf32>
        %eq3A_1274 = arith.constant 18 : i32
        %eq3A_1275 = vector.broadcast %eq3A_1274 : i32 to vector<16xi32>
        %eq3A_1276 = arith.cmpi eq, %get3A_948, %eq3A_1275 : vector<16xi32>
        %sub3A_1277 = arith.constant 2.000000e+00 : f32
        %sub3A_1278 = vector.broadcast %sub3A_1277 : f32 to vector<16xf32>
        %sub3A_1279 = arith.subf %sub3A_1278, %mul3A_1273 : vector<16xf32>
        %select_n3A_1280 = arith.select %eq3A_1276, %sub3A_1279, %mul3A_1273 : vector<16xi1>, vector<16xf32>
        %mul3A_1281 = arith.constant 2.560000e+02 : f32
        %mul3A_1282 = vector.broadcast %mul3A_1281 : f32 to vector<16xf32>
        %mul3A_1283 = arith.mulf %select_n3A_1280, %mul3A_1282 : vector<16xf32>
        %add3A_1284 = arith.constant 9.216000e+03 : f32
        %add3A_1285 = vector.broadcast %add3A_1284 : f32 to vector<16xf32>
        %add3A_1286 = arith.addf %mul3A_1283, %add3A_1285 : vector<16xf32>
        %convert_element_type3A_1287 = arith.fptosi %add3A_1286 : vector<16xf32> to vector<16xi32>
        %min3A_1288 = arith.constant 9727 : i32
        %min3A_1289 = vector.broadcast %min3A_1288 : i32 to vector<16xi32>
        %min3A_1290 = arith.minsi %convert_element_type3A_1287, %min3A_1289 : vector<16xi32>
        tpu.vector_store_idx %arg7[%min3A_1290], %broadcast_in_dim3A_35 {add = true} : memref<9728xf32, #tpu.memory_space<vmem>>[vector<16xi32>], vector<16xf32>,
        %scan3A_1291 = arith.constant 0 : i32
        scf.yield %scan3A_1291 : i32
      }
      %scan3A_189 = arith.constant 32 : i32
      %add3A_190 = arith.constant 4 : i32
      %add3A_191 = arith.addi %add3A_159, %add3A_190 : i32
      %sub3A_192 = arith.constant 1 : i32
      %sub3A_193 = arith.subi %add3A_191, %sub3A_192 : i32
      %lt3A_194 = arith.constant 32 : i32
      %lt3A_195 = arith.cmpi slt, %sub3A_193, %lt3A_194 : i32
      %convert_element_type3A_196 = arith.extui %lt3A_195 : i1 to i32
      %cond3A_197 = arith.constant 0 : i32
      %cond3A_198 = arith.cmpi ne, %convert_element_type3A_196, %cond3A_197 : i32
      scf.if %cond3A_198 {
        %add3A_286 = arith.constant 4 : i32
        %add3A_287 = arith.addi %add3A_159, %add3A_286 : i32
        %sub3A_288 = arith.constant 1 : i32
        %sub3A_289 = arith.subi %add3A_287, %sub3A_288 : i32
        %mul3A_290 = arith.constant 1024 : i32
        %mul3A_291 = arith.muli %sub3A_289, %mul3A_290 : i32
        %add3A_292 = arith.addi %mul3A_32, %mul3A_291 : i32
        %dma_start3A_293 = arith.constant 0 : i32
        %dma_start3A_294 = arith.constant 0 : i32
        %dma_start3A_295 = arith.constant 0 : i32
        %dma_start3A_296 = tpu.memref_slice %arg5[%dma_start3A_293, %dma_start3A_294, %dma_start3A_295] : memref<4x19x1024xf32, #tpu.memory_space<vmem>> -> memref<1x19x1024xf32, #tpu.memory_space<vmem>>
        %dma_start3A_297 = arith.constant 0 : i32
        %dma_start3A_298 = tpu.memref_slice %arg2[%select_n3A, %dma_start3A_297, %add3A_292] : memref<4x19x262144xf32, #tpu.memory_space<hbm>> -> memref<1x19x1024xf32, #tpu.memory_space<hbm>>
        %dma_start3A_299 = arith.constant 0 : i32
        %dma_start3A_300 = arith.constant 0 : i32
        %dma_start3A_301 = arith.constant 0 : i32
        %dma_start3A_302 = tpu.memref_slice %arg5[%dma_start3A_299, %dma_start3A_300, %dma_start3A_301] : memref<4x19x1024xf32, #tpu.memory_space<vmem>> -> memref<1x19x1024xf32, #tpu.memory_space<vmem>>
        %dma_start3A_303 = arith.constant 0 : i32
        %dma_start3A_304 = tpu.memref_slice %arg2[%select_n3A, %dma_start3A_303, %add3A_292] : memref<4x19x262144xf32, #tpu.memory_space<hbm>> -> memref<1x19x1024xf32, #tpu.memory_space<hbm>>
        tpu.enqueue_dma source(%dma_start3A_304 : memref<1x19x1024xf32, #tpu.memory_space<hbm>>) target(%dma_start3A_302 : memref<1x19x1024xf32, #tpu.memory_space<vmem>>) target_semaphore(%arg8 : memref<!tpu.dma_semaphore, #tpu.memory_space<semaphore_mem>>)
        %dma_start3A_305 = arith.constant 0 : i32
        %dma_start3A_306 = arith.constant 0 : i32
        %dma_start3A_307 = tpu.memref_slice %arg6[%dma_start3A_305, %dma_start3A_306] : memref<4x1024xi32, #tpu.memory_space<vmem>> -> memref<1x1024xi32, #tpu.memory_space<vmem>>
        %dma_start3A_308 = tpu.memref_slice %arg3[%select_n3A, %add3A_292] : memref<4x262144xi32, #tpu.memory_space<hbm>> -> memref<1x1024xi32, #tpu.memory_space<hbm>>
        %dma_start3A_309 = arith.constant 0 : i32
        %dma_start3A_310 = arith.constant 0 : i32
        %dma_start3A_311 = tpu.memref_slice %arg6[%dma_start3A_309, %dma_start3A_310] : memref<4x1024xi32, #tpu.memory_space<vmem>> -> memref<1x1024xi32, #tpu.memory_space<vmem>>
        %dma_start3A_312 = tpu.memref_slice %arg3[%select_n3A, %add3A_292] : memref<4x262144xi32, #tpu.memory_space<hbm>> -> memref<1x1024xi32, #tpu.memory_space<hbm>>
        tpu.enqueue_dma source(%dma_start3A_312 : memref<1x1024xi32, #tpu.memory_space<hbm>>) target(%dma_start3A_311 : memref<1x1024xi32, #tpu.memory_space<vmem>>) target_semaphore(%arg8 : memref<!tpu.dma_semaphore, #tpu.memory_space<semaphore_mem>>)
      } else {
      }
      %mul3A_199 = arith.constant 4 : i32
      %mul3A_200 = arith.muli %scan3A_114, %mul3A_199 : i32
      %add3A_201 = arith.constant 2 : i32
      %add3A_202 = arith.addi %mul3A_200, %add3A_201 : i32
      %mul3A_203 = arith.constant 1024 : i32
      %mul3A_204 = arith.muli %add3A_202, %mul3A_203 : i32
      %add3A_205 = arith.addi %mul3A_32, %mul3A_204 : i32
      %dma_wait3A_206 = arith.constant 2 : i32
      %dma_wait3A_207 = arith.constant 0 : i32
      %dma_wait3A_208 = arith.constant 0 : i32
      %dma_wait3A_209 = tpu.memref_slice %arg5[%dma_wait3A_206, %dma_wait3A_207, %dma_wait3A_208] : memref<4x19x1024xf32, #tpu.memory_space<vmem>> -> memref<1x19x1024xf32, #tpu.memory_space<vmem>>
      %dma_wait3A_210 = arith.constant 0 : i32
      %dma_wait3A_211 = tpu.memref_slice %arg2[%select_n3A, %dma_wait3A_210, %add3A_205] : memref<4x19x262144xf32, #tpu.memory_space<hbm>> -> memref<1x19x1024xf32, #tpu.memory_space<hbm>>
      %dma_wait3A_212 = arith.constant 2 : i32
      %dma_wait3A_213 = arith.constant 0 : i32
      %dma_wait3A_214 = arith.constant 0 : i32
      %dma_wait3A_215 = tpu.memref_slice %arg5[%dma_wait3A_212, %dma_wait3A_213, %dma_wait3A_214] : memref<4x19x1024xf32, #tpu.memory_space<vmem>> -> memref<1x19x1024xf32, #tpu.memory_space<vmem>>
      %dma_wait3A_216 = arith.constant 0 : i32
      %dma_wait3A_217 = tpu.memref_slice %arg2[%select_n3A, %dma_wait3A_216, %add3A_205] : memref<4x19x262144xf32, #tpu.memory_space<hbm>> -> memref<1x19x1024xf32, #tpu.memory_space<hbm>>
      tpu.wait_dma2 semaphore(%arg8 : memref<!tpu.dma_semaphore, #tpu.memory_space<semaphore_mem>>) src(%dma_wait3A_217 : memref<1x19x1024xf32, #tpu.memory_space<hbm>>) dst(%dma_wait3A_215 : memref<1x19x1024xf32, #tpu.memory_space<vmem>>)
      %dma_wait3A_218 = arith.constant 2 : i32
      %dma_wait3A_219 = arith.constant 0 : i32
      %dma_wait3A_220 = tpu.memref_slice %arg6[%dma_wait3A_218, %dma_wait3A_219] : memref<4x1024xi32, #tpu.memory_space<vmem>> -> memref<1x1024xi32, #tpu.memory_space<vmem>>
      %dma_wait3A_221 = tpu.memref_slice %arg3[%select_n3A, %add3A_205] : memref<4x262144xi32, #tpu.memory_space<hbm>> -> memref<1x1024xi32, #tpu.memory_space<hbm>>
      %dma_wait3A_222 = arith.constant 2 : i32
      %dma_wait3A_223 = arith.constant 0 : i32
      %dma_wait3A_224 = tpu.memref_slice %arg6[%dma_wait3A_222, %dma_wait3A_223] : memref<4x1024xi32, #tpu.memory_space<vmem>> -> memref<1x1024xi32, #tpu.memory_space<vmem>>
      %dma_wait3A_225 = tpu.memref_slice %arg3[%select_n3A, %add3A_205] : memref<4x262144xi32, #tpu.memory_space<hbm>> -> memref<1x1024xi32, #tpu.memory_space<hbm>>
      tpu.wait_dma2 semaphore(%arg8 : memref<!tpu.dma_semaphore, #tpu.memory_space<semaphore_mem>>) src(%dma_wait3A_225 : memref<1x1024xi32, #tpu.memory_space<hbm>>) dst(%dma_wait3A_224 : memref<1x1024xi32, #tpu.memory_space<vmem>>)
      %scan3A_226 = arith.constant 0 : i32
      %scan3A_227 = arith.constant 0 : i32
      %scan3A_228 = arith.constant 32 : i32
      %scan3A_229 = arith.addi %scan3A_227, %scan3A_228 : i32
      %scan3A_230 = arith.constant 1 : i32
      %scan3A_231 = scf.for %scan3A_286 = %scan3A_227 to %scan3A_229 step %scan3A_230 iter_args(%scan3A_287 = %scan3A_226) -> (i32)  : i32 {
        %mul3A_288 = arith.constant 32 : i32
        %mul3A_289 = arith.muli %scan3A_286, %mul3A_288 : i32
        %get3A = arith.constant 2 : i32
        %get3A_290 = arith.constant 0 : i32
        %get3A_291 = arith.index_cast %get3A : i32 to index
        %get3A_292 = arith.index_cast %get3A_290 : i32 to index
        %get3A_293 = arith.index_cast %mul3A_289 : i32 to index
        %get3A_294 = tpu.vector_load %arg5[%get3A_291, %get3A_292, %get3A_293] {strides = array<i32>} : memref<4x19x1024xf32, #tpu.memory_space<vmem>>, vector<16xf32>,
        %exp3A = math.exp %get3A_294 : vector<16xf32>
        %get3A_295 = arith.constant 2 : i32
        %get3A_296 = arith.constant 1 : i32
        %get3A_297 = arith.index_cast %get3A_295 : i32 to index
        %get3A_298 = arith.index_cast %get3A_296 : i32 to index
        %get3A_299 = arith.index_cast %mul3A_289 : i32 to index
        %get3A_300 = tpu.vector_load %arg5[%get3A_297, %get3A_298, %get3A_299] {strides = array<i32>} : memref<4x19x1024xf32, #tpu.memory_space<vmem>>, vector<16xf32>,
        %exp3A_301 = math.exp %get3A_300 : vector<16xf32>
        %get3A_302 = arith.constant 2 : i32
        %get3A_303 = arith.constant 2 : i32
        %get3A_304 = arith.index_cast %get3A_302 : i32 to index
        %get3A_305 = arith.index_cast %get3A_303 : i32 to index
        %get3A_306 = arith.index_cast %mul3A_289 : i32 to index
        %get3A_307 = tpu.vector_load %arg5[%get3A_304, %get3A_305, %get3A_306] {strides = array<i32>} : memref<4x19x1024xf32, #tpu.memory_space<vmem>>, vector<16xf32>,
        %exp3A_308 = math.exp %get3A_307 : vector<16xf32>
        %get3A_309 = arith.constant 2 : i32
        %get3A_310 = arith.constant 3 : i32
        %get3A_311 = arith.index_cast %get3A_309 : i32 to index
        %get3A_312 = arith.index_cast %get3A_310 : i32 to index
        %get3A_313 = arith.index_cast %mul3A_289 : i32 to index
        %get3A_314 = tpu.vector_load %arg5[%get3A_311, %get3A_312, %get3A_313] {strides = array<i32>} : memref<4x19x1024xf32, #tpu.memory_space<vmem>>, vector<16xf32>,
        %exp3A_315 = math.exp %get3A_314 : vector<16xf32>
        %get3A_316 = arith.constant 2 : i32
        %get3A_317 = arith.constant 4 : i32
        %get3A_318 = arith.index_cast %get3A_316 : i32 to index
        %get3A_319 = arith.index_cast %get3A_317 : i32 to index
        %get3A_320 = arith.index_cast %mul3A_289 : i32 to index
        %get3A_321 = tpu.vector_load %arg5[%get3A_318, %get3A_319, %get3A_320] {strides = array<i32>} : memref<4x19x1024xf32, #tpu.memory_space<vmem>>, vector<16xf32>,
        %exp3A_322 = math.exp %get3A_321 : vector<16xf32>
        %get3A_323 = arith.constant 2 : i32
        %get3A_324 = arith.constant 5 : i32
        %get3A_325 = arith.index_cast %get3A_323 : i32 to index
        %get3A_326 = arith.index_cast %get3A_324 : i32 to index
        %get3A_327 = arith.index_cast %mul3A_289 : i32 to index
        %get3A_328 = tpu.vector_load %arg5[%get3A_325, %get3A_326, %get3A_327] {strides = array<i32>} : memref<4x19x1024xf32, #tpu.memory_space<vmem>>, vector<16xf32>,
        %exp3A_329 = math.exp %get3A_328 : vector<16xf32>
        %get3A_330 = arith.constant 2 : i32
        %get3A_331 = arith.constant 6 : i32
        %get3A_332 = arith.index_cast %get3A_330 : i32 to index
        %get3A_333 = arith.index_cast %get3A_331 : i32 to index
        %get3A_334 = arith.index_cast %mul3A_289 : i32 to index
        %get3A_335 = tpu.vector_load %arg5[%get3A_332, %get3A_333, %get3A_334] {strides = array<i32>} : memref<4x19x1024xf32, #tpu.memory_space<vmem>>, vector<16xf32>,
        %exp3A_336 = math.exp %get3A_335 : vector<16xf32>
        %get3A_337 = arith.constant 2 : i32
        %get3A_338 = arith.constant 7 : i32
        %get3A_339 = arith.index_cast %get3A_337 : i32 to index
        %get3A_340 = arith.index_cast %get3A_338 : i32 to index
        %get3A_341 = arith.index_cast %mul3A_289 : i32 to index
        %get3A_342 = tpu.vector_load %arg5[%get3A_339, %get3A_340, %get3A_341] {strides = array<i32>} : memref<4x19x1024xf32, #tpu.memory_space<vmem>>, vector<16xf32>,
        %exp3A_343 = math.exp %get3A_342 : vector<16xf32>
        %get3A_344 = arith.constant 2 : i32
        %get3A_345 = arith.constant 8 : i32
        %get3A_346 = arith.index_cast %get3A_344 : i32 to index
        %get3A_347 = arith.index_cast %get3A_345 : i32 to index
        %get3A_348 = arith.index_cast %mul3A_289 : i32 to index
        %get3A_349 = tpu.vector_load %arg5[%get3A_346, %get3A_347, %get3A_348] {strides = array<i32>} : memref<4x19x1024xf32, #tpu.memory_space<vmem>>, vector<16xf32>,
        %exp3A_350 = math.exp %get3A_349 : vector<16xf32>
        %get3A_351 = arith.constant 2 : i32
        %get3A_352 = arith.constant 9 : i32
        %get3A_353 = arith.index_cast %get3A_351 : i32 to index
        %get3A_354 = arith.index_cast %get3A_352 : i32 to index
        %get3A_355 = arith.index_cast %mul3A_289 : i32 to index
        %get3A_356 = tpu.vector_load %arg5[%get3A_353, %get3A_354, %get3A_355] {strides = array<i32>} : memref<4x19x1024xf32, #tpu.memory_space<vmem>>, vector<16xf32>,
        %exp3A_357 = math.exp %get3A_356 : vector<16xf32>
        %get3A_358 = arith.constant 2 : i32
        %get3A_359 = arith.constant 10 : i32
        %get3A_360 = arith.index_cast %get3A_358 : i32 to index
        %get3A_361 = arith.index_cast %get3A_359 : i32 to index
        %get3A_362 = arith.index_cast %mul3A_289 : i32 to index
        %get3A_363 = tpu.vector_load %arg5[%get3A_360, %get3A_361, %get3A_362] {strides = array<i32>} : memref<4x19x1024xf32, #tpu.memory_space<vmem>>, vector<16xf32>,
        %exp3A_364 = math.exp %get3A_363 : vector<16xf32>
        %get3A_365 = arith.constant 2 : i32
        %get3A_366 = arith.constant 11 : i32
        %get3A_367 = arith.index_cast %get3A_365 : i32 to index
        %get3A_368 = arith.index_cast %get3A_366 : i32 to index
        %get3A_369 = arith.index_cast %mul3A_289 : i32 to index
        %get3A_370 = tpu.vector_load %arg5[%get3A_367, %get3A_368, %get3A_369] {strides = array<i32>} : memref<4x19x1024xf32, #tpu.memory_space<vmem>>, vector<16xf32>,
        %exp3A_371 = math.exp %get3A_370 : vector<16xf32>
        %get3A_372 = arith.constant 2 : i32
        %get3A_373 = arith.constant 12 : i32
        %get3A_374 = arith.index_cast %get3A_372 : i32 to index
        %get3A_375 = arith.index_cast %get3A_373 : i32 to index
        %get3A_376 = arith.index_cast %mul3A_289 : i32 to index
        %get3A_377 = tpu.vector_load %arg5[%get3A_374, %get3A_375, %get3A_376] {strides = array<i32>} : memref<4x19x1024xf32, #tpu.memory_space<vmem>>, vector<16xf32>,
        %exp3A_378 = math.exp %get3A_377 : vector<16xf32>
        %get3A_379 = arith.constant 2 : i32
        %get3A_380 = arith.constant 13 : i32
        %get3A_381 = arith.index_cast %get3A_379 : i32 to index
        %get3A_382 = arith.index_cast %get3A_380 : i32 to index
        %get3A_383 = arith.index_cast %mul3A_289 : i32 to index
        %get3A_384 = tpu.vector_load %arg5[%get3A_381, %get3A_382, %get3A_383] {strides = array<i32>} : memref<4x19x1024xf32, #tpu.memory_space<vmem>>, vector<16xf32>,
        %exp3A_385 = math.exp %get3A_384 : vector<16xf32>
        %get3A_386 = arith.constant 2 : i32
        %get3A_387 = arith.constant 14 : i32
        %get3A_388 = arith.index_cast %get3A_386 : i32 to index
        %get3A_389 = arith.index_cast %get3A_387 : i32 to index
        %get3A_390 = arith.index_cast %mul3A_289 : i32 to index
        %get3A_391 = tpu.vector_load %arg5[%get3A_388, %get3A_389, %get3A_390] {strides = array<i32>} : memref<4x19x1024xf32, #tpu.memory_space<vmem>>, vector<16xf32>,
        %exp3A_392 = math.exp %get3A_391 : vector<16xf32>
        %get3A_393 = arith.constant 2 : i32
        %get3A_394 = arith.constant 15 : i32
        %get3A_395 = arith.index_cast %get3A_393 : i32 to index
        %get3A_396 = arith.index_cast %get3A_394 : i32 to index
        %get3A_397 = arith.index_cast %mul3A_289 : i32 to index
        %get3A_398 = tpu.vector_load %arg5[%get3A_395, %get3A_396, %get3A_397] {strides = array<i32>} : memref<4x19x1024xf32, #tpu.memory_space<vmem>>, vector<16xf32>,
        %exp3A_399 = math.exp %get3A_398 : vector<16xf32>
        %get3A_400 = arith.constant 2 : i32
        %get3A_401 = arith.constant 16 : i32
        %get3A_402 = arith.index_cast %get3A_400 : i32 to index
        %get3A_403 = arith.index_cast %get3A_401 : i32 to index
        %get3A_404 = arith.index_cast %mul3A_289 : i32 to index
        %get3A_405 = tpu.vector_load %arg5[%get3A_402, %get3A_403, %get3A_404] {strides = array<i32>} : memref<4x19x1024xf32, #tpu.memory_space<vmem>>, vector<16xf32>,
        %exp3A_406 = math.exp %get3A_405 : vector<16xf32>
        %get3A_407 = arith.constant 2 : i32
        %get3A_408 = arith.constant 17 : i32
        %get3A_409 = arith.index_cast %get3A_407 : i32 to index
        %get3A_410 = arith.index_cast %get3A_408 : i32 to index
        %get3A_411 = arith.index_cast %mul3A_289 : i32 to index
        %get3A_412 = tpu.vector_load %arg5[%get3A_409, %get3A_410, %get3A_411] {strides = array<i32>} : memref<4x19x1024xf32, #tpu.memory_space<vmem>>, vector<16xf32>,
        %exp3A_413 = math.exp %get3A_412 : vector<16xf32>
        %get3A_414 = arith.constant 2 : i32
        %get3A_415 = arith.constant 18 : i32
        %get3A_416 = arith.index_cast %get3A_414 : i32 to index
        %get3A_417 = arith.index_cast %get3A_415 : i32 to index
        %get3A_418 = arith.index_cast %mul3A_289 : i32 to index
        %get3A_419 = tpu.vector_load %arg5[%get3A_416, %get3A_417, %get3A_418] {strides = array<i32>} : memref<4x19x1024xf32, #tpu.memory_space<vmem>>, vector<16xf32>,
        %exp3A_420 = math.exp %get3A_419 : vector<16xf32>
        %add3A_421 = arith.addf %exp3A, %exp3A_301 : vector<16xf32>
        %add3A_422 = arith.addf %exp3A_308, %exp3A_315 : vector<16xf32>
        %add3A_423 = arith.addf %exp3A_322, %exp3A_329 : vector<16xf32>
        %add3A_424 = arith.addf %exp3A_336, %exp3A_343 : vector<16xf32>
        %add3A_425 = arith.addf %exp3A_350, %exp3A_357 : vector<16xf32>
        %add3A_426 = arith.addf %exp3A_364, %exp3A_371 : vector<16xf32>
        %add3A_427 = arith.addf %exp3A_378, %exp3A_385 : vector<16xf32>
        %add3A_428 = arith.addf %exp3A_392, %exp3A_399 : vector<16xf32>
        %add3A_429 = arith.addf %exp3A_406, %exp3A_413 : vector<16xf32>
        %add3A_430 = arith.addf %add3A_421, %add3A_422 : vector<16xf32>
        %add3A_431 = arith.addf %add3A_423, %add3A_424 : vector<16xf32>
        %add3A_432 = arith.addf %add3A_425, %add3A_426 : vector<16xf32>
        %add3A_433 = arith.addf %add3A_427, %add3A_428 : vector<16xf32>
        %add3A_434 = arith.addf %add3A_429, %exp3A_420 : vector<16xf32>
        %add3A_435 = arith.addf %add3A_430, %add3A_431 : vector<16xf32>
        %add3A_436 = arith.addf %add3A_432, %add3A_433 : vector<16xf32>
        %add3A_437 = arith.addf %add3A_435, %add3A_436 : vector<16xf32>
        %add3A_438 = arith.addf %add3A_437, %add3A_434 : vector<16xf32>
        %div3A_439 = arith.constant 1.000000e+00 : f32
        %div3A_440 = vector.broadcast %div3A_439 : f32 to vector<16xf32>
        %div3A_441 = arith.divf %div3A_440, %add3A_438 : vector<16xf32>
        %get3A_442 = arith.constant 2 : i32
        %get3A_443 = arith.index_cast %get3A_442 : i32 to index
        %get3A_444 = arith.index_cast %mul3A_289 : i32 to index
        %get3A_445 = tpu.vector_load %arg6[%get3A_443, %get3A_444] {strides = array<i32>} : memref<4x1024xi32, #tpu.memory_space<vmem>>, vector<16xi32>,
        %mul3A_446 = arith.mulf %exp3A, %div3A_441 : vector<16xf32>
        %eq3A_447 = arith.constant 0 : i32
        %eq3A_448 = vector.broadcast %eq3A_447 : i32 to vector<16xi32>
        %eq3A_449 = arith.cmpi eq, %get3A_445, %eq3A_448 : vector<16xi32>
        %sub3A_450 = arith.constant 2.000000e+00 : f32
        %sub3A_451 = vector.broadcast %sub3A_450 : f32 to vector<16xf32>
        %sub3A_452 = arith.subf %sub3A_451, %mul3A_446 : vector<16xf32>
        %select_n3A_453 = arith.select %eq3A_449, %sub3A_452, %mul3A_446 : vector<16xi1>, vector<16xf32>
        %mul3A_454 = arith.constant 2.560000e+02 : f32
        %mul3A_455 = vector.broadcast %mul3A_454 : f32 to vector<16xf32>
        %mul3A_456 = arith.mulf %select_n3A_453, %mul3A_455 : vector<16xf32>
        %add3A_457 = arith.constant 0.000000e+00 : f32
        %add3A_458 = vector.broadcast %add3A_457 : f32 to vector<16xf32>
        %add3A_459 = arith.addf %mul3A_456, %add3A_458 : vector<16xf32>
        %convert_element_type3A_460 = arith.fptosi %add3A_459 : vector<16xf32> to vector<16xi32>
        %min3A = arith.constant 511 : i32
        %min3A_461 = vector.broadcast %min3A : i32 to vector<16xi32>
        %min3A_462 = arith.minsi %convert_element_type3A_460, %min3A_461 : vector<16xi32>
        tpu.vector_store_idx %arg7[%min3A_462], %broadcast_in_dim3A_35 {add = true} : memref<9728xf32, #tpu.memory_space<vmem>>[vector<16xi32>], vector<16xf32>,
        %mul3A_463 = arith.mulf %exp3A_301, %div3A_441 : vector<16xf32>
        %eq3A_464 = arith.constant 1 : i32
        %eq3A_465 = vector.broadcast %eq3A_464 : i32 to vector<16xi32>
        %eq3A_466 = arith.cmpi eq, %get3A_445, %eq3A_465 : vector<16xi32>
        %sub3A_467 = arith.constant 2.000000e+00 : f32
        %sub3A_468 = vector.broadcast %sub3A_467 : f32 to vector<16xf32>
        %sub3A_469 = arith.subf %sub3A_468, %mul3A_463 : vector<16xf32>
        %select_n3A_470 = arith.select %eq3A_466, %sub3A_469, %mul3A_463 : vector<16xi1>, vector<16xf32>
        %mul3A_471 = arith.constant 2.560000e+02 : f32
        %mul3A_472 = vector.broadcast %mul3A_471 : f32 to vector<16xf32>
        %mul3A_473 = arith.mulf %select_n3A_470, %mul3A_472 : vector<16xf32>
        %add3A_474 = arith.constant 5.120000e+02 : f32
        %add3A_475 = vector.broadcast %add3A_474 : f32 to vector<16xf32>
        %add3A_476 = arith.addf %mul3A_473, %add3A_475 : vector<16xf32>
        %convert_element_type3A_477 = arith.fptosi %add3A_476 : vector<16xf32> to vector<16xi32>
        %min3A_478 = arith.constant 1023 : i32
        %min3A_479 = vector.broadcast %min3A_478 : i32 to vector<16xi32>
        %min3A_480 = arith.minsi %convert_element_type3A_477, %min3A_479 : vector<16xi32>
        tpu.vector_store_idx %arg7[%min3A_480], %broadcast_in_dim3A_35 {add = true} : memref<9728xf32, #tpu.memory_space<vmem>>[vector<16xi32>], vector<16xf32>,
        %mul3A_481 = arith.mulf %exp3A_308, %div3A_441 : vector<16xf32>
        %eq3A_482 = arith.constant 2 : i32
        %eq3A_483 = vector.broadcast %eq3A_482 : i32 to vector<16xi32>
        %eq3A_484 = arith.cmpi eq, %get3A_445, %eq3A_483 : vector<16xi32>
        %sub3A_485 = arith.constant 2.000000e+00 : f32
        %sub3A_486 = vector.broadcast %sub3A_485 : f32 to vector<16xf32>
        %sub3A_487 = arith.subf %sub3A_486, %mul3A_481 : vector<16xf32>
        %select_n3A_488 = arith.select %eq3A_484, %sub3A_487, %mul3A_481 : vector<16xi1>, vector<16xf32>
        %mul3A_489 = arith.constant 2.560000e+02 : f32
        %mul3A_490 = vector.broadcast %mul3A_489 : f32 to vector<16xf32>
        %mul3A_491 = arith.mulf %select_n3A_488, %mul3A_490 : vector<16xf32>
        %add3A_492 = arith.constant 1.024000e+03 : f32
        %add3A_493 = vector.broadcast %add3A_492 : f32 to vector<16xf32>
        %add3A_494 = arith.addf %mul3A_491, %add3A_493 : vector<16xf32>
        %convert_element_type3A_495 = arith.fptosi %add3A_494 : vector<16xf32> to vector<16xi32>
        %min3A_496 = arith.constant 1535 : i32
        %min3A_497 = vector.broadcast %min3A_496 : i32 to vector<16xi32>
        %min3A_498 = arith.minsi %convert_element_type3A_495, %min3A_497 : vector<16xi32>
        tpu.vector_store_idx %arg7[%min3A_498], %broadcast_in_dim3A_35 {add = true} : memref<9728xf32, #tpu.memory_space<vmem>>[vector<16xi32>], vector<16xf32>,
        %mul3A_499 = arith.mulf %exp3A_315, %div3A_441 : vector<16xf32>
        %eq3A_500 = arith.constant 3 : i32
        %eq3A_501 = vector.broadcast %eq3A_500 : i32 to vector<16xi32>
        %eq3A_502 = arith.cmpi eq, %get3A_445, %eq3A_501 : vector<16xi32>
        %sub3A_503 = arith.constant 2.000000e+00 : f32
        %sub3A_504 = vector.broadcast %sub3A_503 : f32 to vector<16xf32>
        %sub3A_505 = arith.subf %sub3A_504, %mul3A_499 : vector<16xf32>
        %select_n3A_506 = arith.select %eq3A_502, %sub3A_505, %mul3A_499 : vector<16xi1>, vector<16xf32>
        %mul3A_507 = arith.constant 2.560000e+02 : f32
        %mul3A_508 = vector.broadcast %mul3A_507 : f32 to vector<16xf32>
        %mul3A_509 = arith.mulf %select_n3A_506, %mul3A_508 : vector<16xf32>
        %add3A_510 = arith.constant 1.536000e+03 : f32
        %add3A_511 = vector.broadcast %add3A_510 : f32 to vector<16xf32>
        %add3A_512 = arith.addf %mul3A_509, %add3A_511 : vector<16xf32>
        %convert_element_type3A_513 = arith.fptosi %add3A_512 : vector<16xf32> to vector<16xi32>
        %min3A_514 = arith.constant 2047 : i32
        %min3A_515 = vector.broadcast %min3A_514 : i32 to vector<16xi32>
        %min3A_516 = arith.minsi %convert_element_type3A_513, %min3A_515 : vector<16xi32>
        tpu.vector_store_idx %arg7[%min3A_516], %broadcast_in_dim3A_35 {add = true} : memref<9728xf32, #tpu.memory_space<vmem>>[vector<16xi32>], vector<16xf32>,
        %mul3A_517 = arith.mulf %exp3A_322, %div3A_441 : vector<16xf32>
        %eq3A_518 = arith.constant 4 : i32
        %eq3A_519 = vector.broadcast %eq3A_518 : i32 to vector<16xi32>
        %eq3A_520 = arith.cmpi eq, %get3A_445, %eq3A_519 : vector<16xi32>
        %sub3A_521 = arith.constant 2.000000e+00 : f32
        %sub3A_522 = vector.broadcast %sub3A_521 : f32 to vector<16xf32>
        %sub3A_523 = arith.subf %sub3A_522, %mul3A_517 : vector<16xf32>
        %select_n3A_524 = arith.select %eq3A_520, %sub3A_523, %mul3A_517 : vector<16xi1>, vector<16xf32>
        %mul3A_525 = arith.constant 2.560000e+02 : f32
        %mul3A_526 = vector.broadcast %mul3A_525 : f32 to vector<16xf32>
        %mul3A_527 = arith.mulf %select_n3A_524, %mul3A_526 : vector<16xf32>
        %add3A_528 = arith.constant 2.048000e+03 : f32
        %add3A_529 = vector.broadcast %add3A_528 : f32 to vector<16xf32>
        %add3A_530 = arith.addf %mul3A_527, %add3A_529 : vector<16xf32>
        %convert_element_type3A_531 = arith.fptosi %add3A_530 : vector<16xf32> to vector<16xi32>
        %min3A_532 = arith.constant 2559 : i32
        %min3A_533 = vector.broadcast %min3A_532 : i32 to vector<16xi32>
        %min3A_534 = arith.minsi %convert_element_type3A_531, %min3A_533 : vector<16xi32>
        tpu.vector_store_idx %arg7[%min3A_534], %broadcast_in_dim3A_35 {add = true} : memref<9728xf32, #tpu.memory_space<vmem>>[vector<16xi32>], vector<16xf32>,
        %mul3A_535 = arith.mulf %exp3A_329, %div3A_441 : vector<16xf32>
        %eq3A_536 = arith.constant 5 : i32
        %eq3A_537 = vector.broadcast %eq3A_536 : i32 to vector<16xi32>
        %eq3A_538 = arith.cmpi eq, %get3A_445, %eq3A_537 : vector<16xi32>
        %sub3A_539 = arith.constant 2.000000e+00 : f32
        %sub3A_540 = vector.broadcast %sub3A_539 : f32 to vector<16xf32>
        %sub3A_541 = arith.subf %sub3A_540, %mul3A_535 : vector<16xf32>
        %select_n3A_542 = arith.select %eq3A_538, %sub3A_541, %mul3A_535 : vector<16xi1>, vector<16xf32>
        %mul3A_543 = arith.constant 2.560000e+02 : f32
        %mul3A_544 = vector.broadcast %mul3A_543 : f32 to vector<16xf32>
        %mul3A_545 = arith.mulf %select_n3A_542, %mul3A_544 : vector<16xf32>
        %add3A_546 = arith.constant 2.560000e+03 : f32
        %add3A_547 = vector.broadcast %add3A_546 : f32 to vector<16xf32>
        %add3A_548 = arith.addf %mul3A_545, %add3A_547 : vector<16xf32>
        %convert_element_type3A_549 = arith.fptosi %add3A_548 : vector<16xf32> to vector<16xi32>
        %min3A_550 = arith.constant 3071 : i32
        %min3A_551 = vector.broadcast %min3A_550 : i32 to vector<16xi32>
        %min3A_552 = arith.minsi %convert_element_type3A_549, %min3A_551 : vector<16xi32>
        tpu.vector_store_idx %arg7[%min3A_552], %broadcast_in_dim3A_35 {add = true} : memref<9728xf32, #tpu.memory_space<vmem>>[vector<16xi32>], vector<16xf32>,
        %mul3A_553 = arith.mulf %exp3A_336, %div3A_441 : vector<16xf32>
        %eq3A_554 = arith.constant 6 : i32
        %eq3A_555 = vector.broadcast %eq3A_554 : i32 to vector<16xi32>
        %eq3A_556 = arith.cmpi eq, %get3A_445, %eq3A_555 : vector<16xi32>
        %sub3A_557 = arith.constant 2.000000e+00 : f32
        %sub3A_558 = vector.broadcast %sub3A_557 : f32 to vector<16xf32>
        %sub3A_559 = arith.subf %sub3A_558, %mul3A_553 : vector<16xf32>
        %select_n3A_560 = arith.select %eq3A_556, %sub3A_559, %mul3A_553 : vector<16xi1>, vector<16xf32>
        %mul3A_561 = arith.constant 2.560000e+02 : f32
        %mul3A_562 = vector.broadcast %mul3A_561 : f32 to vector<16xf32>
        %mul3A_563 = arith.mulf %select_n3A_560, %mul3A_562 : vector<16xf32>
        %add3A_564 = arith.constant 3.072000e+03 : f32
        %add3A_565 = vector.broadcast %add3A_564 : f32 to vector<16xf32>
        %add3A_566 = arith.addf %mul3A_563, %add3A_565 : vector<16xf32>
        %convert_element_type3A_567 = arith.fptosi %add3A_566 : vector<16xf32> to vector<16xi32>
        %min3A_568 = arith.constant 3583 : i32
        %min3A_569 = vector.broadcast %min3A_568 : i32 to vector<16xi32>
        %min3A_570 = arith.minsi %convert_element_type3A_567, %min3A_569 : vector<16xi32>
        tpu.vector_store_idx %arg7[%min3A_570], %broadcast_in_dim3A_35 {add = true} : memref<9728xf32, #tpu.memory_space<vmem>>[vector<16xi32>], vector<16xf32>,
        %mul3A_571 = arith.mulf %exp3A_343, %div3A_441 : vector<16xf32>
        %eq3A_572 = arith.constant 7 : i32
        %eq3A_573 = vector.broadcast %eq3A_572 : i32 to vector<16xi32>
        %eq3A_574 = arith.cmpi eq, %get3A_445, %eq3A_573 : vector<16xi32>
        %sub3A_575 = arith.constant 2.000000e+00 : f32
        %sub3A_576 = vector.broadcast %sub3A_575 : f32 to vector<16xf32>
        %sub3A_577 = arith.subf %sub3A_576, %mul3A_571 : vector<16xf32>
        %select_n3A_578 = arith.select %eq3A_574, %sub3A_577, %mul3A_571 : vector<16xi1>, vector<16xf32>
        %mul3A_579 = arith.constant 2.560000e+02 : f32
        %mul3A_580 = vector.broadcast %mul3A_579 : f32 to vector<16xf32>
        %mul3A_581 = arith.mulf %select_n3A_578, %mul3A_580 : vector<16xf32>
        %add3A_582 = arith.constant 3.584000e+03 : f32
        %add3A_583 = vector.broadcast %add3A_582 : f32 to vector<16xf32>
        %add3A_584 = arith.addf %mul3A_581, %add3A_583 : vector<16xf32>
        %convert_element_type3A_585 = arith.fptosi %add3A_584 : vector<16xf32> to vector<16xi32>
        %min3A_586 = arith.constant 4095 : i32
        %min3A_587 = vector.broadcast %min3A_586 : i32 to vector<16xi32>
        %min3A_588 = arith.minsi %convert_element_type3A_585, %min3A_587 : vector<16xi32>
        tpu.vector_store_idx %arg7[%min3A_588], %broadcast_in_dim3A_35 {add = true} : memref<9728xf32, #tpu.memory_space<vmem>>[vector<16xi32>], vector<16xf32>,
        %mul3A_589 = arith.mulf %exp3A_350, %div3A_441 : vector<16xf32>
        %eq3A_590 = arith.constant 8 : i32
        %eq3A_591 = vector.broadcast %eq3A_590 : i32 to vector<16xi32>
        %eq3A_592 = arith.cmpi eq, %get3A_445, %eq3A_591 : vector<16xi32>
        %sub3A_593 = arith.constant 2.000000e+00 : f32
        %sub3A_594 = vector.broadcast %sub3A_593 : f32 to vector<16xf32>
        %sub3A_595 = arith.subf %sub3A_594, %mul3A_589 : vector<16xf32>
        %select_n3A_596 = arith.select %eq3A_592, %sub3A_595, %mul3A_589 : vector<16xi1>, vector<16xf32>
        %mul3A_597 = arith.constant 2.560000e+02 : f32
        %mul3A_598 = vector.broadcast %mul3A_597 : f32 to vector<16xf32>
        %mul3A_599 = arith.mulf %select_n3A_596, %mul3A_598 : vector<16xf32>
        %add3A_600 = arith.constant 4.096000e+03 : f32
        %add3A_601 = vector.broadcast %add3A_600 : f32 to vector<16xf32>
        %add3A_602 = arith.addf %mul3A_599, %add3A_601 : vector<16xf32>
        %convert_element_type3A_603 = arith.fptosi %add3A_602 : vector<16xf32> to vector<16xi32>
        %min3A_604 = arith.constant 4607 : i32
        %min3A_605 = vector.broadcast %min3A_604 : i32 to vector<16xi32>
        %min3A_606 = arith.minsi %convert_element_type3A_603, %min3A_605 : vector<16xi32>
        tpu.vector_store_idx %arg7[%min3A_606], %broadcast_in_dim3A_35 {add = true} : memref<9728xf32, #tpu.memory_space<vmem>>[vector<16xi32>], vector<16xf32>,
        %mul3A_607 = arith.mulf %exp3A_357, %div3A_441 : vector<16xf32>
        %eq3A_608 = arith.constant 9 : i32
        %eq3A_609 = vector.broadcast %eq3A_608 : i32 to vector<16xi32>
        %eq3A_610 = arith.cmpi eq, %get3A_445, %eq3A_609 : vector<16xi32>
        %sub3A_611 = arith.constant 2.000000e+00 : f32
        %sub3A_612 = vector.broadcast %sub3A_611 : f32 to vector<16xf32>
        %sub3A_613 = arith.subf %sub3A_612, %mul3A_607 : vector<16xf32>
        %select_n3A_614 = arith.select %eq3A_610, %sub3A_613, %mul3A_607 : vector<16xi1>, vector<16xf32>
        %mul3A_615 = arith.constant 2.560000e+02 : f32
        %mul3A_616 = vector.broadcast %mul3A_615 : f32 to vector<16xf32>
        %mul3A_617 = arith.mulf %select_n3A_614, %mul3A_616 : vector<16xf32>
        %add3A_618 = arith.constant 4.608000e+03 : f32
        %add3A_619 = vector.broadcast %add3A_618 : f32 to vector<16xf32>
        %add3A_620 = arith.addf %mul3A_617, %add3A_619 : vector<16xf32>
        %convert_element_type3A_621 = arith.fptosi %add3A_620 : vector<16xf32> to vector<16xi32>
        %min3A_622 = arith.constant 5119 : i32
        %min3A_623 = vector.broadcast %min3A_622 : i32 to vector<16xi32>
        %min3A_624 = arith.minsi %convert_element_type3A_621, %min3A_623 : vector<16xi32>
        tpu.vector_store_idx %arg7[%min3A_624], %broadcast_in_dim3A_35 {add = true} : memref<9728xf32, #tpu.memory_space<vmem>>[vector<16xi32>], vector<16xf32>,
        %mul3A_625 = arith.mulf %exp3A_364, %div3A_441 : vector<16xf32>
        %eq3A_626 = arith.constant 10 : i32
        %eq3A_627 = vector.broadcast %eq3A_626 : i32 to vector<16xi32>
        %eq3A_628 = arith.cmpi eq, %get3A_445, %eq3A_627 : vector<16xi32>
        %sub3A_629 = arith.constant 2.000000e+00 : f32
        %sub3A_630 = vector.broadcast %sub3A_629 : f32 to vector<16xf32>
        %sub3A_631 = arith.subf %sub3A_630, %mul3A_625 : vector<16xf32>
        %select_n3A_632 = arith.select %eq3A_628, %sub3A_631, %mul3A_625 : vector<16xi1>, vector<16xf32>
        %mul3A_633 = arith.constant 2.560000e+02 : f32
        %mul3A_634 = vector.broadcast %mul3A_633 : f32 to vector<16xf32>
        %mul3A_635 = arith.mulf %select_n3A_632, %mul3A_634 : vector<16xf32>
        %add3A_636 = arith.constant 5.120000e+03 : f32
        %add3A_637 = vector.broadcast %add3A_636 : f32 to vector<16xf32>
        %add3A_638 = arith.addf %mul3A_635, %add3A_637 : vector<16xf32>
        %convert_element_type3A_639 = arith.fptosi %add3A_638 : vector<16xf32> to vector<16xi32>
        %min3A_640 = arith.constant 5631 : i32
        %min3A_641 = vector.broadcast %min3A_640 : i32 to vector<16xi32>
        %min3A_642 = arith.minsi %convert_element_type3A_639, %min3A_641 : vector<16xi32>
        tpu.vector_store_idx %arg7[%min3A_642], %broadcast_in_dim3A_35 {add = true} : memref<9728xf32, #tpu.memory_space<vmem>>[vector<16xi32>], vector<16xf32>,
        %mul3A_643 = arith.mulf %exp3A_371, %div3A_441 : vector<16xf32>
        %eq3A_644 = arith.constant 11 : i32
        %eq3A_645 = vector.broadcast %eq3A_644 : i32 to vector<16xi32>
        %eq3A_646 = arith.cmpi eq, %get3A_445, %eq3A_645 : vector<16xi32>
        %sub3A_647 = arith.constant 2.000000e+00 : f32
        %sub3A_648 = vector.broadcast %sub3A_647 : f32 to vector<16xf32>
        %sub3A_649 = arith.subf %sub3A_648, %mul3A_643 : vector<16xf32>
        %select_n3A_650 = arith.select %eq3A_646, %sub3A_649, %mul3A_643 : vector<16xi1>, vector<16xf32>
        %mul3A_651 = arith.constant 2.560000e+02 : f32
        %mul3A_652 = vector.broadcast %mul3A_651 : f32 to vector<16xf32>
        %mul3A_653 = arith.mulf %select_n3A_650, %mul3A_652 : vector<16xf32>
        %add3A_654 = arith.constant 5.632000e+03 : f32
        %add3A_655 = vector.broadcast %add3A_654 : f32 to vector<16xf32>
        %add3A_656 = arith.addf %mul3A_653, %add3A_655 : vector<16xf32>
        %convert_element_type3A_657 = arith.fptosi %add3A_656 : vector<16xf32> to vector<16xi32>
        %min3A_658 = arith.constant 6143 : i32
        %min3A_659 = vector.broadcast %min3A_658 : i32 to vector<16xi32>
        %min3A_660 = arith.minsi %convert_element_type3A_657, %min3A_659 : vector<16xi32>
        tpu.vector_store_idx %arg7[%min3A_660], %broadcast_in_dim3A_35 {add = true} : memref<9728xf32, #tpu.memory_space<vmem>>[vector<16xi32>], vector<16xf32>,
        %mul3A_661 = arith.mulf %exp3A_378, %div3A_441 : vector<16xf32>
        %eq3A_662 = arith.constant 12 : i32
        %eq3A_663 = vector.broadcast %eq3A_662 : i32 to vector<16xi32>
        %eq3A_664 = arith.cmpi eq, %get3A_445, %eq3A_663 : vector<16xi32>
        %sub3A_665 = arith.constant 2.000000e+00 : f32
        %sub3A_666 = vector.broadcast %sub3A_665 : f32 to vector<16xf32>
        %sub3A_667 = arith.subf %sub3A_666, %mul3A_661 : vector<16xf32>
        %select_n3A_668 = arith.select %eq3A_664, %sub3A_667, %mul3A_661 : vector<16xi1>, vector<16xf32>
        %mul3A_669 = arith.constant 2.560000e+02 : f32
        %mul3A_670 = vector.broadcast %mul3A_669 : f32 to vector<16xf32>
        %mul3A_671 = arith.mulf %select_n3A_668, %mul3A_670 : vector<16xf32>
        %add3A_672 = arith.constant 6.144000e+03 : f32
        %add3A_673 = vector.broadcast %add3A_672 : f32 to vector<16xf32>
        %add3A_674 = arith.addf %mul3A_671, %add3A_673 : vector<16xf32>
        %convert_element_type3A_675 = arith.fptosi %add3A_674 : vector<16xf32> to vector<16xi32>
        %min3A_676 = arith.constant 6655 : i32
        %min3A_677 = vector.broadcast %min3A_676 : i32 to vector<16xi32>
        %min3A_678 = arith.minsi %convert_element_type3A_675, %min3A_677 : vector<16xi32>
        tpu.vector_store_idx %arg7[%min3A_678], %broadcast_in_dim3A_35 {add = true} : memref<9728xf32, #tpu.memory_space<vmem>>[vector<16xi32>], vector<16xf32>,
        %mul3A_679 = arith.mulf %exp3A_385, %div3A_441 : vector<16xf32>
        %eq3A_680 = arith.constant 13 : i32
        %eq3A_681 = vector.broadcast %eq3A_680 : i32 to vector<16xi32>
        %eq3A_682 = arith.cmpi eq, %get3A_445, %eq3A_681 : vector<16xi32>
        %sub3A_683 = arith.constant 2.000000e+00 : f32
        %sub3A_684 = vector.broadcast %sub3A_683 : f32 to vector<16xf32>
        %sub3A_685 = arith.subf %sub3A_684, %mul3A_679 : vector<16xf32>
        %select_n3A_686 = arith.select %eq3A_682, %sub3A_685, %mul3A_679 : vector<16xi1>, vector<16xf32>
        %mul3A_687 = arith.constant 2.560000e+02 : f32
        %mul3A_688 = vector.broadcast %mul3A_687 : f32 to vector<16xf32>
        %mul3A_689 = arith.mulf %select_n3A_686, %mul3A_688 : vector<16xf32>
        %add3A_690 = arith.constant 6.656000e+03 : f32
        %add3A_691 = vector.broadcast %add3A_690 : f32 to vector<16xf32>
        %add3A_692 = arith.addf %mul3A_689, %add3A_691 : vector<16xf32>
        %convert_element_type3A_693 = arith.fptosi %add3A_692 : vector<16xf32> to vector<16xi32>
        %min3A_694 = arith.constant 7167 : i32
        %min3A_695 = vector.broadcast %min3A_694 : i32 to vector<16xi32>
        %min3A_696 = arith.minsi %convert_element_type3A_693, %min3A_695 : vector<16xi32>
        tpu.vector_store_idx %arg7[%min3A_696], %broadcast_in_dim3A_35 {add = true} : memref<9728xf32, #tpu.memory_space<vmem>>[vector<16xi32>], vector<16xf32>,
        %mul3A_697 = arith.mulf %exp3A_392, %div3A_441 : vector<16xf32>
        %eq3A_698 = arith.constant 14 : i32
        %eq3A_699 = vector.broadcast %eq3A_698 : i32 to vector<16xi32>
        %eq3A_700 = arith.cmpi eq, %get3A_445, %eq3A_699 : vector<16xi32>
        %sub3A_701 = arith.constant 2.000000e+00 : f32
        %sub3A_702 = vector.broadcast %sub3A_701 : f32 to vector<16xf32>
        %sub3A_703 = arith.subf %sub3A_702, %mul3A_697 : vector<16xf32>
        %select_n3A_704 = arith.select %eq3A_700, %sub3A_703, %mul3A_697 : vector<16xi1>, vector<16xf32>
        %mul3A_705 = arith.constant 2.560000e+02 : f32
        %mul3A_706 = vector.broadcast %mul3A_705 : f32 to vector<16xf32>
        %mul3A_707 = arith.mulf %select_n3A_704, %mul3A_706 : vector<16xf32>
        %add3A_708 = arith.constant 7.168000e+03 : f32
        %add3A_709 = vector.broadcast %add3A_708 : f32 to vector<16xf32>
        %add3A_710 = arith.addf %mul3A_707, %add3A_709 : vector<16xf32>
        %convert_element_type3A_711 = arith.fptosi %add3A_710 : vector<16xf32> to vector<16xi32>
        %min3A_712 = arith.constant 7679 : i32
        %min3A_713 = vector.broadcast %min3A_712 : i32 to vector<16xi32>
        %min3A_714 = arith.minsi %convert_element_type3A_711, %min3A_713 : vector<16xi32>
        tpu.vector_store_idx %arg7[%min3A_714], %broadcast_in_dim3A_35 {add = true} : memref<9728xf32, #tpu.memory_space<vmem>>[vector<16xi32>], vector<16xf32>,
        %mul3A_715 = arith.mulf %exp3A_399, %div3A_441 : vector<16xf32>
        %eq3A_716 = arith.constant 15 : i32
        %eq3A_717 = vector.broadcast %eq3A_716 : i32 to vector<16xi32>
        %eq3A_718 = arith.cmpi eq, %get3A_445, %eq3A_717 : vector<16xi32>
        %sub3A_719 = arith.constant 2.000000e+00 : f32
        %sub3A_720 = vector.broadcast %sub3A_719 : f32 to vector<16xf32>
        %sub3A_721 = arith.subf %sub3A_720, %mul3A_715 : vector<16xf32>
        %select_n3A_722 = arith.select %eq3A_718, %sub3A_721, %mul3A_715 : vector<16xi1>, vector<16xf32>
        %mul3A_723 = arith.constant 2.560000e+02 : f32
        %mul3A_724 = vector.broadcast %mul3A_723 : f32 to vector<16xf32>
        %mul3A_725 = arith.mulf %select_n3A_722, %mul3A_724 : vector<16xf32>
        %add3A_726 = arith.constant 7.680000e+03 : f32
        %add3A_727 = vector.broadcast %add3A_726 : f32 to vector<16xf32>
        %add3A_728 = arith.addf %mul3A_725, %add3A_727 : vector<16xf32>
        %convert_element_type3A_729 = arith.fptosi %add3A_728 : vector<16xf32> to vector<16xi32>
        %min3A_730 = arith.constant 8191 : i32
        %min3A_731 = vector.broadcast %min3A_730 : i32 to vector<16xi32>
        %min3A_732 = arith.minsi %convert_element_type3A_729, %min3A_731 : vector<16xi32>
        tpu.vector_store_idx %arg7[%min3A_732], %broadcast_in_dim3A_35 {add = true} : memref<9728xf32, #tpu.memory_space<vmem>>[vector<16xi32>], vector<16xf32>,
        %mul3A_733 = arith.mulf %exp3A_406, %div3A_441 : vector<16xf32>
        %eq3A_734 = arith.constant 16 : i32
        %eq3A_735 = vector.broadcast %eq3A_734 : i32 to vector<16xi32>
        %eq3A_736 = arith.cmpi eq, %get3A_445, %eq3A_735 : vector<16xi32>
        %sub3A_737 = arith.constant 2.000000e+00 : f32
        %sub3A_738 = vector.broadcast %sub3A_737 : f32 to vector<16xf32>
        %sub3A_739 = arith.subf %sub3A_738, %mul3A_733 : vector<16xf32>
        %select_n3A_740 = arith.select %eq3A_736, %sub3A_739, %mul3A_733 : vector<16xi1>, vector<16xf32>
        %mul3A_741 = arith.constant 2.560000e+02 : f32
        %mul3A_742 = vector.broadcast %mul3A_741 : f32 to vector<16xf32>
        %mul3A_743 = arith.mulf %select_n3A_740, %mul3A_742 : vector<16xf32>
        %add3A_744 = arith.constant 8.192000e+03 : f32
        %add3A_745 = vector.broadcast %add3A_744 : f32 to vector<16xf32>
        %add3A_746 = arith.addf %mul3A_743, %add3A_745 : vector<16xf32>
        %convert_element_type3A_747 = arith.fptosi %add3A_746 : vector<16xf32> to vector<16xi32>
        %min3A_748 = arith.constant 8703 : i32
        %min3A_749 = vector.broadcast %min3A_748 : i32 to vector<16xi32>
        %min3A_750 = arith.minsi %convert_element_type3A_747, %min3A_749 : vector<16xi32>
        tpu.vector_store_idx %arg7[%min3A_750], %broadcast_in_dim3A_35 {add = true} : memref<9728xf32, #tpu.memory_space<vmem>>[vector<16xi32>], vector<16xf32>,
        %mul3A_751 = arith.mulf %exp3A_413, %div3A_441 : vector<16xf32>
        %eq3A_752 = arith.constant 17 : i32
        %eq3A_753 = vector.broadcast %eq3A_752 : i32 to vector<16xi32>
        %eq3A_754 = arith.cmpi eq, %get3A_445, %eq3A_753 : vector<16xi32>
        %sub3A_755 = arith.constant 2.000000e+00 : f32
        %sub3A_756 = vector.broadcast %sub3A_755 : f32 to vector<16xf32>
        %sub3A_757 = arith.subf %sub3A_756, %mul3A_751 : vector<16xf32>
        %select_n3A_758 = arith.select %eq3A_754, %sub3A_757, %mul3A_751 : vector<16xi1>, vector<16xf32>
        %mul3A_759 = arith.constant 2.560000e+02 : f32
        %mul3A_760 = vector.broadcast %mul3A_759 : f32 to vector<16xf32>
        %mul3A_761 = arith.mulf %select_n3A_758, %mul3A_760 : vector<16xf32>
        %add3A_762 = arith.constant 8.704000e+03 : f32
        %add3A_763 = vector.broadcast %add3A_762 : f32 to vector<16xf32>
        %add3A_764 = arith.addf %mul3A_761, %add3A_763 : vector<16xf32>
        %convert_element_type3A_765 = arith.fptosi %add3A_764 : vector<16xf32> to vector<16xi32>
        %min3A_766 = arith.constant 9215 : i32
        %min3A_767 = vector.broadcast %min3A_766 : i32 to vector<16xi32>
        %min3A_768 = arith.minsi %convert_element_type3A_765, %min3A_767 : vector<16xi32>
        tpu.vector_store_idx %arg7[%min3A_768], %broadcast_in_dim3A_35 {add = true} : memref<9728xf32, #tpu.memory_space<vmem>>[vector<16xi32>], vector<16xf32>,
        %mul3A_769 = arith.mulf %exp3A_420, %div3A_441 : vector<16xf32>
        %eq3A_770 = arith.constant 18 : i32
        %eq3A_771 = vector.broadcast %eq3A_770 : i32 to vector<16xi32>
        %eq3A_772 = arith.cmpi eq, %get3A_445, %eq3A_771 : vector<16xi32>
        %sub3A_773 = arith.constant 2.000000e+00 : f32
        %sub3A_774 = vector.broadcast %sub3A_773 : f32 to vector<16xf32>
        %sub3A_775 = arith.subf %sub3A_774, %mul3A_769 : vector<16xf32>
        %select_n3A_776 = arith.select %eq3A_772, %sub3A_775, %mul3A_769 : vector<16xi1>, vector<16xf32>
        %mul3A_777 = arith.constant 2.560000e+02 : f32
        %mul3A_778 = vector.broadcast %mul3A_777 : f32 to vector<16xf32>
        %mul3A_779 = arith.mulf %select_n3A_776, %mul3A_778 : vector<16xf32>
        %add3A_780 = arith.constant 9.216000e+03 : f32
        %add3A_781 = vector.broadcast %add3A_780 : f32 to vector<16xf32>
        %add3A_782 = arith.addf %mul3A_779, %add3A_781 : vector<16xf32>
        %convert_element_type3A_783 = arith.fptosi %add3A_782 : vector<16xf32> to vector<16xi32>
        %min3A_784 = arith.constant 9727 : i32
        %min3A_785 = vector.broadcast %min3A_784 : i32 to vector<16xi32>
        %min3A_786 = arith.minsi %convert_element_type3A_783, %min3A_785 : vector<16xi32>
        tpu.vector_store_idx %arg7[%min3A_786], %broadcast_in_dim3A_35 {add = true} : memref<9728xf32, #tpu.memory_space<vmem>>[vector<16xi32>], vector<16xf32>,
        %mul3A_787 = arith.constant 32 : i32
        %mul3A_788 = arith.muli %scan3A_286, %mul3A_787 : i32
        %add3A_789 = arith.constant 16 : i32
        %add3A_790 = arith.addi %mul3A_788, %add3A_789 : i32
        %get3A_791 = arith.constant 2 : i32
        %get3A_792 = arith.constant 0 : i32
        %get3A_793 = arith.index_cast %get3A_791 : i32 to index
        %get3A_794 = arith.index_cast %get3A_792 : i32 to index
        %get3A_795 = arith.index_cast %add3A_790 : i32 to index
        %get3A_796 = tpu.vector_load %arg5[%get3A_793, %get3A_794, %get3A_795] {strides = array<i32>} : memref<4x19x1024xf32, #tpu.memory_space<vmem>>, vector<16xf32>,
        %exp3A_797 = math.exp %get3A_796 : vector<16xf32>
        %get3A_798 = arith.constant 2 : i32
        %get3A_799 = arith.constant 1 : i32
        %get3A_800 = arith.index_cast %get3A_798 : i32 to index
        %get3A_801 = arith.index_cast %get3A_799 : i32 to index
        %get3A_802 = arith.index_cast %add3A_790 : i32 to index
        %get3A_803 = tpu.vector_load %arg5[%get3A_800, %get3A_801, %get3A_802] {strides = array<i32>} : memref<4x19x1024xf32, #tpu.memory_space<vmem>>, vector<16xf32>,
        %exp3A_804 = math.exp %get3A_803 : vector<16xf32>
        %get3A_805 = arith.constant 2 : i32
        %get3A_806 = arith.constant 2 : i32
        %get3A_807 = arith.index_cast %get3A_805 : i32 to index
        %get3A_808 = arith.index_cast %get3A_806 : i32 to index
        %get3A_809 = arith.index_cast %add3A_790 : i32 to index
        %get3A_810 = tpu.vector_load %arg5[%get3A_807, %get3A_808, %get3A_809] {strides = array<i32>} : memref<4x19x1024xf32, #tpu.memory_space<vmem>>, vector<16xf32>,
        %exp3A_811 = math.exp %get3A_810 : vector<16xf32>
        %get3A_812 = arith.constant 2 : i32
        %get3A_813 = arith.constant 3 : i32
        %get3A_814 = arith.index_cast %get3A_812 : i32 to index
        %get3A_815 = arith.index_cast %get3A_813 : i32 to index
        %get3A_816 = arith.index_cast %add3A_790 : i32 to index
        %get3A_817 = tpu.vector_load %arg5[%get3A_814, %get3A_815, %get3A_816] {strides = array<i32>} : memref<4x19x1024xf32, #tpu.memory_space<vmem>>, vector<16xf32>,
        %exp3A_818 = math.exp %get3A_817 : vector<16xf32>
        %get3A_819 = arith.constant 2 : i32
        %get3A_820 = arith.constant 4 : i32
        %get3A_821 = arith.index_cast %get3A_819 : i32 to index
        %get3A_822 = arith.index_cast %get3A_820 : i32 to index
        %get3A_823 = arith.index_cast %add3A_790 : i32 to index
        %get3A_824 = tpu.vector_load %arg5[%get3A_821, %get3A_822, %get3A_823] {strides = array<i32>} : memref<4x19x1024xf32, #tpu.memory_space<vmem>>, vector<16xf32>,
        %exp3A_825 = math.exp %get3A_824 : vector<16xf32>
        %get3A_826 = arith.constant 2 : i32
        %get3A_827 = arith.constant 5 : i32
        %get3A_828 = arith.index_cast %get3A_826 : i32 to index
        %get3A_829 = arith.index_cast %get3A_827 : i32 to index
        %get3A_830 = arith.index_cast %add3A_790 : i32 to index
        %get3A_831 = tpu.vector_load %arg5[%get3A_828, %get3A_829, %get3A_830] {strides = array<i32>} : memref<4x19x1024xf32, #tpu.memory_space<vmem>>, vector<16xf32>,
        %exp3A_832 = math.exp %get3A_831 : vector<16xf32>
        %get3A_833 = arith.constant 2 : i32
        %get3A_834 = arith.constant 6 : i32
        %get3A_835 = arith.index_cast %get3A_833 : i32 to index
        %get3A_836 = arith.index_cast %get3A_834 : i32 to index
        %get3A_837 = arith.index_cast %add3A_790 : i32 to index
        %get3A_838 = tpu.vector_load %arg5[%get3A_835, %get3A_836, %get3A_837] {strides = array<i32>} : memref<4x19x1024xf32, #tpu.memory_space<vmem>>, vector<16xf32>,
        %exp3A_839 = math.exp %get3A_838 : vector<16xf32>
        %get3A_840 = arith.constant 2 : i32
        %get3A_841 = arith.constant 7 : i32
        %get3A_842 = arith.index_cast %get3A_840 : i32 to index
        %get3A_843 = arith.index_cast %get3A_841 : i32 to index
        %get3A_844 = arith.index_cast %add3A_790 : i32 to index
        %get3A_845 = tpu.vector_load %arg5[%get3A_842, %get3A_843, %get3A_844] {strides = array<i32>} : memref<4x19x1024xf32, #tpu.memory_space<vmem>>, vector<16xf32>,
        %exp3A_846 = math.exp %get3A_845 : vector<16xf32>
        %get3A_847 = arith.constant 2 : i32
        %get3A_848 = arith.constant 8 : i32
        %get3A_849 = arith.index_cast %get3A_847 : i32 to index
        %get3A_850 = arith.index_cast %get3A_848 : i32 to index
        %get3A_851 = arith.index_cast %add3A_790 : i32 to index
        %get3A_852 = tpu.vector_load %arg5[%get3A_849, %get3A_850, %get3A_851] {strides = array<i32>} : memref<4x19x1024xf32, #tpu.memory_space<vmem>>, vector<16xf32>,
        %exp3A_853 = math.exp %get3A_852 : vector<16xf32>
        %get3A_854 = arith.constant 2 : i32
        %get3A_855 = arith.constant 9 : i32
        %get3A_856 = arith.index_cast %get3A_854 : i32 to index
        %get3A_857 = arith.index_cast %get3A_855 : i32 to index
        %get3A_858 = arith.index_cast %add3A_790 : i32 to index
        %get3A_859 = tpu.vector_load %arg5[%get3A_856, %get3A_857, %get3A_858] {strides = array<i32>} : memref<4x19x1024xf32, #tpu.memory_space<vmem>>, vector<16xf32>,
        %exp3A_860 = math.exp %get3A_859 : vector<16xf32>
        %get3A_861 = arith.constant 2 : i32
        %get3A_862 = arith.constant 10 : i32
        %get3A_863 = arith.index_cast %get3A_861 : i32 to index
        %get3A_864 = arith.index_cast %get3A_862 : i32 to index
        %get3A_865 = arith.index_cast %add3A_790 : i32 to index
        %get3A_866 = tpu.vector_load %arg5[%get3A_863, %get3A_864, %get3A_865] {strides = array<i32>} : memref<4x19x1024xf32, #tpu.memory_space<vmem>>, vector<16xf32>,
        %exp3A_867 = math.exp %get3A_866 : vector<16xf32>
        %get3A_868 = arith.constant 2 : i32
        %get3A_869 = arith.constant 11 : i32
        %get3A_870 = arith.index_cast %get3A_868 : i32 to index
        %get3A_871 = arith.index_cast %get3A_869 : i32 to index
        %get3A_872 = arith.index_cast %add3A_790 : i32 to index
        %get3A_873 = tpu.vector_load %arg5[%get3A_870, %get3A_871, %get3A_872] {strides = array<i32>} : memref<4x19x1024xf32, #tpu.memory_space<vmem>>, vector<16xf32>,
        %exp3A_874 = math.exp %get3A_873 : vector<16xf32>
        %get3A_875 = arith.constant 2 : i32
        %get3A_876 = arith.constant 12 : i32
        %get3A_877 = arith.index_cast %get3A_875 : i32 to index
        %get3A_878 = arith.index_cast %get3A_876 : i32 to index
        %get3A_879 = arith.index_cast %add3A_790 : i32 to index
        %get3A_880 = tpu.vector_load %arg5[%get3A_877, %get3A_878, %get3A_879] {strides = array<i32>} : memref<4x19x1024xf32, #tpu.memory_space<vmem>>, vector<16xf32>,
        %exp3A_881 = math.exp %get3A_880 : vector<16xf32>
        %get3A_882 = arith.constant 2 : i32
        %get3A_883 = arith.constant 13 : i32
        %get3A_884 = arith.index_cast %get3A_882 : i32 to index
        %get3A_885 = arith.index_cast %get3A_883 : i32 to index
        %get3A_886 = arith.index_cast %add3A_790 : i32 to index
        %get3A_887 = tpu.vector_load %arg5[%get3A_884, %get3A_885, %get3A_886] {strides = array<i32>} : memref<4x19x1024xf32, #tpu.memory_space<vmem>>, vector<16xf32>,
        %exp3A_888 = math.exp %get3A_887 : vector<16xf32>
        %get3A_889 = arith.constant 2 : i32
        %get3A_890 = arith.constant 14 : i32
        %get3A_891 = arith.index_cast %get3A_889 : i32 to index
        %get3A_892 = arith.index_cast %get3A_890 : i32 to index
        %get3A_893 = arith.index_cast %add3A_790 : i32 to index
        %get3A_894 = tpu.vector_load %arg5[%get3A_891, %get3A_892, %get3A_893] {strides = array<i32>} : memref<4x19x1024xf32, #tpu.memory_space<vmem>>, vector<16xf32>,
        %exp3A_895 = math.exp %get3A_894 : vector<16xf32>
        %get3A_896 = arith.constant 2 : i32
        %get3A_897 = arith.constant 15 : i32
        %get3A_898 = arith.index_cast %get3A_896 : i32 to index
        %get3A_899 = arith.index_cast %get3A_897 : i32 to index
        %get3A_900 = arith.index_cast %add3A_790 : i32 to index
        %get3A_901 = tpu.vector_load %arg5[%get3A_898, %get3A_899, %get3A_900] {strides = array<i32>} : memref<4x19x1024xf32, #tpu.memory_space<vmem>>, vector<16xf32>,
        %exp3A_902 = math.exp %get3A_901 : vector<16xf32>
        %get3A_903 = arith.constant 2 : i32
        %get3A_904 = arith.constant 16 : i32
        %get3A_905 = arith.index_cast %get3A_903 : i32 to index
        %get3A_906 = arith.index_cast %get3A_904 : i32 to index
        %get3A_907 = arith.index_cast %add3A_790 : i32 to index
        %get3A_908 = tpu.vector_load %arg5[%get3A_905, %get3A_906, %get3A_907] {strides = array<i32>} : memref<4x19x1024xf32, #tpu.memory_space<vmem>>, vector<16xf32>,
        %exp3A_909 = math.exp %get3A_908 : vector<16xf32>
        %get3A_910 = arith.constant 2 : i32
        %get3A_911 = arith.constant 17 : i32
        %get3A_912 = arith.index_cast %get3A_910 : i32 to index
        %get3A_913 = arith.index_cast %get3A_911 : i32 to index
        %get3A_914 = arith.index_cast %add3A_790 : i32 to index
        %get3A_915 = tpu.vector_load %arg5[%get3A_912, %get3A_913, %get3A_914] {strides = array<i32>} : memref<4x19x1024xf32, #tpu.memory_space<vmem>>, vector<16xf32>,
        %exp3A_916 = math.exp %get3A_915 : vector<16xf32>
        %get3A_917 = arith.constant 2 : i32
        %get3A_918 = arith.constant 18 : i32
        %get3A_919 = arith.index_cast %get3A_917 : i32 to index
        %get3A_920 = arith.index_cast %get3A_918 : i32 to index
        %get3A_921 = arith.index_cast %add3A_790 : i32 to index
        %get3A_922 = tpu.vector_load %arg5[%get3A_919, %get3A_920, %get3A_921] {strides = array<i32>} : memref<4x19x1024xf32, #tpu.memory_space<vmem>>, vector<16xf32>,
        %exp3A_923 = math.exp %get3A_922 : vector<16xf32>
        %add3A_924 = arith.addf %exp3A_797, %exp3A_804 : vector<16xf32>
        %add3A_925 = arith.addf %exp3A_811, %exp3A_818 : vector<16xf32>
        %add3A_926 = arith.addf %exp3A_825, %exp3A_832 : vector<16xf32>
        %add3A_927 = arith.addf %exp3A_839, %exp3A_846 : vector<16xf32>
        %add3A_928 = arith.addf %exp3A_853, %exp3A_860 : vector<16xf32>
        %add3A_929 = arith.addf %exp3A_867, %exp3A_874 : vector<16xf32>
        %add3A_930 = arith.addf %exp3A_881, %exp3A_888 : vector<16xf32>
        %add3A_931 = arith.addf %exp3A_895, %exp3A_902 : vector<16xf32>
        %add3A_932 = arith.addf %exp3A_909, %exp3A_916 : vector<16xf32>
        %add3A_933 = arith.addf %add3A_924, %add3A_925 : vector<16xf32>
        %add3A_934 = arith.addf %add3A_926, %add3A_927 : vector<16xf32>
        %add3A_935 = arith.addf %add3A_928, %add3A_929 : vector<16xf32>
        %add3A_936 = arith.addf %add3A_930, %add3A_931 : vector<16xf32>
        %add3A_937 = arith.addf %add3A_932, %exp3A_923 : vector<16xf32>
        %add3A_938 = arith.addf %add3A_933, %add3A_934 : vector<16xf32>
        %add3A_939 = arith.addf %add3A_935, %add3A_936 : vector<16xf32>
        %add3A_940 = arith.addf %add3A_938, %add3A_939 : vector<16xf32>
        %add3A_941 = arith.addf %add3A_940, %add3A_937 : vector<16xf32>
        %div3A_942 = arith.constant 1.000000e+00 : f32
        %div3A_943 = vector.broadcast %div3A_942 : f32 to vector<16xf32>
        %div3A_944 = arith.divf %div3A_943, %add3A_941 : vector<16xf32>
        %get3A_945 = arith.constant 2 : i32
        %get3A_946 = arith.index_cast %get3A_945 : i32 to index
        %get3A_947 = arith.index_cast %add3A_790 : i32 to index
        %get3A_948 = tpu.vector_load %arg6[%get3A_946, %get3A_947] {strides = array<i32>} : memref<4x1024xi32, #tpu.memory_space<vmem>>, vector<16xi32>,
        %mul3A_949 = arith.mulf %exp3A_797, %div3A_944 : vector<16xf32>
        %eq3A_950 = arith.constant 0 : i32
        %eq3A_951 = vector.broadcast %eq3A_950 : i32 to vector<16xi32>
        %eq3A_952 = arith.cmpi eq, %get3A_948, %eq3A_951 : vector<16xi32>
        %sub3A_953 = arith.constant 2.000000e+00 : f32
        %sub3A_954 = vector.broadcast %sub3A_953 : f32 to vector<16xf32>
        %sub3A_955 = arith.subf %sub3A_954, %mul3A_949 : vector<16xf32>
        %select_n3A_956 = arith.select %eq3A_952, %sub3A_955, %mul3A_949 : vector<16xi1>, vector<16xf32>
        %mul3A_957 = arith.constant 2.560000e+02 : f32
        %mul3A_958 = vector.broadcast %mul3A_957 : f32 to vector<16xf32>
        %mul3A_959 = arith.mulf %select_n3A_956, %mul3A_958 : vector<16xf32>
        %add3A_960 = arith.constant 0.000000e+00 : f32
        %add3A_961 = vector.broadcast %add3A_960 : f32 to vector<16xf32>
        %add3A_962 = arith.addf %mul3A_959, %add3A_961 : vector<16xf32>
        %convert_element_type3A_963 = arith.fptosi %add3A_962 : vector<16xf32> to vector<16xi32>
        %min3A_964 = arith.constant 511 : i32
        %min3A_965 = vector.broadcast %min3A_964 : i32 to vector<16xi32>
        %min3A_966 = arith.minsi %convert_element_type3A_963, %min3A_965 : vector<16xi32>
        tpu.vector_store_idx %arg7[%min3A_966], %broadcast_in_dim3A_35 {add = true} : memref<9728xf32, #tpu.memory_space<vmem>>[vector<16xi32>], vector<16xf32>,
        %mul3A_967 = arith.mulf %exp3A_804, %div3A_944 : vector<16xf32>
        %eq3A_968 = arith.constant 1 : i32
        %eq3A_969 = vector.broadcast %eq3A_968 : i32 to vector<16xi32>
        %eq3A_970 = arith.cmpi eq, %get3A_948, %eq3A_969 : vector<16xi32>
        %sub3A_971 = arith.constant 2.000000e+00 : f32
        %sub3A_972 = vector.broadcast %sub3A_971 : f32 to vector<16xf32>
        %sub3A_973 = arith.subf %sub3A_972, %mul3A_967 : vector<16xf32>
        %select_n3A_974 = arith.select %eq3A_970, %sub3A_973, %mul3A_967 : vector<16xi1>, vector<16xf32>
        %mul3A_975 = arith.constant 2.560000e+02 : f32
        %mul3A_976 = vector.broadcast %mul3A_975 : f32 to vector<16xf32>
        %mul3A_977 = arith.mulf %select_n3A_974, %mul3A_976 : vector<16xf32>
        %add3A_978 = arith.constant 5.120000e+02 : f32
        %add3A_979 = vector.broadcast %add3A_978 : f32 to vector<16xf32>
        %add3A_980 = arith.addf %mul3A_977, %add3A_979 : vector<16xf32>
        %convert_element_type3A_981 = arith.fptosi %add3A_980 : vector<16xf32> to vector<16xi32>
        %min3A_982 = arith.constant 1023 : i32
        %min3A_983 = vector.broadcast %min3A_982 : i32 to vector<16xi32>
        %min3A_984 = arith.minsi %convert_element_type3A_981, %min3A_983 : vector<16xi32>
        tpu.vector_store_idx %arg7[%min3A_984], %broadcast_in_dim3A_35 {add = true} : memref<9728xf32, #tpu.memory_space<vmem>>[vector<16xi32>], vector<16xf32>,
        %mul3A_985 = arith.mulf %exp3A_811, %div3A_944 : vector<16xf32>
        %eq3A_986 = arith.constant 2 : i32
        %eq3A_987 = vector.broadcast %eq3A_986 : i32 to vector<16xi32>
        %eq3A_988 = arith.cmpi eq, %get3A_948, %eq3A_987 : vector<16xi32>
        %sub3A_989 = arith.constant 2.000000e+00 : f32
        %sub3A_990 = vector.broadcast %sub3A_989 : f32 to vector<16xf32>
        %sub3A_991 = arith.subf %sub3A_990, %mul3A_985 : vector<16xf32>
        %select_n3A_992 = arith.select %eq3A_988, %sub3A_991, %mul3A_985 : vector<16xi1>, vector<16xf32>
        %mul3A_993 = arith.constant 2.560000e+02 : f32
        %mul3A_994 = vector.broadcast %mul3A_993 : f32 to vector<16xf32>
        %mul3A_995 = arith.mulf %select_n3A_992, %mul3A_994 : vector<16xf32>
        %add3A_996 = arith.constant 1.024000e+03 : f32
        %add3A_997 = vector.broadcast %add3A_996 : f32 to vector<16xf32>
        %add3A_998 = arith.addf %mul3A_995, %add3A_997 : vector<16xf32>
        %convert_element_type3A_999 = arith.fptosi %add3A_998 : vector<16xf32> to vector<16xi32>
        %min3A_1000 = arith.constant 1535 : i32
        %min3A_1001 = vector.broadcast %min3A_1000 : i32 to vector<16xi32>
        %min3A_1002 = arith.minsi %convert_element_type3A_999, %min3A_1001 : vector<16xi32>
        tpu.vector_store_idx %arg7[%min3A_1002], %broadcast_in_dim3A_35 {add = true} : memref<9728xf32, #tpu.memory_space<vmem>>[vector<16xi32>], vector<16xf32>,
        %mul3A_1003 = arith.mulf %exp3A_818, %div3A_944 : vector<16xf32>
        %eq3A_1004 = arith.constant 3 : i32
        %eq3A_1005 = vector.broadcast %eq3A_1004 : i32 to vector<16xi32>
        %eq3A_1006 = arith.cmpi eq, %get3A_948, %eq3A_1005 : vector<16xi32>
        %sub3A_1007 = arith.constant 2.000000e+00 : f32
        %sub3A_1008 = vector.broadcast %sub3A_1007 : f32 to vector<16xf32>
        %sub3A_1009 = arith.subf %sub3A_1008, %mul3A_1003 : vector<16xf32>
        %select_n3A_1010 = arith.select %eq3A_1006, %sub3A_1009, %mul3A_1003 : vector<16xi1>, vector<16xf32>
        %mul3A_1011 = arith.constant 2.560000e+02 : f32
        %mul3A_1012 = vector.broadcast %mul3A_1011 : f32 to vector<16xf32>
        %mul3A_1013 = arith.mulf %select_n3A_1010, %mul3A_1012 : vector<16xf32>
        %add3A_1014 = arith.constant 1.536000e+03 : f32
        %add3A_1015 = vector.broadcast %add3A_1014 : f32 to vector<16xf32>
        %add3A_1016 = arith.addf %mul3A_1013, %add3A_1015 : vector<16xf32>
        %convert_element_type3A_1017 = arith.fptosi %add3A_1016 : vector<16xf32> to vector<16xi32>
        %min3A_1018 = arith.constant 2047 : i32
        %min3A_1019 = vector.broadcast %min3A_1018 : i32 to vector<16xi32>
        %min3A_1020 = arith.minsi %convert_element_type3A_1017, %min3A_1019 : vector<16xi32>
        tpu.vector_store_idx %arg7[%min3A_1020], %broadcast_in_dim3A_35 {add = true} : memref<9728xf32, #tpu.memory_space<vmem>>[vector<16xi32>], vector<16xf32>,
        %mul3A_1021 = arith.mulf %exp3A_825, %div3A_944 : vector<16xf32>
        %eq3A_1022 = arith.constant 4 : i32
        %eq3A_1023 = vector.broadcast %eq3A_1022 : i32 to vector<16xi32>
        %eq3A_1024 = arith.cmpi eq, %get3A_948, %eq3A_1023 : vector<16xi32>
        %sub3A_1025 = arith.constant 2.000000e+00 : f32
        %sub3A_1026 = vector.broadcast %sub3A_1025 : f32 to vector<16xf32>
        %sub3A_1027 = arith.subf %sub3A_1026, %mul3A_1021 : vector<16xf32>
        %select_n3A_1028 = arith.select %eq3A_1024, %sub3A_1027, %mul3A_1021 : vector<16xi1>, vector<16xf32>
        %mul3A_1029 = arith.constant 2.560000e+02 : f32
        %mul3A_1030 = vector.broadcast %mul3A_1029 : f32 to vector<16xf32>
        %mul3A_1031 = arith.mulf %select_n3A_1028, %mul3A_1030 : vector<16xf32>
        %add3A_1032 = arith.constant 2.048000e+03 : f32
        %add3A_1033 = vector.broadcast %add3A_1032 : f32 to vector<16xf32>
        %add3A_1034 = arith.addf %mul3A_1031, %add3A_1033 : vector<16xf32>
        %convert_element_type3A_1035 = arith.fptosi %add3A_1034 : vector<16xf32> to vector<16xi32>
        %min3A_1036 = arith.constant 2559 : i32
        %min3A_1037 = vector.broadcast %min3A_1036 : i32 to vector<16xi32>
        %min3A_1038 = arith.minsi %convert_element_type3A_1035, %min3A_1037 : vector<16xi32>
        tpu.vector_store_idx %arg7[%min3A_1038], %broadcast_in_dim3A_35 {add = true} : memref<9728xf32, #tpu.memory_space<vmem>>[vector<16xi32>], vector<16xf32>,
        %mul3A_1039 = arith.mulf %exp3A_832, %div3A_944 : vector<16xf32>
        %eq3A_1040 = arith.constant 5 : i32
        %eq3A_1041 = vector.broadcast %eq3A_1040 : i32 to vector<16xi32>
        %eq3A_1042 = arith.cmpi eq, %get3A_948, %eq3A_1041 : vector<16xi32>
        %sub3A_1043 = arith.constant 2.000000e+00 : f32
        %sub3A_1044 = vector.broadcast %sub3A_1043 : f32 to vector<16xf32>
        %sub3A_1045 = arith.subf %sub3A_1044, %mul3A_1039 : vector<16xf32>
        %select_n3A_1046 = arith.select %eq3A_1042, %sub3A_1045, %mul3A_1039 : vector<16xi1>, vector<16xf32>
        %mul3A_1047 = arith.constant 2.560000e+02 : f32
        %mul3A_1048 = vector.broadcast %mul3A_1047 : f32 to vector<16xf32>
        %mul3A_1049 = arith.mulf %select_n3A_1046, %mul3A_1048 : vector<16xf32>
        %add3A_1050 = arith.constant 2.560000e+03 : f32
        %add3A_1051 = vector.broadcast %add3A_1050 : f32 to vector<16xf32>
        %add3A_1052 = arith.addf %mul3A_1049, %add3A_1051 : vector<16xf32>
        %convert_element_type3A_1053 = arith.fptosi %add3A_1052 : vector<16xf32> to vector<16xi32>
        %min3A_1054 = arith.constant 3071 : i32
        %min3A_1055 = vector.broadcast %min3A_1054 : i32 to vector<16xi32>
        %min3A_1056 = arith.minsi %convert_element_type3A_1053, %min3A_1055 : vector<16xi32>
        tpu.vector_store_idx %arg7[%min3A_1056], %broadcast_in_dim3A_35 {add = true} : memref<9728xf32, #tpu.memory_space<vmem>>[vector<16xi32>], vector<16xf32>,
        %mul3A_1057 = arith.mulf %exp3A_839, %div3A_944 : vector<16xf32>
        %eq3A_1058 = arith.constant 6 : i32
        %eq3A_1059 = vector.broadcast %eq3A_1058 : i32 to vector<16xi32>
        %eq3A_1060 = arith.cmpi eq, %get3A_948, %eq3A_1059 : vector<16xi32>
        %sub3A_1061 = arith.constant 2.000000e+00 : f32
        %sub3A_1062 = vector.broadcast %sub3A_1061 : f32 to vector<16xf32>
        %sub3A_1063 = arith.subf %sub3A_1062, %mul3A_1057 : vector<16xf32>
        %select_n3A_1064 = arith.select %eq3A_1060, %sub3A_1063, %mul3A_1057 : vector<16xi1>, vector<16xf32>
        %mul3A_1065 = arith.constant 2.560000e+02 : f32
        %mul3A_1066 = vector.broadcast %mul3A_1065 : f32 to vector<16xf32>
        %mul3A_1067 = arith.mulf %select_n3A_1064, %mul3A_1066 : vector<16xf32>
        %add3A_1068 = arith.constant 3.072000e+03 : f32
        %add3A_1069 = vector.broadcast %add3A_1068 : f32 to vector<16xf32>
        %add3A_1070 = arith.addf %mul3A_1067, %add3A_1069 : vector<16xf32>
        %convert_element_type3A_1071 = arith.fptosi %add3A_1070 : vector<16xf32> to vector<16xi32>
        %min3A_1072 = arith.constant 3583 : i32
        %min3A_1073 = vector.broadcast %min3A_1072 : i32 to vector<16xi32>
        %min3A_1074 = arith.minsi %convert_element_type3A_1071, %min3A_1073 : vector<16xi32>
        tpu.vector_store_idx %arg7[%min3A_1074], %broadcast_in_dim3A_35 {add = true} : memref<9728xf32, #tpu.memory_space<vmem>>[vector<16xi32>], vector<16xf32>,
        %mul3A_1075 = arith.mulf %exp3A_846, %div3A_944 : vector<16xf32>
        %eq3A_1076 = arith.constant 7 : i32
        %eq3A_1077 = vector.broadcast %eq3A_1076 : i32 to vector<16xi32>
        %eq3A_1078 = arith.cmpi eq, %get3A_948, %eq3A_1077 : vector<16xi32>
        %sub3A_1079 = arith.constant 2.000000e+00 : f32
        %sub3A_1080 = vector.broadcast %sub3A_1079 : f32 to vector<16xf32>
        %sub3A_1081 = arith.subf %sub3A_1080, %mul3A_1075 : vector<16xf32>
        %select_n3A_1082 = arith.select %eq3A_1078, %sub3A_1081, %mul3A_1075 : vector<16xi1>, vector<16xf32>
        %mul3A_1083 = arith.constant 2.560000e+02 : f32
        %mul3A_1084 = vector.broadcast %mul3A_1083 : f32 to vector<16xf32>
        %mul3A_1085 = arith.mulf %select_n3A_1082, %mul3A_1084 : vector<16xf32>
        %add3A_1086 = arith.constant 3.584000e+03 : f32
        %add3A_1087 = vector.broadcast %add3A_1086 : f32 to vector<16xf32>
        %add3A_1088 = arith.addf %mul3A_1085, %add3A_1087 : vector<16xf32>
        %convert_element_type3A_1089 = arith.fptosi %add3A_1088 : vector<16xf32> to vector<16xi32>
        %min3A_1090 = arith.constant 4095 : i32
        %min3A_1091 = vector.broadcast %min3A_1090 : i32 to vector<16xi32>
        %min3A_1092 = arith.minsi %convert_element_type3A_1089, %min3A_1091 : vector<16xi32>
        tpu.vector_store_idx %arg7[%min3A_1092], %broadcast_in_dim3A_35 {add = true} : memref<9728xf32, #tpu.memory_space<vmem>>[vector<16xi32>], vector<16xf32>,
        %mul3A_1093 = arith.mulf %exp3A_853, %div3A_944 : vector<16xf32>
        %eq3A_1094 = arith.constant 8 : i32
        %eq3A_1095 = vector.broadcast %eq3A_1094 : i32 to vector<16xi32>
        %eq3A_1096 = arith.cmpi eq, %get3A_948, %eq3A_1095 : vector<16xi32>
        %sub3A_1097 = arith.constant 2.000000e+00 : f32
        %sub3A_1098 = vector.broadcast %sub3A_1097 : f32 to vector<16xf32>
        %sub3A_1099 = arith.subf %sub3A_1098, %mul3A_1093 : vector<16xf32>
        %select_n3A_1100 = arith.select %eq3A_1096, %sub3A_1099, %mul3A_1093 : vector<16xi1>, vector<16xf32>
        %mul3A_1101 = arith.constant 2.560000e+02 : f32
        %mul3A_1102 = vector.broadcast %mul3A_1101 : f32 to vector<16xf32>
        %mul3A_1103 = arith.mulf %select_n3A_1100, %mul3A_1102 : vector<16xf32>
        %add3A_1104 = arith.constant 4.096000e+03 : f32
        %add3A_1105 = vector.broadcast %add3A_1104 : f32 to vector<16xf32>
        %add3A_1106 = arith.addf %mul3A_1103, %add3A_1105 : vector<16xf32>
        %convert_element_type3A_1107 = arith.fptosi %add3A_1106 : vector<16xf32> to vector<16xi32>
        %min3A_1108 = arith.constant 4607 : i32
        %min3A_1109 = vector.broadcast %min3A_1108 : i32 to vector<16xi32>
        %min3A_1110 = arith.minsi %convert_element_type3A_1107, %min3A_1109 : vector<16xi32>
        tpu.vector_store_idx %arg7[%min3A_1110], %broadcast_in_dim3A_35 {add = true} : memref<9728xf32, #tpu.memory_space<vmem>>[vector<16xi32>], vector<16xf32>,
        %mul3A_1111 = arith.mulf %exp3A_860, %div3A_944 : vector<16xf32>
        %eq3A_1112 = arith.constant 9 : i32
        %eq3A_1113 = vector.broadcast %eq3A_1112 : i32 to vector<16xi32>
        %eq3A_1114 = arith.cmpi eq, %get3A_948, %eq3A_1113 : vector<16xi32>
        %sub3A_1115 = arith.constant 2.000000e+00 : f32
        %sub3A_1116 = vector.broadcast %sub3A_1115 : f32 to vector<16xf32>
        %sub3A_1117 = arith.subf %sub3A_1116, %mul3A_1111 : vector<16xf32>
        %select_n3A_1118 = arith.select %eq3A_1114, %sub3A_1117, %mul3A_1111 : vector<16xi1>, vector<16xf32>
        %mul3A_1119 = arith.constant 2.560000e+02 : f32
        %mul3A_1120 = vector.broadcast %mul3A_1119 : f32 to vector<16xf32>
        %mul3A_1121 = arith.mulf %select_n3A_1118, %mul3A_1120 : vector<16xf32>
        %add3A_1122 = arith.constant 4.608000e+03 : f32
        %add3A_1123 = vector.broadcast %add3A_1122 : f32 to vector<16xf32>
        %add3A_1124 = arith.addf %mul3A_1121, %add3A_1123 : vector<16xf32>
        %convert_element_type3A_1125 = arith.fptosi %add3A_1124 : vector<16xf32> to vector<16xi32>
        %min3A_1126 = arith.constant 5119 : i32
        %min3A_1127 = vector.broadcast %min3A_1126 : i32 to vector<16xi32>
        %min3A_1128 = arith.minsi %convert_element_type3A_1125, %min3A_1127 : vector<16xi32>
        tpu.vector_store_idx %arg7[%min3A_1128], %broadcast_in_dim3A_35 {add = true} : memref<9728xf32, #tpu.memory_space<vmem>>[vector<16xi32>], vector<16xf32>,
        %mul3A_1129 = arith.mulf %exp3A_867, %div3A_944 : vector<16xf32>
        %eq3A_1130 = arith.constant 10 : i32
        %eq3A_1131 = vector.broadcast %eq3A_1130 : i32 to vector<16xi32>
        %eq3A_1132 = arith.cmpi eq, %get3A_948, %eq3A_1131 : vector<16xi32>
        %sub3A_1133 = arith.constant 2.000000e+00 : f32
        %sub3A_1134 = vector.broadcast %sub3A_1133 : f32 to vector<16xf32>
        %sub3A_1135 = arith.subf %sub3A_1134, %mul3A_1129 : vector<16xf32>
        %select_n3A_1136 = arith.select %eq3A_1132, %sub3A_1135, %mul3A_1129 : vector<16xi1>, vector<16xf32>
        %mul3A_1137 = arith.constant 2.560000e+02 : f32
        %mul3A_1138 = vector.broadcast %mul3A_1137 : f32 to vector<16xf32>
        %mul3A_1139 = arith.mulf %select_n3A_1136, %mul3A_1138 : vector<16xf32>
        %add3A_1140 = arith.constant 5.120000e+03 : f32
        %add3A_1141 = vector.broadcast %add3A_1140 : f32 to vector<16xf32>
        %add3A_1142 = arith.addf %mul3A_1139, %add3A_1141 : vector<16xf32>
        %convert_element_type3A_1143 = arith.fptosi %add3A_1142 : vector<16xf32> to vector<16xi32>
        %min3A_1144 = arith.constant 5631 : i32
        %min3A_1145 = vector.broadcast %min3A_1144 : i32 to vector<16xi32>
        %min3A_1146 = arith.minsi %convert_element_type3A_1143, %min3A_1145 : vector<16xi32>
        tpu.vector_store_idx %arg7[%min3A_1146], %broadcast_in_dim3A_35 {add = true} : memref<9728xf32, #tpu.memory_space<vmem>>[vector<16xi32>], vector<16xf32>,
        %mul3A_1147 = arith.mulf %exp3A_874, %div3A_944 : vector<16xf32>
        %eq3A_1148 = arith.constant 11 : i32
        %eq3A_1149 = vector.broadcast %eq3A_1148 : i32 to vector<16xi32>
        %eq3A_1150 = arith.cmpi eq, %get3A_948, %eq3A_1149 : vector<16xi32>
        %sub3A_1151 = arith.constant 2.000000e+00 : f32
        %sub3A_1152 = vector.broadcast %sub3A_1151 : f32 to vector<16xf32>
        %sub3A_1153 = arith.subf %sub3A_1152, %mul3A_1147 : vector<16xf32>
        %select_n3A_1154 = arith.select %eq3A_1150, %sub3A_1153, %mul3A_1147 : vector<16xi1>, vector<16xf32>
        %mul3A_1155 = arith.constant 2.560000e+02 : f32
        %mul3A_1156 = vector.broadcast %mul3A_1155 : f32 to vector<16xf32>
        %mul3A_1157 = arith.mulf %select_n3A_1154, %mul3A_1156 : vector<16xf32>
        %add3A_1158 = arith.constant 5.632000e+03 : f32
        %add3A_1159 = vector.broadcast %add3A_1158 : f32 to vector<16xf32>
        %add3A_1160 = arith.addf %mul3A_1157, %add3A_1159 : vector<16xf32>
        %convert_element_type3A_1161 = arith.fptosi %add3A_1160 : vector<16xf32> to vector<16xi32>
        %min3A_1162 = arith.constant 6143 : i32
        %min3A_1163 = vector.broadcast %min3A_1162 : i32 to vector<16xi32>
        %min3A_1164 = arith.minsi %convert_element_type3A_1161, %min3A_1163 : vector<16xi32>
        tpu.vector_store_idx %arg7[%min3A_1164], %broadcast_in_dim3A_35 {add = true} : memref<9728xf32, #tpu.memory_space<vmem>>[vector<16xi32>], vector<16xf32>,
        %mul3A_1165 = arith.mulf %exp3A_881, %div3A_944 : vector<16xf32>
        %eq3A_1166 = arith.constant 12 : i32
        %eq3A_1167 = vector.broadcast %eq3A_1166 : i32 to vector<16xi32>
        %eq3A_1168 = arith.cmpi eq, %get3A_948, %eq3A_1167 : vector<16xi32>
        %sub3A_1169 = arith.constant 2.000000e+00 : f32
        %sub3A_1170 = vector.broadcast %sub3A_1169 : f32 to vector<16xf32>
        %sub3A_1171 = arith.subf %sub3A_1170, %mul3A_1165 : vector<16xf32>
        %select_n3A_1172 = arith.select %eq3A_1168, %sub3A_1171, %mul3A_1165 : vector<16xi1>, vector<16xf32>
        %mul3A_1173 = arith.constant 2.560000e+02 : f32
        %mul3A_1174 = vector.broadcast %mul3A_1173 : f32 to vector<16xf32>
        %mul3A_1175 = arith.mulf %select_n3A_1172, %mul3A_1174 : vector<16xf32>
        %add3A_1176 = arith.constant 6.144000e+03 : f32
        %add3A_1177 = vector.broadcast %add3A_1176 : f32 to vector<16xf32>
        %add3A_1178 = arith.addf %mul3A_1175, %add3A_1177 : vector<16xf32>
        %convert_element_type3A_1179 = arith.fptosi %add3A_1178 : vector<16xf32> to vector<16xi32>
        %min3A_1180 = arith.constant 6655 : i32
        %min3A_1181 = vector.broadcast %min3A_1180 : i32 to vector<16xi32>
        %min3A_1182 = arith.minsi %convert_element_type3A_1179, %min3A_1181 : vector<16xi32>
        tpu.vector_store_idx %arg7[%min3A_1182], %broadcast_in_dim3A_35 {add = true} : memref<9728xf32, #tpu.memory_space<vmem>>[vector<16xi32>], vector<16xf32>,
        %mul3A_1183 = arith.mulf %exp3A_888, %div3A_944 : vector<16xf32>
        %eq3A_1184 = arith.constant 13 : i32
        %eq3A_1185 = vector.broadcast %eq3A_1184 : i32 to vector<16xi32>
        %eq3A_1186 = arith.cmpi eq, %get3A_948, %eq3A_1185 : vector<16xi32>
        %sub3A_1187 = arith.constant 2.000000e+00 : f32
        %sub3A_1188 = vector.broadcast %sub3A_1187 : f32 to vector<16xf32>
        %sub3A_1189 = arith.subf %sub3A_1188, %mul3A_1183 : vector<16xf32>
        %select_n3A_1190 = arith.select %eq3A_1186, %sub3A_1189, %mul3A_1183 : vector<16xi1>, vector<16xf32>
        %mul3A_1191 = arith.constant 2.560000e+02 : f32
        %mul3A_1192 = vector.broadcast %mul3A_1191 : f32 to vector<16xf32>
        %mul3A_1193 = arith.mulf %select_n3A_1190, %mul3A_1192 : vector<16xf32>
        %add3A_1194 = arith.constant 6.656000e+03 : f32
        %add3A_1195 = vector.broadcast %add3A_1194 : f32 to vector<16xf32>
        %add3A_1196 = arith.addf %mul3A_1193, %add3A_1195 : vector<16xf32>
        %convert_element_type3A_1197 = arith.fptosi %add3A_1196 : vector<16xf32> to vector<16xi32>
        %min3A_1198 = arith.constant 7167 : i32
        %min3A_1199 = vector.broadcast %min3A_1198 : i32 to vector<16xi32>
        %min3A_1200 = arith.minsi %convert_element_type3A_1197, %min3A_1199 : vector<16xi32>
        tpu.vector_store_idx %arg7[%min3A_1200], %broadcast_in_dim3A_35 {add = true} : memref<9728xf32, #tpu.memory_space<vmem>>[vector<16xi32>], vector<16xf32>,
        %mul3A_1201 = arith.mulf %exp3A_895, %div3A_944 : vector<16xf32>
        %eq3A_1202 = arith.constant 14 : i32
        %eq3A_1203 = vector.broadcast %eq3A_1202 : i32 to vector<16xi32>
        %eq3A_1204 = arith.cmpi eq, %get3A_948, %eq3A_1203 : vector<16xi32>
        %sub3A_1205 = arith.constant 2.000000e+00 : f32
        %sub3A_1206 = vector.broadcast %sub3A_1205 : f32 to vector<16xf32>
        %sub3A_1207 = arith.subf %sub3A_1206, %mul3A_1201 : vector<16xf32>
        %select_n3A_1208 = arith.select %eq3A_1204, %sub3A_1207, %mul3A_1201 : vector<16xi1>, vector<16xf32>
        %mul3A_1209 = arith.constant 2.560000e+02 : f32
        %mul3A_1210 = vector.broadcast %mul3A_1209 : f32 to vector<16xf32>
        %mul3A_1211 = arith.mulf %select_n3A_1208, %mul3A_1210 : vector<16xf32>
        %add3A_1212 = arith.constant 7.168000e+03 : f32
        %add3A_1213 = vector.broadcast %add3A_1212 : f32 to vector<16xf32>
        %add3A_1214 = arith.addf %mul3A_1211, %add3A_1213 : vector<16xf32>
        %convert_element_type3A_1215 = arith.fptosi %add3A_1214 : vector<16xf32> to vector<16xi32>
        %min3A_1216 = arith.constant 7679 : i32
        %min3A_1217 = vector.broadcast %min3A_1216 : i32 to vector<16xi32>
        %min3A_1218 = arith.minsi %convert_element_type3A_1215, %min3A_1217 : vector<16xi32>
        tpu.vector_store_idx %arg7[%min3A_1218], %broadcast_in_dim3A_35 {add = true} : memref<9728xf32, #tpu.memory_space<vmem>>[vector<16xi32>], vector<16xf32>,
        %mul3A_1219 = arith.mulf %exp3A_902, %div3A_944 : vector<16xf32>
        %eq3A_1220 = arith.constant 15 : i32
        %eq3A_1221 = vector.broadcast %eq3A_1220 : i32 to vector<16xi32>
        %eq3A_1222 = arith.cmpi eq, %get3A_948, %eq3A_1221 : vector<16xi32>
        %sub3A_1223 = arith.constant 2.000000e+00 : f32
        %sub3A_1224 = vector.broadcast %sub3A_1223 : f32 to vector<16xf32>
        %sub3A_1225 = arith.subf %sub3A_1224, %mul3A_1219 : vector<16xf32>
        %select_n3A_1226 = arith.select %eq3A_1222, %sub3A_1225, %mul3A_1219 : vector<16xi1>, vector<16xf32>
        %mul3A_1227 = arith.constant 2.560000e+02 : f32
        %mul3A_1228 = vector.broadcast %mul3A_1227 : f32 to vector<16xf32>
        %mul3A_1229 = arith.mulf %select_n3A_1226, %mul3A_1228 : vector<16xf32>
        %add3A_1230 = arith.constant 7.680000e+03 : f32
        %add3A_1231 = vector.broadcast %add3A_1230 : f32 to vector<16xf32>
        %add3A_1232 = arith.addf %mul3A_1229, %add3A_1231 : vector<16xf32>
        %convert_element_type3A_1233 = arith.fptosi %add3A_1232 : vector<16xf32> to vector<16xi32>
        %min3A_1234 = arith.constant 8191 : i32
        %min3A_1235 = vector.broadcast %min3A_1234 : i32 to vector<16xi32>
        %min3A_1236 = arith.minsi %convert_element_type3A_1233, %min3A_1235 : vector<16xi32>
        tpu.vector_store_idx %arg7[%min3A_1236], %broadcast_in_dim3A_35 {add = true} : memref<9728xf32, #tpu.memory_space<vmem>>[vector<16xi32>], vector<16xf32>,
        %mul3A_1237 = arith.mulf %exp3A_909, %div3A_944 : vector<16xf32>
        %eq3A_1238 = arith.constant 16 : i32
        %eq3A_1239 = vector.broadcast %eq3A_1238 : i32 to vector<16xi32>
        %eq3A_1240 = arith.cmpi eq, %get3A_948, %eq3A_1239 : vector<16xi32>
        %sub3A_1241 = arith.constant 2.000000e+00 : f32
        %sub3A_1242 = vector.broadcast %sub3A_1241 : f32 to vector<16xf32>
        %sub3A_1243 = arith.subf %sub3A_1242, %mul3A_1237 : vector<16xf32>
        %select_n3A_1244 = arith.select %eq3A_1240, %sub3A_1243, %mul3A_1237 : vector<16xi1>, vector<16xf32>
        %mul3A_1245 = arith.constant 2.560000e+02 : f32
        %mul3A_1246 = vector.broadcast %mul3A_1245 : f32 to vector<16xf32>
        %mul3A_1247 = arith.mulf %select_n3A_1244, %mul3A_1246 : vector<16xf32>
        %add3A_1248 = arith.constant 8.192000e+03 : f32
        %add3A_1249 = vector.broadcast %add3A_1248 : f32 to vector<16xf32>
        %add3A_1250 = arith.addf %mul3A_1247, %add3A_1249 : vector<16xf32>
        %convert_element_type3A_1251 = arith.fptosi %add3A_1250 : vector<16xf32> to vector<16xi32>
        %min3A_1252 = arith.constant 8703 : i32
        %min3A_1253 = vector.broadcast %min3A_1252 : i32 to vector<16xi32>
        %min3A_1254 = arith.minsi %convert_element_type3A_1251, %min3A_1253 : vector<16xi32>
        tpu.vector_store_idx %arg7[%min3A_1254], %broadcast_in_dim3A_35 {add = true} : memref<9728xf32, #tpu.memory_space<vmem>>[vector<16xi32>], vector<16xf32>,
        %mul3A_1255 = arith.mulf %exp3A_916, %div3A_944 : vector<16xf32>
        %eq3A_1256 = arith.constant 17 : i32
        %eq3A_1257 = vector.broadcast %eq3A_1256 : i32 to vector<16xi32>
        %eq3A_1258 = arith.cmpi eq, %get3A_948, %eq3A_1257 : vector<16xi32>
        %sub3A_1259 = arith.constant 2.000000e+00 : f32
        %sub3A_1260 = vector.broadcast %sub3A_1259 : f32 to vector<16xf32>
        %sub3A_1261 = arith.subf %sub3A_1260, %mul3A_1255 : vector<16xf32>
        %select_n3A_1262 = arith.select %eq3A_1258, %sub3A_1261, %mul3A_1255 : vector<16xi1>, vector<16xf32>
        %mul3A_1263 = arith.constant 2.560000e+02 : f32
        %mul3A_1264 = vector.broadcast %mul3A_1263 : f32 to vector<16xf32>
        %mul3A_1265 = arith.mulf %select_n3A_1262, %mul3A_1264 : vector<16xf32>
        %add3A_1266 = arith.constant 8.704000e+03 : f32
        %add3A_1267 = vector.broadcast %add3A_1266 : f32 to vector<16xf32>
        %add3A_1268 = arith.addf %mul3A_1265, %add3A_1267 : vector<16xf32>
        %convert_element_type3A_1269 = arith.fptosi %add3A_1268 : vector<16xf32> to vector<16xi32>
        %min3A_1270 = arith.constant 9215 : i32
        %min3A_1271 = vector.broadcast %min3A_1270 : i32 to vector<16xi32>
        %min3A_1272 = arith.minsi %convert_element_type3A_1269, %min3A_1271 : vector<16xi32>
        tpu.vector_store_idx %arg7[%min3A_1272], %broadcast_in_dim3A_35 {add = true} : memref<9728xf32, #tpu.memory_space<vmem>>[vector<16xi32>], vector<16xf32>,
        %mul3A_1273 = arith.mulf %exp3A_923, %div3A_944 : vector<16xf32>
        %eq3A_1274 = arith.constant 18 : i32
        %eq3A_1275 = vector.broadcast %eq3A_1274 : i32 to vector<16xi32>
        %eq3A_1276 = arith.cmpi eq, %get3A_948, %eq3A_1275 : vector<16xi32>
        %sub3A_1277 = arith.constant 2.000000e+00 : f32
        %sub3A_1278 = vector.broadcast %sub3A_1277 : f32 to vector<16xf32>
        %sub3A_1279 = arith.subf %sub3A_1278, %mul3A_1273 : vector<16xf32>
        %select_n3A_1280 = arith.select %eq3A_1276, %sub3A_1279, %mul3A_1273 : vector<16xi1>, vector<16xf32>
        %mul3A_1281 = arith.constant 2.560000e+02 : f32
        %mul3A_1282 = vector.broadcast %mul3A_1281 : f32 to vector<16xf32>
        %mul3A_1283 = arith.mulf %select_n3A_1280, %mul3A_1282 : vector<16xf32>
        %add3A_1284 = arith.constant 9.216000e+03 : f32
        %add3A_1285 = vector.broadcast %add3A_1284 : f32 to vector<16xf32>
        %add3A_1286 = arith.addf %mul3A_1283, %add3A_1285 : vector<16xf32>
        %convert_element_type3A_1287 = arith.fptosi %add3A_1286 : vector<16xf32> to vector<16xi32>
        %min3A_1288 = arith.constant 9727 : i32
        %min3A_1289 = vector.broadcast %min3A_1288 : i32 to vector<16xi32>
        %min3A_1290 = arith.minsi %convert_element_type3A_1287, %min3A_1289 : vector<16xi32>
        tpu.vector_store_idx %arg7[%min3A_1290], %broadcast_in_dim3A_35 {add = true} : memref<9728xf32, #tpu.memory_space<vmem>>[vector<16xi32>], vector<16xf32>,
        %scan3A_1291 = arith.constant 0 : i32
        scf.yield %scan3A_1291 : i32
      }
      %scan3A_232 = arith.constant 32 : i32
      %add3A_233 = arith.constant 4 : i32
      %add3A_234 = arith.addi %add3A_202, %add3A_233 : i32
      %sub3A_235 = arith.constant 1 : i32
      %sub3A_236 = arith.subi %add3A_234, %sub3A_235 : i32
      %lt3A_237 = arith.constant 32 : i32
      %lt3A_238 = arith.cmpi slt, %sub3A_236, %lt3A_237 : i32
      %convert_element_type3A_239 = arith.extui %lt3A_238 : i1 to i32
      %cond3A_240 = arith.constant 0 : i32
      %cond3A_241 = arith.cmpi ne, %convert_element_type3A_239, %cond3A_240 : i32
      scf.if %cond3A_241 {
        %add3A_286 = arith.constant 4 : i32
        %add3A_287 = arith.addi %add3A_202, %add3A_286 : i32
        %sub3A_288 = arith.constant 1 : i32
        %sub3A_289 = arith.subi %add3A_287, %sub3A_288 : i32
        %mul3A_290 = arith.constant 1024 : i32
        %mul3A_291 = arith.muli %sub3A_289, %mul3A_290 : i32
        %add3A_292 = arith.addi %mul3A_32, %mul3A_291 : i32
        %dma_start3A_293 = arith.constant 1 : i32
        %dma_start3A_294 = arith.constant 0 : i32
        %dma_start3A_295 = arith.constant 0 : i32
        %dma_start3A_296 = tpu.memref_slice %arg5[%dma_start3A_293, %dma_start3A_294, %dma_start3A_295] : memref<4x19x1024xf32, #tpu.memory_space<vmem>> -> memref<1x19x1024xf32, #tpu.memory_space<vmem>>
        %dma_start3A_297 = arith.constant 0 : i32
        %dma_start3A_298 = tpu.memref_slice %arg2[%select_n3A, %dma_start3A_297, %add3A_292] : memref<4x19x262144xf32, #tpu.memory_space<hbm>> -> memref<1x19x1024xf32, #tpu.memory_space<hbm>>
        %dma_start3A_299 = arith.constant 1 : i32
        %dma_start3A_300 = arith.constant 0 : i32
        %dma_start3A_301 = arith.constant 0 : i32
        %dma_start3A_302 = tpu.memref_slice %arg5[%dma_start3A_299, %dma_start3A_300, %dma_start3A_301] : memref<4x19x1024xf32, #tpu.memory_space<vmem>> -> memref<1x19x1024xf32, #tpu.memory_space<vmem>>
        %dma_start3A_303 = arith.constant 0 : i32
        %dma_start3A_304 = tpu.memref_slice %arg2[%select_n3A, %dma_start3A_303, %add3A_292] : memref<4x19x262144xf32, #tpu.memory_space<hbm>> -> memref<1x19x1024xf32, #tpu.memory_space<hbm>>
        tpu.enqueue_dma source(%dma_start3A_304 : memref<1x19x1024xf32, #tpu.memory_space<hbm>>) target(%dma_start3A_302 : memref<1x19x1024xf32, #tpu.memory_space<vmem>>) target_semaphore(%arg8 : memref<!tpu.dma_semaphore, #tpu.memory_space<semaphore_mem>>)
        %dma_start3A_305 = arith.constant 1 : i32
        %dma_start3A_306 = arith.constant 0 : i32
        %dma_start3A_307 = tpu.memref_slice %arg6[%dma_start3A_305, %dma_start3A_306] : memref<4x1024xi32, #tpu.memory_space<vmem>> -> memref<1x1024xi32, #tpu.memory_space<vmem>>
        %dma_start3A_308 = tpu.memref_slice %arg3[%select_n3A, %add3A_292] : memref<4x262144xi32, #tpu.memory_space<hbm>> -> memref<1x1024xi32, #tpu.memory_space<hbm>>
        %dma_start3A_309 = arith.constant 1 : i32
        %dma_start3A_310 = arith.constant 0 : i32
        %dma_start3A_311 = tpu.memref_slice %arg6[%dma_start3A_309, %dma_start3A_310] : memref<4x1024xi32, #tpu.memory_space<vmem>> -> memref<1x1024xi32, #tpu.memory_space<vmem>>
        %dma_start3A_312 = tpu.memref_slice %arg3[%select_n3A, %add3A_292] : memref<4x262144xi32, #tpu.memory_space<hbm>> -> memref<1x1024xi32, #tpu.memory_space<hbm>>
        tpu.enqueue_dma source(%dma_start3A_312 : memref<1x1024xi32, #tpu.memory_space<hbm>>) target(%dma_start3A_311 : memref<1x1024xi32, #tpu.memory_space<vmem>>) target_semaphore(%arg8 : memref<!tpu.dma_semaphore, #tpu.memory_space<semaphore_mem>>)
      } else {
      }
      %mul3A_242 = arith.constant 4 : i32
      %mul3A_243 = arith.muli %scan3A_114, %mul3A_242 : i32
      %add3A_244 = arith.constant 3 : i32
      %add3A_245 = arith.addi %mul3A_243, %add3A_244 : i32
      %mul3A_246 = arith.constant 1024 : i32
      %mul3A_247 = arith.muli %add3A_245, %mul3A_246 : i32
      %add3A_248 = arith.addi %mul3A_32, %mul3A_247 : i32
      %dma_wait3A_249 = arith.constant 3 : i32
      %dma_wait3A_250 = arith.constant 0 : i32
      %dma_wait3A_251 = arith.constant 0 : i32
      %dma_wait3A_252 = tpu.memref_slice %arg5[%dma_wait3A_249, %dma_wait3A_250, %dma_wait3A_251] : memref<4x19x1024xf32, #tpu.memory_space<vmem>> -> memref<1x19x1024xf32, #tpu.memory_space<vmem>>
      %dma_wait3A_253 = arith.constant 0 : i32
      %dma_wait3A_254 = tpu.memref_slice %arg2[%select_n3A, %dma_wait3A_253, %add3A_248] : memref<4x19x262144xf32, #tpu.memory_space<hbm>> -> memref<1x19x1024xf32, #tpu.memory_space<hbm>>
      %dma_wait3A_255 = arith.constant 3 : i32
      %dma_wait3A_256 = arith.constant 0 : i32
      %dma_wait3A_257 = arith.constant 0 : i32
      %dma_wait3A_258 = tpu.memref_slice %arg5[%dma_wait3A_255, %dma_wait3A_256, %dma_wait3A_257] : memref<4x19x1024xf32, #tpu.memory_space<vmem>> -> memref<1x19x1024xf32, #tpu.memory_space<vmem>>
      %dma_wait3A_259 = arith.constant 0 : i32
      %dma_wait3A_260 = tpu.memref_slice %arg2[%select_n3A, %dma_wait3A_259, %add3A_248] : memref<4x19x262144xf32, #tpu.memory_space<hbm>> -> memref<1x19x1024xf32, #tpu.memory_space<hbm>>
      tpu.wait_dma2 semaphore(%arg8 : memref<!tpu.dma_semaphore, #tpu.memory_space<semaphore_mem>>) src(%dma_wait3A_260 : memref<1x19x1024xf32, #tpu.memory_space<hbm>>) dst(%dma_wait3A_258 : memref<1x19x1024xf32, #tpu.memory_space<vmem>>)
      %dma_wait3A_261 = arith.constant 3 : i32
      %dma_wait3A_262 = arith.constant 0 : i32
      %dma_wait3A_263 = tpu.memref_slice %arg6[%dma_wait3A_261, %dma_wait3A_262] : memref<4x1024xi32, #tpu.memory_space<vmem>> -> memref<1x1024xi32, #tpu.memory_space<vmem>>
      %dma_wait3A_264 = tpu.memref_slice %arg3[%select_n3A, %add3A_248] : memref<4x262144xi32, #tpu.memory_space<hbm>> -> memref<1x1024xi32, #tpu.memory_space<hbm>>
      %dma_wait3A_265 = arith.constant 3 : i32
      %dma_wait3A_266 = arith.constant 0 : i32
      %dma_wait3A_267 = tpu.memref_slice %arg6[%dma_wait3A_265, %dma_wait3A_266] : memref<4x1024xi32, #tpu.memory_space<vmem>> -> memref<1x1024xi32, #tpu.memory_space<vmem>>
      %dma_wait3A_268 = tpu.memref_slice %arg3[%select_n3A, %add3A_248] : memref<4x262144xi32, #tpu.memory_space<hbm>> -> memref<1x1024xi32, #tpu.memory_space<hbm>>
      tpu.wait_dma2 semaphore(%arg8 : memref<!tpu.dma_semaphore, #tpu.memory_space<semaphore_mem>>) src(%dma_wait3A_268 : memref<1x1024xi32, #tpu.memory_space<hbm>>) dst(%dma_wait3A_267 : memref<1x1024xi32, #tpu.memory_space<vmem>>)
      %scan3A_269 = arith.constant 0 : i32
      %scan3A_270 = arith.constant 0 : i32
      %scan3A_271 = arith.constant 32 : i32
      %scan3A_272 = arith.addi %scan3A_270, %scan3A_271 : i32
      %scan3A_273 = arith.constant 1 : i32
      %scan3A_274 = scf.for %scan3A_286 = %scan3A_270 to %scan3A_272 step %scan3A_273 iter_args(%scan3A_287 = %scan3A_269) -> (i32)  : i32 {
        %mul3A_288 = arith.constant 32 : i32
        %mul3A_289 = arith.muli %scan3A_286, %mul3A_288 : i32
        %get3A = arith.constant 3 : i32
        %get3A_290 = arith.constant 0 : i32
        %get3A_291 = arith.index_cast %get3A : i32 to index
        %get3A_292 = arith.index_cast %get3A_290 : i32 to index
        %get3A_293 = arith.index_cast %mul3A_289 : i32 to index
        %get3A_294 = tpu.vector_load %arg5[%get3A_291, %get3A_292, %get3A_293] {strides = array<i32>} : memref<4x19x1024xf32, #tpu.memory_space<vmem>>, vector<16xf32>,
        %exp3A = math.exp %get3A_294 : vector<16xf32>
        %get3A_295 = arith.constant 3 : i32
        %get3A_296 = arith.constant 1 : i32
        %get3A_297 = arith.index_cast %get3A_295 : i32 to index
        %get3A_298 = arith.index_cast %get3A_296 : i32 to index
        %get3A_299 = arith.index_cast %mul3A_289 : i32 to index
        %get3A_300 = tpu.vector_load %arg5[%get3A_297, %get3A_298, %get3A_299] {strides = array<i32>} : memref<4x19x1024xf32, #tpu.memory_space<vmem>>, vector<16xf32>,
        %exp3A_301 = math.exp %get3A_300 : vector<16xf32>
        %get3A_302 = arith.constant 3 : i32
        %get3A_303 = arith.constant 2 : i32
        %get3A_304 = arith.index_cast %get3A_302 : i32 to index
        %get3A_305 = arith.index_cast %get3A_303 : i32 to index
        %get3A_306 = arith.index_cast %mul3A_289 : i32 to index
        %get3A_307 = tpu.vector_load %arg5[%get3A_304, %get3A_305, %get3A_306] {strides = array<i32>} : memref<4x19x1024xf32, #tpu.memory_space<vmem>>, vector<16xf32>,
        %exp3A_308 = math.exp %get3A_307 : vector<16xf32>
        %get3A_309 = arith.constant 3 : i32
        %get3A_310 = arith.constant 3 : i32
        %get3A_311 = arith.index_cast %get3A_309 : i32 to index
        %get3A_312 = arith.index_cast %get3A_310 : i32 to index
        %get3A_313 = arith.index_cast %mul3A_289 : i32 to index
        %get3A_314 = tpu.vector_load %arg5[%get3A_311, %get3A_312, %get3A_313] {strides = array<i32>} : memref<4x19x1024xf32, #tpu.memory_space<vmem>>, vector<16xf32>,
        %exp3A_315 = math.exp %get3A_314 : vector<16xf32>
        %get3A_316 = arith.constant 3 : i32
        %get3A_317 = arith.constant 4 : i32
        %get3A_318 = arith.index_cast %get3A_316 : i32 to index
        %get3A_319 = arith.index_cast %get3A_317 : i32 to index
        %get3A_320 = arith.index_cast %mul3A_289 : i32 to index
        %get3A_321 = tpu.vector_load %arg5[%get3A_318, %get3A_319, %get3A_320] {strides = array<i32>} : memref<4x19x1024xf32, #tpu.memory_space<vmem>>, vector<16xf32>,
        %exp3A_322 = math.exp %get3A_321 : vector<16xf32>
        %get3A_323 = arith.constant 3 : i32
        %get3A_324 = arith.constant 5 : i32
        %get3A_325 = arith.index_cast %get3A_323 : i32 to index
        %get3A_326 = arith.index_cast %get3A_324 : i32 to index
        %get3A_327 = arith.index_cast %mul3A_289 : i32 to index
        %get3A_328 = tpu.vector_load %arg5[%get3A_325, %get3A_326, %get3A_327] {strides = array<i32>} : memref<4x19x1024xf32, #tpu.memory_space<vmem>>, vector<16xf32>,
        %exp3A_329 = math.exp %get3A_328 : vector<16xf32>
        %get3A_330 = arith.constant 3 : i32
        %get3A_331 = arith.constant 6 : i32
        %get3A_332 = arith.index_cast %get3A_330 : i32 to index
        %get3A_333 = arith.index_cast %get3A_331 : i32 to index
        %get3A_334 = arith.index_cast %mul3A_289 : i32 to index
        %get3A_335 = tpu.vector_load %arg5[%get3A_332, %get3A_333, %get3A_334] {strides = array<i32>} : memref<4x19x1024xf32, #tpu.memory_space<vmem>>, vector<16xf32>,
        %exp3A_336 = math.exp %get3A_335 : vector<16xf32>
        %get3A_337 = arith.constant 3 : i32
        %get3A_338 = arith.constant 7 : i32
        %get3A_339 = arith.index_cast %get3A_337 : i32 to index
        %get3A_340 = arith.index_cast %get3A_338 : i32 to index
        %get3A_341 = arith.index_cast %mul3A_289 : i32 to index
        %get3A_342 = tpu.vector_load %arg5[%get3A_339, %get3A_340, %get3A_341] {strides = array<i32>} : memref<4x19x1024xf32, #tpu.memory_space<vmem>>, vector<16xf32>,
        %exp3A_343 = math.exp %get3A_342 : vector<16xf32>
        %get3A_344 = arith.constant 3 : i32
        %get3A_345 = arith.constant 8 : i32
        %get3A_346 = arith.index_cast %get3A_344 : i32 to index
        %get3A_347 = arith.index_cast %get3A_345 : i32 to index
        %get3A_348 = arith.index_cast %mul3A_289 : i32 to index
        %get3A_349 = tpu.vector_load %arg5[%get3A_346, %get3A_347, %get3A_348] {strides = array<i32>} : memref<4x19x1024xf32, #tpu.memory_space<vmem>>, vector<16xf32>,
        %exp3A_350 = math.exp %get3A_349 : vector<16xf32>
        %get3A_351 = arith.constant 3 : i32
        %get3A_352 = arith.constant 9 : i32
        %get3A_353 = arith.index_cast %get3A_351 : i32 to index
        %get3A_354 = arith.index_cast %get3A_352 : i32 to index
        %get3A_355 = arith.index_cast %mul3A_289 : i32 to index
        %get3A_356 = tpu.vector_load %arg5[%get3A_353, %get3A_354, %get3A_355] {strides = array<i32>} : memref<4x19x1024xf32, #tpu.memory_space<vmem>>, vector<16xf32>,
        %exp3A_357 = math.exp %get3A_356 : vector<16xf32>
        %get3A_358 = arith.constant 3 : i32
        %get3A_359 = arith.constant 10 : i32
        %get3A_360 = arith.index_cast %get3A_358 : i32 to index
        %get3A_361 = arith.index_cast %get3A_359 : i32 to index
        %get3A_362 = arith.index_cast %mul3A_289 : i32 to index
        %get3A_363 = tpu.vector_load %arg5[%get3A_360, %get3A_361, %get3A_362] {strides = array<i32>} : memref<4x19x1024xf32, #tpu.memory_space<vmem>>, vector<16xf32>,
        %exp3A_364 = math.exp %get3A_363 : vector<16xf32>
        %get3A_365 = arith.constant 3 : i32
        %get3A_366 = arith.constant 11 : i32
        %get3A_367 = arith.index_cast %get3A_365 : i32 to index
        %get3A_368 = arith.index_cast %get3A_366 : i32 to index
        %get3A_369 = arith.index_cast %mul3A_289 : i32 to index
        %get3A_370 = tpu.vector_load %arg5[%get3A_367, %get3A_368, %get3A_369] {strides = array<i32>} : memref<4x19x1024xf32, #tpu.memory_space<vmem>>, vector<16xf32>,
        %exp3A_371 = math.exp %get3A_370 : vector<16xf32>
        %get3A_372 = arith.constant 3 : i32
        %get3A_373 = arith.constant 12 : i32
        %get3A_374 = arith.index_cast %get3A_372 : i32 to index
        %get3A_375 = arith.index_cast %get3A_373 : i32 to index
        %get3A_376 = arith.index_cast %mul3A_289 : i32 to index
        %get3A_377 = tpu.vector_load %arg5[%get3A_374, %get3A_375, %get3A_376] {strides = array<i32>} : memref<4x19x1024xf32, #tpu.memory_space<vmem>>, vector<16xf32>,
        %exp3A_378 = math.exp %get3A_377 : vector<16xf32>
        %get3A_379 = arith.constant 3 : i32
        %get3A_380 = arith.constant 13 : i32
        %get3A_381 = arith.index_cast %get3A_379 : i32 to index
        %get3A_382 = arith.index_cast %get3A_380 : i32 to index
        %get3A_383 = arith.index_cast %mul3A_289 : i32 to index
        %get3A_384 = tpu.vector_load %arg5[%get3A_381, %get3A_382, %get3A_383] {strides = array<i32>} : memref<4x19x1024xf32, #tpu.memory_space<vmem>>, vector<16xf32>,
        %exp3A_385 = math.exp %get3A_384 : vector<16xf32>
        %get3A_386 = arith.constant 3 : i32
        %get3A_387 = arith.constant 14 : i32
        %get3A_388 = arith.index_cast %get3A_386 : i32 to index
        %get3A_389 = arith.index_cast %get3A_387 : i32 to index
        %get3A_390 = arith.index_cast %mul3A_289 : i32 to index
        %get3A_391 = tpu.vector_load %arg5[%get3A_388, %get3A_389, %get3A_390] {strides = array<i32>} : memref<4x19x1024xf32, #tpu.memory_space<vmem>>, vector<16xf32>,
        %exp3A_392 = math.exp %get3A_391 : vector<16xf32>
        %get3A_393 = arith.constant 3 : i32
        %get3A_394 = arith.constant 15 : i32
        %get3A_395 = arith.index_cast %get3A_393 : i32 to index
        %get3A_396 = arith.index_cast %get3A_394 : i32 to index
        %get3A_397 = arith.index_cast %mul3A_289 : i32 to index
        %get3A_398 = tpu.vector_load %arg5[%get3A_395, %get3A_396, %get3A_397] {strides = array<i32>} : memref<4x19x1024xf32, #tpu.memory_space<vmem>>, vector<16xf32>,
        %exp3A_399 = math.exp %get3A_398 : vector<16xf32>
        %get3A_400 = arith.constant 3 : i32
        %get3A_401 = arith.constant 16 : i32
        %get3A_402 = arith.index_cast %get3A_400 : i32 to index
        %get3A_403 = arith.index_cast %get3A_401 : i32 to index
        %get3A_404 = arith.index_cast %mul3A_289 : i32 to index
        %get3A_405 = tpu.vector_load %arg5[%get3A_402, %get3A_403, %get3A_404] {strides = array<i32>} : memref<4x19x1024xf32, #tpu.memory_space<vmem>>, vector<16xf32>,
        %exp3A_406 = math.exp %get3A_405 : vector<16xf32>
        %get3A_407 = arith.constant 3 : i32
        %get3A_408 = arith.constant 17 : i32
        %get3A_409 = arith.index_cast %get3A_407 : i32 to index
        %get3A_410 = arith.index_cast %get3A_408 : i32 to index
        %get3A_411 = arith.index_cast %mul3A_289 : i32 to index
        %get3A_412 = tpu.vector_load %arg5[%get3A_409, %get3A_410, %get3A_411] {strides = array<i32>} : memref<4x19x1024xf32, #tpu.memory_space<vmem>>, vector<16xf32>,
        %exp3A_413 = math.exp %get3A_412 : vector<16xf32>
        %get3A_414 = arith.constant 3 : i32
        %get3A_415 = arith.constant 18 : i32
        %get3A_416 = arith.index_cast %get3A_414 : i32 to index
        %get3A_417 = arith.index_cast %get3A_415 : i32 to index
        %get3A_418 = arith.index_cast %mul3A_289 : i32 to index
        %get3A_419 = tpu.vector_load %arg5[%get3A_416, %get3A_417, %get3A_418] {strides = array<i32>} : memref<4x19x1024xf32, #tpu.memory_space<vmem>>, vector<16xf32>,
        %exp3A_420 = math.exp %get3A_419 : vector<16xf32>
        %add3A_421 = arith.addf %exp3A, %exp3A_301 : vector<16xf32>
        %add3A_422 = arith.addf %exp3A_308, %exp3A_315 : vector<16xf32>
        %add3A_423 = arith.addf %exp3A_322, %exp3A_329 : vector<16xf32>
        %add3A_424 = arith.addf %exp3A_336, %exp3A_343 : vector<16xf32>
        %add3A_425 = arith.addf %exp3A_350, %exp3A_357 : vector<16xf32>
        %add3A_426 = arith.addf %exp3A_364, %exp3A_371 : vector<16xf32>
        %add3A_427 = arith.addf %exp3A_378, %exp3A_385 : vector<16xf32>
        %add3A_428 = arith.addf %exp3A_392, %exp3A_399 : vector<16xf32>
        %add3A_429 = arith.addf %exp3A_406, %exp3A_413 : vector<16xf32>
        %add3A_430 = arith.addf %add3A_421, %add3A_422 : vector<16xf32>
        %add3A_431 = arith.addf %add3A_423, %add3A_424 : vector<16xf32>
        %add3A_432 = arith.addf %add3A_425, %add3A_426 : vector<16xf32>
        %add3A_433 = arith.addf %add3A_427, %add3A_428 : vector<16xf32>
        %add3A_434 = arith.addf %add3A_429, %exp3A_420 : vector<16xf32>
        %add3A_435 = arith.addf %add3A_430, %add3A_431 : vector<16xf32>
        %add3A_436 = arith.addf %add3A_432, %add3A_433 : vector<16xf32>
        %add3A_437 = arith.addf %add3A_435, %add3A_436 : vector<16xf32>
        %add3A_438 = arith.addf %add3A_437, %add3A_434 : vector<16xf32>
        %div3A_439 = arith.constant 1.000000e+00 : f32
        %div3A_440 = vector.broadcast %div3A_439 : f32 to vector<16xf32>
        %div3A_441 = arith.divf %div3A_440, %add3A_438 : vector<16xf32>
        %get3A_442 = arith.constant 3 : i32
        %get3A_443 = arith.index_cast %get3A_442 : i32 to index
        %get3A_444 = arith.index_cast %mul3A_289 : i32 to index
        %get3A_445 = tpu.vector_load %arg6[%get3A_443, %get3A_444] {strides = array<i32>} : memref<4x1024xi32, #tpu.memory_space<vmem>>, vector<16xi32>,
        %mul3A_446 = arith.mulf %exp3A, %div3A_441 : vector<16xf32>
        %eq3A_447 = arith.constant 0 : i32
        %eq3A_448 = vector.broadcast %eq3A_447 : i32 to vector<16xi32>
        %eq3A_449 = arith.cmpi eq, %get3A_445, %eq3A_448 : vector<16xi32>
        %sub3A_450 = arith.constant 2.000000e+00 : f32
        %sub3A_451 = vector.broadcast %sub3A_450 : f32 to vector<16xf32>
        %sub3A_452 = arith.subf %sub3A_451, %mul3A_446 : vector<16xf32>
        %select_n3A_453 = arith.select %eq3A_449, %sub3A_452, %mul3A_446 : vector<16xi1>, vector<16xf32>
        %mul3A_454 = arith.constant 2.560000e+02 : f32
        %mul3A_455 = vector.broadcast %mul3A_454 : f32 to vector<16xf32>
        %mul3A_456 = arith.mulf %select_n3A_453, %mul3A_455 : vector<16xf32>
        %add3A_457 = arith.constant 0.000000e+00 : f32
        %add3A_458 = vector.broadcast %add3A_457 : f32 to vector<16xf32>
        %add3A_459 = arith.addf %mul3A_456, %add3A_458 : vector<16xf32>
        %convert_element_type3A_460 = arith.fptosi %add3A_459 : vector<16xf32> to vector<16xi32>
        %min3A = arith.constant 511 : i32
        %min3A_461 = vector.broadcast %min3A : i32 to vector<16xi32>
        %min3A_462 = arith.minsi %convert_element_type3A_460, %min3A_461 : vector<16xi32>
        tpu.vector_store_idx %arg7[%min3A_462], %broadcast_in_dim3A_35 {add = true} : memref<9728xf32, #tpu.memory_space<vmem>>[vector<16xi32>], vector<16xf32>,
        %mul3A_463 = arith.mulf %exp3A_301, %div3A_441 : vector<16xf32>
        %eq3A_464 = arith.constant 1 : i32
        %eq3A_465 = vector.broadcast %eq3A_464 : i32 to vector<16xi32>
        %eq3A_466 = arith.cmpi eq, %get3A_445, %eq3A_465 : vector<16xi32>
        %sub3A_467 = arith.constant 2.000000e+00 : f32
        %sub3A_468 = vector.broadcast %sub3A_467 : f32 to vector<16xf32>
        %sub3A_469 = arith.subf %sub3A_468, %mul3A_463 : vector<16xf32>
        %select_n3A_470 = arith.select %eq3A_466, %sub3A_469, %mul3A_463 : vector<16xi1>, vector<16xf32>
        %mul3A_471 = arith.constant 2.560000e+02 : f32
        %mul3A_472 = vector.broadcast %mul3A_471 : f32 to vector<16xf32>
        %mul3A_473 = arith.mulf %select_n3A_470, %mul3A_472 : vector<16xf32>
        %add3A_474 = arith.constant 5.120000e+02 : f32
        %add3A_475 = vector.broadcast %add3A_474 : f32 to vector<16xf32>
        %add3A_476 = arith.addf %mul3A_473, %add3A_475 : vector<16xf32>
        %convert_element_type3A_477 = arith.fptosi %add3A_476 : vector<16xf32> to vector<16xi32>
        %min3A_478 = arith.constant 1023 : i32
        %min3A_479 = vector.broadcast %min3A_478 : i32 to vector<16xi32>
        %min3A_480 = arith.minsi %convert_element_type3A_477, %min3A_479 : vector<16xi32>
        tpu.vector_store_idx %arg7[%min3A_480], %broadcast_in_dim3A_35 {add = true} : memref<9728xf32, #tpu.memory_space<vmem>>[vector<16xi32>], vector<16xf32>,
        %mul3A_481 = arith.mulf %exp3A_308, %div3A_441 : vector<16xf32>
        %eq3A_482 = arith.constant 2 : i32
        %eq3A_483 = vector.broadcast %eq3A_482 : i32 to vector<16xi32>
        %eq3A_484 = arith.cmpi eq, %get3A_445, %eq3A_483 : vector<16xi32>
        %sub3A_485 = arith.constant 2.000000e+00 : f32
        %sub3A_486 = vector.broadcast %sub3A_485 : f32 to vector<16xf32>
        %sub3A_487 = arith.subf %sub3A_486, %mul3A_481 : vector<16xf32>
        %select_n3A_488 = arith.select %eq3A_484, %sub3A_487, %mul3A_481 : vector<16xi1>, vector<16xf32>
        %mul3A_489 = arith.constant 2.560000e+02 : f32
        %mul3A_490 = vector.broadcast %mul3A_489 : f32 to vector<16xf32>
        %mul3A_491 = arith.mulf %select_n3A_488, %mul3A_490 : vector<16xf32>
        %add3A_492 = arith.constant 1.024000e+03 : f32
        %add3A_493 = vector.broadcast %add3A_492 : f32 to vector<16xf32>
        %add3A_494 = arith.addf %mul3A_491, %add3A_493 : vector<16xf32>
        %convert_element_type3A_495 = arith.fptosi %add3A_494 : vector<16xf32> to vector<16xi32>
        %min3A_496 = arith.constant 1535 : i32
        %min3A_497 = vector.broadcast %min3A_496 : i32 to vector<16xi32>
        %min3A_498 = arith.minsi %convert_element_type3A_495, %min3A_497 : vector<16xi32>
        tpu.vector_store_idx %arg7[%min3A_498], %broadcast_in_dim3A_35 {add = true} : memref<9728xf32, #tpu.memory_space<vmem>>[vector<16xi32>], vector<16xf32>,
        %mul3A_499 = arith.mulf %exp3A_315, %div3A_441 : vector<16xf32>
        %eq3A_500 = arith.constant 3 : i32
        %eq3A_501 = vector.broadcast %eq3A_500 : i32 to vector<16xi32>
        %eq3A_502 = arith.cmpi eq, %get3A_445, %eq3A_501 : vector<16xi32>
        %sub3A_503 = arith.constant 2.000000e+00 : f32
        %sub3A_504 = vector.broadcast %sub3A_503 : f32 to vector<16xf32>
        %sub3A_505 = arith.subf %sub3A_504, %mul3A_499 : vector<16xf32>
        %select_n3A_506 = arith.select %eq3A_502, %sub3A_505, %mul3A_499 : vector<16xi1>, vector<16xf32>
        %mul3A_507 = arith.constant 2.560000e+02 : f32
        %mul3A_508 = vector.broadcast %mul3A_507 : f32 to vector<16xf32>
        %mul3A_509 = arith.mulf %select_n3A_506, %mul3A_508 : vector<16xf32>
        %add3A_510 = arith.constant 1.536000e+03 : f32
        %add3A_511 = vector.broadcast %add3A_510 : f32 to vector<16xf32>
        %add3A_512 = arith.addf %mul3A_509, %add3A_511 : vector<16xf32>
        %convert_element_type3A_513 = arith.fptosi %add3A_512 : vector<16xf32> to vector<16xi32>
        %min3A_514 = arith.constant 2047 : i32
        %min3A_515 = vector.broadcast %min3A_514 : i32 to vector<16xi32>
        %min3A_516 = arith.minsi %convert_element_type3A_513, %min3A_515 : vector<16xi32>
        tpu.vector_store_idx %arg7[%min3A_516], %broadcast_in_dim3A_35 {add = true} : memref<9728xf32, #tpu.memory_space<vmem>>[vector<16xi32>], vector<16xf32>,
        %mul3A_517 = arith.mulf %exp3A_322, %div3A_441 : vector<16xf32>
        %eq3A_518 = arith.constant 4 : i32
        %eq3A_519 = vector.broadcast %eq3A_518 : i32 to vector<16xi32>
        %eq3A_520 = arith.cmpi eq, %get3A_445, %eq3A_519 : vector<16xi32>
        %sub3A_521 = arith.constant 2.000000e+00 : f32
        %sub3A_522 = vector.broadcast %sub3A_521 : f32 to vector<16xf32>
        %sub3A_523 = arith.subf %sub3A_522, %mul3A_517 : vector<16xf32>
        %select_n3A_524 = arith.select %eq3A_520, %sub3A_523, %mul3A_517 : vector<16xi1>, vector<16xf32>
        %mul3A_525 = arith.constant 2.560000e+02 : f32
        %mul3A_526 = vector.broadcast %mul3A_525 : f32 to vector<16xf32>
        %mul3A_527 = arith.mulf %select_n3A_524, %mul3A_526 : vector<16xf32>
        %add3A_528 = arith.constant 2.048000e+03 : f32
        %add3A_529 = vector.broadcast %add3A_528 : f32 to vector<16xf32>
        %add3A_530 = arith.addf %mul3A_527, %add3A_529 : vector<16xf32>
        %convert_element_type3A_531 = arith.fptosi %add3A_530 : vector<16xf32> to vector<16xi32>
        %min3A_532 = arith.constant 2559 : i32
        %min3A_533 = vector.broadcast %min3A_532 : i32 to vector<16xi32>
        %min3A_534 = arith.minsi %convert_element_type3A_531, %min3A_533 : vector<16xi32>
        tpu.vector_store_idx %arg7[%min3A_534], %broadcast_in_dim3A_35 {add = true} : memref<9728xf32, #tpu.memory_space<vmem>>[vector<16xi32>], vector<16xf32>,
        %mul3A_535 = arith.mulf %exp3A_329, %div3A_441 : vector<16xf32>
        %eq3A_536 = arith.constant 5 : i32
        %eq3A_537 = vector.broadcast %eq3A_536 : i32 to vector<16xi32>
        %eq3A_538 = arith.cmpi eq, %get3A_445, %eq3A_537 : vector<16xi32>
        %sub3A_539 = arith.constant 2.000000e+00 : f32
        %sub3A_540 = vector.broadcast %sub3A_539 : f32 to vector<16xf32>
        %sub3A_541 = arith.subf %sub3A_540, %mul3A_535 : vector<16xf32>
        %select_n3A_542 = arith.select %eq3A_538, %sub3A_541, %mul3A_535 : vector<16xi1>, vector<16xf32>
        %mul3A_543 = arith.constant 2.560000e+02 : f32
        %mul3A_544 = vector.broadcast %mul3A_543 : f32 to vector<16xf32>
        %mul3A_545 = arith.mulf %select_n3A_542, %mul3A_544 : vector<16xf32>
        %add3A_546 = arith.constant 2.560000e+03 : f32
        %add3A_547 = vector.broadcast %add3A_546 : f32 to vector<16xf32>
        %add3A_548 = arith.addf %mul3A_545, %add3A_547 : vector<16xf32>
        %convert_element_type3A_549 = arith.fptosi %add3A_548 : vector<16xf32> to vector<16xi32>
        %min3A_550 = arith.constant 3071 : i32
        %min3A_551 = vector.broadcast %min3A_550 : i32 to vector<16xi32>
        %min3A_552 = arith.minsi %convert_element_type3A_549, %min3A_551 : vector<16xi32>
        tpu.vector_store_idx %arg7[%min3A_552], %broadcast_in_dim3A_35 {add = true} : memref<9728xf32, #tpu.memory_space<vmem>>[vector<16xi32>], vector<16xf32>,
        %mul3A_553 = arith.mulf %exp3A_336, %div3A_441 : vector<16xf32>
        %eq3A_554 = arith.constant 6 : i32
        %eq3A_555 = vector.broadcast %eq3A_554 : i32 to vector<16xi32>
        %eq3A_556 = arith.cmpi eq, %get3A_445, %eq3A_555 : vector<16xi32>
        %sub3A_557 = arith.constant 2.000000e+00 : f32
        %sub3A_558 = vector.broadcast %sub3A_557 : f32 to vector<16xf32>
        %sub3A_559 = arith.subf %sub3A_558, %mul3A_553 : vector<16xf32>
        %select_n3A_560 = arith.select %eq3A_556, %sub3A_559, %mul3A_553 : vector<16xi1>, vector<16xf32>
        %mul3A_561 = arith.constant 2.560000e+02 : f32
        %mul3A_562 = vector.broadcast %mul3A_561 : f32 to vector<16xf32>
        %mul3A_563 = arith.mulf %select_n3A_560, %mul3A_562 : vector<16xf32>
        %add3A_564 = arith.constant 3.072000e+03 : f32
        %add3A_565 = vector.broadcast %add3A_564 : f32 to vector<16xf32>
        %add3A_566 = arith.addf %mul3A_563, %add3A_565 : vector<16xf32>
        %convert_element_type3A_567 = arith.fptosi %add3A_566 : vector<16xf32> to vector<16xi32>
        %min3A_568 = arith.constant 3583 : i32
        %min3A_569 = vector.broadcast %min3A_568 : i32 to vector<16xi32>
        %min3A_570 = arith.minsi %convert_element_type3A_567, %min3A_569 : vector<16xi32>
        tpu.vector_store_idx %arg7[%min3A_570], %broadcast_in_dim3A_35 {add = true} : memref<9728xf32, #tpu.memory_space<vmem>>[vector<16xi32>], vector<16xf32>,
        %mul3A_571 = arith.mulf %exp3A_343, %div3A_441 : vector<16xf32>
        %eq3A_572 = arith.constant 7 : i32
        %eq3A_573 = vector.broadcast %eq3A_572 : i32 to vector<16xi32>
        %eq3A_574 = arith.cmpi eq, %get3A_445, %eq3A_573 : vector<16xi32>
        %sub3A_575 = arith.constant 2.000000e+00 : f32
        %sub3A_576 = vector.broadcast %sub3A_575 : f32 to vector<16xf32>
        %sub3A_577 = arith.subf %sub3A_576, %mul3A_571 : vector<16xf32>
        %select_n3A_578 = arith.select %eq3A_574, %sub3A_577, %mul3A_571 : vector<16xi1>, vector<16xf32>
        %mul3A_579 = arith.constant 2.560000e+02 : f32
        %mul3A_580 = vector.broadcast %mul3A_579 : f32 to vector<16xf32>
        %mul3A_581 = arith.mulf %select_n3A_578, %mul3A_580 : vector<16xf32>
        %add3A_582 = arith.constant 3.584000e+03 : f32
        %add3A_583 = vector.broadcast %add3A_582 : f32 to vector<16xf32>
        %add3A_584 = arith.addf %mul3A_581, %add3A_583 : vector<16xf32>
        %convert_element_type3A_585 = arith.fptosi %add3A_584 : vector<16xf32> to vector<16xi32>
        %min3A_586 = arith.constant 4095 : i32
        %min3A_587 = vector.broadcast %min3A_586 : i32 to vector<16xi32>
        %min3A_588 = arith.minsi %convert_element_type3A_585, %min3A_587 : vector<16xi32>
        tpu.vector_store_idx %arg7[%min3A_588], %broadcast_in_dim3A_35 {add = true} : memref<9728xf32, #tpu.memory_space<vmem>>[vector<16xi32>], vector<16xf32>,
        %mul3A_589 = arith.mulf %exp3A_350, %div3A_441 : vector<16xf32>
        %eq3A_590 = arith.constant 8 : i32
        %eq3A_591 = vector.broadcast %eq3A_590 : i32 to vector<16xi32>
        %eq3A_592 = arith.cmpi eq, %get3A_445, %eq3A_591 : vector<16xi32>
        %sub3A_593 = arith.constant 2.000000e+00 : f32
        %sub3A_594 = vector.broadcast %sub3A_593 : f32 to vector<16xf32>
        %sub3A_595 = arith.subf %sub3A_594, %mul3A_589 : vector<16xf32>
        %select_n3A_596 = arith.select %eq3A_592, %sub3A_595, %mul3A_589 : vector<16xi1>, vector<16xf32>
        %mul3A_597 = arith.constant 2.560000e+02 : f32
        %mul3A_598 = vector.broadcast %mul3A_597 : f32 to vector<16xf32>
        %mul3A_599 = arith.mulf %select_n3A_596, %mul3A_598 : vector<16xf32>
        %add3A_600 = arith.constant 4.096000e+03 : f32
        %add3A_601 = vector.broadcast %add3A_600 : f32 to vector<16xf32>
        %add3A_602 = arith.addf %mul3A_599, %add3A_601 : vector<16xf32>
        %convert_element_type3A_603 = arith.fptosi %add3A_602 : vector<16xf32> to vector<16xi32>
        %min3A_604 = arith.constant 4607 : i32
        %min3A_605 = vector.broadcast %min3A_604 : i32 to vector<16xi32>
        %min3A_606 = arith.minsi %convert_element_type3A_603, %min3A_605 : vector<16xi32>
        tpu.vector_store_idx %arg7[%min3A_606], %broadcast_in_dim3A_35 {add = true} : memref<9728xf32, #tpu.memory_space<vmem>>[vector<16xi32>], vector<16xf32>,
        %mul3A_607 = arith.mulf %exp3A_357, %div3A_441 : vector<16xf32>
        %eq3A_608 = arith.constant 9 : i32
        %eq3A_609 = vector.broadcast %eq3A_608 : i32 to vector<16xi32>
        %eq3A_610 = arith.cmpi eq, %get3A_445, %eq3A_609 : vector<16xi32>
        %sub3A_611 = arith.constant 2.000000e+00 : f32
        %sub3A_612 = vector.broadcast %sub3A_611 : f32 to vector<16xf32>
        %sub3A_613 = arith.subf %sub3A_612, %mul3A_607 : vector<16xf32>
        %select_n3A_614 = arith.select %eq3A_610, %sub3A_613, %mul3A_607 : vector<16xi1>, vector<16xf32>
        %mul3A_615 = arith.constant 2.560000e+02 : f32
        %mul3A_616 = vector.broadcast %mul3A_615 : f32 to vector<16xf32>
        %mul3A_617 = arith.mulf %select_n3A_614, %mul3A_616 : vector<16xf32>
        %add3A_618 = arith.constant 4.608000e+03 : f32
        %add3A_619 = vector.broadcast %add3A_618 : f32 to vector<16xf32>
        %add3A_620 = arith.addf %mul3A_617, %add3A_619 : vector<16xf32>
        %convert_element_type3A_621 = arith.fptosi %add3A_620 : vector<16xf32> to vector<16xi32>
        %min3A_622 = arith.constant 5119 : i32
        %min3A_623 = vector.broadcast %min3A_622 : i32 to vector<16xi32>
        %min3A_624 = arith.minsi %convert_element_type3A_621, %min3A_623 : vector<16xi32>
        tpu.vector_store_idx %arg7[%min3A_624], %broadcast_in_dim3A_35 {add = true} : memref<9728xf32, #tpu.memory_space<vmem>>[vector<16xi32>], vector<16xf32>,
        %mul3A_625 = arith.mulf %exp3A_364, %div3A_441 : vector<16xf32>
        %eq3A_626 = arith.constant 10 : i32
        %eq3A_627 = vector.broadcast %eq3A_626 : i32 to vector<16xi32>
        %eq3A_628 = arith.cmpi eq, %get3A_445, %eq3A_627 : vector<16xi32>
        %sub3A_629 = arith.constant 2.000000e+00 : f32
        %sub3A_630 = vector.broadcast %sub3A_629 : f32 to vector<16xf32>
        %sub3A_631 = arith.subf %sub3A_630, %mul3A_625 : vector<16xf32>
        %select_n3A_632 = arith.select %eq3A_628, %sub3A_631, %mul3A_625 : vector<16xi1>, vector<16xf32>
        %mul3A_633 = arith.constant 2.560000e+02 : f32
        %mul3A_634 = vector.broadcast %mul3A_633 : f32 to vector<16xf32>
        %mul3A_635 = arith.mulf %select_n3A_632, %mul3A_634 : vector<16xf32>
        %add3A_636 = arith.constant 5.120000e+03 : f32
        %add3A_637 = vector.broadcast %add3A_636 : f32 to vector<16xf32>
        %add3A_638 = arith.addf %mul3A_635, %add3A_637 : vector<16xf32>
        %convert_element_type3A_639 = arith.fptosi %add3A_638 : vector<16xf32> to vector<16xi32>
        %min3A_640 = arith.constant 5631 : i32
        %min3A_641 = vector.broadcast %min3A_640 : i32 to vector<16xi32>
        %min3A_642 = arith.minsi %convert_element_type3A_639, %min3A_641 : vector<16xi32>
        tpu.vector_store_idx %arg7[%min3A_642], %broadcast_in_dim3A_35 {add = true} : memref<9728xf32, #tpu.memory_space<vmem>>[vector<16xi32>], vector<16xf32>,
        %mul3A_643 = arith.mulf %exp3A_371, %div3A_441 : vector<16xf32>
        %eq3A_644 = arith.constant 11 : i32
        %eq3A_645 = vector.broadcast %eq3A_644 : i32 to vector<16xi32>
        %eq3A_646 = arith.cmpi eq, %get3A_445, %eq3A_645 : vector<16xi32>
        %sub3A_647 = arith.constant 2.000000e+00 : f32
        %sub3A_648 = vector.broadcast %sub3A_647 : f32 to vector<16xf32>
        %sub3A_649 = arith.subf %sub3A_648, %mul3A_643 : vector<16xf32>
        %select_n3A_650 = arith.select %eq3A_646, %sub3A_649, %mul3A_643 : vector<16xi1>, vector<16xf32>
        %mul3A_651 = arith.constant 2.560000e+02 : f32
        %mul3A_652 = vector.broadcast %mul3A_651 : f32 to vector<16xf32>
        %mul3A_653 = arith.mulf %select_n3A_650, %mul3A_652 : vector<16xf32>
        %add3A_654 = arith.constant 5.632000e+03 : f32
        %add3A_655 = vector.broadcast %add3A_654 : f32 to vector<16xf32>
        %add3A_656 = arith.addf %mul3A_653, %add3A_655 : vector<16xf32>
        %convert_element_type3A_657 = arith.fptosi %add3A_656 : vector<16xf32> to vector<16xi32>
        %min3A_658 = arith.constant 6143 : i32
        %min3A_659 = vector.broadcast %min3A_658 : i32 to vector<16xi32>
        %min3A_660 = arith.minsi %convert_element_type3A_657, %min3A_659 : vector<16xi32>
        tpu.vector_store_idx %arg7[%min3A_660], %broadcast_in_dim3A_35 {add = true} : memref<9728xf32, #tpu.memory_space<vmem>>[vector<16xi32>], vector<16xf32>,
        %mul3A_661 = arith.mulf %exp3A_378, %div3A_441 : vector<16xf32>
        %eq3A_662 = arith.constant 12 : i32
        %eq3A_663 = vector.broadcast %eq3A_662 : i32 to vector<16xi32>
        %eq3A_664 = arith.cmpi eq, %get3A_445, %eq3A_663 : vector<16xi32>
        %sub3A_665 = arith.constant 2.000000e+00 : f32
        %sub3A_666 = vector.broadcast %sub3A_665 : f32 to vector<16xf32>
        %sub3A_667 = arith.subf %sub3A_666, %mul3A_661 : vector<16xf32>
        %select_n3A_668 = arith.select %eq3A_664, %sub3A_667, %mul3A_661 : vector<16xi1>, vector<16xf32>
        %mul3A_669 = arith.constant 2.560000e+02 : f32
        %mul3A_670 = vector.broadcast %mul3A_669 : f32 to vector<16xf32>
        %mul3A_671 = arith.mulf %select_n3A_668, %mul3A_670 : vector<16xf32>
        %add3A_672 = arith.constant 6.144000e+03 : f32
        %add3A_673 = vector.broadcast %add3A_672 : f32 to vector<16xf32>
        %add3A_674 = arith.addf %mul3A_671, %add3A_673 : vector<16xf32>
        %convert_element_type3A_675 = arith.fptosi %add3A_674 : vector<16xf32> to vector<16xi32>
        %min3A_676 = arith.constant 6655 : i32
        %min3A_677 = vector.broadcast %min3A_676 : i32 to vector<16xi32>
        %min3A_678 = arith.minsi %convert_element_type3A_675, %min3A_677 : vector<16xi32>
        tpu.vector_store_idx %arg7[%min3A_678], %broadcast_in_dim3A_35 {add = true} : memref<9728xf32, #tpu.memory_space<vmem>>[vector<16xi32>], vector<16xf32>,
        %mul3A_679 = arith.mulf %exp3A_385, %div3A_441 : vector<16xf32>
        %eq3A_680 = arith.constant 13 : i32
        %eq3A_681 = vector.broadcast %eq3A_680 : i32 to vector<16xi32>
        %eq3A_682 = arith.cmpi eq, %get3A_445, %eq3A_681 : vector<16xi32>
        %sub3A_683 = arith.constant 2.000000e+00 : f32
        %sub3A_684 = vector.broadcast %sub3A_683 : f32 to vector<16xf32>
        %sub3A_685 = arith.subf %sub3A_684, %mul3A_679 : vector<16xf32>
        %select_n3A_686 = arith.select %eq3A_682, %sub3A_685, %mul3A_679 : vector<16xi1>, vector<16xf32>
        %mul3A_687 = arith.constant 2.560000e+02 : f32
        %mul3A_688 = vector.broadcast %mul3A_687 : f32 to vector<16xf32>
        %mul3A_689 = arith.mulf %select_n3A_686, %mul3A_688 : vector<16xf32>
        %add3A_690 = arith.constant 6.656000e+03 : f32
        %add3A_691 = vector.broadcast %add3A_690 : f32 to vector<16xf32>
        %add3A_692 = arith.addf %mul3A_689, %add3A_691 : vector<16xf32>
        %convert_element_type3A_693 = arith.fptosi %add3A_692 : vector<16xf32> to vector<16xi32>
        %min3A_694 = arith.constant 7167 : i32
        %min3A_695 = vector.broadcast %min3A_694 : i32 to vector<16xi32>
        %min3A_696 = arith.minsi %convert_element_type3A_693, %min3A_695 : vector<16xi32>
        tpu.vector_store_idx %arg7[%min3A_696], %broadcast_in_dim3A_35 {add = true} : memref<9728xf32, #tpu.memory_space<vmem>>[vector<16xi32>], vector<16xf32>,
        %mul3A_697 = arith.mulf %exp3A_392, %div3A_441 : vector<16xf32>
        %eq3A_698 = arith.constant 14 : i32
        %eq3A_699 = vector.broadcast %eq3A_698 : i32 to vector<16xi32>
        %eq3A_700 = arith.cmpi eq, %get3A_445, %eq3A_699 : vector<16xi32>
        %sub3A_701 = arith.constant 2.000000e+00 : f32
        %sub3A_702 = vector.broadcast %sub3A_701 : f32 to vector<16xf32>
        %sub3A_703 = arith.subf %sub3A_702, %mul3A_697 : vector<16xf32>
        %select_n3A_704 = arith.select %eq3A_700, %sub3A_703, %mul3A_697 : vector<16xi1>, vector<16xf32>
        %mul3A_705 = arith.constant 2.560000e+02 : f32
        %mul3A_706 = vector.broadcast %mul3A_705 : f32 to vector<16xf32>
        %mul3A_707 = arith.mulf %select_n3A_704, %mul3A_706 : vector<16xf32>
        %add3A_708 = arith.constant 7.168000e+03 : f32
        %add3A_709 = vector.broadcast %add3A_708 : f32 to vector<16xf32>
        %add3A_710 = arith.addf %mul3A_707, %add3A_709 : vector<16xf32>
        %convert_element_type3A_711 = arith.fptosi %add3A_710 : vector<16xf32> to vector<16xi32>
        %min3A_712 = arith.constant 7679 : i32
        %min3A_713 = vector.broadcast %min3A_712 : i32 to vector<16xi32>
        %min3A_714 = arith.minsi %convert_element_type3A_711, %min3A_713 : vector<16xi32>
        tpu.vector_store_idx %arg7[%min3A_714], %broadcast_in_dim3A_35 {add = true} : memref<9728xf32, #tpu.memory_space<vmem>>[vector<16xi32>], vector<16xf32>,
        %mul3A_715 = arith.mulf %exp3A_399, %div3A_441 : vector<16xf32>
        %eq3A_716 = arith.constant 15 : i32
        %eq3A_717 = vector.broadcast %eq3A_716 : i32 to vector<16xi32>
        %eq3A_718 = arith.cmpi eq, %get3A_445, %eq3A_717 : vector<16xi32>
        %sub3A_719 = arith.constant 2.000000e+00 : f32
        %sub3A_720 = vector.broadcast %sub3A_719 : f32 to vector<16xf32>
        %sub3A_721 = arith.subf %sub3A_720, %mul3A_715 : vector<16xf32>
        %select_n3A_722 = arith.select %eq3A_718, %sub3A_721, %mul3A_715 : vector<16xi1>, vector<16xf32>
        %mul3A_723 = arith.constant 2.560000e+02 : f32
        %mul3A_724 = vector.broadcast %mul3A_723 : f32 to vector<16xf32>
        %mul3A_725 = arith.mulf %select_n3A_722, %mul3A_724 : vector<16xf32>
        %add3A_726 = arith.constant 7.680000e+03 : f32
        %add3A_727 = vector.broadcast %add3A_726 : f32 to vector<16xf32>
        %add3A_728 = arith.addf %mul3A_725, %add3A_727 : vector<16xf32>
        %convert_element_type3A_729 = arith.fptosi %add3A_728 : vector<16xf32> to vector<16xi32>
        %min3A_730 = arith.constant 8191 : i32
        %min3A_731 = vector.broadcast %min3A_730 : i32 to vector<16xi32>
        %min3A_732 = arith.minsi %convert_element_type3A_729, %min3A_731 : vector<16xi32>
        tpu.vector_store_idx %arg7[%min3A_732], %broadcast_in_dim3A_35 {add = true} : memref<9728xf32, #tpu.memory_space<vmem>>[vector<16xi32>], vector<16xf32>,
        %mul3A_733 = arith.mulf %exp3A_406, %div3A_441 : vector<16xf32>
        %eq3A_734 = arith.constant 16 : i32
        %eq3A_735 = vector.broadcast %eq3A_734 : i32 to vector<16xi32>
        %eq3A_736 = arith.cmpi eq, %get3A_445, %eq3A_735 : vector<16xi32>
        %sub3A_737 = arith.constant 2.000000e+00 : f32
        %sub3A_738 = vector.broadcast %sub3A_737 : f32 to vector<16xf32>
        %sub3A_739 = arith.subf %sub3A_738, %mul3A_733 : vector<16xf32>
        %select_n3A_740 = arith.select %eq3A_736, %sub3A_739, %mul3A_733 : vector<16xi1>, vector<16xf32>
        %mul3A_741 = arith.constant 2.560000e+02 : f32
        %mul3A_742 = vector.broadcast %mul3A_741 : f32 to vector<16xf32>
        %mul3A_743 = arith.mulf %select_n3A_740, %mul3A_742 : vector<16xf32>
        %add3A_744 = arith.constant 8.192000e+03 : f32
        %add3A_745 = vector.broadcast %add3A_744 : f32 to vector<16xf32>
        %add3A_746 = arith.addf %mul3A_743, %add3A_745 : vector<16xf32>
        %convert_element_type3A_747 = arith.fptosi %add3A_746 : vector<16xf32> to vector<16xi32>
        %min3A_748 = arith.constant 8703 : i32
        %min3A_749 = vector.broadcast %min3A_748 : i32 to vector<16xi32>
        %min3A_750 = arith.minsi %convert_element_type3A_747, %min3A_749 : vector<16xi32>
        tpu.vector_store_idx %arg7[%min3A_750], %broadcast_in_dim3A_35 {add = true} : memref<9728xf32, #tpu.memory_space<vmem>>[vector<16xi32>], vector<16xf32>,
        %mul3A_751 = arith.mulf %exp3A_413, %div3A_441 : vector<16xf32>
        %eq3A_752 = arith.constant 17 : i32
        %eq3A_753 = vector.broadcast %eq3A_752 : i32 to vector<16xi32>
        %eq3A_754 = arith.cmpi eq, %get3A_445, %eq3A_753 : vector<16xi32>
        %sub3A_755 = arith.constant 2.000000e+00 : f32
        %sub3A_756 = vector.broadcast %sub3A_755 : f32 to vector<16xf32>
        %sub3A_757 = arith.subf %sub3A_756, %mul3A_751 : vector<16xf32>
        %select_n3A_758 = arith.select %eq3A_754, %sub3A_757, %mul3A_751 : vector<16xi1>, vector<16xf32>
        %mul3A_759 = arith.constant 2.560000e+02 : f32
        %mul3A_760 = vector.broadcast %mul3A_759 : f32 to vector<16xf32>
        %mul3A_761 = arith.mulf %select_n3A_758, %mul3A_760 : vector<16xf32>
        %add3A_762 = arith.constant 8.704000e+03 : f32
        %add3A_763 = vector.broadcast %add3A_762 : f32 to vector<16xf32>
        %add3A_764 = arith.addf %mul3A_761, %add3A_763 : vector<16xf32>
        %convert_element_type3A_765 = arith.fptosi %add3A_764 : vector<16xf32> to vector<16xi32>
        %min3A_766 = arith.constant 9215 : i32
        %min3A_767 = vector.broadcast %min3A_766 : i32 to vector<16xi32>
        %min3A_768 = arith.minsi %convert_element_type3A_765, %min3A_767 : vector<16xi32>
        tpu.vector_store_idx %arg7[%min3A_768], %broadcast_in_dim3A_35 {add = true} : memref<9728xf32, #tpu.memory_space<vmem>>[vector<16xi32>], vector<16xf32>,
        %mul3A_769 = arith.mulf %exp3A_420, %div3A_441 : vector<16xf32>
        %eq3A_770 = arith.constant 18 : i32
        %eq3A_771 = vector.broadcast %eq3A_770 : i32 to vector<16xi32>
        %eq3A_772 = arith.cmpi eq, %get3A_445, %eq3A_771 : vector<16xi32>
        %sub3A_773 = arith.constant 2.000000e+00 : f32
        %sub3A_774 = vector.broadcast %sub3A_773 : f32 to vector<16xf32>
        %sub3A_775 = arith.subf %sub3A_774, %mul3A_769 : vector<16xf32>
        %select_n3A_776 = arith.select %eq3A_772, %sub3A_775, %mul3A_769 : vector<16xi1>, vector<16xf32>
        %mul3A_777 = arith.constant 2.560000e+02 : f32
        %mul3A_778 = vector.broadcast %mul3A_777 : f32 to vector<16xf32>
        %mul3A_779 = arith.mulf %select_n3A_776, %mul3A_778 : vector<16xf32>
        %add3A_780 = arith.constant 9.216000e+03 : f32
        %add3A_781 = vector.broadcast %add3A_780 : f32 to vector<16xf32>
        %add3A_782 = arith.addf %mul3A_779, %add3A_781 : vector<16xf32>
        %convert_element_type3A_783 = arith.fptosi %add3A_782 : vector<16xf32> to vector<16xi32>
        %min3A_784 = arith.constant 9727 : i32
        %min3A_785 = vector.broadcast %min3A_784 : i32 to vector<16xi32>
        %min3A_786 = arith.minsi %convert_element_type3A_783, %min3A_785 : vector<16xi32>
        tpu.vector_store_idx %arg7[%min3A_786], %broadcast_in_dim3A_35 {add = true} : memref<9728xf32, #tpu.memory_space<vmem>>[vector<16xi32>], vector<16xf32>,
        %mul3A_787 = arith.constant 32 : i32
        %mul3A_788 = arith.muli %scan3A_286, %mul3A_787 : i32
        %add3A_789 = arith.constant 16 : i32
        %add3A_790 = arith.addi %mul3A_788, %add3A_789 : i32
        %get3A_791 = arith.constant 3 : i32
        %get3A_792 = arith.constant 0 : i32
        %get3A_793 = arith.index_cast %get3A_791 : i32 to index
        %get3A_794 = arith.index_cast %get3A_792 : i32 to index
        %get3A_795 = arith.index_cast %add3A_790 : i32 to index
        %get3A_796 = tpu.vector_load %arg5[%get3A_793, %get3A_794, %get3A_795] {strides = array<i32>} : memref<4x19x1024xf32, #tpu.memory_space<vmem>>, vector<16xf32>,
        %exp3A_797 = math.exp %get3A_796 : vector<16xf32>
        %get3A_798 = arith.constant 3 : i32
        %get3A_799 = arith.constant 1 : i32
        %get3A_800 = arith.index_cast %get3A_798 : i32 to index
        %get3A_801 = arith.index_cast %get3A_799 : i32 to index
        %get3A_802 = arith.index_cast %add3A_790 : i32 to index
        %get3A_803 = tpu.vector_load %arg5[%get3A_800, %get3A_801, %get3A_802] {strides = array<i32>} : memref<4x19x1024xf32, #tpu.memory_space<vmem>>, vector<16xf32>,
        %exp3A_804 = math.exp %get3A_803 : vector<16xf32>
        %get3A_805 = arith.constant 3 : i32
        %get3A_806 = arith.constant 2 : i32
        %get3A_807 = arith.index_cast %get3A_805 : i32 to index
        %get3A_808 = arith.index_cast %get3A_806 : i32 to index
        %get3A_809 = arith.index_cast %add3A_790 : i32 to index
        %get3A_810 = tpu.vector_load %arg5[%get3A_807, %get3A_808, %get3A_809] {strides = array<i32>} : memref<4x19x1024xf32, #tpu.memory_space<vmem>>, vector<16xf32>,
        %exp3A_811 = math.exp %get3A_810 : vector<16xf32>
        %get3A_812 = arith.constant 3 : i32
        %get3A_813 = arith.constant 3 : i32
        %get3A_814 = arith.index_cast %get3A_812 : i32 to index
        %get3A_815 = arith.index_cast %get3A_813 : i32 to index
        %get3A_816 = arith.index_cast %add3A_790 : i32 to index
        %get3A_817 = tpu.vector_load %arg5[%get3A_814, %get3A_815, %get3A_816] {strides = array<i32>} : memref<4x19x1024xf32, #tpu.memory_space<vmem>>, vector<16xf32>,
        %exp3A_818 = math.exp %get3A_817 : vector<16xf32>
        %get3A_819 = arith.constant 3 : i32
        %get3A_820 = arith.constant 4 : i32
        %get3A_821 = arith.index_cast %get3A_819 : i32 to index
        %get3A_822 = arith.index_cast %get3A_820 : i32 to index
        %get3A_823 = arith.index_cast %add3A_790 : i32 to index
        %get3A_824 = tpu.vector_load %arg5[%get3A_821, %get3A_822, %get3A_823] {strides = array<i32>} : memref<4x19x1024xf32, #tpu.memory_space<vmem>>, vector<16xf32>,
        %exp3A_825 = math.exp %get3A_824 : vector<16xf32>
        %get3A_826 = arith.constant 3 : i32
        %get3A_827 = arith.constant 5 : i32
        %get3A_828 = arith.index_cast %get3A_826 : i32 to index
        %get3A_829 = arith.index_cast %get3A_827 : i32 to index
        %get3A_830 = arith.index_cast %add3A_790 : i32 to index
        %get3A_831 = tpu.vector_load %arg5[%get3A_828, %get3A_829, %get3A_830] {strides = array<i32>} : memref<4x19x1024xf32, #tpu.memory_space<vmem>>, vector<16xf32>,
        %exp3A_832 = math.exp %get3A_831 : vector<16xf32>
        %get3A_833 = arith.constant 3 : i32
        %get3A_834 = arith.constant 6 : i32
        %get3A_835 = arith.index_cast %get3A_833 : i32 to index
        %get3A_836 = arith.index_cast %get3A_834 : i32 to index
        %get3A_837 = arith.index_cast %add3A_790 : i32 to index
        %get3A_838 = tpu.vector_load %arg5[%get3A_835, %get3A_836, %get3A_837] {strides = array<i32>} : memref<4x19x1024xf32, #tpu.memory_space<vmem>>, vector<16xf32>,
        %exp3A_839 = math.exp %get3A_838 : vector<16xf32>
        %get3A_840 = arith.constant 3 : i32
        %get3A_841 = arith.constant 7 : i32
        %get3A_842 = arith.index_cast %get3A_840 : i32 to index
        %get3A_843 = arith.index_cast %get3A_841 : i32 to index
        %get3A_844 = arith.index_cast %add3A_790 : i32 to index
        %get3A_845 = tpu.vector_load %arg5[%get3A_842, %get3A_843, %get3A_844] {strides = array<i32>} : memref<4x19x1024xf32, #tpu.memory_space<vmem>>, vector<16xf32>,
        %exp3A_846 = math.exp %get3A_845 : vector<16xf32>
        %get3A_847 = arith.constant 3 : i32
        %get3A_848 = arith.constant 8 : i32
        %get3A_849 = arith.index_cast %get3A_847 : i32 to index
        %get3A_850 = arith.index_cast %get3A_848 : i32 to index
        %get3A_851 = arith.index_cast %add3A_790 : i32 to index
        %get3A_852 = tpu.vector_load %arg5[%get3A_849, %get3A_850, %get3A_851] {strides = array<i32>} : memref<4x19x1024xf32, #tpu.memory_space<vmem>>, vector<16xf32>,
        %exp3A_853 = math.exp %get3A_852 : vector<16xf32>
        %get3A_854 = arith.constant 3 : i32
        %get3A_855 = arith.constant 9 : i32
        %get3A_856 = arith.index_cast %get3A_854 : i32 to index
        %get3A_857 = arith.index_cast %get3A_855 : i32 to index
        %get3A_858 = arith.index_cast %add3A_790 : i32 to index
        %get3A_859 = tpu.vector_load %arg5[%get3A_856, %get3A_857, %get3A_858] {strides = array<i32>} : memref<4x19x1024xf32, #tpu.memory_space<vmem>>, vector<16xf32>,
        %exp3A_860 = math.exp %get3A_859 : vector<16xf32>
        %get3A_861 = arith.constant 3 : i32
        %get3A_862 = arith.constant 10 : i32
        %get3A_863 = arith.index_cast %get3A_861 : i32 to index
        %get3A_864 = arith.index_cast %get3A_862 : i32 to index
        %get3A_865 = arith.index_cast %add3A_790 : i32 to index
        %get3A_866 = tpu.vector_load %arg5[%get3A_863, %get3A_864, %get3A_865] {strides = array<i32>} : memref<4x19x1024xf32, #tpu.memory_space<vmem>>, vector<16xf32>,
        %exp3A_867 = math.exp %get3A_866 : vector<16xf32>
        %get3A_868 = arith.constant 3 : i32
        %get3A_869 = arith.constant 11 : i32
        %get3A_870 = arith.index_cast %get3A_868 : i32 to index
        %get3A_871 = arith.index_cast %get3A_869 : i32 to index
        %get3A_872 = arith.index_cast %add3A_790 : i32 to index
        %get3A_873 = tpu.vector_load %arg5[%get3A_870, %get3A_871, %get3A_872] {strides = array<i32>} : memref<4x19x1024xf32, #tpu.memory_space<vmem>>, vector<16xf32>,
        %exp3A_874 = math.exp %get3A_873 : vector<16xf32>
        %get3A_875 = arith.constant 3 : i32
        %get3A_876 = arith.constant 12 : i32
        %get3A_877 = arith.index_cast %get3A_875 : i32 to index
        %get3A_878 = arith.index_cast %get3A_876 : i32 to index
        %get3A_879 = arith.index_cast %add3A_790 : i32 to index
        %get3A_880 = tpu.vector_load %arg5[%get3A_877, %get3A_878, %get3A_879] {strides = array<i32>} : memref<4x19x1024xf32, #tpu.memory_space<vmem>>, vector<16xf32>,
        %exp3A_881 = math.exp %get3A_880 : vector<16xf32>
        %get3A_882 = arith.constant 3 : i32
        %get3A_883 = arith.constant 13 : i32
        %get3A_884 = arith.index_cast %get3A_882 : i32 to index
        %get3A_885 = arith.index_cast %get3A_883 : i32 to index
        %get3A_886 = arith.index_cast %add3A_790 : i32 to index
        %get3A_887 = tpu.vector_load %arg5[%get3A_884, %get3A_885, %get3A_886] {strides = array<i32>} : memref<4x19x1024xf32, #tpu.memory_space<vmem>>, vector<16xf32>,
        %exp3A_888 = math.exp %get3A_887 : vector<16xf32>
        %get3A_889 = arith.constant 3 : i32
        %get3A_890 = arith.constant 14 : i32
        %get3A_891 = arith.index_cast %get3A_889 : i32 to index
        %get3A_892 = arith.index_cast %get3A_890 : i32 to index
        %get3A_893 = arith.index_cast %add3A_790 : i32 to index
        %get3A_894 = tpu.vector_load %arg5[%get3A_891, %get3A_892, %get3A_893] {strides = array<i32>} : memref<4x19x1024xf32, #tpu.memory_space<vmem>>, vector<16xf32>,
        %exp3A_895 = math.exp %get3A_894 : vector<16xf32>
        %get3A_896 = arith.constant 3 : i32
        %get3A_897 = arith.constant 15 : i32
        %get3A_898 = arith.index_cast %get3A_896 : i32 to index
        %get3A_899 = arith.index_cast %get3A_897 : i32 to index
        %get3A_900 = arith.index_cast %add3A_790 : i32 to index
        %get3A_901 = tpu.vector_load %arg5[%get3A_898, %get3A_899, %get3A_900] {strides = array<i32>} : memref<4x19x1024xf32, #tpu.memory_space<vmem>>, vector<16xf32>,
        %exp3A_902 = math.exp %get3A_901 : vector<16xf32>
        %get3A_903 = arith.constant 3 : i32
        %get3A_904 = arith.constant 16 : i32
        %get3A_905 = arith.index_cast %get3A_903 : i32 to index
        %get3A_906 = arith.index_cast %get3A_904 : i32 to index
        %get3A_907 = arith.index_cast %add3A_790 : i32 to index
        %get3A_908 = tpu.vector_load %arg5[%get3A_905, %get3A_906, %get3A_907] {strides = array<i32>} : memref<4x19x1024xf32, #tpu.memory_space<vmem>>, vector<16xf32>,
        %exp3A_909 = math.exp %get3A_908 : vector<16xf32>
        %get3A_910 = arith.constant 3 : i32
        %get3A_911 = arith.constant 17 : i32
        %get3A_912 = arith.index_cast %get3A_910 : i32 to index
        %get3A_913 = arith.index_cast %get3A_911 : i32 to index
        %get3A_914 = arith.index_cast %add3A_790 : i32 to index
        %get3A_915 = tpu.vector_load %arg5[%get3A_912, %get3A_913, %get3A_914] {strides = array<i32>} : memref<4x19x1024xf32, #tpu.memory_space<vmem>>, vector<16xf32>,
        %exp3A_916 = math.exp %get3A_915 : vector<16xf32>
        %get3A_917 = arith.constant 3 : i32
        %get3A_918 = arith.constant 18 : i32
        %get3A_919 = arith.index_cast %get3A_917 : i32 to index
        %get3A_920 = arith.index_cast %get3A_918 : i32 to index
        %get3A_921 = arith.index_cast %add3A_790 : i32 to index
        %get3A_922 = tpu.vector_load %arg5[%get3A_919, %get3A_920, %get3A_921] {strides = array<i32>} : memref<4x19x1024xf32, #tpu.memory_space<vmem>>, vector<16xf32>,
        %exp3A_923 = math.exp %get3A_922 : vector<16xf32>
        %add3A_924 = arith.addf %exp3A_797, %exp3A_804 : vector<16xf32>
        %add3A_925 = arith.addf %exp3A_811, %exp3A_818 : vector<16xf32>
        %add3A_926 = arith.addf %exp3A_825, %exp3A_832 : vector<16xf32>
        %add3A_927 = arith.addf %exp3A_839, %exp3A_846 : vector<16xf32>
        %add3A_928 = arith.addf %exp3A_853, %exp3A_860 : vector<16xf32>
        %add3A_929 = arith.addf %exp3A_867, %exp3A_874 : vector<16xf32>
        %add3A_930 = arith.addf %exp3A_881, %exp3A_888 : vector<16xf32>
        %add3A_931 = arith.addf %exp3A_895, %exp3A_902 : vector<16xf32>
        %add3A_932 = arith.addf %exp3A_909, %exp3A_916 : vector<16xf32>
        %add3A_933 = arith.addf %add3A_924, %add3A_925 : vector<16xf32>
        %add3A_934 = arith.addf %add3A_926, %add3A_927 : vector<16xf32>
        %add3A_935 = arith.addf %add3A_928, %add3A_929 : vector<16xf32>
        %add3A_936 = arith.addf %add3A_930, %add3A_931 : vector<16xf32>
        %add3A_937 = arith.addf %add3A_932, %exp3A_923 : vector<16xf32>
        %add3A_938 = arith.addf %add3A_933, %add3A_934 : vector<16xf32>
        %add3A_939 = arith.addf %add3A_935, %add3A_936 : vector<16xf32>
        %add3A_940 = arith.addf %add3A_938, %add3A_939 : vector<16xf32>
        %add3A_941 = arith.addf %add3A_940, %add3A_937 : vector<16xf32>
        %div3A_942 = arith.constant 1.000000e+00 : f32
        %div3A_943 = vector.broadcast %div3A_942 : f32 to vector<16xf32>
        %div3A_944 = arith.divf %div3A_943, %add3A_941 : vector<16xf32>
        %get3A_945 = arith.constant 3 : i32
        %get3A_946 = arith.index_cast %get3A_945 : i32 to index
        %get3A_947 = arith.index_cast %add3A_790 : i32 to index
        %get3A_948 = tpu.vector_load %arg6[%get3A_946, %get3A_947] {strides = array<i32>} : memref<4x1024xi32, #tpu.memory_space<vmem>>, vector<16xi32>,
        %mul3A_949 = arith.mulf %exp3A_797, %div3A_944 : vector<16xf32>
        %eq3A_950 = arith.constant 0 : i32
        %eq3A_951 = vector.broadcast %eq3A_950 : i32 to vector<16xi32>
        %eq3A_952 = arith.cmpi eq, %get3A_948, %eq3A_951 : vector<16xi32>
        %sub3A_953 = arith.constant 2.000000e+00 : f32
        %sub3A_954 = vector.broadcast %sub3A_953 : f32 to vector<16xf32>
        %sub3A_955 = arith.subf %sub3A_954, %mul3A_949 : vector<16xf32>
        %select_n3A_956 = arith.select %eq3A_952, %sub3A_955, %mul3A_949 : vector<16xi1>, vector<16xf32>
        %mul3A_957 = arith.constant 2.560000e+02 : f32
        %mul3A_958 = vector.broadcast %mul3A_957 : f32 to vector<16xf32>
        %mul3A_959 = arith.mulf %select_n3A_956, %mul3A_958 : vector<16xf32>
        %add3A_960 = arith.constant 0.000000e+00 : f32
        %add3A_961 = vector.broadcast %add3A_960 : f32 to vector<16xf32>
        %add3A_962 = arith.addf %mul3A_959, %add3A_961 : vector<16xf32>
        %convert_element_type3A_963 = arith.fptosi %add3A_962 : vector<16xf32> to vector<16xi32>
        %min3A_964 = arith.constant 511 : i32
        %min3A_965 = vector.broadcast %min3A_964 : i32 to vector<16xi32>
        %min3A_966 = arith.minsi %convert_element_type3A_963, %min3A_965 : vector<16xi32>
        tpu.vector_store_idx %arg7[%min3A_966], %broadcast_in_dim3A_35 {add = true} : memref<9728xf32, #tpu.memory_space<vmem>>[vector<16xi32>], vector<16xf32>,
        %mul3A_967 = arith.mulf %exp3A_804, %div3A_944 : vector<16xf32>
        %eq3A_968 = arith.constant 1 : i32
        %eq3A_969 = vector.broadcast %eq3A_968 : i32 to vector<16xi32>
        %eq3A_970 = arith.cmpi eq, %get3A_948, %eq3A_969 : vector<16xi32>
        %sub3A_971 = arith.constant 2.000000e+00 : f32
        %sub3A_972 = vector.broadcast %sub3A_971 : f32 to vector<16xf32>
        %sub3A_973 = arith.subf %sub3A_972, %mul3A_967 : vector<16xf32>
        %select_n3A_974 = arith.select %eq3A_970, %sub3A_973, %mul3A_967 : vector<16xi1>, vector<16xf32>
        %mul3A_975 = arith.constant 2.560000e+02 : f32
        %mul3A_976 = vector.broadcast %mul3A_975 : f32 to vector<16xf32>
        %mul3A_977 = arith.mulf %select_n3A_974, %mul3A_976 : vector<16xf32>
        %add3A_978 = arith.constant 5.120000e+02 : f32
        %add3A_979 = vector.broadcast %add3A_978 : f32 to vector<16xf32>
        %add3A_980 = arith.addf %mul3A_977, %add3A_979 : vector<16xf32>
        %convert_element_type3A_981 = arith.fptosi %add3A_980 : vector<16xf32> to vector<16xi32>
        %min3A_982 = arith.constant 1023 : i32
        %min3A_983 = vector.broadcast %min3A_982 : i32 to vector<16xi32>
        %min3A_984 = arith.minsi %convert_element_type3A_981, %min3A_983 : vector<16xi32>
        tpu.vector_store_idx %arg7[%min3A_984], %broadcast_in_dim3A_35 {add = true} : memref<9728xf32, #tpu.memory_space<vmem>>[vector<16xi32>], vector<16xf32>,
        %mul3A_985 = arith.mulf %exp3A_811, %div3A_944 : vector<16xf32>
        %eq3A_986 = arith.constant 2 : i32
        %eq3A_987 = vector.broadcast %eq3A_986 : i32 to vector<16xi32>
        %eq3A_988 = arith.cmpi eq, %get3A_948, %eq3A_987 : vector<16xi32>
        %sub3A_989 = arith.constant 2.000000e+00 : f32
        %sub3A_990 = vector.broadcast %sub3A_989 : f32 to vector<16xf32>
        %sub3A_991 = arith.subf %sub3A_990, %mul3A_985 : vector<16xf32>
        %select_n3A_992 = arith.select %eq3A_988, %sub3A_991, %mul3A_985 : vector<16xi1>, vector<16xf32>
        %mul3A_993 = arith.constant 2.560000e+02 : f32
        %mul3A_994 = vector.broadcast %mul3A_993 : f32 to vector<16xf32>
        %mul3A_995 = arith.mulf %select_n3A_992, %mul3A_994 : vector<16xf32>
        %add3A_996 = arith.constant 1.024000e+03 : f32
        %add3A_997 = vector.broadcast %add3A_996 : f32 to vector<16xf32>
        %add3A_998 = arith.addf %mul3A_995, %add3A_997 : vector<16xf32>
        %convert_element_type3A_999 = arith.fptosi %add3A_998 : vector<16xf32> to vector<16xi32>
        %min3A_1000 = arith.constant 1535 : i32
        %min3A_1001 = vector.broadcast %min3A_1000 : i32 to vector<16xi32>
        %min3A_1002 = arith.minsi %convert_element_type3A_999, %min3A_1001 : vector<16xi32>
        tpu.vector_store_idx %arg7[%min3A_1002], %broadcast_in_dim3A_35 {add = true} : memref<9728xf32, #tpu.memory_space<vmem>>[vector<16xi32>], vector<16xf32>,
        %mul3A_1003 = arith.mulf %exp3A_818, %div3A_944 : vector<16xf32>
        %eq3A_1004 = arith.constant 3 : i32
        %eq3A_1005 = vector.broadcast %eq3A_1004 : i32 to vector<16xi32>
        %eq3A_1006 = arith.cmpi eq, %get3A_948, %eq3A_1005 : vector<16xi32>
        %sub3A_1007 = arith.constant 2.000000e+00 : f32
        %sub3A_1008 = vector.broadcast %sub3A_1007 : f32 to vector<16xf32>
        %sub3A_1009 = arith.subf %sub3A_1008, %mul3A_1003 : vector<16xf32>
        %select_n3A_1010 = arith.select %eq3A_1006, %sub3A_1009, %mul3A_1003 : vector<16xi1>, vector<16xf32>
        %mul3A_1011 = arith.constant 2.560000e+02 : f32
        %mul3A_1012 = vector.broadcast %mul3A_1011 : f32 to vector<16xf32>
        %mul3A_1013 = arith.mulf %select_n3A_1010, %mul3A_1012 : vector<16xf32>
        %add3A_1014 = arith.constant 1.536000e+03 : f32
        %add3A_1015 = vector.broadcast %add3A_1014 : f32 to vector<16xf32>
        %add3A_1016 = arith.addf %mul3A_1013, %add3A_1015 : vector<16xf32>
        %convert_element_type3A_1017 = arith.fptosi %add3A_1016 : vector<16xf32> to vector<16xi32>
        %min3A_1018 = arith.constant 2047 : i32
        %min3A_1019 = vector.broadcast %min3A_1018 : i32 to vector<16xi32>
        %min3A_1020 = arith.minsi %convert_element_type3A_1017, %min3A_1019 : vector<16xi32>
        tpu.vector_store_idx %arg7[%min3A_1020], %broadcast_in_dim3A_35 {add = true} : memref<9728xf32, #tpu.memory_space<vmem>>[vector<16xi32>], vector<16xf32>,
        %mul3A_1021 = arith.mulf %exp3A_825, %div3A_944 : vector<16xf32>
        %eq3A_1022 = arith.constant 4 : i32
        %eq3A_1023 = vector.broadcast %eq3A_1022 : i32 to vector<16xi32>
        %eq3A_1024 = arith.cmpi eq, %get3A_948, %eq3A_1023 : vector<16xi32>
        %sub3A_1025 = arith.constant 2.000000e+00 : f32
        %sub3A_1026 = vector.broadcast %sub3A_1025 : f32 to vector<16xf32>
        %sub3A_1027 = arith.subf %sub3A_1026, %mul3A_1021 : vector<16xf32>
        %select_n3A_1028 = arith.select %eq3A_1024, %sub3A_1027, %mul3A_1021 : vector<16xi1>, vector<16xf32>
        %mul3A_1029 = arith.constant 2.560000e+02 : f32
        %mul3A_1030 = vector.broadcast %mul3A_1029 : f32 to vector<16xf32>
        %mul3A_1031 = arith.mulf %select_n3A_1028, %mul3A_1030 : vector<16xf32>
        %add3A_1032 = arith.constant 2.048000e+03 : f32
        %add3A_1033 = vector.broadcast %add3A_1032 : f32 to vector<16xf32>
        %add3A_1034 = arith.addf %mul3A_1031, %add3A_1033 : vector<16xf32>
        %convert_element_type3A_1035 = arith.fptosi %add3A_1034 : vector<16xf32> to vector<16xi32>
        %min3A_1036 = arith.constant 2559 : i32
        %min3A_1037 = vector.broadcast %min3A_1036 : i32 to vector<16xi32>
        %min3A_1038 = arith.minsi %convert_element_type3A_1035, %min3A_1037 : vector<16xi32>
        tpu.vector_store_idx %arg7[%min3A_1038], %broadcast_in_dim3A_35 {add = true} : memref<9728xf32, #tpu.memory_space<vmem>>[vector<16xi32>], vector<16xf32>,
        %mul3A_1039 = arith.mulf %exp3A_832, %div3A_944 : vector<16xf32>
        %eq3A_1040 = arith.constant 5 : i32
        %eq3A_1041 = vector.broadcast %eq3A_1040 : i32 to vector<16xi32>
        %eq3A_1042 = arith.cmpi eq, %get3A_948, %eq3A_1041 : vector<16xi32>
        %sub3A_1043 = arith.constant 2.000000e+00 : f32
        %sub3A_1044 = vector.broadcast %sub3A_1043 : f32 to vector<16xf32>
        %sub3A_1045 = arith.subf %sub3A_1044, %mul3A_1039 : vector<16xf32>
        %select_n3A_1046 = arith.select %eq3A_1042, %sub3A_1045, %mul3A_1039 : vector<16xi1>, vector<16xf32>
        %mul3A_1047 = arith.constant 2.560000e+02 : f32
        %mul3A_1048 = vector.broadcast %mul3A_1047 : f32 to vector<16xf32>
        %mul3A_1049 = arith.mulf %select_n3A_1046, %mul3A_1048 : vector<16xf32>
        %add3A_1050 = arith.constant 2.560000e+03 : f32
        %add3A_1051 = vector.broadcast %add3A_1050 : f32 to vector<16xf32>
        %add3A_1052 = arith.addf %mul3A_1049, %add3A_1051 : vector<16xf32>
        %convert_element_type3A_1053 = arith.fptosi %add3A_1052 : vector<16xf32> to vector<16xi32>
        %min3A_1054 = arith.constant 3071 : i32
        %min3A_1055 = vector.broadcast %min3A_1054 : i32 to vector<16xi32>
        %min3A_1056 = arith.minsi %convert_element_type3A_1053, %min3A_1055 : vector<16xi32>
        tpu.vector_store_idx %arg7[%min3A_1056], %broadcast_in_dim3A_35 {add = true} : memref<9728xf32, #tpu.memory_space<vmem>>[vector<16xi32>], vector<16xf32>,
        %mul3A_1057 = arith.mulf %exp3A_839, %div3A_944 : vector<16xf32>
        %eq3A_1058 = arith.constant 6 : i32
        %eq3A_1059 = vector.broadcast %eq3A_1058 : i32 to vector<16xi32>
        %eq3A_1060 = arith.cmpi eq, %get3A_948, %eq3A_1059 : vector<16xi32>
        %sub3A_1061 = arith.constant 2.000000e+00 : f32
        %sub3A_1062 = vector.broadcast %sub3A_1061 : f32 to vector<16xf32>
        %sub3A_1063 = arith.subf %sub3A_1062, %mul3A_1057 : vector<16xf32>
        %select_n3A_1064 = arith.select %eq3A_1060, %sub3A_1063, %mul3A_1057 : vector<16xi1>, vector<16xf32>
        %mul3A_1065 = arith.constant 2.560000e+02 : f32
        %mul3A_1066 = vector.broadcast %mul3A_1065 : f32 to vector<16xf32>
        %mul3A_1067 = arith.mulf %select_n3A_1064, %mul3A_1066 : vector<16xf32>
        %add3A_1068 = arith.constant 3.072000e+03 : f32
        %add3A_1069 = vector.broadcast %add3A_1068 : f32 to vector<16xf32>
        %add3A_1070 = arith.addf %mul3A_1067, %add3A_1069 : vector<16xf32>
        %convert_element_type3A_1071 = arith.fptosi %add3A_1070 : vector<16xf32> to vector<16xi32>
        %min3A_1072 = arith.constant 3583 : i32
        %min3A_1073 = vector.broadcast %min3A_1072 : i32 to vector<16xi32>
        %min3A_1074 = arith.minsi %convert_element_type3A_1071, %min3A_1073 : vector<16xi32>
        tpu.vector_store_idx %arg7[%min3A_1074], %broadcast_in_dim3A_35 {add = true} : memref<9728xf32, #tpu.memory_space<vmem>>[vector<16xi32>], vector<16xf32>,
        %mul3A_1075 = arith.mulf %exp3A_846, %div3A_944 : vector<16xf32>
        %eq3A_1076 = arith.constant 7 : i32
        %eq3A_1077 = vector.broadcast %eq3A_1076 : i32 to vector<16xi32>
        %eq3A_1078 = arith.cmpi eq, %get3A_948, %eq3A_1077 : vector<16xi32>
        %sub3A_1079 = arith.constant 2.000000e+00 : f32
        %sub3A_1080 = vector.broadcast %sub3A_1079 : f32 to vector<16xf32>
        %sub3A_1081 = arith.subf %sub3A_1080, %mul3A_1075 : vector<16xf32>
        %select_n3A_1082 = arith.select %eq3A_1078, %sub3A_1081, %mul3A_1075 : vector<16xi1>, vector<16xf32>
        %mul3A_1083 = arith.constant 2.560000e+02 : f32
        %mul3A_1084 = vector.broadcast %mul3A_1083 : f32 to vector<16xf32>
        %mul3A_1085 = arith.mulf %select_n3A_1082, %mul3A_1084 : vector<16xf32>
        %add3A_1086 = arith.constant 3.584000e+03 : f32
        %add3A_1087 = vector.broadcast %add3A_1086 : f32 to vector<16xf32>
        %add3A_1088 = arith.addf %mul3A_1085, %add3A_1087 : vector<16xf32>
        %convert_element_type3A_1089 = arith.fptosi %add3A_1088 : vector<16xf32> to vector<16xi32>
        %min3A_1090 = arith.constant 4095 : i32
        %min3A_1091 = vector.broadcast %min3A_1090 : i32 to vector<16xi32>
        %min3A_1092 = arith.minsi %convert_element_type3A_1089, %min3A_1091 : vector<16xi32>
        tpu.vector_store_idx %arg7[%min3A_1092], %broadcast_in_dim3A_35 {add = true} : memref<9728xf32, #tpu.memory_space<vmem>>[vector<16xi32>], vector<16xf32>,
        %mul3A_1093 = arith.mulf %exp3A_853, %div3A_944 : vector<16xf32>
        %eq3A_1094 = arith.constant 8 : i32
        %eq3A_1095 = vector.broadcast %eq3A_1094 : i32 to vector<16xi32>
        %eq3A_1096 = arith.cmpi eq, %get3A_948, %eq3A_1095 : vector<16xi32>
        %sub3A_1097 = arith.constant 2.000000e+00 : f32
        %sub3A_1098 = vector.broadcast %sub3A_1097 : f32 to vector<16xf32>
        %sub3A_1099 = arith.subf %sub3A_1098, %mul3A_1093 : vector<16xf32>
        %select_n3A_1100 = arith.select %eq3A_1096, %sub3A_1099, %mul3A_1093 : vector<16xi1>, vector<16xf32>
        %mul3A_1101 = arith.constant 2.560000e+02 : f32
        %mul3A_1102 = vector.broadcast %mul3A_1101 : f32 to vector<16xf32>
        %mul3A_1103 = arith.mulf %select_n3A_1100, %mul3A_1102 : vector<16xf32>
        %add3A_1104 = arith.constant 4.096000e+03 : f32
        %add3A_1105 = vector.broadcast %add3A_1104 : f32 to vector<16xf32>
        %add3A_1106 = arith.addf %mul3A_1103, %add3A_1105 : vector<16xf32>
        %convert_element_type3A_1107 = arith.fptosi %add3A_1106 : vector<16xf32> to vector<16xi32>
        %min3A_1108 = arith.constant 4607 : i32
        %min3A_1109 = vector.broadcast %min3A_1108 : i32 to vector<16xi32>
        %min3A_1110 = arith.minsi %convert_element_type3A_1107, %min3A_1109 : vector<16xi32>
        tpu.vector_store_idx %arg7[%min3A_1110], %broadcast_in_dim3A_35 {add = true} : memref<9728xf32, #tpu.memory_space<vmem>>[vector<16xi32>], vector<16xf32>,
        %mul3A_1111 = arith.mulf %exp3A_860, %div3A_944 : vector<16xf32>
        %eq3A_1112 = arith.constant 9 : i32
        %eq3A_1113 = vector.broadcast %eq3A_1112 : i32 to vector<16xi32>
        %eq3A_1114 = arith.cmpi eq, %get3A_948, %eq3A_1113 : vector<16xi32>
        %sub3A_1115 = arith.constant 2.000000e+00 : f32
        %sub3A_1116 = vector.broadcast %sub3A_1115 : f32 to vector<16xf32>
        %sub3A_1117 = arith.subf %sub3A_1116, %mul3A_1111 : vector<16xf32>
        %select_n3A_1118 = arith.select %eq3A_1114, %sub3A_1117, %mul3A_1111 : vector<16xi1>, vector<16xf32>
        %mul3A_1119 = arith.constant 2.560000e+02 : f32
        %mul3A_1120 = vector.broadcast %mul3A_1119 : f32 to vector<16xf32>
        %mul3A_1121 = arith.mulf %select_n3A_1118, %mul3A_1120 : vector<16xf32>
        %add3A_1122 = arith.constant 4.608000e+03 : f32
        %add3A_1123 = vector.broadcast %add3A_1122 : f32 to vector<16xf32>
        %add3A_1124 = arith.addf %mul3A_1121, %add3A_1123 : vector<16xf32>
        %convert_element_type3A_1125 = arith.fptosi %add3A_1124 : vector<16xf32> to vector<16xi32>
        %min3A_1126 = arith.constant 5119 : i32
        %min3A_1127 = vector.broadcast %min3A_1126 : i32 to vector<16xi32>
        %min3A_1128 = arith.minsi %convert_element_type3A_1125, %min3A_1127 : vector<16xi32>
        tpu.vector_store_idx %arg7[%min3A_1128], %broadcast_in_dim3A_35 {add = true} : memref<9728xf32, #tpu.memory_space<vmem>>[vector<16xi32>], vector<16xf32>,
        %mul3A_1129 = arith.mulf %exp3A_867, %div3A_944 : vector<16xf32>
        %eq3A_1130 = arith.constant 10 : i32
        %eq3A_1131 = vector.broadcast %eq3A_1130 : i32 to vector<16xi32>
        %eq3A_1132 = arith.cmpi eq, %get3A_948, %eq3A_1131 : vector<16xi32>
        %sub3A_1133 = arith.constant 2.000000e+00 : f32
        %sub3A_1134 = vector.broadcast %sub3A_1133 : f32 to vector<16xf32>
        %sub3A_1135 = arith.subf %sub3A_1134, %mul3A_1129 : vector<16xf32>
        %select_n3A_1136 = arith.select %eq3A_1132, %sub3A_1135, %mul3A_1129 : vector<16xi1>, vector<16xf32>
        %mul3A_1137 = arith.constant 2.560000e+02 : f32
        %mul3A_1138 = vector.broadcast %mul3A_1137 : f32 to vector<16xf32>
        %mul3A_1139 = arith.mulf %select_n3A_1136, %mul3A_1138 : vector<16xf32>
        %add3A_1140 = arith.constant 5.120000e+03 : f32
        %add3A_1141 = vector.broadcast %add3A_1140 : f32 to vector<16xf32>
        %add3A_1142 = arith.addf %mul3A_1139, %add3A_1141 : vector<16xf32>
        %convert_element_type3A_1143 = arith.fptosi %add3A_1142 : vector<16xf32> to vector<16xi32>
        %min3A_1144 = arith.constant 5631 : i32
        %min3A_1145 = vector.broadcast %min3A_1144 : i32 to vector<16xi32>
        %min3A_1146 = arith.minsi %convert_element_type3A_1143, %min3A_1145 : vector<16xi32>
        tpu.vector_store_idx %arg7[%min3A_1146], %broadcast_in_dim3A_35 {add = true} : memref<9728xf32, #tpu.memory_space<vmem>>[vector<16xi32>], vector<16xf32>,
        %mul3A_1147 = arith.mulf %exp3A_874, %div3A_944 : vector<16xf32>
        %eq3A_1148 = arith.constant 11 : i32
        %eq3A_1149 = vector.broadcast %eq3A_1148 : i32 to vector<16xi32>
        %eq3A_1150 = arith.cmpi eq, %get3A_948, %eq3A_1149 : vector<16xi32>
        %sub3A_1151 = arith.constant 2.000000e+00 : f32
        %sub3A_1152 = vector.broadcast %sub3A_1151 : f32 to vector<16xf32>
        %sub3A_1153 = arith.subf %sub3A_1152, %mul3A_1147 : vector<16xf32>
        %select_n3A_1154 = arith.select %eq3A_1150, %sub3A_1153, %mul3A_1147 : vector<16xi1>, vector<16xf32>
        %mul3A_1155 = arith.constant 2.560000e+02 : f32
        %mul3A_1156 = vector.broadcast %mul3A_1155 : f32 to vector<16xf32>
        %mul3A_1157 = arith.mulf %select_n3A_1154, %mul3A_1156 : vector<16xf32>
        %add3A_1158 = arith.constant 5.632000e+03 : f32
        %add3A_1159 = vector.broadcast %add3A_1158 : f32 to vector<16xf32>
        %add3A_1160 = arith.addf %mul3A_1157, %add3A_1159 : vector<16xf32>
        %convert_element_type3A_1161 = arith.fptosi %add3A_1160 : vector<16xf32> to vector<16xi32>
        %min3A_1162 = arith.constant 6143 : i32
        %min3A_1163 = vector.broadcast %min3A_1162 : i32 to vector<16xi32>
        %min3A_1164 = arith.minsi %convert_element_type3A_1161, %min3A_1163 : vector<16xi32>
        tpu.vector_store_idx %arg7[%min3A_1164], %broadcast_in_dim3A_35 {add = true} : memref<9728xf32, #tpu.memory_space<vmem>>[vector<16xi32>], vector<16xf32>,
        %mul3A_1165 = arith.mulf %exp3A_881, %div3A_944 : vector<16xf32>
        %eq3A_1166 = arith.constant 12 : i32
        %eq3A_1167 = vector.broadcast %eq3A_1166 : i32 to vector<16xi32>
        %eq3A_1168 = arith.cmpi eq, %get3A_948, %eq3A_1167 : vector<16xi32>
        %sub3A_1169 = arith.constant 2.000000e+00 : f32
        %sub3A_1170 = vector.broadcast %sub3A_1169 : f32 to vector<16xf32>
        %sub3A_1171 = arith.subf %sub3A_1170, %mul3A_1165 : vector<16xf32>
        %select_n3A_1172 = arith.select %eq3A_1168, %sub3A_1171, %mul3A_1165 : vector<16xi1>, vector<16xf32>
        %mul3A_1173 = arith.constant 2.560000e+02 : f32
        %mul3A_1174 = vector.broadcast %mul3A_1173 : f32 to vector<16xf32>
        %mul3A_1175 = arith.mulf %select_n3A_1172, %mul3A_1174 : vector<16xf32>
        %add3A_1176 = arith.constant 6.144000e+03 : f32
        %add3A_1177 = vector.broadcast %add3A_1176 : f32 to vector<16xf32>
        %add3A_1178 = arith.addf %mul3A_1175, %add3A_1177 : vector<16xf32>
        %convert_element_type3A_1179 = arith.fptosi %add3A_1178 : vector<16xf32> to vector<16xi32>
        %min3A_1180 = arith.constant 6655 : i32
        %min3A_1181 = vector.broadcast %min3A_1180 : i32 to vector<16xi32>
        %min3A_1182 = arith.minsi %convert_element_type3A_1179, %min3A_1181 : vector<16xi32>
        tpu.vector_store_idx %arg7[%min3A_1182], %broadcast_in_dim3A_35 {add = true} : memref<9728xf32, #tpu.memory_space<vmem>>[vector<16xi32>], vector<16xf32>,
        %mul3A_1183 = arith.mulf %exp3A_888, %div3A_944 : vector<16xf32>
        %eq3A_1184 = arith.constant 13 : i32
        %eq3A_1185 = vector.broadcast %eq3A_1184 : i32 to vector<16xi32>
        %eq3A_1186 = arith.cmpi eq, %get3A_948, %eq3A_1185 : vector<16xi32>
        %sub3A_1187 = arith.constant 2.000000e+00 : f32
        %sub3A_1188 = vector.broadcast %sub3A_1187 : f32 to vector<16xf32>
        %sub3A_1189 = arith.subf %sub3A_1188, %mul3A_1183 : vector<16xf32>
        %select_n3A_1190 = arith.select %eq3A_1186, %sub3A_1189, %mul3A_1183 : vector<16xi1>, vector<16xf32>
        %mul3A_1191 = arith.constant 2.560000e+02 : f32
        %mul3A_1192 = vector.broadcast %mul3A_1191 : f32 to vector<16xf32>
        %mul3A_1193 = arith.mulf %select_n3A_1190, %mul3A_1192 : vector<16xf32>
        %add3A_1194 = arith.constant 6.656000e+03 : f32
        %add3A_1195 = vector.broadcast %add3A_1194 : f32 to vector<16xf32>
        %add3A_1196 = arith.addf %mul3A_1193, %add3A_1195 : vector<16xf32>
        %convert_element_type3A_1197 = arith.fptosi %add3A_1196 : vector<16xf32> to vector<16xi32>
        %min3A_1198 = arith.constant 7167 : i32
        %min3A_1199 = vector.broadcast %min3A_1198 : i32 to vector<16xi32>
        %min3A_1200 = arith.minsi %convert_element_type3A_1197, %min3A_1199 : vector<16xi32>
        tpu.vector_store_idx %arg7[%min3A_1200], %broadcast_in_dim3A_35 {add = true} : memref<9728xf32, #tpu.memory_space<vmem>>[vector<16xi32>], vector<16xf32>,
        %mul3A_1201 = arith.mulf %exp3A_895, %div3A_944 : vector<16xf32>
        %eq3A_1202 = arith.constant 14 : i32
        %eq3A_1203 = vector.broadcast %eq3A_1202 : i32 to vector<16xi32>
        %eq3A_1204 = arith.cmpi eq, %get3A_948, %eq3A_1203 : vector<16xi32>
        %sub3A_1205 = arith.constant 2.000000e+00 : f32
        %sub3A_1206 = vector.broadcast %sub3A_1205 : f32 to vector<16xf32>
        %sub3A_1207 = arith.subf %sub3A_1206, %mul3A_1201 : vector<16xf32>
        %select_n3A_1208 = arith.select %eq3A_1204, %sub3A_1207, %mul3A_1201 : vector<16xi1>, vector<16xf32>
        %mul3A_1209 = arith.constant 2.560000e+02 : f32
        %mul3A_1210 = vector.broadcast %mul3A_1209 : f32 to vector<16xf32>
        %mul3A_1211 = arith.mulf %select_n3A_1208, %mul3A_1210 : vector<16xf32>
        %add3A_1212 = arith.constant 7.168000e+03 : f32
        %add3A_1213 = vector.broadcast %add3A_1212 : f32 to vector<16xf32>
        %add3A_1214 = arith.addf %mul3A_1211, %add3A_1213 : vector<16xf32>
        %convert_element_type3A_1215 = arith.fptosi %add3A_1214 : vector<16xf32> to vector<16xi32>
        %min3A_1216 = arith.constant 7679 : i32
        %min3A_1217 = vector.broadcast %min3A_1216 : i32 to vector<16xi32>
        %min3A_1218 = arith.minsi %convert_element_type3A_1215, %min3A_1217 : vector<16xi32>
        tpu.vector_store_idx %arg7[%min3A_1218], %broadcast_in_dim3A_35 {add = true} : memref<9728xf32, #tpu.memory_space<vmem>>[vector<16xi32>], vector<16xf32>,
        %mul3A_1219 = arith.mulf %exp3A_902, %div3A_944 : vector<16xf32>
        %eq3A_1220 = arith.constant 15 : i32
        %eq3A_1221 = vector.broadcast %eq3A_1220 : i32 to vector<16xi32>
        %eq3A_1222 = arith.cmpi eq, %get3A_948, %eq3A_1221 : vector<16xi32>
        %sub3A_1223 = arith.constant 2.000000e+00 : f32
        %sub3A_1224 = vector.broadcast %sub3A_1223 : f32 to vector<16xf32>
        %sub3A_1225 = arith.subf %sub3A_1224, %mul3A_1219 : vector<16xf32>
        %select_n3A_1226 = arith.select %eq3A_1222, %sub3A_1225, %mul3A_1219 : vector<16xi1>, vector<16xf32>
        %mul3A_1227 = arith.constant 2.560000e+02 : f32
        %mul3A_1228 = vector.broadcast %mul3A_1227 : f32 to vector<16xf32>
        %mul3A_1229 = arith.mulf %select_n3A_1226, %mul3A_1228 : vector<16xf32>
        %add3A_1230 = arith.constant 7.680000e+03 : f32
        %add3A_1231 = vector.broadcast %add3A_1230 : f32 to vector<16xf32>
        %add3A_1232 = arith.addf %mul3A_1229, %add3A_1231 : vector<16xf32>
        %convert_element_type3A_1233 = arith.fptosi %add3A_1232 : vector<16xf32> to vector<16xi32>
        %min3A_1234 = arith.constant 8191 : i32
        %min3A_1235 = vector.broadcast %min3A_1234 : i32 to vector<16xi32>
        %min3A_1236 = arith.minsi %convert_element_type3A_1233, %min3A_1235 : vector<16xi32>
        tpu.vector_store_idx %arg7[%min3A_1236], %broadcast_in_dim3A_35 {add = true} : memref<9728xf32, #tpu.memory_space<vmem>>[vector<16xi32>], vector<16xf32>,
        %mul3A_1237 = arith.mulf %exp3A_909, %div3A_944 : vector<16xf32>
        %eq3A_1238 = arith.constant 16 : i32
        %eq3A_1239 = vector.broadcast %eq3A_1238 : i32 to vector<16xi32>
        %eq3A_1240 = arith.cmpi eq, %get3A_948, %eq3A_1239 : vector<16xi32>
        %sub3A_1241 = arith.constant 2.000000e+00 : f32
        %sub3A_1242 = vector.broadcast %sub3A_1241 : f32 to vector<16xf32>
        %sub3A_1243 = arith.subf %sub3A_1242, %mul3A_1237 : vector<16xf32>
        %select_n3A_1244 = arith.select %eq3A_1240, %sub3A_1243, %mul3A_1237 : vector<16xi1>, vector<16xf32>
        %mul3A_1245 = arith.constant 2.560000e+02 : f32
        %mul3A_1246 = vector.broadcast %mul3A_1245 : f32 to vector<16xf32>
        %mul3A_1247 = arith.mulf %select_n3A_1244, %mul3A_1246 : vector<16xf32>
        %add3A_1248 = arith.constant 8.192000e+03 : f32
        %add3A_1249 = vector.broadcast %add3A_1248 : f32 to vector<16xf32>
        %add3A_1250 = arith.addf %mul3A_1247, %add3A_1249 : vector<16xf32>
        %convert_element_type3A_1251 = arith.fptosi %add3A_1250 : vector<16xf32> to vector<16xi32>
        %min3A_1252 = arith.constant 8703 : i32
        %min3A_1253 = vector.broadcast %min3A_1252 : i32 to vector<16xi32>
        %min3A_1254 = arith.minsi %convert_element_type3A_1251, %min3A_1253 : vector<16xi32>
        tpu.vector_store_idx %arg7[%min3A_1254], %broadcast_in_dim3A_35 {add = true} : memref<9728xf32, #tpu.memory_space<vmem>>[vector<16xi32>], vector<16xf32>,
        %mul3A_1255 = arith.mulf %exp3A_916, %div3A_944 : vector<16xf32>
        %eq3A_1256 = arith.constant 17 : i32
        %eq3A_1257 = vector.broadcast %eq3A_1256 : i32 to vector<16xi32>
        %eq3A_1258 = arith.cmpi eq, %get3A_948, %eq3A_1257 : vector<16xi32>
        %sub3A_1259 = arith.constant 2.000000e+00 : f32
        %sub3A_1260 = vector.broadcast %sub3A_1259 : f32 to vector<16xf32>
        %sub3A_1261 = arith.subf %sub3A_1260, %mul3A_1255 : vector<16xf32>
        %select_n3A_1262 = arith.select %eq3A_1258, %sub3A_1261, %mul3A_1255 : vector<16xi1>, vector<16xf32>
        %mul3A_1263 = arith.constant 2.560000e+02 : f32
        %mul3A_1264 = vector.broadcast %mul3A_1263 : f32 to vector<16xf32>
        %mul3A_1265 = arith.mulf %select_n3A_1262, %mul3A_1264 : vector<16xf32>
        %add3A_1266 = arith.constant 8.704000e+03 : f32
        %add3A_1267 = vector.broadcast %add3A_1266 : f32 to vector<16xf32>
        %add3A_1268 = arith.addf %mul3A_1265, %add3A_1267 : vector<16xf32>
        %convert_element_type3A_1269 = arith.fptosi %add3A_1268 : vector<16xf32> to vector<16xi32>
        %min3A_1270 = arith.constant 9215 : i32
        %min3A_1271 = vector.broadcast %min3A_1270 : i32 to vector<16xi32>
        %min3A_1272 = arith.minsi %convert_element_type3A_1269, %min3A_1271 : vector<16xi32>
        tpu.vector_store_idx %arg7[%min3A_1272], %broadcast_in_dim3A_35 {add = true} : memref<9728xf32, #tpu.memory_space<vmem>>[vector<16xi32>], vector<16xf32>,
        %mul3A_1273 = arith.mulf %exp3A_923, %div3A_944 : vector<16xf32>
        %eq3A_1274 = arith.constant 18 : i32
        %eq3A_1275 = vector.broadcast %eq3A_1274 : i32 to vector<16xi32>
        %eq3A_1276 = arith.cmpi eq, %get3A_948, %eq3A_1275 : vector<16xi32>
        %sub3A_1277 = arith.constant 2.000000e+00 : f32
        %sub3A_1278 = vector.broadcast %sub3A_1277 : f32 to vector<16xf32>
        %sub3A_1279 = arith.subf %sub3A_1278, %mul3A_1273 : vector<16xf32>
        %select_n3A_1280 = arith.select %eq3A_1276, %sub3A_1279, %mul3A_1273 : vector<16xi1>, vector<16xf32>
        %mul3A_1281 = arith.constant 2.560000e+02 : f32
        %mul3A_1282 = vector.broadcast %mul3A_1281 : f32 to vector<16xf32>
        %mul3A_1283 = arith.mulf %select_n3A_1280, %mul3A_1282 : vector<16xf32>
        %add3A_1284 = arith.constant 9.216000e+03 : f32
        %add3A_1285 = vector.broadcast %add3A_1284 : f32 to vector<16xf32>
        %add3A_1286 = arith.addf %mul3A_1283, %add3A_1285 : vector<16xf32>
        %convert_element_type3A_1287 = arith.fptosi %add3A_1286 : vector<16xf32> to vector<16xi32>
        %min3A_1288 = arith.constant 9727 : i32
        %min3A_1289 = vector.broadcast %min3A_1288 : i32 to vector<16xi32>
        %min3A_1290 = arith.minsi %convert_element_type3A_1287, %min3A_1289 : vector<16xi32>
        tpu.vector_store_idx %arg7[%min3A_1290], %broadcast_in_dim3A_35 {add = true} : memref<9728xf32, #tpu.memory_space<vmem>>[vector<16xi32>], vector<16xf32>,
        %scan3A_1291 = arith.constant 0 : i32
        scf.yield %scan3A_1291 : i32
      }
      %scan3A_275 = arith.constant 32 : i32
      %add3A_276 = arith.constant 4 : i32
      %add3A_277 = arith.addi %add3A_245, %add3A_276 : i32
      %sub3A_278 = arith.constant 1 : i32
      %sub3A_279 = arith.subi %add3A_277, %sub3A_278 : i32
      %lt3A_280 = arith.constant 32 : i32
      %lt3A_281 = arith.cmpi slt, %sub3A_279, %lt3A_280 : i32
      %convert_element_type3A_282 = arith.extui %lt3A_281 : i1 to i32
      %cond3A_283 = arith.constant 0 : i32
      %cond3A_284 = arith.cmpi ne, %convert_element_type3A_282, %cond3A_283 : i32
      scf.if %cond3A_284 {
        %add3A_286 = arith.constant 4 : i32
        %add3A_287 = arith.addi %add3A_245, %add3A_286 : i32
        %sub3A_288 = arith.constant 1 : i32
        %sub3A_289 = arith.subi %add3A_287, %sub3A_288 : i32
        %mul3A_290 = arith.constant 1024 : i32
        %mul3A_291 = arith.muli %sub3A_289, %mul3A_290 : i32
        %add3A_292 = arith.addi %mul3A_32, %mul3A_291 : i32
        %dma_start3A_293 = arith.constant 2 : i32
        %dma_start3A_294 = arith.constant 0 : i32
        %dma_start3A_295 = arith.constant 0 : i32
        %dma_start3A_296 = tpu.memref_slice %arg5[%dma_start3A_293, %dma_start3A_294, %dma_start3A_295] : memref<4x19x1024xf32, #tpu.memory_space<vmem>> -> memref<1x19x1024xf32, #tpu.memory_space<vmem>>
        %dma_start3A_297 = arith.constant 0 : i32
        %dma_start3A_298 = tpu.memref_slice %arg2[%select_n3A, %dma_start3A_297, %add3A_292] : memref<4x19x262144xf32, #tpu.memory_space<hbm>> -> memref<1x19x1024xf32, #tpu.memory_space<hbm>>
        %dma_start3A_299 = arith.constant 2 : i32
        %dma_start3A_300 = arith.constant 0 : i32
        %dma_start3A_301 = arith.constant 0 : i32
        %dma_start3A_302 = tpu.memref_slice %arg5[%dma_start3A_299, %dma_start3A_300, %dma_start3A_301] : memref<4x19x1024xf32, #tpu.memory_space<vmem>> -> memref<1x19x1024xf32, #tpu.memory_space<vmem>>
        %dma_start3A_303 = arith.constant 0 : i32
        %dma_start3A_304 = tpu.memref_slice %arg2[%select_n3A, %dma_start3A_303, %add3A_292] : memref<4x19x262144xf32, #tpu.memory_space<hbm>> -> memref<1x19x1024xf32, #tpu.memory_space<hbm>>
        tpu.enqueue_dma source(%dma_start3A_304 : memref<1x19x1024xf32, #tpu.memory_space<hbm>>) target(%dma_start3A_302 : memref<1x19x1024xf32, #tpu.memory_space<vmem>>) target_semaphore(%arg8 : memref<!tpu.dma_semaphore, #tpu.memory_space<semaphore_mem>>)
        %dma_start3A_305 = arith.constant 2 : i32
        %dma_start3A_306 = arith.constant 0 : i32
        %dma_start3A_307 = tpu.memref_slice %arg6[%dma_start3A_305, %dma_start3A_306] : memref<4x1024xi32, #tpu.memory_space<vmem>> -> memref<1x1024xi32, #tpu.memory_space<vmem>>
        %dma_start3A_308 = tpu.memref_slice %arg3[%select_n3A, %add3A_292] : memref<4x262144xi32, #tpu.memory_space<hbm>> -> memref<1x1024xi32, #tpu.memory_space<hbm>>
        %dma_start3A_309 = arith.constant 2 : i32
        %dma_start3A_310 = arith.constant 0 : i32
        %dma_start3A_311 = tpu.memref_slice %arg6[%dma_start3A_309, %dma_start3A_310] : memref<4x1024xi32, #tpu.memory_space<vmem>> -> memref<1x1024xi32, #tpu.memory_space<vmem>>
        %dma_start3A_312 = tpu.memref_slice %arg3[%select_n3A, %add3A_292] : memref<4x262144xi32, #tpu.memory_space<hbm>> -> memref<1x1024xi32, #tpu.memory_space<hbm>>
        tpu.enqueue_dma source(%dma_start3A_312 : memref<1x1024xi32, #tpu.memory_space<hbm>>) target(%dma_start3A_311 : memref<1x1024xi32, #tpu.memory_space<vmem>>) target_semaphore(%arg8 : memref<!tpu.dma_semaphore, #tpu.memory_space<semaphore_mem>>)
      } else {
      }
      %scan3A_285 = arith.constant 0 : i32
      scf.yield %scan3A_285 : i32
    }
    %scan3A_113 = arith.constant 8 : i32
    "tpu.region"() ({
      %run_scoped3A = tpu.sem_alloc : memref<!tpu.dma_semaphore, #tpu.memory_space<semaphore_mem>>
      %dma_start3A_114 = arith.constant 0 : i32
      %dma_start3A_115 = tpu.memref_slice %arg4[%add3A, %dma_start3A_114] : memref<32x9728xf32, #tpu.memory_space<hbm>> -> memref<1x9728xf32, #tpu.memory_space<hbm>>
      %dma_start3A_116 = tpu.memref_squeeze %dma_start3A_115 : memref<1x9728xf32, #tpu.memory_space<hbm>> -> memref<9728xf32, #tpu.memory_space<hbm>>
      %dma_start3A_117 = arith.constant 0 : i32
      %dma_start3A_118 = tpu.memref_slice %arg4[%add3A, %dma_start3A_117] : memref<32x9728xf32, #tpu.memory_space<hbm>> -> memref<1x9728xf32, #tpu.memory_space<hbm>>
      %dma_start3A_119 = tpu.memref_squeeze %dma_start3A_118 : memref<1x9728xf32, #tpu.memory_space<hbm>> -> memref<9728xf32, #tpu.memory_space<hbm>>
      tpu.enqueue_dma source(%arg7 : memref<9728xf32, #tpu.memory_space<vmem>>) target(%dma_start3A_119 : memref<9728xf32, #tpu.memory_space<hbm>>) target_semaphore(%run_scoped3A : memref<!tpu.dma_semaphore, #tpu.memory_space<semaphore_mem>>)
      %dma_wait3A = arith.constant 0 : i32
      %dma_wait3A_120 = tpu.memref_slice %arg4[%add3A, %dma_wait3A] : memref<32x9728xf32, #tpu.memory_space<hbm>> -> memref<1x9728xf32, #tpu.memory_space<hbm>>
      %dma_wait3A_121 = tpu.memref_squeeze %dma_wait3A_120 : memref<1x9728xf32, #tpu.memory_space<hbm>> -> memref<9728xf32, #tpu.memory_space<hbm>>
      %dma_wait3A_122 = arith.constant 0 : i32
      %dma_wait3A_123 = tpu.memref_slice %arg4[%add3A, %dma_wait3A_122] : memref<32x9728xf32, #tpu.memory_space<hbm>> -> memref<1x9728xf32, #tpu.memory_space<hbm>>
      %dma_wait3A_124 = tpu.memref_squeeze %dma_wait3A_123 : memref<1x9728xf32, #tpu.memory_space<hbm>> -> memref<9728xf32, #tpu.memory_space<hbm>>
      tpu.wait_dma2 semaphore(%run_scoped3A : memref<!tpu.dma_semaphore, #tpu.memory_space<semaphore_mem>>) src(%arg7 : memref<9728xf32, #tpu.memory_space<vmem>>) dst(%dma_wait3A_124 : memref<9728xf32, #tpu.memory_space<hbm>>)
      tpu.yield
    }) : () -> ()
    return
  }
}

module attributes {stable_mosaic.version = 14 : i64} {
  func.func @_tc_body(%arg0: memref<32x9728xf32, #tpu.memory_space<vmem>>, %arg1: memref<1x1xf32, #tpu.memory_space<vmem>>) attributes {dimension_semantics = [], scalar_prefetch = 0 : i64, scratch_operands = 0 : i64, tpu.core_type = #tpu.core_type<tc>} {
    %get3A = arith.constant 0 : index
    %get3A_0 = arith.constant 0 : index
    %get3A_1 = vector.load %arg0[%get3A, %get3A_0] : memref<32x9728xf32, #tpu.memory_space<vmem>>, vector<32x9728xf32>
    %reduce_sum3A = arith.constant dense<0.000000e+00> : vector<9728xf32>
    %reduce_sum3A_2 = vector.multi_reduction <add>, %get3A_1, %reduce_sum3A [0] : vector<32x9728xf32> to vector<9728xf32>
    %reshape3A = vector.shape_cast %reduce_sum3A_2 : vector<9728xf32> to vector<19x512xf32>
    %slice3A = vector.extract_strided_slice %reshape3A {offsets = [0, 256], sizes = [19, 256], strides = [1, 1]} : vector<19x512xf32> to vector<19x256xf32>
    %slice3A_3 = vector.extract_strided_slice %reshape3A {offsets = [0, 0], sizes = [19, 256], strides = [1, 1]} : vector<19x512xf32> to vector<19x256xf32>
    %add3A = arith.addf %slice3A_3, %slice3A : vector<19x256xf32>
    %reduce_sum3A_4 = arith.constant dense<0.000000e+00> : vector<19xf32>
    %reduce_sum3A_5 = vector.multi_reduction <add>, %slice3A, %reduce_sum3A_4 [1] : vector<19x256xf32> to vector<19xf32>
    %broadcast_in_dim3A = vector.shape_cast %reduce_sum3A_5 : vector<19xf32> to vector<19x1xf32>
    %iota3A = tpu.iota {dimensions = array<i32: 0>} : vector<256x256xi32>
    %iota3A_6 = tpu.iota {dimensions = array<i32: 1>} : vector<256x256xi32>
    %ge3A = arith.cmpi sge, %iota3A, %iota3A_6 : vector<256x256xi32>
    %convert_element_type3A = arith.extui %ge3A : vector<256x256xi1> to vector<256x256xi32>
    %convert_element_type3A_7 = arith.sitofp %convert_element_type3A : vector<256x256xi32> to vector<256x256xf32>
    %dot_general3A = arith.constant dense<0.000000e+00> : vector<19x256xf32>
    %dot_general3A_8 = tpu.matmul %add3A, %convert_element_type3A_7, %dot_general3A {dimension_numbers = #tpu.dot_dimension_numbers<[1], [0], [0], [1], [0, 0, 1, 1], [], []>, transpose_lhs_hint = false} : vector<19x256xf32>, vector<256x256xf32>, vector<19x256xf32> -> vector<19x256xf32>
    %dot_general3A_9 = arith.constant dense<0.000000e+00> : vector<19x256xf32>
    %dot_general3A_10 = tpu.matmul %slice3A, %convert_element_type3A_7, %dot_general3A_9 {dimension_numbers = #tpu.dot_dimension_numbers<[1], [0], [0], [1], [0, 0, 1, 1], [], []>, transpose_lhs_hint = false} : vector<19x256xf32>, vector<256x256xf32>, vector<19x256xf32> -> vector<19x256xf32>
    %sub3A = arith.subf %dot_general3A_8, %add3A : vector<19x256xf32>
    %sub3A_11 = arith.subf %dot_general3A_10, %slice3A : vector<19x256xf32>
    %sub3A_12 = vector.broadcast %broadcast_in_dim3A : vector<19x1xf32> to vector<19x256xf32>
    %sub3A_13 = arith.subf %sub3A_12, %dot_general3A_10 : vector<19x256xf32>
    %add3A_14 = vector.broadcast %broadcast_in_dim3A : vector<19x1xf32> to vector<19x256xf32>
    %add3A_15 = arith.addf %add3A_14, %dot_general3A_8 : vector<19x256xf32>
    %sub3A_16 = arith.subf %add3A_15, %dot_general3A_10 : vector<19x256xf32>
    %max3A = arith.constant 1.000000e+00 : f32
    %max3A_17 = vector.broadcast %max3A : f32 to vector<19x256xf32>
    %max3A_18 = arith.maximumf %sub3A_16, %max3A_17 : vector<19x256xf32>
    %div3A = arith.divf %sub3A_13, %max3A_18 : vector<19x256xf32>
    %sub3A_19 = arith.constant 1.000000e+00 : f32
    %sub3A_20 = vector.broadcast %sub3A_19 : f32 to vector<19x256xf32>
    %sub3A_21 = arith.subf %sub3A_20, %div3A : vector<19x256xf32>
    %sub3A_22 = vector.broadcast %broadcast_in_dim3A : vector<19x1xf32> to vector<19x256xf32>
    %sub3A_23 = arith.subf %sub3A_22, %sub3A_11 : vector<19x256xf32>
    %add3A_24 = vector.broadcast %broadcast_in_dim3A : vector<19x1xf32> to vector<19x256xf32>
    %add3A_25 = arith.addf %add3A_24, %sub3A : vector<19x256xf32>
    %sub3A_26 = arith.subf %add3A_25, %sub3A_11 : vector<19x256xf32>
    %max3A_27 = arith.constant 1.000000e+00 : f32
    %max3A_28 = vector.broadcast %max3A_27 : f32 to vector<19x256xf32>
    %max3A_29 = arith.maximumf %sub3A_26, %max3A_28 : vector<19x256xf32>
    %div3A_30 = arith.divf %sub3A_23, %max3A_29 : vector<19x256xf32>
    %sub3A_31 = arith.constant 1.000000e+00 : f32
    %sub3A_32 = vector.broadcast %sub3A_31 : f32 to vector<19x256xf32>
    %sub3A_33 = arith.subf %sub3A_32, %div3A_30 : vector<19x256xf32>
    %sub3A_34 = arith.subf %sub3A_21, %sub3A_33 : vector<19x256xf32>
    %iota3A_35 = tpu.iota {dimensions = array<i32: 1>} : vector<19x256xi32>
    %convert_element_type3A_36 = arith.sitofp %iota3A_35 : vector<19x256xi32> to vector<19x256xf32>
    %add3A_37 = arith.constant 5.000000e-01 : f32
    %add3A_38 = vector.broadcast %add3A_37 : f32 to vector<19x256xf32>
    %add3A_39 = arith.addf %convert_element_type3A_36, %add3A_38 : vector<19x256xf32>
    %mul3A = arith.constant 3.906250e-03 : f32
    %mul3A_40 = vector.broadcast %mul3A : f32 to vector<19x256xf32>
    %mul3A_41 = arith.mulf %add3A_39, %mul3A_40 : vector<19x256xf32>
    %mul3A_42 = arith.mulf %mul3A_41, %sub3A_34 : vector<19x256xf32>
    %reduce_sum3A_43 = arith.constant dense<0.000000e+00> : vector<19xf32>
    %reduce_sum3A_44 = vector.multi_reduction <add>, %mul3A_42, %reduce_sum3A_43 [1] : vector<19x256xf32> to vector<19xf32>
    %squeeze3A = vector.shape_cast %broadcast_in_dim3A : vector<19x1xf32> to vector<19xf32>
    %gt3A = arith.constant 0.000000e+00 : f32
    %gt3A_45 = vector.broadcast %gt3A : f32 to vector<19xf32>
    %gt3A_46 = arith.cmpf ogt, %squeeze3A, %gt3A_45 : vector<19xf32>
    %convert_element_type3A_47 = arith.extui %gt3A_46 : vector<19xi1> to vector<19xi32>
    %convert_element_type3A_48 = arith.sitofp %convert_element_type3A_47 : vector<19xi32> to vector<19xf32>
    %mul3A_49 = arith.mulf %reduce_sum3A_44, %convert_element_type3A_48 : vector<19xf32>
    %reduce_sum3A_50 = vector.shape_cast %mul3A_49 : vector<19xf32> to vector<1x19xf32>
    %reduce_sum3A_51 = arith.constant dense<0.000000e+00> : vector<1xf32>
    %reduce_sum3A_52 = vector.multi_reduction <add>, %reduce_sum3A_50, %reduce_sum3A_51 [1] : vector<1x19xf32> to vector<1xf32>
    %reduce_sum3A_53 = vector.shape_cast %reduce_sum3A_52 : vector<1xf32> to vector<1x1xf32>
    %reduce_sum3A_54 = vector.extract %reduce_sum3A_53[0, 0] : f32 from vector<1x1xf32>
    %reduce_sum3A_55 = vector.shape_cast %convert_element_type3A_48 : vector<19xf32> to vector<1x19xf32>
    %reduce_sum3A_56 = arith.constant dense<0.000000e+00> : vector<1xf32>
    %reduce_sum3A_57 = vector.multi_reduction <add>, %reduce_sum3A_55, %reduce_sum3A_56 [1] : vector<1x19xf32> to vector<1xf32>
    %reduce_sum3A_58 = vector.shape_cast %reduce_sum3A_57 : vector<1xf32> to vector<1x1xf32>
    %reduce_sum3A_59 = vector.extract %reduce_sum3A_58[0, 0] : f32 from vector<1x1xf32>
    %max3A_60 = arith.constant 1.000000e+00 : f32
    %max3A_61 = arith.maximumf %reduce_sum3A_59, %max3A_60 : f32
    %div3A_62 = arith.divf %reduce_sum3A_54, %max3A_61 : f32
    %broadcast_in_dim3A_63 = vector.broadcast %div3A_62 : f32 to vector<1x1xf32>
    %swap3A = arith.constant 0 : index
    %swap3A_64 = arith.constant 0 : index
    %swap3A_65 = vector.load %arg1[%swap3A, %swap3A_64] : memref<1x1xf32, #tpu.memory_space<vmem>>, vector<1x1xf32>
    tpu.vector_store %arg1[%swap3A, %swap3A_64], %broadcast_in_dim3A_63 {strides = array<i32>} : memref<1x1xf32, #tpu.memory_space<vmem>>, vector<1x1xf32>,
    return
  }
}

</mosaic_0001>

<sc_bundles>
// kernel: kernel.4.cloned.1.call-start
scs
__scs_entry_jumppad:
0x0: {  	(pc) =	sbr.rel $0x88, $3  }
0x1: {  	(tag) =	ssettag $0x0;
	lr =	simm.s32 $0x1  }
0x2: {  	[smem:$0x3F9F] =	sst lr;
	_ =	strace $0xD0000000  }
0x3: {  	_ = 	snop  }
0x4: {  	_ = 	snop  }
0x5: {  	_ = 	snop  }
0x6: {  	_ = 	snop  }
0x7: {  	_ = 	snop  }
__scs_overlays_trampoline_lowered:
0x8: {  	[smem:$0x3FAE] =	sst s0  }
0x9: {  	[smem:$0x3FAF] =	sst s1  }
0xa: {  	[smem:$0x3FB0] =	sst s2  }
0xb: {  	[smem:$0x3FB1] =	sst s3  }
0xc: {  	[smem:$0x3FB2] =	sst s4  }
0xd: {  	[smem:$0x3FB3] =	sst s5  }
0xe: {  	[smem:$0x3FB4] =	sst s6  }
0xf: {  	[smem:$0x3FB5] =	sst s7  }
0x10: {  	[smem:$0x3FB6] =	sst s8  }
0x11: {  	[smem:$0x3FB7] =	sst s9;
	s0 =	simm.s32 @!p0 $0x0  }
0x12: {  	s1 =	sld [smem:$0x3F9D];
	s0 =	simm.s32 @p0 $0x1  }
0x13: {  	[smem:$0x3FB8] =	sst s0;
	s0 =	simm.s32 @!p1 $0x0  }
0x14: {  	s2 =	sld [smem:$0x3F9C];
	s0 =	simm.s32 @p1 $0x1  }
0x15: {  	[smem:$0x3FB9] =	sst s0;
	s0 =	simm.s32 @!p2 $0x0  }
0x16: {  	s3 =	sld [smem:$0x3FDB];
	s0 =	simm.s32 @p2 $0x1  }
0x17: {  	s4 =	simm.s32 $0x1BF5;
	[smem:$0x3FBB] =	sst s0  }
0x18: {  	s0 =	sld [smem:$0x3F9E];
	_ =	swait.ge [sflag:s4], $0x0  }
0x19: {  	s7 =	sld [smem:$0x3F9F]  }
0x1a: {  	s8 =	sadd.s32 $0xFFFFE003, lr  }
0x1b: {  	s9 =	sadd.s32 $0xFFFFFEF7, lr;
	s5 =	simm.s32 $0xFFFFFFFF;
	p2 =	slt.u32 s8, $0xFFFFF086  }
0x1c: {  	p1 =	slt.u32 s9, $0xF7A;
	s5 =	simm.s32 @!p2 $0x0  }
0x1d: {  	s5 =	simm.s32 @p1 $0x1;
	p0 =	seq.s32 s7, s2  }
0x1e: {  	s7 =	smul.u32 @!p0 $0xF7A, s2;
	p2 =	seq.s32 @!p0 s5, $0x0  }
0x1f: {  	s9 =	smul.u32 $0xF7A, s1;
	s8 =	simm.s32 @!p0 $0x1BF5;
	p2 =	por !p2, p0  }
0x20: {  	[sflag:s8] =	ssyncset.s32 @!p0 $0xFFFFF086;
	s6 =	sadd.s32 @!p0 s3, s7;
	s7 =	simm.s32 @!p0 $0x108  }
0x21: {  	s3 =	sadd.s32 s3, s9;
	s6 =	sadd.s32 @!p0 $0x88, s6;
	s7 =	simm.s32 @p2 $0x1082  }
0x22: {  	[simem:s7], [sflag:s8] =	dma.local @!p0 [hbm:s6], $0xF7A  }
0x23: {  	s9 =	sor.u32 $0xD0000000, s2;
	s6 =	simm.s32 $0x108;
	_ =	swait.ge @!p0 [sflag:s8], $0x0  }
0x24: {  	s3 =	sadd.s32 $0x88, s3;
	s6 =	simm.s32 @!p1 $0x1082;
	[sflag:s4] =	ssyncset.s32 $0xFFFFF086  }
0x25: {  	[simem:s6], [sflag:s4] =	dma.local [hbm:s3], $0xF7A  }
0x26: {  	[smem:$0x3F9F] =	sst s1;
	(tag) =	ssettag s2;
	_ =	strace s9  }
0x27: {  	s1 =	sld [smem:$0x3FAF]  }
0x28: {  	s2 =	sld [smem:$0x3FB0]  }
0x29: {  	s4 =	sld [smem:$0x3FB2]  }
0x2a: {  	p0 =	seq.s32 s5, $0x0;
	s5 =	sld [smem:$0x3FB3]  }
0x2b: {  	s6 =	sld [smem:$0x3FB4]  }
0x2c: {  	s7 =	sld [smem:$0x3FB5]  }
0x2d: {  	s3 =	simm.s32 $0x108;
	s8 =	sld [smem:$0x3FB6]  }
0x2e: {  	s3 =	simm.s32 @!p0 $0x1082;
	s9 =	sld [smem:$0x3FB7]  }
0x2f: {  	lr =	sadd.s32 s0, s3;
	s0 =	sld [smem:$0x3FAE]  }
0x30: {  	s3 =	sld [smem:$0x3FB1]  }
0x31: {  	[smem:$0x3FBA] =	sst s10  }
0x32: {  	s10 =	sld [smem:$0x3FB8];
	_ =	sdelay $0x3  }
0x33: {  	p0 =	seq.s32 s10, $0x1;
	s10 =	sld [smem:$0x3FBA];
	_ =	sdelay $0x3  }
0x34: {  	[smem:$0x3FBA] =	sst s10  }
0x35: {  	s10 =	sld [smem:$0x3FB9];
	_ =	sdelay $0x3  }
0x36: {  	p1 =	seq.s32 s10, $0x1;
	s10 =	sld [smem:$0x3FBA];
	_ =	sdelay $0x3  }
0x37: {  	[smem:$0x3FBA] =	sst s10  }
0x38: {  	s10 =	sld [smem:$0x3FBB]  }
0x39: {  	_ = 	snop;
	(pc) =	sbr.ind lr, $3  }
0x3a: {  	_ = 	snop  }
0x3b: {  	_ = 	snop  }
0x3c: {  	p2 =	seq.s32 s10, $0x1;
	s10 =	sld [smem:$0x3FBA]  }
0x3d: {  	_ =	shalt  }
0x3e: {  	_ =	shalt  }
0x3f: {  	_ =	shalt  }
0x40: {  	_ =	shalt  }
0x41: {  	_ =	shalt  }
0x42: {  	_ =	shalt  }
0x43: {  	_ =	shalt  }
0x44: {  	_ =	shalt  }
0x45: {  	_ =	shalt  }
0x46: {  	_ =	shalt  }
0x47: {  	_ =	shalt  }
0x48: {  	_ =	shalt  }
0x49: {  	_ =	shalt  }
0x4a: {  	_ =	shalt  }
0x4b: {  	_ =	shalt  }
0x4c: {  	_ =	shalt  }
0x4d: {  	_ =	shalt  }
0x4e: {  	_ =	shalt  }
0x4f: {  	_ =	shalt  }
0x50: {  	_ =	shalt  }
0x51: {  	_ =	shalt  }
0x52: {  	_ =	shalt  }
0x53: {  	_ =	shalt  }
0x54: {  	_ =	shalt  }
0x55: {  	_ =	shalt  }
0x56: {  	_ =	shalt  }
0x57: {  	_ =	shalt  }
0x58: {  	_ =	shalt  }
0x59: {  	_ =	shalt  }
0x5a: {  	_ =	shalt  }
0x5b: {  	_ =	shalt  }
0x5c: {  	_ =	shalt  }
0x5d: {  	_ =	shalt  }
0x5e: {  	_ =	shalt  }
0x5f: {  	_ =	shalt  }
0x60: {  	_ =	shalt  }
0x61: {  	_ =	shalt  }
0x62: {  	_ =	shalt  }
0x63: {  	_ =	shalt  }
0x64: {  	_ =	shalt  }
0x65: {  	_ =	shalt  }
0x66: {  	_ =	shalt  }
0x67: {  	_ =	shalt  }
0x68: {  	_ =	shalt  }
0x69: {  	_ =	shalt  }
0x6a: {  	_ =	shalt  }
0x6b: {  	_ =	shalt  }
0x6c: {  	_ =	shalt  }
0x6d: {  	_ =	shalt  }
0x6e: {  	_ =	shalt  }
0x6f: {  	_ =	shalt  }
0x70: {  	_ =	shalt  }
0x71: {  	_ =	shalt  }
0x72: {  	_ =	shalt  }
0x73: {  	_ =	shalt  }
0x74: {  	_ =	shalt  }
0x75: {  	_ =	shalt  }
0x76: {  	_ =	shalt  }
0x77: {  	_ =	shalt  }
0x78: {  	_ =	shalt  }
0x79: {  	_ =	shalt  }
0x7a: {  	_ =	shalt  }
0x7b: {  	_ =	shalt  }
0x7c: {  	_ =	shalt  }
0x7d: {  	_ =	shalt  }
0x7e: {  	_ =	shalt  }
0x7f: {  	_ =	shalt  }
0x80: {  	_ =	shalt  }
0x81: {  	_ =	shalt  }
0x82: {  	_ =	shalt  }
0x83: {  	_ =	shalt  }
0x84: {  	_ =	shalt  }
0x85: {  	_ =	shalt  }
0x86: {  	_ =	shalt  }
0x87: {  	_ =	shalt  }
.Lfunc_end0:
.L_simem_size_0:
called_computation_lowered:
.L_overlay_start_0:
0x88: {  	s2 =	sld [smem:$0x3FD9]  }
0x89: {  	s3 =	sld [smem:$0x3FFE];
	_ =	sdelay $0x1  }
0x8a: {  	s1 =	srdreg.scid  }
0x8b: {  	s0 =	sand.u32 $0x1, s1  }
0x8c: {  	s16 =	sshll.u32 s0, $0xA;
	s2 =	sadd.s32 s3, s2  }
0x8d: {  	s2 =	sadd.s32 s2, s16  }
0x8e: {  	[smem:$0x3FC6] =	sst s2  }
0x8f: {  	_ = 	snop  }
0x90: {  	(tm) =	ssettm $0x1  }
0x91: {  	s17 =	sld [smem:$0x3FFB];
	_ =	sdelay $0x3  }
0x92: {  	_ =	strace s17  }
0x93: {  	s2 =	sld [smem:$0x3FFC];
	_ =	sdelay $0x3  }
0x94: {  	_ =	strace s2  }
0x95: {  	s2 =	sld [smem:$0x3FFD];
	_ =	sdelay $0x3  }
0x96: {  	_ =	strace s2  }
0x97: {  	_ =	strace $0x8FFFFFFF  }
0x98: {  	s18 =	sld [smem:$0x3FDB];
	_ =	sdelay $0x1  }
0x99: {  	s19 =	simm.s32 $_scs_section_size  }
0x9a: {  	s4 =	simm.s32 $_size__tile_overlayer_lowered;
	s5 =	simm.s32 $_tile_overlayer_lowered  }
0x9b: {  	s22 =	simm.s32 $0x1BFF;
	s21 =	sshll.u32 s5, $0x1;
	s2 =	sadd.s32 s19, s18  }
0x9c: {  	s6 =	simm.s32 $0x0;
	s20 =	sshll.u32 s4, $0x1;
	s4 =	sadd.s32 s21, s2  }
0x9d: {  	[timem:s6], [sflag:s22] =	dma.local [hbm:s4], s20  }
0x9e: {  	_ =	swait.ge [sflag:s22], s20  }
0x9f: {  	s3 =	ssub.s32 $0x0, s20;
	[sflag:s22] =	ssyncset.done $0x0  }
0xa0: {  	[sflag:s22] =	ssyncadd.s32 s3;
	_ =	sdelay $0x1  }
0xa1: {  	s23 =	simm.s32 $0x1B8B  }
0xa2: {  	_ =	swait.ge [sflag:s23], $0x1  }
0xa3: {  	[sflag:s23] =	ssyncset.done $0x0  }
0xa4: {  	s25 =	simm.s32 $0x1B8E;
	s24 =	sld [smem:$0x3FFE];
	[sflag:s23] =	ssyncadd.s32 $0xFFFFFFFF  }
0xa5: {  	s26 =	simm.s32 $execute0_lowered;
	[smem:$0x3FD2] =	sst s25  }
0xa6: {  	s4 =	sshll.u32 s26, $0x1;
	_ =	strace $0x80000046;
	[dreg:$0x1] =	wrdreg $0xFFFFFFFF  }
0xa7: {  	s28 =	simm.s32 $_size_execute0_lowered;
	s2 =	sadd.s32 s2, s4;
	[dreg:$0x0] =	wrdreg $0x0  }
0xa8: {  	s4 =	sshll.u32 s28, $0x1;
	[dreg:$0x2] =	wrdreg s2  }
0xa9: {  	[dreg:$0x3] =	wrdreg s4  }
0xaa: {  	[dreg:$0x4] =	wrdreg $0xC0  }
0xab: {  	_ =	task [dreg:s6], $0x5FFFF  }
0xac: {  	[dreg:$0x1] =	wrdreg $0xFFFFFFFF  }
0xad: {  	[dreg:$0x0] =	wrdreg $0x60  }
0xae: {  	[dreg:$0x2] =	wrdreg s24  }
0xaf: {  	[dreg:$0x3] =	wrdreg $0x9  }
0xb0: {  	_ =	task.clear_ibuf [dreg:s6], $0x4FFFF;
	_ =	strace $0x90000046  }
0xb1: {  	s29 =	simm.s32 $0x9;
	_ =	strace $0x80000048  }
0xb2: {  	_ =	swait.ge [sflag:s29], $0x1  }
0xb3: {  	[sflag:s29] =	ssyncadd.s32 $0xFFFFFFFF  }
0xb4: {  	_ =	strace $0x90000048  }
0xb5: {  	_ =	sfence  }
0xb6: {  	s30 =	sld [smem:$0x0];
	_ =	sdelay $0x2  }
0xb7: {  	s31 =	sshll.u32 s1, $0xD;
	s1 =	sshrl.u32 s1, $0x2  }
0xb8: {  	s3 =	sand.u32 $0x4000, s31;
	s1 =	sadd.s32 s1, s30  }
0xb9: {  	s0 =	sor.u32 s3, s0;
	s1 =	sshll.u32 s1, $0x11  }
0xba: {  	s0 =	sor.u32 s1, s0  }
0xbb: {  	s0 =	sadd.s32 $0x8F2B, s0  }
0xbc: {  	[sflag:s0] =	ssyncadd.remote.s32 $0x1  }
0xbd: {  	_ =	sfence.sel $0xFFFF  }
0xbe: {  	[dreg:$0x0] =	wrdreg $0xFFFFFFFF;
	(pc) =	sbr.abs _section_cstart, $3  }
0xbf: {  	[dreg:$0x1] =	wrdreg $0xFFFFFFFF  }
0xc0: {  	_ =	task.clear_ibuf [dreg:s6], $0x2FFFF;
	_ =	strace $0x9FFFFFFF  }
0xc1: {  	(tm) =	ssettm $0x7FFFFFFF  }
tec
execute0_lowered:
.L_overlay_start_1:
0x0: {  	(tag) =	ssettag $0x1  }
0x1: {  	s0 =	rddreg [dreg:$0x0];
	s1 =	srdreg.scid  }
0x2: {  	s2 =	simm.s32 $0x0;
	s8 =	stileid.u32;
	s1 =	sand.u32 $0x1, s1  }
0x3: {  	[smem:$0x7FF] =	sst s2;
	s14 =	sadd.s32 $0x20600, s0;
	s7 =	sshll.u32 s8, $0x7  }
0x4: {  	s4 =	sadd.s32 $0x600, s0;
	s3 =	sshll.u32 s1, $0x4;
	_ =	strace $0x80000047  }
0x5: {  	s7 =	sand.u32 $0x380, s7;
	s1 =	ssub.s32 $0x2, s1;
	[dreg:$0x2] =	wrdreg s14  }
0x6: {  	s3 =	sor.u32 s8, s3;
	s8 =	sand.u32 $0x7, s8;
	s18 =	sshrl.u32 s1, $0x1  }
0x7: {  	s6 =	sshrl.u32 s3, $0x3;
	p0 =	seq.s32 s3, $0x0;
	p1 =	sne.s32 s8, $0x0  }
0x8: {  	s1 =	ssub.s32 s1, s18;
	s9 =	sshll.u32 s8, $0xF;
	s11 =	sshll.u32 s8, $0x8  }
0x9: {  	s8 =	sshll.u32 s8, $0x11;
	s5 =	smul.u32 $0x13000, s6;
	p0 =	por !p1, !p0  }
0xa: {  	s20 =	sor.u32 $0x8, s11;
	s13 =	sadd.s32 s14, s9;
	s24 =	sor.u32 $0x10, s11  }
0xb: {  	s28 =	sor.u32 $0x1000, s9;
	s29 =	sor.u32 $0x1400, s9;
	s30 =	sor.u32 $0x1800, s9  }
0xc: {  	s31 =	smax.u32 s1, $0x1;
	p0 =	por !p0, !p0;
	s12 =	sshll.u32 s20, $0xA  }
0xd: {  	[dreg:$0xb] =	wrdreg s28;
	s5 =	sor.u32 s7, s5;
	s7 =	simm.s32 $0x1  }
0xe: {  	s11 =	sshll.u32 s24, $0xA;
	[dreg:$0xc] =	wrdreg s29;
	s7 =	simm.s32 @!p0 $0x0  }
0xf: {  	[dreg:$0xd] =	wrdreg s30;
	s17 =	sshrl.u32 s5, $0x3;
	s19 =	ssub.s32 s6, s7  }
0x10: {  	[dreg:$0xf] =	wrdreg s31;
	s0 =	sadd.s32 s17, s0;
	s10 =	smul.u32 $0x600000, s19  }
0x11: {  	s6 =	sshll.u32 s19, $0x12;
	s3 =	sshll.u32 s19, $0x7;
	s0 =	sadd.s32 $0x320600, s0  }
0x12: {  	s6 =	sand.u32 $0xFFF00000, s6;
	s3 =	sand.u32 $0x180, s3;
	[dreg:$0xe] =	wrdreg s0  }
0x13: {  	s6 =	sor.u32 s3, s6;
	s21 =	sshrl.u32 s10, $0x3;
	s12 =	sor.u32 s12, s10  }
0x14: {  	s3 =	sshll.u32 s20, $0x9;
	s10 =	sor.u32 s11, s10;
	s8 =	sor.u32 s8, s6  }
0x15: {  	s13 =	sadd.s32 s21, s13;
	s23 =	sshrl.u32 s12, $0x3;
	s3 =	sor.u32 s3, s6  }
0x16: {  	s26 =	sshrl.u32 s10, $0x3;
	[dreg:$0x3] =	wrdreg s21;
	s7 =	sadd.s32 s14, s21  }
0x17: {  	s8 =	sshrl.u32 s8, $0x3;
	[dreg:$0x4] =	wrdreg s13;
	s3 =	sshrl.u32 s3, $0x3  }
0x18: {  	[dreg:$0xa] =	wrdreg s7;
	s22 =	sadd.s32 s4, s8;
	s8 =	sadd.s32 s14, s23  }
0x19: {  	s25 =	sadd.s32 s4, s3;
	s3 =	sadd.s32 s14, s26;
	[dreg:$0x6] =	wrdreg s8  }
0x1a: {  	s14 =	sor.u32 $0xC00, s9;
	[dreg:$0x8] =	wrdreg s3  }
0x1b: {  	[dreg:$0x15] =	wrdreg s14  }
0x1c: {  	[dreg:$0x5] =	wrdreg s22  }
0x1d: {  	s1 =	sadd.s32 $0x40, s22;
	[dreg:$0x7] =	wrdreg s25  }
0x1e: {  	s7 =	sadd.s32 $0x80, s22;
	[dreg:$0x10] =	wrdreg s1  }
0x1f: {  	s10 =	sadd.s32 $0x100, s22;
	[dreg:$0x11] =	wrdreg s7  }
0x20: {  	s12 =	sadd.s32 $0x140, s22;
	[dreg:$0x13] =	wrdreg s10  }
0x21: {  	s15 =	sadd.s32 $0x180, s22;
	[dreg:$0x14] =	wrdreg s12  }
0x22: {  	s16 =	sadd.s32 $0x1C0, s22;
	[dreg:$0x16] =	wrdreg s15  }
0x23: {  	s17 =	sadd.s32 $0x40, s25;
	[dreg:$0x17] =	wrdreg s16  }
0x24: {  	s18 =	sadd.s32 $0x80, s25;
	[dreg:$0x18] =	wrdreg s17  }
0x25: {  	s19 =	sadd.s32 $0xC0, s25;
	[dreg:$0x19] =	wrdreg s18  }
0x26: {  	s8 =	sshll.u32 s24, $0x9;
	s20 =	sadd.s32 $0x100, s25;
	[dreg:$0x1a] =	wrdreg s19  }
0x27: {  	s21 =	sadd.s32 $0x140, s25;
	s8 =	sor.u32 s8, s6;
	[dreg:$0x1b] =	wrdreg s20  }
0x28: {  	s23 =	sadd.s32 $0x1C0, s25;
	[dreg:$0x1c] =	wrdreg s21;
	s8 =	sshrl.u32 s8, $0x3  }
0x29: {  	[dreg:$0x1e] =	wrdreg s23;
	s3 =	sadd.s32 s4, s8;
	s8 =	sadd.s32 $0xC0, s22  }
0x2a: {  	s22 =	sadd.s32 $0x180, s25;
	[dreg:$0x12] =	wrdreg s8  }
0x2b: {  	[dreg:$0x1d] =	wrdreg s22  }
0x2c: {  	s24 =	sadd.s32 $0x40, s3;
	[dreg:$0x9] =	wrdreg s3  }
0x2d: {  	s25 =	sadd.s32 $0x80, s3;
	[dreg:$0x1f] =	wrdreg s24  }
0x2e: {  	s26 =	sadd.s32 $0xC0, s3;
	[smem:$0x7F8] =	sst s25  }
.Ltmp0:
0x2f: {  	s28 =	sadd.s32 $0x100, s3;
	[smem:$0x7F9] =	sst s26;
	(pc) =	sbr.rel .LBB2_1-.Ltmp0, $4  }
0x30: {  	s5 =	simm.s32 $0x1;
	s29 =	sadd.s32 $0x140, s3;
	[smem:$0x7FA] =	sst s28  }
0x31: {  	s7 =	simm.s32 $0x2000;
	s30 =	sadd.s32 $0x180, s3;
	[smem:$0x7FB] =	sst s29  }
0x32: {  	s18 =	simm.s32 $0x19000;
	s31 =	sadd.s32 $0x1C0, s3;
	[smem:$0x7FC] =	sst s30  }
0x33: {  	v0 =	vimm.f32 $0.0e+00;
	v1 =	vimm.f32 $1.000000000e+00;
	s22 =	simm.s32 $0x200000;
	s3 =	simm.s32 $0x0;
	[smem:$0x7FD] =	sst s31  }
.LBB2_14:
0x34: {  	s0 =	rddreg [dreg:$0xe]  }
0x35: {  	s1 =	simm.s32 $0x80;
	s3 =	simm.s32 $0x400;
	s29 =	simm.s32 $0x2  }
0x36: {  	[hbm4b:s0+s1] =	stream.strided.scatter [tilespmem:s18], [sflag:$0x2], $0x2600, s3, s1, $0x38;
	[tilespmem:$0x1B600] =	vst v63  }
0x37: {  	_ =	swait.ge [sflag:s29], $0x2600  }
0x38: {  	s30 =	sld [smem:$0x7F7];
	_ =	sdelay $0x2  }
0x39: {  	s31 =	rddreg [dreg:$0xf];
	s3 =	sadd.s32 $0x1, s30  }
0x3a: {  	p0 =	sne.s32 s3, s31  }
.Ltmp1:
0x3b: {  	_ = 	snop;
	(pc) =	sbr.rel @!p0 .LBB2_15-.Ltmp1, $3  }
0x3c: {  	_ =	sdelay $0x1  }
0x3d: {  	[sflag:s29] =	ssyncset.done $0x0  }
0x3e: {  	s7 =	simm.s32 $0x2000;
	s22 =	simm.s32 $0x200000;
	[sflag:s29] =	ssyncadd.s32 $0xFFFFDA00  }
.LBB2_1:
0x3f: {  	[smem:$0x7F7] =	sst s3  }
0x40: {  	s0 =	rddreg [dreg:$0x4]  }
0x41: {  	s24 =	rddreg [dreg:$0x5]  }
0x42: {  	[tilespmem:s2], [sflag:$0x1] =	stream.strided.gather [hbm4b:s0+s7], $0x6000, s22, s7, $0x38;
	[tilespmem:$0x1B600] =	vst v63  }
0x43: {  	s1 =	simm.s32 $0x18000;
	s25 =	rddreg [dreg:$0x10]  }
0x44: {  	[tilespmem:s1], [sflag:$0x1] =	stream.linear.gather [hbm4b:s24+s2], $0x80, $0x38;
	[tilespmem:$0x1B600] =	vst v63  }
0x45: {  	s26 =	simm.s32 $0x18200;
	s28 =	rddreg [dreg:$0x11]  }
0x46: {  	[tilespmem:s26], [sflag:$0x1] =	stream.linear.gather [hbm4b:s25+s2], $0x80, $0x38;
	[tilespmem:$0x1B600] =	vst v63  }
0x47: {  	s29 =	simm.s32 $0x18400;
	s30 =	rddreg [dreg:$0x12]  }
0x48: {  	[tilespmem:s29], [sflag:$0x1] =	stream.linear.gather [hbm4b:s28+s2], $0x80, $0x38;
	[tilespmem:$0x1B600] =	vst v63  }
0x49: {  	s31 =	simm.s32 $0x18600;
	s3 =	rddreg [dreg:$0x13]  }
0x4a: {  	[tilespmem:s31], [sflag:$0x1] =	stream.linear.gather [hbm4b:s30+s2], $0x80, $0x38;
	[tilespmem:$0x1B600] =	vst v63  }
0x4b: {  	s8 =	simm.s32 $0x18800;
	s9 =	rddreg [dreg:$0x14]  }
0x4c: {  	[tilespmem:s8], [sflag:$0x1] =	stream.linear.gather [hbm4b:s3+s2], $0x80, $0x38;
	[tilespmem:$0x1B600] =	vst v63  }
0x4d: {  	s10 =	simm.s32 $0x18A00;
	s11 =	rddreg [dreg:$0x16]  }
0x4e: {  	[tilespmem:s10], [sflag:$0x1] =	stream.linear.gather [hbm4b:s9+s2], $0x80, $0x38;
	[tilespmem:$0x1B600] =	vst v63  }
0x4f: {  	s12 =	simm.s32 $0x18C00;
	s13 =	rddreg [dreg:$0x17]  }
0x50: {  	[tilespmem:s12], [sflag:$0x1] =	stream.linear.gather [hbm4b:s11+s2], $0x80, $0x38;
	[tilespmem:$0x1B600] =	vst v63  }
0x51: {  	s14 =	simm.s32 $0x18E00;
	s15 =	rddreg [dreg:$0x6]  }
0x52: {  	[tilespmem:s14], [sflag:$0x1] =	stream.linear.gather [hbm4b:s13+s2], $0x80, $0x38;
	[tilespmem:$0x1B600] =	vst v63  }
0x53: {  	s16 =	simm.s32 $0x6000;
	s17 =	rddreg [dreg:$0x7]  }
0x54: {  	[tilespmem:s16], [sflag:$0x1] =	stream.strided.gather [hbm4b:s15+s7], $0x6000, s22, s7, $0x38;
	[tilespmem:$0x1B600] =	vst v63  }
0x55: {  	s19 =	simm.s32 $0x18080;
	s20 =	rddreg [dreg:$0x18]  }
0x56: {  	[tilespmem:s19], [sflag:$0x1] =	stream.linear.gather [hbm4b:s17+s2], $0x80, $0x38;
	[tilespmem:$0x1B600] =	vst v63  }
0x57: {  	s21 =	simm.s32 $0x18280;
	s23 =	rddreg [dreg:$0x19]  }
0x58: {  	[tilespmem:s21], [sflag:$0x1] =	stream.linear.gather [hbm4b:s20+s2], $0x80, $0x38;
	[tilespmem:$0x1B600] =	vst v63  }
0x59: {  	s24 =	simm.s32 $0x18480;
	s25 =	rddreg [dreg:$0x1a]  }
0x5a: {  	[tilespmem:s24], [sflag:$0x1] =	stream.linear.gather [hbm4b:s23+s2], $0x80, $0x38;
	[tilespmem:$0x1B600] =	vst v63  }
0x5b: {  	s26 =	simm.s32 $0x18680;
	s28 =	rddreg [dreg:$0x1b]  }
0x5c: {  	[tilespmem:s26], [sflag:$0x1] =	stream.linear.gather [hbm4b:s25+s2], $0x80, $0x38;
	[tilespmem:$0x1B600] =	vst v63  }
0x5d: {  	s29 =	simm.s32 $0x18880;
	s30 =	rddreg [dreg:$0x1c]  }
0x5e: {  	[tilespmem:s29], [sflag:$0x1] =	stream.linear.gather [hbm4b:s28+s2], $0x80, $0x38;
	[tilespmem:$0x1B600] =	vst v63  }
0x5f: {  	s31 =	simm.s32 $0x18A80;
	s3 =	rddreg [dreg:$0x1d]  }
0x60: {  	[tilespmem:s31], [sflag:$0x1] =	stream.linear.gather [hbm4b:s30+s2], $0x80, $0x38;
	[tilespmem:$0x1B600] =	vst v63  }
0x61: {  	s8 =	simm.s32 $0x18C80;
	s9 =	rddreg [dreg:$0x1e]  }
0x62: {  	[tilespmem:s8], [sflag:$0x1] =	stream.linear.gather [hbm4b:s3+s2], $0x80, $0x38;
	[tilespmem:$0x1B600] =	vst v63  }
0x63: {  	s10 =	simm.s32 $0x18E80;
	s11 =	rddreg [dreg:$0x8]  }
0x64: {  	[tilespmem:s10], [sflag:$0x1] =	stream.linear.gather [hbm4b:s9+s2], $0x80, $0x38;
	[tilespmem:$0x1B600] =	vst v63  }
0x65: {  	s12 =	simm.s32 $0xC000;
	s13 =	rddreg [dreg:$0x9]  }
0x66: {  	[tilespmem:s12], [sflag:$0x1] =	stream.strided.gather [hbm4b:s11+s7], $0x6000, s22, s7, $0x38;
	[tilespmem:$0x1B600] =	vst v63  }
0x67: {  	s14 =	simm.s32 $0x18100;
	s15 =	rddreg [dreg:$0x1f]  }
0x68: {  	[tilespmem:s14], [sflag:$0x1] =	stream.linear.gather [hbm4b:s13+s2], $0x80, $0x38;
	[tilespmem:$0x1B600] =	vst v63  }
0x69: {  	s16 =	simm.s32 $0x18300;
	s17 =	sld [smem:$0x7F8]  }
0x6a: {  	[tilespmem:s16], [sflag:$0x1] =	stream.linear.gather [hbm4b:s15+s2], $0x80, $0x38;
	[tilespmem:$0x1B600] =	vst v63  }
0x6b: {  	s19 =	simm.s32 $0x18500;
	s20 =	sld [smem:$0x7F9]  }
0x6c: {  	[tilespmem:s19], [sflag:$0x1] =	stream.linear.gather [hbm4b:s17+s2], $0x80, $0x38;
	[tilespmem:$0x1B600] =	vst v63  }
0x6d: {  	s21 =	simm.s32 $0x18700;
	s23 =	sld [smem:$0x7FA]  }
0x6e: {  	[tilespmem:s21], [sflag:$0x1] =	stream.linear.gather [hbm4b:s20+s2], $0x80, $0x38;
	[tilespmem:$0x1B600] =	vst v63  }
0x6f: {  	s24 =	simm.s32 $0x18900;
	s25 =	sld [smem:$0x7FB]  }
0x70: {  	[tilespmem:s24], [sflag:$0x1] =	stream.linear.gather [hbm4b:s23+s2], $0x80, $0x38;
	[tilespmem:$0x1B600] =	vst v63  }
0x71: {  	s26 =	simm.s32 $0x18B00;
	s28 =	sld [smem:$0x7FC]  }
0x72: {  	[tilespmem:s26], [sflag:$0x1] =	stream.linear.gather [hbm4b:s25+s2], $0x80, $0x38;
	[tilespmem:$0x1B600] =	vst v63  }
0x73: {  	s29 =	simm.s32 $0x18D00;
	s30 =	sld [smem:$0x7FD]  }
0x74: {  	[tilespmem:s29], [sflag:$0x1] =	stream.linear.gather [hbm4b:s28+s2], $0x80, $0x38;
	[tilespmem:$0x1B600] =	vst v63  }
0x75: {  	s0 =	simm.s32 $0x40;
	s1 =	simm.s32 $0x0;
	s31 =	simm.s32 $0x18F00  }
0x76: {  	[tilespmem:s31], [sflag:$0x1] =	stream.linear.gather [hbm4b:s30+s2], $0x80, $0x38;
	[tilespmem:$0x1B600] =	vst v63  }
.LBB2_2:
0x77: {  	p0 =	sne.s32 s0, $0x97C0;
	[tilespmem:s1+$0x19000] =	vst v0;
	s1 =	smov.u32 s0;
	s0 =	sadd.s32 $0x40, s0  }
.Ltmp2:
0x78: {  	(pc) =	sbr.rel @p0 .LBB2_2-.Ltmp2, $2  }
0x79: {  	_ =	sdelay $0x2  }
0x7a: {  	s1 =	sshra.s32 s1, $0x2  }
0x7b: {  	[tilespmem:s1+$0x19000] =	vst v0;
	s29 =	simm.s32 $0x0  }
.LBB2_4:
0x7c: {  	_ =	swait.ge [sflag:s5], $0x6000  }
0x7d: {  	[sflag:s5] =	ssyncset.done $0x0  }
0x7e: {  	[sflag:s5] =	ssyncadd.s32 $0xFFFFA000  }
0x7f: {  	_ =	swait.ge [sflag:s5], $0x400  }
0x80: {  	[sflag:s5] =	ssyncset.done $0x0  }
0x81: {  	s0 =	simm.s32 $0x0;
	s30 =	simm.s32 $0x0;
	[sflag:s5] =	ssyncadd.s32 $0xFFFFFC00  }
.LBB2_5:
0x82: {  	s1 =	sshll.u32 s30, $0x8  }
0x83: {  	s11 =	sand.u32 $0x60, s0;
	s9 =	sand.u32 $0x3FFFFC00, s1  }
0x84: {  	s3 =	sor.u32 s11, s9  }
0x85: {  	v2 =	vld [tilespmem:s3+$0x0]  }
0x86: {  	v3 =	vld [tilespmem:s3+$0x80]  }
0x87: {  	v4 =	vld [tilespmem:s3+$0x100]  }
0x88: {  	v5 =	vld [tilespmem:s3+$0x180]  }
0x89: {  	v6 =	vld [tilespmem:s3+$0x200]  }
0x8a: {  	v7 =	vld [tilespmem:s3+$0x280];
	v2 =	vmul.f32 $1.442695020e+00, v2  }
0x8b: {  	s1 =	sadd.s32 $0x2000, s9;
	v8 =	vld [tilespmem:s3+$0x300];
	v3 =	vmul.f32 $1.442695020e+00, v3  }
0x8c: {  	s8 =	sadd.s32 $0x2080, s9;
	v27 =	vld [tilespmem:s3+$0x380];
	s15 =	sor.u32 s11, s1;
	(erf) = vpow2.f32 v2;
	v2 =	vmul.f32 $1.442695020e+00, v4  }
0x8d: {  	s10 =	sadd.s32 $0x2100, s9;
	s16 =	sor.u32 s11, s8;
	v28 =	vld [tilespmem:s15+$0x0];
	(erf) = vpow2.f32 v3;
	v3 =	vmul.f32 $1.442695020e+00, v5  }
0x8e: {  	s12 =	sadd.s32 $0x2180, s9;
	s17 =	sor.u32 s11, s10;
	v29 =	vld [tilespmem:s16+$0x0];
	(erf) = vpow2.f32 v2;
	v2 =	vmul.f32 $1.442695020e+00, v6  }
0x8f: {  	s13 =	sadd.s32 $0x2200, s9;
	s19 =	sor.u32 s11, s12;
	v30 =	vld [tilespmem:s17+$0x0];
	(erf) = vpow2.f32 v3;
	v3 =	vmul.f32 $1.442695020e+00, v7  }
0x90: {  	s14 =	sadd.s32 $0x2280, s9;
	s20 =	sor.u32 s11, s13;
	v31 =	vld [tilespmem:s19+$0x0];
	(erf) = vpow2.f32 v2;
	v2 =	vmul.f32 $1.442695020e+00, v8  }
0x91: {  	s21 =	sor.u32 s11, s14;
	v32 =	vld [tilespmem:s20+$0x0];
	s15 =	sadd.s32 $0x2300, s9;
	(erf) = vpow2.f32 v3;
	v3 =	vmul.f32 $1.442695020e+00, v27  }
0x92: {  	v33 =	vld [tilespmem:s21+$0x0];
	s16 =	sadd.s32 $0x2380, s9;
	s23 =	sor.u32 s11, s15;
	(erf) = vpow2.f32 v2;
	v2 =	vmul.f32 $1.442695020e+00, v28  }
0x93: {  	s24 =	sor.u32 s11, s16;
	v34 =	vld [tilespmem:s23+$0x0];
	(erf) = vpow2.f32 v3;
	v3 =	vmul.f32 $1.442695020e+00, v29  }
0x94: {  	v35 =	vld [tilespmem:s24+$0x0];
	(erf) = vpow2.f32 v2;
	v2 =	vmul.f32 $1.442695020e+00, v30  }
0x95: {  	s17 =	sadd.s32 $0x4000, s9;
	v13 =	vpop (erf);
	(erf) = vpow2.f32 v3;
	v3 =	vmul.f32 $1.442695020e+00, v31  }
0x96: {  	s19 =	sadd.s32 $0x4080, s9;
	s25 =	sor.u32 s11, s17;
	v14 =	vpop (erf);
	(erf) = vpow2.f32 v2;
	v2 =	vmul.f32 $1.442695020e+00, v32  }
0x97: {  	s26 =	sor.u32 s11, s19;
	v36 =	vld [tilespmem:s25+$0x0];
	v15 =	vpop (erf);
	(erf) = vpow2.f32 v3;
	v3 =	vmul.f32 $1.442695020e+00, v33  }
0x98: {  	s28 =	sadd.s32 $0x4100, s9;
	v37 =	vld [tilespmem:s26+$0x0];
	v16 =	vpop (erf);
	(erf) = vpow2.f32 v2;
	v2 =	vmul.f32 $1.442695020e+00, v34  }
0x99: {  	s20 =	sor.u32 s11, s28;
	v17 =	vpop (erf);
	(erf) = vpow2.f32 v3;
	v3 =	vmul.f32 $1.442695020e+00, v35  }
0x9a: {  	v18 =	vpop (erf);
	(erf) = vpow2.f32 v2;
	v2 =	vld [tilespmem:s20+$0x0]  }
0x9b: {  	v19 =	vpop (erf);
	(erf) = vpow2.f32 v3  }
0x9c: {  	v3 =	vmul.f32 $1.442695020e+00, v36;
	v20 =	vpop (erf)  }
0x9d: {  	v38 =	vmul.f32 $1.442695020e+00, v37;
	v21 =	vpop (erf)  }
0x9e: {  	(erf) = vpow2.f32 v3;
	v22 =	vpop (erf)  }
0x9f: {  	(erf) = vpow2.f32 v38;
	v12 =	vpop (erf);
	v2 =	vmul.f32 $1.442695020e+00, v2  }
0xa0: {  	v11 =	vpop (erf)  }
0xa1: {  	v10 =	vpop (erf);
	(erf) = vpow2.f32 v2  }
0xa2: {  	v39 =	vadd.f32 v16, v15;
	v41 =	vadd.f32 v18, v17;
	v9 =	vpop (erf)  }
0xa3: {  	v42 =	vadd.f32 v20, v19;
	v23 =	vadd.f32 v22, v21;
	v40 =	vpop (erf)  }
0xa4: {  	v2 =	vadd.f32 v14, v13;
	v24 =	vadd.f32 v11, v12;
	v43 =	vpop (erf)  }
0xa5: {  	v25 =	vadd.f32 v9, v10;
	v26 =	vadd.f32 v43, v40  }
0xa6: {  	v6 =	vadd.f32 v42, v41;
	v2 =	vadd.f32 v39, v2  }
0xa7: {  	v45 =	vadd.f32 v24, v23;
	v3 =	vpop (erf);
	v46 =	vadd.f32 v26, v25  }
0xa8: {  	v2 =	vadd.f32 v6, v2;
	v44 =	vpop (erf)  }
0xa9: {  	v47 =	vadd.f32 v44, v3;
	v7 =	vadd.f32 v46, v45  }
0xaa: {  	v48 =	vpop (erf)  }
0xab: {  	v49 =	vadd.f32 v48, v47;
	v2 =	vadd.f32 v7, v2;
	_ =	sdelay $0x1  }
0xac: {  	v2 =	vadd.f32 v49, v2  }
0xad: {  	s31 =	sshll.u32 s30, $0x7  }
0xae: {  	s20 =	sand.u32 $0x3FFFFE00, s31;
	(erf) = vrcp.f32 v2  }
0xaf: {  	s20 =	sadd.s32 $0x18000, s20  }
0xb0: {  	s21 =	sor.u32 s11, s20  }
0xb1: {  	v2 =	vld [tilespmem:s21+$0x0];
	_ =	sdelay $0x4  }
0xb2: {  	vm0 =	veq.s32 v2, $0x0  }
0xb3: {  	vm14 =	veq.s32 v2, $0x1;
	vm1 =	veq.s32 v2, $0x2;
	vm4 =	veq.s32 v2, $0x3;
	v50 =	vpop (erf)  }
0xb4: {  	vm5 =	veq.s32 v2, $0x4;
	v13 =	vmul.f32 v50, v13;
	v14 =	vmul.f32 v50, v14  }
0xb5: {  	vm7 =	veq.s32 v2, $0x5;
	v15 =	vmul.f32 v50, v15;
	v16 =	vmul.f32 v50, v16  }
0xb6: {  	vm11 =	veq.s32 v2, $0x6;
	v17 =	vmul.f32 v50, v17;
	v18 =	vmul.f32 v50, v18  }
0xb7: {  	vm12 =	veq.s32 v2, $0x7;
	v19 =	vmul.f32 v50, v19;
	v20 =	vmul.f32 v50, v20  }
0xb8: {  	vm13 =	veq.s32 v2, $0x8;
	v21 =	vmul.f32 v50, v21;
	v22 =	vmul.f32 v50, v22  }
0xb9: {  	v12 =	vmul.f32 v50, v12;
	v11 =	vmul.f32 v50, v11;
	v51 =	vsub.f32 $2.000000000e+00, v13  }
0xba: {  	v10 =	vmul.f32 v50, v10;
	v52 =	vsub.f32 $2.000000000e+00, v14;
	v53 =	vsub.f32 $2.000000000e+00, v15  }
0xbb: {  	v9 =	vmul.f32 v50, v9;
	v54 =	vsub.f32 $2.000000000e+00, v16;
	v55 =	vsub.f32 $2.000000000e+00, v17  }
0xbc: {  	v8 =	vmul.f32 v50, v40;
	v56 =	vsub.f32 $2.000000000e+00, v18;
	v57 =	vsub.f32 $2.000000000e+00, v19  }
0xbd: {  	v5 =	vmul.f32 v50, v43;
	v58 =	vsub.f32 $2.000000000e+00, v20;
	v59 =	vsub.f32 $2.000000000e+00, v21  }
0xbe: {  	v3 =	vmul.f32 v50, v3;
	v60 =	vsub.f32 $2.000000000e+00, v22;
	v61 =	vsub.f32 $2.000000000e+00, v12  }
0xbf: {  	v4 =	vmul.f32 v50, v44;
	v62 =	vsub.f32 $2.000000000e+00, v11;
	v63 =	vsub.f32 $2.000000000e+00, v10  }
0xc0: {  	v6 =	vmul.f32 v50, v48;
	v26 =	vsub.f32 $2.000000000e+00, v9;
	v27 =	vsub.f32 $2.000000000e+00, v8  }
0xc1: {  	v28 =	vsub.f32 $2.000000000e+00, v5;
	v13 =	vsel vm0, v51, v13;
	v14 =	vsel vm14, v52, v14  }
0xc2: {  	v15 =	vsel vm1, v53, v15;
	v16 =	vsel vm4, v54, v16;
	v17 =	vsel vm5, v55, v17  }
0xc3: {  	v18 =	vsel vm7, v56, v18;
	v19 =	vsel vm11, v57, v19;
	v20 =	vsel vm12, v58, v20  }
0xc4: {  	v21 =	vsel vm13, v59, v21;
	v13 =	vmul.f32 $2.560000000e+02, v13;
	v14 =	vmul.f32 $2.560000000e+02, v14  }
0xc5: {  	vm14 =	veq.s32 v2, $0x9;
	v15 =	vmul.f32 $2.560000000e+02, v15;
	v16 =	vmul.f32 $2.560000000e+02, v16  }
0xc6: {  	vm11 =	veq.s32 v2, $0xD;
	v17 =	vmul.f32 $2.560000000e+02, v17;
	v18 =	vmul.f32 $2.560000000e+02, v18  }
0xc7: {  	vm12 =	veq.s32 v2, $0xE;
	v19 =	vmul.f32 $2.560000000e+02, v19;
	v20 =	vmul.f32 $2.560000000e+02, v20  }
0xc8: {  	v21 =	vmul.f32 $2.560000000e+02, v21;
	v22 =	vsel vm14, v60, v22;
	v9 =	vsel vm11, v26, v9  }
0xc9: {  	v8 =	vsel vm12, v27, v8;
	v22 =	vmul.f32 $2.560000000e+02, v22;
	v9 =	vmul.f32 $2.560000000e+02, v9  }
0xca: {  	v8 =	vmul.f32 $2.560000000e+02, v8;
	v14 =	vadd.f32 $5.120000000e+02, v14;
	v15 =	vadd.f32 $1.024000000e+03, v15  }
0xcb: {  	v13 =	vtrunc.f32 v13;
	v16 =	vadd.f32 $1.536000000e+03, v16;
	v17 =	vadd.f32 $2.048000000e+03, v17  }
0xcc: {  	v18 =	vadd.f32 $2.560000000e+03, v18;
	v19 =	vadd.f32 $3.072000000e+03, v19;
	v13 =	vcvt.f32.s32 v13  }
0xcd: {  	v20 =	vadd.f32 $3.584000000e+03, v20;
	v14 =	vtrunc.f32 v14;
	v15 =	vtrunc.f32 v15  }
0xce: {  	v21 =	vadd.f32 $4.096000000e+03, v21;
	v16 =	vtrunc.f32 v16;
	v17 =	vtrunc.f32 v17  }
0xcf: {  	v29 =	vsub.f32 $2.000000000e+00, v3;
	v18 =	vtrunc.f32 v18;
	v19 =	vtrunc.f32 v19  }
0xd0: {  	v30 =	vsub.f32 $2.000000000e+00, v4;
	v20 =	vtrunc.f32 v20;
	v21 =	vtrunc.f32 v21  }
0xd1: {  	v31 =	vsub.f32 $2.000000000e+00, v6;
	v14 =	vcvt.f32.s32 v14;
	v15 =	vcvt.f32.s32 v15  }
0xd2: {  	v22 =	vadd.f32 $4.608000000e+03, v22;
	v16 =	vcvt.f32.s32 v16;
	v17 =	vcvt.f32.s32 v17  }
0xd3: {  	v9 =	vadd.f32 $6.656000000e+03, v9;
	v18 =	vcvt.f32.s32 v18;
	v19 =	vcvt.f32.s32 v19  }
0xd4: {  	v8 =	vadd.f32 $7.168000000e+03, v8;
	v20 =	vcvt.f32.s32 v20;
	v21 =	vcvt.f32.s32 v21  }
0xd5: {  	vm15 =	vlt.s32 v13, $0x1FF;
	v22 =	vtrunc.f32 v22;
	v9 =	vtrunc.f32 v9  }
0xd6: {  	v8 =	vtrunc.f32 v8;
	v13 =	vnsel vm15, $0x1FF, v13;
	v22 =	vcvt.f32.s32 v22  }
0xd7: {  	v9 =	vcvt.f32.s32 v9;
	v8 =	vcvt.f32.s32 v8;
	vm6 =	vlt.s32 v14, $0x3FF  }
0xd8: {  	vm8 =	vlt.s32 v15, $0x5FF;
	vm9 =	vlt.s32 v16, $0x7FF;
	vm10 =	vlt.s32 v17, $0x9FF  }
0xd9: {  	vm15 =	vlt.s32 v18, $0xBFF;
	vm4 =	vlt.s32 v19, $0xDFF;
	vm5 =	vlt.s32 v20, $0xFFF  }
0xda: {  	v14 =	vnsel vm6, $0x3FF, v14;
	v15 =	vnsel vm8, $0x5FF, v15;
	v16 =	vnsel vm9, $0x7FF, v16  }
0xdb: {  	v17 =	vnsel vm10, $0x9FF, v17;
	v18 =	vnsel vm15, $0xBFF, v18;
	v19 =	vnsel vm4, $0xDFF, v19  }
0xdc: {  	v20 =	vnsel vm5, $0xFFF, v20;
	vm6 =	vlt.s32 v21, $0x11FF;
	vm7 =	vlt.s32 v22, $0x13FF  }
0xdd: {  	vm8 =	veq.s32 v2, $0xA;
	vm9 =	veq.s32 v2, $0xB;
	vm10 =	veq.s32 v2, $0xC  }
0xde: {  	vm4 =	vlt.s32 v9, $0x1BFF;
	vm5 =	veq.s32 v2, $0xF;
	v21 =	vnsel vm6, $0x11FF, v21  }
0xdf: {  	v22 =	vnsel vm7, $0x13FF, v22;
	v12 =	vsel vm8, v61, v12;
	v11 =	vsel vm9, v62, v11  }
0xe0: {  	v10 =	vsel vm10, v63, v10;
	v5 =	vsel vm5, v28, v5;
	vm6 =	veq.s32 v2, $0x10  }
0xe1: {  	vm7 =	veq.s32 v2, $0x11;
	vm8 =	veq.s32 v2, $0x12;
	v12 =	vmul.f32 $2.560000000e+02, v12  }
0xe2: {  	v33 =	vnsel vm4, $0x1BFF, v9;
	v11 =	vmul.f32 $2.560000000e+02, v11;
	v10 =	vmul.f32 $2.560000000e+02, v10  }
0xe3: {  	v5 =	vmul.f32 $2.560000000e+02, v5;
	v3 =	vsel vm6, v29, v3;
	v4 =	vsel vm7, v30, v4  }
0xe4: {  	v32 =	vsel vm8, v31, v6;
	v3 =	vmul.f32 $2.560000000e+02, v3;
	v12 =	vadd.f32 $5.120000000e+03, v12  }
0xe5: {  	[tilespmem:v13+s18+$0x0] =	vst.idx.add.f32.msk $0xffff, v1;
	v4 =	vmul.f32 $2.560000000e+02, v4;
	v11 =	vadd.f32 $5.632000000e+03, v11;
	v10 =	vadd.f32 $6.144000000e+03, v10  }
0xe6: {  	v2 =	vadd.f32 $7.680000000e+03, v5;
	v5 =	vmul.f32 $2.560000000e+02, v32;
	[tilespmem:v14+s18+$0x0] =	vst.idx.add.f32.msk $0xffff, v1;
	v12 =	vtrunc.f32 v12  }
0xe7: {  	vm9 =	vlt.s32 v8, $0x1DFF;
	v11 =	vtrunc.f32 v11;
	[tilespmem:v15+s18+$0x0] =	vst.idx.add.f32.msk $0xffff, v1;
	v12 =	vcvt.f32.s32 v12  }
0xe8: {  	v3 =	vadd.f32 $8.192000000e+03, v3;
	v10 =	vtrunc.f32 v10;
	v11 =	vcvt.f32.s32 v11;
	[tilespmem:v16+s18+$0x0] =	vst.idx.add.f32.msk $0xffff, v1  }
0xe9: {  	v4 =	vadd.f32 $8.704000000e+03, v4;
	v10 =	vcvt.f32.s32 v10;
	[tilespmem:v17+s18+$0x0] =	vst.idx.add.f32.msk $0xffff, v1;
	vm13 =	vlt.s32 v12, $0x15FF  }
0xea: {  	v2 =	vtrunc.f32 v2;
	vm14 =	vlt.s32 v11, $0x17FF;
	[tilespmem:v18+s18+$0x0] =	vst.idx.add.f32.msk $0xffff, v1;
	v12 =	vnsel vm13, $0x15FF, v12  }
0xeb: {  	v5 =	vadd.f32 $9.216000000e+03, v5;
	vm15 =	vlt.s32 v10, $0x19FF;
	v11 =	vnsel vm14, $0x17FF, v11;
	[tilespmem:v19+s18+$0x0] =	vst.idx.add.f32.msk $0xffff, v1  }
0xec: {  	v2 =	vcvt.f32.s32 v2;
	v3 =	vtrunc.f32 v3;
	v10 =	vnsel vm15, $0x19FF, v10;
	[tilespmem:v20+s18+$0x0] =	vst.idx.add.f32.msk $0xffff, v1  }
0xed: {  	v34 =	vnsel vm9, $0x1DFF, v8;
	v4 =	vtrunc.f32 v4;
	v3 =	vcvt.f32.s32 v3;
	[tilespmem:v21+s18+$0x0] =	vst.idx.add.f32.msk $0xffff, v1  }
0xee: {  	v4 =	vcvt.f32.s32 v4;
	v5 =	vtrunc.f32 v5;
	vm10 =	vlt.s32 v2, $0x1FFF;
	[tilespmem:v22+s18+$0x0] =	vst.idx.add.f32.msk $0xffff, v1  }
0xef: {  	v5 =	vcvt.f32.s32 v5;
	v2 =	vnsel vm10, $0x1FFF, v2;
	vm11 =	vlt.s32 v3, $0x21FF;
	[tilespmem:v12+s18+$0x0] =	vst.idx.add.f32.msk $0xffff, v1  }
0xf0: {  	vm12 =	vlt.s32 v4, $0x23FF;
	v3 =	vnsel vm11, $0x21FF, v3;
	[tilespmem:v11+s18+$0x0] =	vst.idx.add.f32.msk $0xffff, v1  }
0xf1: {  	v4 =	vnsel vm12, $0x23FF, v4;
	vm13 =	vlt.s32 v5, $0x25FF;
	[tilespmem:v10+s18+$0x0] =	vst.idx.add.f32.msk $0xffff, v1  }
0xf2: {  	v5 =	vnsel vm13, $0x25FF, v5;
	[tilespmem:v33+s18+$0x0] =	vst.idx.add.f32.msk $0xffff, v1  }
0xf3: {  	[tilespmem:v34+s18+$0x0] =	vst.idx.add.f32.msk $0xffff, v1  }
0xf4: {  	[tilespmem:v2+s18+$0x0] =	vst.idx.add.f32.msk $0xffff, v1  }
0xf5: {  	[tilespmem:v3+s18+$0x0] =	vst.idx.add.f32.msk $0xffff, v1  }
0xf6: {  	s11 =	sor.u32 $0x10, s11;
	[tilespmem:v4+s18+$0x0] =	vst.idx.add.f32.msk $0xffff, v1  }
0xf7: {  	s9 =	sor.u32 s11, s9;
	[tilespmem:v5+s18+$0x0] =	vst.idx.add.f32.msk $0xffff, v1  }
0xf8: {  	v2 =	vld [tilespmem:s9+$0x0]  }
0xf9: {  	v3 =	vld [tilespmem:s9+$0x80]  }
0xfa: {  	v4 =	vld [tilespmem:s9+$0x100]  }
0xfb: {  	v5 =	vld [tilespmem:s9+$0x180]  }
0xfc: {  	v6 =	vld [tilespmem:s9+$0x200]  }
0xfd: {  	v7 =	vld [tilespmem:s9+$0x280];
	v2 =	vmul.f32 $1.442695020e+00, v2  }
0xfe: {  	v35 =	vld [tilespmem:s9+$0x300];
	v3 =	vmul.f32 $1.442695020e+00, v3  }
0xff: {  	s1 =	sor.u32 s11, s1;
	v36 =	vld [tilespmem:s9+$0x380];
	(erf) = vpow2.f32 v2;
	v2 =	vmul.f32 $1.442695020e+00, v4  }
0x100: {  	v37 =	vld [tilespmem:s1+$0x0];
	s9 =	sor.u32 s11, s8;
	(erf) = vpow2.f32 v3;
	v3 =	vmul.f32 $1.442695020e+00, v5  }
0x101: {  	s10 =	sor.u32 s11, s10;
	v38 =	vld [tilespmem:s9+$0x0];
	(erf) = vpow2.f32 v2;
	v2 =	vmul.f32 $1.442695020e+00, v6  }
0x102: {  	s12 =	sor.u32 s11, s12;
	v39 =	vld [tilespmem:s10+$0x0];
	(erf) = vpow2.f32 v3;
	v3 =	vmul.f32 $1.442695020e+00, v7  }
0x103: {  	s13 =	sor.u32 s11, s13;
	v40 =	vld [tilespmem:s12+$0x0];
	(erf) = vpow2.f32 v2;
	v2 =	vmul.f32 $1.442695020e+00, v35  }
0x104: {  	s21 =	sor.u32 s11, s14;
	v41 =	vld [tilespmem:s13+$0x0];
	(erf) = vpow2.f32 v3;
	v3 =	vmul.f32 $1.442695020e+00, v36  }
0x105: {  	s23 =	sor.u32 s11, s15;
	v42 =	vld [tilespmem:s21+$0x0];
	(erf) = vpow2.f32 v2;
	v2 =	vmul.f32 $1.442695020e+00, v37  }
0x106: {  	s24 =	sor.u32 s11, s16;
	v43 =	vld [tilespmem:s23+$0x0];
	(erf) = vpow2.f32 v3;
	v3 =	vmul.f32 $1.442695020e+00, v38  }
0x107: {  	v44 =	vld [tilespmem:s24+$0x0];
	(erf) = vpow2.f32 v2;
	v2 =	vmul.f32 $1.442695020e+00, v39  }
0x108: {  	v45 =	vpop (erf);
	(erf) = vpow2.f32 v3;
	v3 =	vmul.f32 $1.442695020e+00, v40  }
0x109: {  	s25 =	sor.u32 s11, s17;
	v46 =	vpop (erf);
	(erf) = vpow2.f32 v2;
	v2 =	vmul.f32 $1.442695020e+00, v41  }
0x10a: {  	s26 =	sor.u32 s11, s19;
	v47 =	vld [tilespmem:s25+$0x0];
	v48 =	vpop (erf);
	(erf) = vpow2.f32 v3;
	v3 =	vmul.f32 $1.442695020e+00, v42  }
0x10b: {  	v49 =	vld [tilespmem:s26+$0x0];
	v50 =	vpop (erf);
	(erf) = vpow2.f32 v2;
	v2 =	vmul.f32 $1.442695020e+00, v43  }
0x10c: {  	s28 =	sor.u32 s11, s28;
	v51 =	vpop (erf);
	(erf) = vpow2.f32 v3;
	v3 =	vmul.f32 $1.442695020e+00, v44  }
0x10d: {  	v52 =	vpop (erf);
	(erf) = vpow2.f32 v2;
	v2 =	vld [tilespmem:s28+$0x0]  }
0x10e: {  	v53 =	vpop (erf);
	(erf) = vpow2.f32 v3  }
0x10f: {  	v3 =	vmul.f32 $1.442695020e+00, v47;
	v54 =	vpop (erf)  }
0x110: {  	v55 =	vmul.f32 $1.442695020e+00, v49;
	v56 =	vpop (erf)  }
0x111: {  	(erf) = vpow2.f32 v3;
	v57 =	vpop (erf)  }
0x112: {  	(erf) = vpow2.f32 v55;
	v58 =	vpop (erf);
	v2 =	vmul.f32 $1.442695020e+00, v2  }
0x113: {  	v59 =	vpop (erf)  }
0x114: {  	v60 =	vpop (erf);
	(erf) = vpow2.f32 v2  }
0x115: {  	v62 =	vadd.f32 v46, v45;
	v63 =	vadd.f32 v50, v48;
	v61 =	vpop (erf)  }
0x116: {  	v29 =	vadd.f32 v52, v51;
	v30 =	vadd.f32 v54, v53;
	v28 =	vpop (erf)  }
0x117: {  	v31 =	vadd.f32 v57, v56;
	v32 =	vadd.f32 v59, v58;
	v3 =	vpop (erf)  }
0x118: {  	v33 =	vadd.f32 v61, v60;
	v34 =	vadd.f32 v3, v28  }
0x119: {  	v5 =	vadd.f32 v63, v62;
	v6 =	vadd.f32 v30, v29  }
0x11a: {  	v36 =	vadd.f32 v32, v31;
	v2 =	vpop (erf);
	v37 =	vadd.f32 v34, v33  }
0x11b: {  	v5 =	vadd.f32 v6, v5;
	v35 =	vpop (erf)  }
0x11c: {  	v38 =	vadd.f32 v35, v2;
	v8 =	vadd.f32 v37, v36  }
0x11d: {  	v39 =	vpop (erf)  }
0x11e: {  	v40 =	vadd.f32 v39, v38;
	v5 =	vadd.f32 v8, v5;
	_ =	sdelay $0x1  }
0x11f: {  	v5 =	vadd.f32 v40, v5;
	_ =	sdelay $0x1  }
0x120: {  	(erf) = vrcp.f32 v5;
	_ =	sdelay $0x2  }
0x121: {  	s31 =	sor.u32 s11, s20  }
0x122: {  	v41 =	vld [tilespmem:s31+$0x0];
	_ =	sdelay $0x4  }
0x123: {  	vm14 =	veq.s32 v41, $0x0;
	v42 =	vpop (erf)  }
0x124: {  	vm15 =	veq.s32 v41, $0x1;
	vm5 =	veq.s32 v41, $0x2;
	v10 =	vmul.f32 v42, v45  }
0x125: {  	vm6 =	veq.s32 v41, $0x3;
	v12 =	vmul.f32 v42, v46;
	v13 =	vmul.f32 v42, v48  }
0x126: {  	vm7 =	veq.s32 v41, $0x4;
	v14 =	vmul.f32 v42, v50;
	v15 =	vmul.f32 v42, v51  }
0x127: {  	vm9 =	veq.s32 v41, $0x5;
	v16 =	vmul.f32 v42, v52;
	v17 =	vmul.f32 v42, v53  }
0x128: {  	vm13 =	veq.s32 v41, $0x6;
	v18 =	vmul.f32 v42, v54;
	v19 =	vmul.f32 v42, v56  }
0x129: {  	v20 =	vmul.f32 v42, v57;
	v21 =	vmul.f32 v42, v58;
	v43 =	vsub.f32 $2.000000000e+00, v10  }
0x12a: {  	v22 =	vmul.f32 v42, v59;
	v44 =	vsub.f32 $2.000000000e+00, v12;
	v45 =	vsub.f32 $2.000000000e+00, v13  }
0x12b: {  	v11 =	vmul.f32 v42, v60;
	v46 =	vsub.f32 $2.000000000e+00, v14;
	v47 =	vsub.f32 $2.000000000e+00, v15  }
0x12c: {  	v9 =	vmul.f32 v42, v61;
	v48 =	vsub.f32 $2.000000000e+00, v16;
	v49 =	vsub.f32 $2.000000000e+00, v17  }
0x12d: {  	v7 =	vmul.f32 v42, v28;
	v50 =	vsub.f32 $2.000000000e+00, v18;
	v51 =	vsub.f32 $2.000000000e+00, v19  }
0x12e: {  	v3 =	vmul.f32 v42, v3;
	v52 =	vsub.f32 $2.000000000e+00, v20;
	v53 =	vsub.f32 $2.000000000e+00, v21  }
0x12f: {  	v6 =	vmul.f32 v42, v39;
	v54 =	vsub.f32 $2.000000000e+00, v22;
	v55 =	vsub.f32 $2.000000000e+00, v11  }
0x130: {  	v2 =	vmul.f32 v42, v2;
	v56 =	vsub.f32 $2.000000000e+00, v9;
	v57 =	vsub.f32 $2.000000000e+00, v7  }
0x131: {  	v4 =	vmul.f32 v42, v35;
	v58 =	vsub.f32 $2.000000000e+00, v3;
	v61 =	vsub.f32 $2.000000000e+00, v6  }
0x132: {  	v10 =	vsel vm14, v43, v10;
	v12 =	vsel vm15, v44, v12;
	v13 =	vsel vm5, v45, v13  }
0x133: {  	v14 =	vsel vm6, v46, v14;
	v15 =	vsel vm7, v47, v15;
	v16 =	vsel vm9, v48, v16  }
0x134: {  	v17 =	vsel vm13, v49, v17;
	vm14 =	veq.s32 v41, $0x7;
	vm15 =	veq.s32 v41, $0x8  }
0x135: {  	vm5 =	veq.s32 v41, $0x9;
	v10 =	vmul.f32 $2.560000000e+02, v10;
	v12 =	vmul.f32 $2.560000000e+02, v12  }
0x136: {  	vm9 =	veq.s32 v41, $0xA;
	v13 =	vmul.f32 $2.560000000e+02, v13;
	v14 =	vmul.f32 $2.560000000e+02, v14  }
0x137: {  	vm13 =	veq.s32 v41, $0xD;
	v15 =	vmul.f32 $2.560000000e+02, v15;
	v16 =	vmul.f32 $2.560000000e+02, v16  }
0x138: {  	v17 =	vmul.f32 $2.560000000e+02, v17;
	v18 =	vsel vm14, v50, v18;
	v19 =	vsel vm15, v51, v19  }
0x139: {  	v20 =	vsel vm5, v52, v20;
	v21 =	vsel vm9, v53, v21;
	v9 =	vsel vm13, v56, v9  }
0x13a: {  	vm5 =	veq.s32 v41, $0xE;
	v18 =	vmul.f32 $2.560000000e+02, v18;
	v19 =	vmul.f32 $2.560000000e+02, v19  }
0x13b: {  	vm9 =	veq.s32 v41, $0x12;
	v20 =	vmul.f32 $2.560000000e+02, v20;
	v21 =	vmul.f32 $2.560000000e+02, v21  }
0x13c: {  	v9 =	vmul.f32 $2.560000000e+02, v9;
	v7 =	vsel vm5, v57, v7;
	v5 =	vsel vm9, v61, v6  }
0x13d: {  	v10 =	vtrunc.f32 v10;
	v12 =	vadd.f32 $5.120000000e+02, v12;
	v13 =	vadd.f32 $1.024000000e+03, v13  }
0x13e: {  	v14 =	vadd.f32 $1.536000000e+03, v14;
	v15 =	vadd.f32 $2.048000000e+03, v15;
	v7 =	vmul.f32 $2.560000000e+02, v7  }
0x13f: {  	v16 =	vadd.f32 $2.560000000e+03, v16;
	v5 =	vmul.f32 $2.560000000e+02, v5;
	v10 =	vcvt.f32.s32 v10  }
0x140: {  	v17 =	vadd.f32 $3.072000000e+03, v17;
	v12 =	vtrunc.f32 v12;
	v13 =	vtrunc.f32 v13  }
0x141: {  	v59 =	vsub.f32 $2.000000000e+00, v2;
	v14 =	vtrunc.f32 v14;
	v15 =	vtrunc.f32 v15  }
0x142: {  	v18 =	vadd.f32 $3.584000000e+03, v18;
	v16 =	vtrunc.f32 v16;
	v17 =	vtrunc.f32 v17  }
0x143: {  	v19 =	vadd.f32 $4.096000000e+03, v19;
	v12 =	vcvt.f32.s32 v12;
	v13 =	vcvt.f32.s32 v13  }
0x144: {  	v20 =	vadd.f32 $4.608000000e+03, v20;
	v14 =	vcvt.f32.s32 v14;
	v15 =	vcvt.f32.s32 v15  }
0x145: {  	v21 =	vadd.f32 $5.120000000e+03, v21;
	v16 =	vcvt.f32.s32 v16;
	v17 =	vcvt.f32.s32 v17  }
0x146: {  	v9 =	vadd.f32 $6.656000000e+03, v9;
	v18 =	vtrunc.f32 v18;
	v19 =	vtrunc.f32 v19  }
0x147: {  	v60 =	vsub.f32 $2.000000000e+00, v4;
	v20 =	vtrunc.f32 v20;
	v21 =	vtrunc.f32 v21  }
0x148: {  	v7 =	vadd.f32 $7.168000000e+03, v7;
	v9 =	vtrunc.f32 v9;
	v18 =	vcvt.f32.s32 v18  }
0x149: {  	v5 =	vadd.f32 $9.216000000e+03, v5;
	v19 =	vcvt.f32.s32 v19;
	v20 =	vcvt.f32.s32 v20  }
0x14a: {  	vm4 =	vlt.s32 v10, $0x1FF;
	v21 =	vcvt.f32.s32 v21;
	v9 =	vcvt.f32.s32 v9  }
0x14b: {  	v10 =	vnsel vm4, $0x1FF, v10;
	v62 =	vtrunc.f32 v7;
	v5 =	vtrunc.f32 v5  }
0x14c: {  	vm8 =	vlt.s32 v12, $0x3FF;
	vm10 =	vlt.s32 v13, $0x5FF;
	vm11 =	vlt.s32 v14, $0x7FF  }
0x14d: {  	vm12 =	vlt.s32 v15, $0x9FF;
	vm4 =	vlt.s32 v16, $0xBFF;
	vm6 =	vlt.s32 v17, $0xDFF  }
0x14e: {  	v6 =	vcvt.f32.s32 v62;
	v12 =	vnsel vm8, $0x3FF, v12;
	v13 =	vnsel vm10, $0x5FF, v13  }
0x14f: {  	v14 =	vnsel vm11, $0x7FF, v14;
	v15 =	vnsel vm12, $0x9FF, v15;
	v16 =	vnsel vm4, $0xBFF, v16  }
0x150: {  	vm7 =	vlt.s32 v18, $0xFFF;
	v17 =	vnsel vm6, $0xDFF, v17;
	vm8 =	vlt.s32 v19, $0x11FF  }
0x151: {  	vm10 =	veq.s32 v41, $0xB;
	vm11 =	veq.s32 v41, $0xC;
	vm12 =	vlt.s32 v20, $0x13FF  }
0x152: {  	vm14 =	vlt.s32 v21, $0x15FF;
	vm6 =	veq.s32 v41, $0xF;
	v18 =	vnsel vm7, $0xFFF, v18  }
0x153: {  	v22 =	vsel vm10, v54, v22;
	v11 =	vsel vm11, v55, v11;
	v19 =	vnsel vm8, $0x11FF, v19  }
0x154: {  	v20 =	vnsel vm12, $0x13FF, v20;
	v3 =	vsel vm6, v58, v3;
	v22 =	vmul.f32 $2.560000000e+02, v22  }
0x155: {  	vm7 =	veq.s32 v41, $0x10;
	vm8 =	veq.s32 v41, $0x11;
	v11 =	vmul.f32 $2.560000000e+02, v11  }
0x156: {  	v2 =	vsel vm7, v59, v2;
	v4 =	vsel vm8, v60, v4;
	[tilespmem:v10+s18+$0x0] =	vst.idx.add.f32.msk $0xffff, v1;
	v22 =	vadd.f32 $5.632000000e+03, v22  }
0x157: {  	v3 =	vmul.f32 $2.560000000e+02, v3;
	v2 =	vmul.f32 $2.560000000e+02, v2;
	v11 =	vadd.f32 $6.144000000e+03, v11;
	[tilespmem:v12+s18+$0x0] =	vst.idx.add.f32.msk $0xffff, v1  }
0x158: {  	v21 =	vnsel vm14, $0x15FF, v21;
	v4 =	vmul.f32 $2.560000000e+02, v4;
	v22 =	vtrunc.f32 v22;
	[tilespmem:v13+s18+$0x0] =	vst.idx.add.f32.msk $0xffff, v1  }
0x159: {  	vm10 =	vlt.s32 v9, $0x1BFF;
	v11 =	vtrunc.f32 v11;
	v22 =	vcvt.f32.s32 v22;
	[tilespmem:v14+s18+$0x0] =	vst.idx.add.f32.msk $0xffff, v1  }
0x15a: {  	vm11 =	vlt.s32 v6, $0x1DFF;
	v3 =	vadd.f32 $7.680000000e+03, v3;
	v11 =	vcvt.f32.s32 v11;
	[tilespmem:v15+s18+$0x0] =	vst.idx.add.f32.msk $0xffff, v1  }
0x15b: {  	v2 =	vadd.f32 $8.192000000e+03, v2;
	v4 =	vadd.f32 $8.704000000e+03, v4;
	vm15 =	vlt.s32 v22, $0x17FF;
	[tilespmem:v16+s18+$0x0] =	vst.idx.add.f32.msk $0xffff, v1  }
0x15c: {  	v3 =	vtrunc.f32 v3;
	vm4 =	vlt.s32 v11, $0x19FF;
	v22 =	vnsel vm15, $0x17FF, v22;
	[tilespmem:v17+s18+$0x0] =	vst.idx.add.f32.msk $0xffff, v1  }
0x15d: {  	v3 =	vcvt.f32.s32 v3;
	v2 =	vtrunc.f32 v2;
	v11 =	vnsel vm4, $0x19FF, v11;
	[tilespmem:v18+s18+$0x0] =	vst.idx.add.f32.msk $0xffff, v1  }
0x15e: {  	v63 =	vnsel vm10, $0x1BFF, v9;
	v4 =	vtrunc.f32 v4;
	v2 =	vcvt.f32.s32 v2;
	[tilespmem:v19+s18+$0x0] =	vst.idx.add.f32.msk $0xffff, v1  }
0x15f: {  	v6 =	vnsel vm11, $0x1DFF, v6;
	v4 =	vcvt.f32.s32 v4;
	vm12 =	vlt.s32 v3, $0x1FFF;
	[tilespmem:v20+s18+$0x0] =	vst.idx.add.f32.msk $0xffff, v1  }
0x160: {  	v5 =	vcvt.f32.s32 v5;
	v3 =	vnsel vm12, $0x1FFF, v3;
	vm13 =	vlt.s32 v2, $0x21FF;
	[tilespmem:v21+s18+$0x0] =	vst.idx.add.f32.msk $0xffff, v1  }
0x161: {  	vm14 =	vlt.s32 v4, $0x23FF;
	v2 =	vnsel vm13, $0x21FF, v2;
	[tilespmem:v22+s18+$0x0] =	vst.idx.add.f32.msk $0xffff, v1  }
0x162: {  	vm15 =	vlt.s32 v5, $0x25FF;
	v4 =	vnsel vm14, $0x23FF, v4;
	[tilespmem:v11+s18+$0x0] =	vst.idx.add.f32.msk $0xffff, v1  }
0x163: {  	p0 =	sne.s32 s30, $0x1F;
	v5 =	vnsel vm15, $0x25FF, v5;
	[tilespmem:v63+s18+$0x0] =	vst.idx.add.f32.msk $0xffff, v1  }
.Ltmp3:
0x164: {  	[tilespmem:v6+s18+$0x0] =	vst.idx.add.f32.msk $0xffff, v1;
	(pc) =	sbr.rel @p0 .LBB2_5-.Ltmp3, $4  }
0x165: {  	[tilespmem:v3+s18+$0x0] =	vst.idx.add.f32.msk $0xffff, v1  }
0x166: {  	[tilespmem:v2+s18+$0x0] =	vst.idx.add.f32.msk $0xffff, v1  }
0x167: {  	[tilespmem:v4+s18+$0x0] =	vst.idx.add.f32.msk $0xffff, v1  }
0x168: {  	s0 =	sadd.s32 $0x20, s0;
	s30 =	sadd.s32 $0x1, s30;
	[tilespmem:v5+s18+$0x0] =	vst.idx.add.f32.msk $0xffff, v1  }
0x169: {  	s30 =	sshll.u32 s29, $0xC;
	s0 =	rddreg [dreg:$0x15]  }
0x16a: {  	s1 =	rddreg [dreg:$0xa];
	s0 =	sor.u32 s0, s30  }
0x16b: {  	s3 =	simm.s32 $0x12000;
	s1 =	sadd.s32 s0, s1;
	s0 =	sshll.u32 s0, $0x2  }
0x16c: {  	[tilespmem:s3], [sflag:$0x1] =	stream.strided.gather [hbm4b:s1+s7], $0x6000, s22, s7, $0x38;
	[tilespmem:$0x1B600] =	vst v63  }
0x16d: {  	s0 =	sadd.s32 s6, s0  }
0x16e: {  	s0 =	sshrl.u32 s0, $0x3  }
0x16f: {  	s31 =	simm.s32 $0x0;
	s13 =	simm.s32 $0x18180;
	s0 =	sadd.s32 s4, s0  }
0x170: {  	[tilespmem:s13], [sflag:$0x1] =	stream.linear.gather [hbm4b:s0+s31], $0x80, $0x38;
	[tilespmem:$0x1B600] =	vst v63  }
0x171: {  	s15 =	simm.s32 $0x18380;
	s14 =	sadd.s32 $0x40, s0  }
0x172: {  	[tilespmem:s15], [sflag:$0x1] =	stream.linear.gather [hbm4b:s14+s31], $0x80, $0x38;
	[tilespmem:$0x1B600] =	vst v63  }
0x173: {  	s17 =	simm.s32 $0x18580;
	s16 =	sadd.s32 $0x80, s0  }
0x174: {  	[tilespmem:s17], [sflag:$0x1] =	stream.linear.gather [hbm4b:s16+s31], $0x80, $0x38;
	[tilespmem:$0x1B600] =	vst v63  }
0x175: {  	s20 =	simm.s32 $0x18780;
	s19 =	sadd.s32 $0xC0, s0  }
0x176: {  	[tilespmem:s20], [sflag:$0x1] =	stream.linear.gather [hbm4b:s19+s31], $0x80, $0x38;
	[tilespmem:$0x1B600] =	vst v63  }
0x177: {  	s22 =	simm.s32 $0x18980;
	s21 =	sadd.s32 $0x100, s0  }
0x178: {  	[tilespmem:s22], [sflag:$0x1] =	stream.linear.gather [hbm4b:s21+s31], $0x80, $0x38;
	[tilespmem:$0x1B600] =	vst v63  }
0x179: {  	s24 =	simm.s32 $0x18B80;
	s23 =	sadd.s32 $0x140, s0  }
0x17a: {  	[tilespmem:s24], [sflag:$0x1] =	stream.linear.gather [hbm4b:s23+s31], $0x80, $0x38;
	[tilespmem:$0x1B600] =	vst v63  }
0x17b: {  	s26 =	simm.s32 $0x18D80;
	s25 =	sadd.s32 $0x180, s0  }
0x17c: {  	[tilespmem:s26], [sflag:$0x1] =	stream.linear.gather [hbm4b:s25+s31], $0x80, $0x38;
	[tilespmem:$0x1B600] =	vst v63  }
0x17d: {  	s28 =	simm.s32 $0x18F80;
	s0 =	sadd.s32 $0x1C0, s0  }
0x17e: {  	[tilespmem:s28], [sflag:$0x1] =	stream.linear.gather [hbm4b:s0+s31], $0x80, $0x38;
	[tilespmem:$0x1B600] =	vst v63  }
0x17f: {  	_ =	swait.ge [sflag:s5], $0x6000  }
0x180: {  	[sflag:s5] =	ssyncset.done $0x0  }
0x181: {  	[sflag:s5] =	ssyncadd.s32 $0xFFFFA000  }
0x182: {  	_ =	swait.ge [sflag:s5], $0x400  }
0x183: {  	[sflag:s5] =	ssyncset.done $0x0  }
0x184: {  	s0 =	simm.s32 $0x0;
	[sflag:s5] =	ssyncadd.s32 $0xFFFFFC00  }
.LBB2_7:
0x185: {  	s1 =	sshll.u32 s0, $0x8  }
0x186: {  	s3 =	sand.u32 $0x3FFFFC00, s1  }
0x187: {  	s10 =	sand.u32 $0x60, s31;
	s1 =	sadd.s32 $0x6000, s3  }
0x188: {  	s8 =	sadd.s32 $0x6080, s3;
	s9 =	sor.u32 s10, s1  }
0x189: {  	s12 =	sadd.s32 $0x6100, s3;
	s11 =	sor.u32 s10, s8;
	v2 =	vld [tilespmem:s9+$0x0]  }
0x18a: {  	s19 =	sadd.s32 $0x6180, s3;
	s13 =	sor.u32 s10, s12;
	v3 =	vld [tilespmem:s11+$0x0]  }
0x18b: {  	s20 =	sadd.s32 $0x6200, s3;
	s14 =	sor.u32 s10, s19;
	v4 =	vld [tilespmem:s13+$0x0]  }
0x18c: {  	s21 =	sadd.s32 $0x6280, s3;
	s15 =	sor.u32 s10, s20;
	v5 =	vld [tilespmem:s14+$0x0]  }
0x18d: {  	s22 =	sadd.s32 $0x6300, s3;
	s16 =	sor.u32 s10, s21;
	v6 =	vld [tilespmem:s15+$0x0]  }
0x18e: {  	s23 =	sadd.s32 $0x6380, s3;
	s17 =	sor.u32 s10, s22;
	v7 =	vld [tilespmem:s16+$0x0];
	v2 =	vmul.f32 $1.442695020e+00, v2  }
0x18f: {  	v8 =	vld [tilespmem:s17+$0x0];
	s11 =	sor.u32 s10, s23;
	s9 =	sadd.s32 $0x8000, s3;
	v3 =	vmul.f32 $1.442695020e+00, v3  }
0x190: {  	v27 =	vld [tilespmem:s11+$0x0];
	s13 =	sor.u32 s10, s9;
	s11 =	sadd.s32 $0x8080, s3;
	(erf) = vpow2.f32 v2;
	v2 =	vmul.f32 $1.442695020e+00, v4  }
0x191: {  	v28 =	vld [tilespmem:s13+$0x0];
	s14 =	sor.u32 s10, s11;
	s13 =	sadd.s32 $0x8100, s3;
	(erf) = vpow2.f32 v3;
	v3 =	vmul.f32 $1.442695020e+00, v5  }
0x192: {  	s28 =	sadd.s32 $0x8180, s3;
	v29 =	vld [tilespmem:s14+$0x0];
	s24 =	sor.u32 s10, s13;
	(erf) = vpow2.f32 v2;
	v2 =	vmul.f32 $1.442695020e+00, v6  }
0x193: {  	s25 =	sor.u32 s10, s28;
	s17 =	sadd.s32 $0x8200, s3;
	v30 =	vld [tilespmem:s24+$0x0];
	(erf) = vpow2.f32 v3;
	v3 =	vmul.f32 $1.442695020e+00, v7  }
0x194: {  	v31 =	vld [tilespmem:s25+$0x0];
	s15 =	sor.u32 s10, s17;
	s14 =	sadd.s32 $0x8280, s3;
	(erf) = vpow2.f32 v2;
	v2 =	vmul.f32 $1.442695020e+00, v8  }
0x195: {  	v32 =	vld [tilespmem:s15+$0x0];
	s15 =	sadd.s32 $0x8300, s3;
	s16 =	sor.u32 s10, s14;
	(erf) = vpow2.f32 v3;
	v3 =	vmul.f32 $1.442695020e+00, v27  }
0x196: {  	s24 =	sor.u32 s10, s15;
	v33 =	vld [tilespmem:s16+$0x0];
	s16 =	sadd.s32 $0x8380, s3;
	(erf) = vpow2.f32 v2;
	v2 =	vmul.f32 $1.442695020e+00, v28  }
0x197: {  	v34 =	vld [tilespmem:s24+$0x0];
	s26 =	sor.u32 s10, s16;
	(erf) = vpow2.f32 v3;
	v3 =	vmul.f32 $1.442695020e+00, v29  }
0x198: {  	v35 =	vld [tilespmem:s26+$0x0];
	(erf) = vpow2.f32 v2;
	v2 =	vmul.f32 $1.442695020e+00, v30  }
0x199: {  	s25 =	sadd.s32 $0xA000, s3;
	v13 =	vpop (erf);
	(erf) = vpow2.f32 v3;
	v3 =	vmul.f32 $1.442695020e+00, v31  }
0x19a: {  	s24 =	sadd.s32 $0xA080, s3;
	s26 =	sor.u32 s10, s25;
	v14 =	vpop (erf);
	(erf) = vpow2.f32 v2;
	v2 =	vmul.f32 $1.442695020e+00, v32  }
0x19b: {  	s7 =	sor.u32 s10, s24;
	v36 =	vld [tilespmem:s26+$0x0];
	v15 =	vpop (erf);
	(erf) = vpow2.f32 v3;
	v3 =	vmul.f32 $1.442695020e+00, v33  }
0x19c: {  	v37 =	vld [tilespmem:s7+$0x0];
	s26 =	sadd.s32 $0xA100, s3;
	v16 =	vpop (erf);
	(erf) = vpow2.f32 v2;
	v2 =	vmul.f32 $1.442695020e+00, v34  }
0x19d: {  	s3 =	sor.u32 s10, s26;
	v17 =	vpop (erf);
	(erf) = vpow2.f32 v3;
	v3 =	vmul.f32 $1.442695020e+00, v35  }
0x19e: {  	v18 =	vpop (erf);
	(erf) = vpow2.f32 v2;
	v2 =	vld [tilespmem:s3+$0x0]  }
0x19f: {  	v19 =	vpop (erf);
	(erf) = vpow2.f32 v3  }
0x1a0: {  	v3 =	vmul.f32 $1.442695020e+00, v36;
	v20 =	vpop (erf)  }
0x1a1: {  	v38 =	vmul.f32 $1.442695020e+00, v37;
	v21 =	vpop (erf)  }
0x1a2: {  	(erf) = vpow2.f32 v3;
	v22 =	vpop (erf)  }
0x1a3: {  	(erf) = vpow2.f32 v38;
	v12 =	vpop (erf);
	v2 =	vmul.f32 $1.442695020e+00, v2  }
0x1a4: {  	v11 =	vpop (erf)  }
0x1a5: {  	v10 =	vpop (erf);
	(erf) = vpow2.f32 v2  }
0x1a6: {  	v39 =	vadd.f32 v16, v15;
	v41 =	vadd.f32 v18, v17;
	v9 =	vpop (erf)  }
0x1a7: {  	v42 =	vadd.f32 v20, v19;
	v23 =	vadd.f32 v22, v21;
	v40 =	vpop (erf)  }
0x1a8: {  	v2 =	vadd.f32 v14, v13;
	v24 =	vadd.f32 v11, v12;
	v43 =	vpop (erf)  }
0x1a9: {  	v25 =	vadd.f32 v9, v10;
	v26 =	vadd.f32 v43, v40  }
0x1aa: {  	v6 =	vadd.f32 v42, v41;
	v2 =	vadd.f32 v39, v2  }
0x1ab: {  	v45 =	vadd.f32 v24, v23;
	v3 =	vpop (erf);
	v46 =	vadd.f32 v26, v25  }
0x1ac: {  	v2 =	vadd.f32 v6, v2;
	v44 =	vpop (erf)  }
0x1ad: {  	v47 =	vadd.f32 v44, v3;
	v7 =	vadd.f32 v46, v45  }
0x1ae: {  	v48 =	vpop (erf)  }
0x1af: {  	v49 =	vadd.f32 v48, v47;
	v2 =	vadd.f32 v7, v2;
	_ =	sdelay $0x1  }
0x1b0: {  	v2 =	vadd.f32 v49, v2  }
0x1b1: {  	s7 =	sshll.u32 s0, $0x7  }
0x1b2: {  	s3 =	sand.u32 $0x3FFFFE00, s7;
	(erf) = vrcp.f32 v2  }
0x1b3: {  	s3 =	sadd.s32 $0x18000, s3  }
0x1b4: {  	s7 =	sor.u32 s10, s3  }
0x1b5: {  	v2 =	vld [tilespmem:s7+$0x80];
	_ =	sdelay $0x4  }
0x1b6: {  	vm0 =	veq.s32 v2, $0x0  }
0x1b7: {  	vm14 =	veq.s32 v2, $0x1;
	vm1 =	veq.s32 v2, $0x2;
	vm4 =	veq.s32 v2, $0x3;
	v50 =	vpop (erf)  }
0x1b8: {  	vm5 =	veq.s32 v2, $0x4;
	v13 =	vmul.f32 v50, v13;
	v14 =	vmul.f32 v50, v14  }
0x1b9: {  	vm7 =	veq.s32 v2, $0x5;
	v15 =	vmul.f32 v50, v15;
	v16 =	vmul.f32 v50, v16  }
0x1ba: {  	vm11 =	veq.s32 v2, $0x6;
	v17 =	vmul.f32 v50, v17;
	v18 =	vmul.f32 v50, v18  }
0x1bb: {  	vm12 =	veq.s32 v2, $0x7;
	v19 =	vmul.f32 v50, v19;
	v20 =	vmul.f32 v50, v20  }
0x1bc: {  	vm13 =	veq.s32 v2, $0x8;
	v21 =	vmul.f32 v50, v21;
	v22 =	vmul.f32 v50, v22  }
0x1bd: {  	v12 =	vmul.f32 v50, v12;
	v11 =	vmul.f32 v50, v11;
	v51 =	vsub.f32 $2.000000000e+00, v13  }
0x1be: {  	v10 =	vmul.f32 v50, v10;
	v52 =	vsub.f32 $2.000000000e+00, v14;
	v53 =	vsub.f32 $2.000000000e+00, v15  }
0x1bf: {  	v9 =	vmul.f32 v50, v9;
	v54 =	vsub.f32 $2.000000000e+00, v16;
	v55 =	vsub.f32 $2.000000000e+00, v17  }
0x1c0: {  	v8 =	vmul.f32 v50, v40;
	v56 =	vsub.f32 $2.000000000e+00, v18;
	v57 =	vsub.f32 $2.000000000e+00, v19  }
0x1c1: {  	v5 =	vmul.f32 v50, v43;
	v58 =	vsub.f32 $2.000000000e+00, v20;
	v59 =	vsub.f32 $2.000000000e+00, v21  }
0x1c2: {  	v3 =	vmul.f32 v50, v3;
	v60 =	vsub.f32 $2.000000000e+00, v22;
	v61 =	vsub.f32 $2.000000000e+00, v12  }
0x1c3: {  	v4 =	vmul.f32 v50, v44;
	v62 =	vsub.f32 $2.000000000e+00, v11;
	v63 =	vsub.f32 $2.000000000e+00, v10  }
0x1c4: {  	v6 =	vmul.f32 v50, v48;
	v26 =	vsub.f32 $2.000000000e+00, v9;
	v27 =	vsub.f32 $2.000000000e+00, v8  }
0x1c5: {  	v28 =	vsub.f32 $2.000000000e+00, v5;
	v13 =	vsel vm0, v51, v13;
	v14 =	vsel vm14, v52, v14  }
0x1c6: {  	v15 =	vsel vm1, v53, v15;
	v16 =	vsel vm4, v54, v16;
	v17 =	vsel vm5, v55, v17  }
0x1c7: {  	v18 =	vsel vm7, v56, v18;
	v19 =	vsel vm11, v57, v19;
	v20 =	vsel vm12, v58, v20  }
0x1c8: {  	v21 =	vsel vm13, v59, v21;
	v13 =	vmul.f32 $2.560000000e+02, v13;
	v14 =	vmul.f32 $2.560000000e+02, v14  }
0x1c9: {  	vm14 =	veq.s32 v2, $0x9;
	v15 =	vmul.f32 $2.560000000e+02, v15;
	v16 =	vmul.f32 $2.560000000e+02, v16  }
0x1ca: {  	vm11 =	veq.s32 v2, $0xD;
	v17 =	vmul.f32 $2.560000000e+02, v17;
	v18 =	vmul.f32 $2.560000000e+02, v18  }
0x1cb: {  	vm12 =	veq.s32 v2, $0xE;
	v19 =	vmul.f32 $2.560000000e+02, v19;
	v20 =	vmul.f32 $2.560000000e+02, v20  }
0x1cc: {  	v21 =	vmul.f32 $2.560000000e+02, v21;
	v22 =	vsel vm14, v60, v22;
	v9 =	vsel vm11, v26, v9  }
0x1cd: {  	v8 =	vsel vm12, v27, v8;
	v22 =	vmul.f32 $2.560000000e+02, v22;
	v9 =	vmul.f32 $2.560000000e+02, v9  }
0x1ce: {  	v8 =	vmul.f32 $2.560000000e+02, v8;
	v14 =	vadd.f32 $5.120000000e+02, v14;
	v15 =	vadd.f32 $1.024000000e+03, v15  }
0x1cf: {  	v13 =	vtrunc.f32 v13;
	v16 =	vadd.f32 $1.536000000e+03, v16;
	v17 =	vadd.f32 $2.048000000e+03, v17  }
0x1d0: {  	v18 =	vadd.f32 $2.560000000e+03, v18;
	v19 =	vadd.f32 $3.072000000e+03, v19;
	v13 =	vcvt.f32.s32 v13  }
0x1d1: {  	v20 =	vadd.f32 $3.584000000e+03, v20;
	v14 =	vtrunc.f32 v14;
	v15 =	vtrunc.f32 v15  }
0x1d2: {  	v21 =	vadd.f32 $4.096000000e+03, v21;
	v16 =	vtrunc.f32 v16;
	v17 =	vtrunc.f32 v17  }
0x1d3: {  	v29 =	vsub.f32 $2.000000000e+00, v3;
	v18 =	vtrunc.f32 v18;
	v19 =	vtrunc.f32 v19  }
0x1d4: {  	v30 =	vsub.f32 $2.000000000e+00, v4;
	v20 =	vtrunc.f32 v20;
	v21 =	vtrunc.f32 v21  }
0x1d5: {  	v31 =	vsub.f32 $2.000000000e+00, v6;
	v14 =	vcvt.f32.s32 v14;
	v15 =	vcvt.f32.s32 v15  }
0x1d6: {  	v22 =	vadd.f32 $4.608000000e+03, v22;
	v16 =	vcvt.f32.s32 v16;
	v17 =	vcvt.f32.s32 v17  }
0x1d7: {  	v9 =	vadd.f32 $6.656000000e+03, v9;
	v18 =	vcvt.f32.s32 v18;
	v19 =	vcvt.f32.s32 v19  }
0x1d8: {  	v8 =	vadd.f32 $7.168000000e+03, v8;
	v20 =	vcvt.f32.s32 v20;
	v21 =	vcvt.f32.s32 v21  }
0x1d9: {  	vm15 =	vlt.s32 v13, $0x1FF;
	v22 =	vtrunc.f32 v22;
	v9 =	vtrunc.f32 v9  }
0x1da: {  	v8 =	vtrunc.f32 v8;
	v13 =	vnsel vm15, $0x1FF, v13;
	v22 =	vcvt.f32.s32 v22  }
0x1db: {  	v9 =	vcvt.f32.s32 v9;
	v8 =	vcvt.f32.s32 v8;
	vm6 =	vlt.s32 v14, $0x3FF  }
0x1dc: {  	vm8 =	vlt.s32 v15, $0x5FF;
	vm9 =	vlt.s32 v16, $0x7FF;
	vm10 =	vlt.s32 v17, $0x9FF  }
0x1dd: {  	vm15 =	vlt.s32 v18, $0xBFF;
	vm4 =	vlt.s32 v19, $0xDFF;
	vm5 =	vlt.s32 v20, $0xFFF  }
0x1de: {  	v14 =	vnsel vm6, $0x3FF, v14;
	v15 =	vnsel vm8, $0x5FF, v15;
	v16 =	vnsel vm9, $0x7FF, v16  }
0x1df: {  	v17 =	vnsel vm10, $0x9FF, v17;
	v18 =	vnsel vm15, $0xBFF, v18;
	v19 =	vnsel vm4, $0xDFF, v19  }
0x1e0: {  	v20 =	vnsel vm5, $0xFFF, v20;
	vm6 =	vlt.s32 v21, $0x11FF;
	vm7 =	vlt.s32 v22, $0x13FF  }
0x1e1: {  	vm8 =	veq.s32 v2, $0xA;
	vm9 =	veq.s32 v2, $0xB;
	vm10 =	veq.s32 v2, $0xC  }
0x1e2: {  	vm4 =	vlt.s32 v9, $0x1BFF;
	vm5 =	veq.s32 v2, $0xF;
	v21 =	vnsel vm6, $0x11FF, v21  }
0x1e3: {  	v22 =	vnsel vm7, $0x13FF, v22;
	v12 =	vsel vm8, v61, v12;
	v11 =	vsel vm9, v62, v11  }
0x1e4: {  	v10 =	vsel vm10, v63, v10;
	v5 =	vsel vm5, v28, v5;
	vm6 =	veq.s32 v2, $0x10  }
0x1e5: {  	vm7 =	veq.s32 v2, $0x11;
	vm8 =	veq.s32 v2, $0x12;
	v12 =	vmul.f32 $2.560000000e+02, v12  }
0x1e6: {  	v33 =	vnsel vm4, $0x1BFF, v9;
	v11 =	vmul.f32 $2.560000000e+02, v11;
	v10 =	vmul.f32 $2.560000000e+02, v10  }
0x1e7: {  	v5 =	vmul.f32 $2.560000000e+02, v5;
	v3 =	vsel vm6, v29, v3;
	v4 =	vsel vm7, v30, v4  }
0x1e8: {  	v32 =	vsel vm8, v31, v6;
	v3 =	vmul.f32 $2.560000000e+02, v3;
	v12 =	vadd.f32 $5.120000000e+03, v12  }
0x1e9: {  	[tilespmem:v13+s18+$0x0] =	vst.idx.add.f32.msk $0xffff, v1;
	v4 =	vmul.f32 $2.560000000e+02, v4;
	v11 =	vadd.f32 $5.632000000e+03, v11;
	v10 =	vadd.f32 $6.144000000e+03, v10  }
0x1ea: {  	v2 =	vadd.f32 $7.680000000e+03, v5;
	v5 =	vmul.f32 $2.560000000e+02, v32;
	[tilespmem:v14+s18+$0x0] =	vst.idx.add.f32.msk $0xffff, v1;
	v12 =	vtrunc.f32 v12  }
0x1eb: {  	vm9 =	vlt.s32 v8, $0x1DFF;
	v11 =	vtrunc.f32 v11;
	[tilespmem:v15+s18+$0x0] =	vst.idx.add.f32.msk $0xffff, v1;
	v12 =	vcvt.f32.s32 v12  }
0x1ec: {  	v3 =	vadd.f32 $8.192000000e+03, v3;
	v10 =	vtrunc.f32 v10;
	v11 =	vcvt.f32.s32 v11;
	[tilespmem:v16+s18+$0x0] =	vst.idx.add.f32.msk $0xffff, v1  }
0x1ed: {  	v4 =	vadd.f32 $8.704000000e+03, v4;
	v10 =	vcvt.f32.s32 v10;
	[tilespmem:v17+s18+$0x0] =	vst.idx.add.f32.msk $0xffff, v1;
	vm13 =	vlt.s32 v12, $0x15FF  }
0x1ee: {  	v2 =	vtrunc.f32 v2;
	vm14 =	vlt.s32 v11, $0x17FF;
	[tilespmem:v18+s18+$0x0] =	vst.idx.add.f32.msk $0xffff, v1;
	v12 =	vnsel vm13, $0x15FF, v12  }
0x1ef: {  	v5 =	vadd.f32 $9.216000000e+03, v5;
	vm15 =	vlt.s32 v10, $0x19FF;
	v11 =	vnsel vm14, $0x17FF, v11;
	[tilespmem:v19+s18+$0x0] =	vst.idx.add.f32.msk $0xffff, v1  }
0x1f0: {  	v2 =	vcvt.f32.s32 v2;
	v3 =	vtrunc.f32 v3;
	v10 =	vnsel vm15, $0x19FF, v10;
	[tilespmem:v20+s18+$0x0] =	vst.idx.add.f32.msk $0xffff, v1  }
0x1f1: {  	v34 =	vnsel vm9, $0x1DFF, v8;
	v4 =	vtrunc.f32 v4;
	v3 =	vcvt.f32.s32 v3;
	[tilespmem:v21+s18+$0x0] =	vst.idx.add.f32.msk $0xffff, v1  }
0x1f2: {  	v4 =	vcvt.f32.s32 v4;
	v5 =	vtrunc.f32 v5;
	vm10 =	vlt.s32 v2, $0x1FFF;
	[tilespmem:v22+s18+$0x0] =	vst.idx.add.f32.msk $0xffff, v1  }
0x1f3: {  	v5 =	vcvt.f32.s32 v5;
	v2 =	vnsel vm10, $0x1FFF, v2;
	vm11 =	vlt.s32 v3, $0x21FF;
	[tilespmem:v12+s18+$0x0] =	vst.idx.add.f32.msk $0xffff, v1  }
0x1f4: {  	vm12 =	vlt.s32 v4, $0x23FF;
	v3 =	vnsel vm11, $0x21FF, v3;
	[tilespmem:v11+s18+$0x0] =	vst.idx.add.f32.msk $0xffff, v1  }
0x1f5: {  	v4 =	vnsel vm12, $0x23FF, v4;
	vm13 =	vlt.s32 v5, $0x25FF;
	[tilespmem:v10+s18+$0x0] =	vst.idx.add.f32.msk $0xffff, v1  }
0x1f6: {  	v5 =	vnsel vm13, $0x25FF, v5;
	[tilespmem:v33+s18+$0x0] =	vst.idx.add.f32.msk $0xffff, v1  }
0x1f7: {  	[tilespmem:v34+s18+$0x0] =	vst.idx.add.f32.msk $0xffff, v1  }
0x1f8: {  	[tilespmem:v2+s18+$0x0] =	vst.idx.add.f32.msk $0xffff, v1  }
0x1f9: {  	[tilespmem:v3+s18+$0x0] =	vst.idx.add.f32.msk $0xffff, v1  }
0x1fa: {  	s10 =	sor.u32 $0x10, s10;
	[tilespmem:v4+s18+$0x0] =	vst.idx.add.f32.msk $0xffff, v1  }
0x1fb: {  	s1 =	sor.u32 s10, s1;
	[tilespmem:v5+s18+$0x0] =	vst.idx.add.f32.msk $0xffff, v1  }
0x1fc: {  	s8 =	sor.u32 s10, s8;
	v2 =	vld [tilespmem:s1+$0x0]  }
0x1fd: {  	s12 =	sor.u32 s10, s12;
	v3 =	vld [tilespmem:s8+$0x0]  }
0x1fe: {  	s19 =	sor.u32 s10, s19;
	v4 =	vld [tilespmem:s12+$0x0]  }
0x1ff: {  	s20 =	sor.u32 s10, s20;
	v5 =	vld [tilespmem:s19+$0x0]  }
0x200: {  	s21 =	sor.u32 s10, s21;
	v6 =	vld [tilespmem:s20+$0x0]  }
0x201: {  	s7 =	sor.u32 s10, s22;
	v7 =	vld [tilespmem:s21+$0x0];
	v2 =	vmul.f32 $1.442695020e+00, v2  }
0x202: {  	v35 =	vld [tilespmem:s7+$0x0];
	s8 =	sor.u32 s10, s23;
	v3 =	vmul.f32 $1.442695020e+00, v3  }
0x203: {  	s9 =	sor.u32 s10, s9;
	v36 =	vld [tilespmem:s8+$0x0];
	(erf) = vpow2.f32 v2;
	v2 =	vmul.f32 $1.442695020e+00, v4  }
0x204: {  	s11 =	sor.u32 s10, s11;
	v37 =	vld [tilespmem:s9+$0x0];
	(erf) = vpow2.f32 v3;
	v3 =	vmul.f32 $1.442695020e+00, v5  }
0x205: {  	v38 =	vld [tilespmem:s11+$0x0];
	s12 =	sor.u32 s10, s13;
	(erf) = vpow2.f32 v2;
	v2 =	vmul.f32 $1.442695020e+00, v6  }
0x206: {  	s13 =	sor.u32 s10, s28;
	v39 =	vld [tilespmem:s12+$0x0];
	(erf) = vpow2.f32 v3;
	v3 =	vmul.f32 $1.442695020e+00, v7  }
0x207: {  	s19 =	sor.u32 s10, s17;
	v40 =	vld [tilespmem:s13+$0x0];
	(erf) = vpow2.f32 v2;
	v2 =	vmul.f32 $1.442695020e+00, v35  }
0x208: {  	s20 =	sor.u32 s10, s14;
	v41 =	vld [tilespmem:s19+$0x0];
	(erf) = vpow2.f32 v3;
	v3 =	vmul.f32 $1.442695020e+00, v36  }
0x209: {  	s21 =	sor.u32 s10, s15;
	v42 =	vld [tilespmem:s20+$0x0];
	(erf) = vpow2.f32 v2;
	v2 =	vmul.f32 $1.442695020e+00, v37  }
0x20a: {  	s22 =	sor.u32 s10, s16;
	v43 =	vld [tilespmem:s21+$0x0];
	(erf) = vpow2.f32 v3;
	v3 =	vmul.f32 $1.442695020e+00, v38  }
0x20b: {  	v44 =	vld [tilespmem:s22+$0x0];
	(erf) = vpow2.f32 v2;
	v2 =	vmul.f32 $1.442695020e+00, v39  }
0x20c: {  	v45 =	vpop (erf);
	(erf) = vpow2.f32 v3;
	v3 =	vmul.f32 $1.442695020e+00, v40  }
0x20d: {  	s23 =	sor.u32 s10, s25;
	v46 =	vpop (erf);
	(erf) = vpow2.f32 v2;
	v2 =	vmul.f32 $1.442695020e+00, v41  }
0x20e: {  	s25 =	sor.u32 s10, s24;
	v47 =	vld [tilespmem:s23+$0x0];
	v48 =	vpop (erf);
	(erf) = vpow2.f32 v3;
	v3 =	vmul.f32 $1.442695020e+00, v42  }
0x20f: {  	v49 =	vld [tilespmem:s25+$0x0];
	v50 =	vpop (erf);
	(erf) = vpow2.f32 v2;
	v2 =	vmul.f32 $1.442695020e+00, v43  }
0x210: {  	s26 =	sor.u32 s10, s26;
	v51 =	vpop (erf);
	(erf) = vpow2.f32 v3;
	v3 =	vmul.f32 $1.442695020e+00, v44  }
0x211: {  	v52 =	vpop (erf);
	(erf) = vpow2.f32 v2;
	v2 =	vld [tilespmem:s26+$0x0]  }
0x212: {  	v53 =	vpop (erf);
	(erf) = vpow2.f32 v3  }
0x213: {  	v3 =	vmul.f32 $1.442695020e+00, v47;
	v54 =	vpop (erf)  }
0x214: {  	v55 =	vmul.f32 $1.442695020e+00, v49;
	v56 =	vpop (erf)  }
0x215: {  	(erf) = vpow2.f32 v3;
	v57 =	vpop (erf)  }
0x216: {  	(erf) = vpow2.f32 v55;
	v58 =	vpop (erf);
	v2 =	vmul.f32 $1.442695020e+00, v2  }
0x217: {  	v59 =	vpop (erf)  }
0x218: {  	v60 =	vpop (erf);
	(erf) = vpow2.f32 v2  }
0x219: {  	v62 =	vadd.f32 v46, v45;
	v63 =	vadd.f32 v50, v48;
	v61 =	vpop (erf)  }
0x21a: {  	v29 =	vadd.f32 v52, v51;
	v30 =	vadd.f32 v54, v53;
	v28 =	vpop (erf)  }
0x21b: {  	v31 =	vadd.f32 v57, v56;
	v32 =	vadd.f32 v59, v58;
	v3 =	vpop (erf)  }
0x21c: {  	v33 =	vadd.f32 v61, v60;
	v34 =	vadd.f32 v3, v28  }
0x21d: {  	v5 =	vadd.f32 v63, v62;
	v6 =	vadd.f32 v30, v29  }
0x21e: {  	v36 =	vadd.f32 v32, v31;
	v2 =	vpop (erf);
	v37 =	vadd.f32 v34, v33  }
0x21f: {  	v5 =	vadd.f32 v6, v5;
	v35 =	vpop (erf)  }
0x220: {  	v38 =	vadd.f32 v35, v2;
	v8 =	vadd.f32 v37, v36  }
0x221: {  	v39 =	vpop (erf)  }
0x222: {  	v40 =	vadd.f32 v39, v38;
	v5 =	vadd.f32 v8, v5;
	_ =	sdelay $0x1  }
0x223: {  	v5 =	vadd.f32 v40, v5;
	_ =	sdelay $0x1  }
0x224: {  	(erf) = vrcp.f32 v5;
	_ =	sdelay $0x2  }
0x225: {  	s28 =	sor.u32 s10, s3  }
0x226: {  	v41 =	vld [tilespmem:s28+$0x80];
	_ =	sdelay $0x4  }
0x227: {  	vm14 =	veq.s32 v41, $0x0;
	v42 =	vpop (erf)  }
0x228: {  	vm15 =	veq.s32 v41, $0x1;
	vm5 =	veq.s32 v41, $0x2;
	v10 =	vmul.f32 v42, v45  }
0x229: {  	vm6 =	veq.s32 v41, $0x3;
	v12 =	vmul.f32 v42, v46;
	v13 =	vmul.f32 v42, v48  }
0x22a: {  	vm7 =	veq.s32 v41, $0x4;
	v14 =	vmul.f32 v42, v50;
	v15 =	vmul.f32 v42, v51  }
0x22b: {  	vm9 =	veq.s32 v41, $0x5;
	v16 =	vmul.f32 v42, v52;
	v17 =	vmul.f32 v42, v53  }
0x22c: {  	vm13 =	veq.s32 v41, $0x6;
	v18 =	vmul.f32 v42, v54;
	v19 =	vmul.f32 v42, v56  }
0x22d: {  	v20 =	vmul.f32 v42, v57;
	v21 =	vmul.f32 v42, v58;
	v43 =	vsub.f32 $2.000000000e+00, v10  }
0x22e: {  	v22 =	vmul.f32 v42, v59;
	v44 =	vsub.f32 $2.000000000e+00, v12;
	v45 =	vsub.f32 $2.000000000e+00, v13  }
0x22f: {  	v11 =	vmul.f32 v42, v60;
	v46 =	vsub.f32 $2.000000000e+00, v14;
	v47 =	vsub.f32 $2.000000000e+00, v15  }
0x230: {  	v9 =	vmul.f32 v42, v61;
	v48 =	vsub.f32 $2.000000000e+00, v16;
	v49 =	vsub.f32 $2.000000000e+00, v17  }
0x231: {  	v7 =	vmul.f32 v42, v28;
	v50 =	vsub.f32 $2.000000000e+00, v18;
	v51 =	vsub.f32 $2.000000000e+00, v19  }
0x232: {  	v3 =	vmul.f32 v42, v3;
	v52 =	vsub.f32 $2.000000000e+00, v20;
	v53 =	vsub.f32 $2.000000000e+00, v21  }
0x233: {  	v6 =	vmul.f32 v42, v39;
	v54 =	vsub.f32 $2.000000000e+00, v22;
	v55 =	vsub.f32 $2.000000000e+00, v11  }
0x234: {  	v2 =	vmul.f32 v42, v2;
	v56 =	vsub.f32 $2.000000000e+00, v9;
	v57 =	vsub.f32 $2.000000000e+00, v7  }
0x235: {  	v4 =	vmul.f32 v42, v35;
	v58 =	vsub.f32 $2.000000000e+00, v3;
	v61 =	vsub.f32 $2.000000000e+00, v6  }
0x236: {  	v10 =	vsel vm14, v43, v10;
	v12 =	vsel vm15, v44, v12;
	v13 =	vsel vm5, v45, v13  }
0x237: {  	v14 =	vsel vm6, v46, v14;
	v15 =	vsel vm7, v47, v15;
	v16 =	vsel vm9, v48, v16  }
0x238: {  	v17 =	vsel vm13, v49, v17;
	vm14 =	veq.s32 v41, $0x7;
	vm15 =	veq.s32 v41, $0x8  }
0x239: {  	vm5 =	veq.s32 v41, $0x9;
	v10 =	vmul.f32 $2.560000000e+02, v10;
	v12 =	vmul.f32 $2.560000000e+02, v12  }
0x23a: {  	vm9 =	veq.s32 v41, $0xA;
	v13 =	vmul.f32 $2.560000000e+02, v13;
	v14 =	vmul.f32 $2.560000000e+02, v14  }
0x23b: {  	vm13 =	veq.s32 v41, $0xD;
	v15 =	vmul.f32 $2.560000000e+02, v15;
	v16 =	vmul.f32 $2.560000000e+02, v16  }
0x23c: {  	v17 =	vmul.f32 $2.560000000e+02, v17;
	v18 =	vsel vm14, v50, v18;
	v19 =	vsel vm15, v51, v19  }
0x23d: {  	v20 =	vsel vm5, v52, v20;
	v21 =	vsel vm9, v53, v21;
	v9 =	vsel vm13, v56, v9  }
0x23e: {  	vm5 =	veq.s32 v41, $0xE;
	v18 =	vmul.f32 $2.560000000e+02, v18;
	v19 =	vmul.f32 $2.560000000e+02, v19  }
0x23f: {  	vm9 =	veq.s32 v41, $0x12;
	v20 =	vmul.f32 $2.560000000e+02, v20;
	v21 =	vmul.f32 $2.560000000e+02, v21  }
0x240: {  	v9 =	vmul.f32 $2.560000000e+02, v9;
	v7 =	vsel vm5, v57, v7;
	v5 =	vsel vm9, v61, v6  }
0x241: {  	v10 =	vtrunc.f32 v10;
	v12 =	vadd.f32 $5.120000000e+02, v12;
	v13 =	vadd.f32 $1.024000000e+03, v13  }
0x242: {  	v14 =	vadd.f32 $1.536000000e+03, v14;
	v15 =	vadd.f32 $2.048000000e+03, v15;
	v7 =	vmul.f32 $2.560000000e+02, v7  }
0x243: {  	v16 =	vadd.f32 $2.560000000e+03, v16;
	v5 =	vmul.f32 $2.560000000e+02, v5;
	v10 =	vcvt.f32.s32 v10  }
0x244: {  	v17 =	vadd.f32 $3.072000000e+03, v17;
	v12 =	vtrunc.f32 v12;
	v13 =	vtrunc.f32 v13  }
0x245: {  	v59 =	vsub.f32 $2.000000000e+00, v2;
	v14 =	vtrunc.f32 v14;
	v15 =	vtrunc.f32 v15  }
0x246: {  	v18 =	vadd.f32 $3.584000000e+03, v18;
	v16 =	vtrunc.f32 v16;
	v17 =	vtrunc.f32 v17  }
0x247: {  	v19 =	vadd.f32 $4.096000000e+03, v19;
	v12 =	vcvt.f32.s32 v12;
	v13 =	vcvt.f32.s32 v13  }
0x248: {  	v20 =	vadd.f32 $4.608000000e+03, v20;
	v14 =	vcvt.f32.s32 v14;
	v15 =	vcvt.f32.s32 v15  }
0x249: {  	v21 =	vadd.f32 $5.120000000e+03, v21;
	v16 =	vcvt.f32.s32 v16;
	v17 =	vcvt.f32.s32 v17  }
0x24a: {  	v9 =	vadd.f32 $6.656000000e+03, v9;
	v18 =	vtrunc.f32 v18;
	v19 =	vtrunc.f32 v19  }
0x24b: {  	v60 =	vsub.f32 $2.000000000e+00, v4;
	v20 =	vtrunc.f32 v20;
	v21 =	vtrunc.f32 v21  }
0x24c: {  	v7 =	vadd.f32 $7.168000000e+03, v7;
	v9 =	vtrunc.f32 v9;
	v18 =	vcvt.f32.s32 v18  }
0x24d: {  	v5 =	vadd.f32 $9.216000000e+03, v5;
	v19 =	vcvt.f32.s32 v19;
	v20 =	vcvt.f32.s32 v20  }
0x24e: {  	vm4 =	vlt.s32 v10, $0x1FF;
	v21 =	vcvt.f32.s32 v21;
	v9 =	vcvt.f32.s32 v9  }
0x24f: {  	v10 =	vnsel vm4, $0x1FF, v10;
	v62 =	vtrunc.f32 v7;
	v5 =	vtrunc.f32 v5  }
0x250: {  	vm8 =	vlt.s32 v12, $0x3FF;
	vm10 =	vlt.s32 v13, $0x5FF;
	vm11 =	vlt.s32 v14, $0x7FF  }
0x251: {  	vm12 =	vlt.s32 v15, $0x9FF;
	vm4 =	vlt.s32 v16, $0xBFF;
	vm6 =	vlt.s32 v17, $0xDFF  }
0x252: {  	v6 =	vcvt.f32.s32 v62;
	v12 =	vnsel vm8, $0x3FF, v12;
	v13 =	vnsel vm10, $0x5FF, v13  }
0x253: {  	v14 =	vnsel vm11, $0x7FF, v14;
	v15 =	vnsel vm12, $0x9FF, v15;
	v16 =	vnsel vm4, $0xBFF, v16  }
0x254: {  	vm7 =	vlt.s32 v18, $0xFFF;
	v17 =	vnsel vm6, $0xDFF, v17;
	vm8 =	vlt.s32 v19, $0x11FF  }
0x255: {  	vm10 =	veq.s32 v41, $0xB;
	vm11 =	veq.s32 v41, $0xC;
	vm12 =	vlt.s32 v20, $0x13FF  }
0x256: {  	vm14 =	vlt.s32 v21, $0x15FF;
	vm6 =	veq.s32 v41, $0xF;
	v18 =	vnsel vm7, $0xFFF, v18  }
0x257: {  	v22 =	vsel vm10, v54, v22;
	v11 =	vsel vm11, v55, v11;
	v19 =	vnsel vm8, $0x11FF, v19  }
0x258: {  	v20 =	vnsel vm12, $0x13FF, v20;
	v3 =	vsel vm6, v58, v3;
	v22 =	vmul.f32 $2.560000000e+02, v22  }
0x259: {  	vm7 =	veq.s32 v41, $0x10;
	vm8 =	veq.s32 v41, $0x11;
	v11 =	vmul.f32 $2.560000000e+02, v11  }
0x25a: {  	v2 =	vsel vm7, v59, v2;
	v4 =	vsel vm8, v60, v4;
	[tilespmem:v10+s18+$0x0] =	vst.idx.add.f32.msk $0xffff, v1;
	v22 =	vadd.f32 $5.632000000e+03, v22  }
0x25b: {  	v3 =	vmul.f32 $2.560000000e+02, v3;
	v2 =	vmul.f32 $2.560000000e+02, v2;
	v11 =	vadd.f32 $6.144000000e+03, v11;
	[tilespmem:v12+s18+$0x0] =	vst.idx.add.f32.msk $0xffff, v1  }
0x25c: {  	v21 =	vnsel vm14, $0x15FF, v21;
	v4 =	vmul.f32 $2.560000000e+02, v4;
	v22 =	vtrunc.f32 v22;
	[tilespmem:v13+s18+$0x0] =	vst.idx.add.f32.msk $0xffff, v1  }
0x25d: {  	vm10 =	vlt.s32 v9, $0x1BFF;
	v11 =	vtrunc.f32 v11;
	v22 =	vcvt.f32.s32 v22;
	[tilespmem:v14+s18+$0x0] =	vst.idx.add.f32.msk $0xffff, v1  }
0x25e: {  	vm11 =	vlt.s32 v6, $0x1DFF;
	v3 =	vadd.f32 $7.680000000e+03, v3;
	v11 =	vcvt.f32.s32 v11;
	[tilespmem:v15+s18+$0x0] =	vst.idx.add.f32.msk $0xffff, v1  }
0x25f: {  	v2 =	vadd.f32 $8.192000000e+03, v2;
	v4 =	vadd.f32 $8.704000000e+03, v4;
	vm15 =	vlt.s32 v22, $0x17FF;
	[tilespmem:v16+s18+$0x0] =	vst.idx.add.f32.msk $0xffff, v1  }
0x260: {  	v3 =	vtrunc.f32 v3;
	vm4 =	vlt.s32 v11, $0x19FF;
	v22 =	vnsel vm15, $0x17FF, v22;
	[tilespmem:v17+s18+$0x0] =	vst.idx.add.f32.msk $0xffff, v1  }
0x261: {  	v3 =	vcvt.f32.s32 v3;
	v2 =	vtrunc.f32 v2;
	v11 =	vnsel vm4, $0x19FF, v11;
	[tilespmem:v18+s18+$0x0] =	vst.idx.add.f32.msk $0xffff, v1  }
0x262: {  	v63 =	vnsel vm10, $0x1BFF, v9;
	v4 =	vtrunc.f32 v4;
	v2 =	vcvt.f32.s32 v2;
	[tilespmem:v19+s18+$0x0] =	vst.idx.add.f32.msk $0xffff, v1  }
0x263: {  	v6 =	vnsel vm11, $0x1DFF, v6;
	v4 =	vcvt.f32.s32 v4;
	vm12 =	vlt.s32 v3, $0x1FFF;
	[tilespmem:v20+s18+$0x0] =	vst.idx.add.f32.msk $0xffff, v1  }
0x264: {  	v5 =	vcvt.f32.s32 v5;
	v3 =	vnsel vm12, $0x1FFF, v3;
	vm13 =	vlt.s32 v2, $0x21FF;
	[tilespmem:v21+s18+$0x0] =	vst.idx.add.f32.msk $0xffff, v1  }
0x265: {  	vm14 =	vlt.s32 v4, $0x23FF;
	v2 =	vnsel vm13, $0x21FF, v2;
	[tilespmem:v22+s18+$0x0] =	vst.idx.add.f32.msk $0xffff, v1  }
0x266: {  	vm15 =	vlt.s32 v5, $0x25FF;
	v4 =	vnsel vm14, $0x23FF, v4;
	[tilespmem:v11+s18+$0x0] =	vst.idx.add.f32.msk $0xffff, v1  }
0x267: {  	p0 =	sne.s32 s0, $0x1F;
	v5 =	vnsel vm15, $0x25FF, v5;
	[tilespmem:v63+s18+$0x0] =	vst.idx.add.f32.msk $0xffff, v1  }
.Ltmp4:
0x268: {  	[tilespmem:v6+s18+$0x0] =	vst.idx.add.f32.msk $0xffff, v1;
	(pc) =	sbr.rel @p0 .LBB2_7-.Ltmp4, $4  }
0x269: {  	[tilespmem:v3+s18+$0x0] =	vst.idx.add.f32.msk $0xffff, v1  }
0x26a: {  	[tilespmem:v2+s18+$0x0] =	vst.idx.add.f32.msk $0xffff, v1  }
0x26b: {  	[tilespmem:v4+s18+$0x0] =	vst.idx.add.f32.msk $0xffff, v1  }
0x26c: {  	s31 =	sadd.s32 $0x20, s31;
	s0 =	sadd.s32 $0x1, s0;
	[tilespmem:v5+s18+$0x0] =	vst.idx.add.f32.msk $0xffff, v1  }
0x26d: {  	s0 =	rddreg [dreg:$0xb]  }
0x26e: {  	p0 =	seq.s32 s29, $0x7;
	s1 =	rddreg [dreg:$0x3]  }
0x26f: {  	s3 =	rddreg [dreg:$0x2];
	s0 =	sadd.s32 @!p0 s30, s0  }
0x270: {  	s7 =	simm.s32 @!p0 $0x200000;
	s1 =	sadd.s32 @!p0 s1, s0;
	s0 =	sshll.u32 @!p0 s0, $0x2  }
0x271: {  	s8 =	simm.s32 @!p0 $0x0;
	s1 =	sand.u32 @!p0 $0x1FFFF000, s1;
	s0 =	sadd.s32 @!p0 s6, s0  }
0x272: {  	s1 =	sadd.s32 @!p0 s3, s1;
	s3 =	simm.s32 @!p0 $0x2000;
	s0 =	sshrl.u32 @!p0 s0, $0x3  }
0x273: {  	[tilespmem:s8], [sflag:$0x1] =	stream.strided.gather @!p0 [hbm4b:s1+s3], $0x6000, s7, s3, $0x38;
	[tilespmem:$0x1B600] =	vst v63  }
0x274: {  	s0 =	sadd.s32 @!p0 s4, s0;
	s1 =	simm.s32 @!p0 $0x18000  }
0x275: {  	[tilespmem:s1], [sflag:$0x1] =	stream.linear.gather @!p0 [hbm4b:s0+s8], $0x80, $0x38;
	[tilespmem:$0x1B600] =	vst v63  }
0x276: {  	s3 =	simm.s32 @!p0 $0x18200;
	s1 =	sadd.s32 @!p0 $0x40, s0  }
0x277: {  	[tilespmem:s3], [sflag:$0x1] =	stream.linear.gather @!p0 [hbm4b:s1+s8], $0x80, $0x38;
	[tilespmem:$0x1B600] =	vst v63  }
0x278: {  	s1 =	sadd.s32 @!p0 $0x80, s0;
	s3 =	simm.s32 @!p0 $0x18400  }
0x279: {  	[tilespmem:s3], [sflag:$0x1] =	stream.linear.gather @!p0 [hbm4b:s1+s8], $0x80, $0x38;
	[tilespmem:$0x1B600] =	vst v63  }
0x27a: {  	s1 =	sadd.s32 @!p0 $0xC0, s0;
	s3 =	simm.s32 @!p0 $0x18600  }
0x27b: {  	[tilespmem:s3], [sflag:$0x1] =	stream.linear.gather @!p0 [hbm4b:s1+s8], $0x80, $0x38;
	[tilespmem:$0x1B600] =	vst v63  }
0x27c: {  	s1 =	sadd.s32 @!p0 $0x100, s0;
	s3 =	simm.s32 @!p0 $0x18800  }
0x27d: {  	[tilespmem:s3], [sflag:$0x1] =	stream.linear.gather @!p0 [hbm4b:s1+s8], $0x80, $0x38;
	[tilespmem:$0x1B600] =	vst v63  }
0x27e: {  	s1 =	sadd.s32 @!p0 $0x140, s0;
	s3 =	simm.s32 @!p0 $0x18A00  }
0x27f: {  	[tilespmem:s3], [sflag:$0x1] =	stream.linear.gather @!p0 [hbm4b:s1+s8], $0x80, $0x38;
	[tilespmem:$0x1B600] =	vst v63  }
0x280: {  	s1 =	sadd.s32 @!p0 $0x180, s0;
	s3 =	simm.s32 @!p0 $0x18C00  }
0x281: {  	[tilespmem:s3], [sflag:$0x1] =	stream.linear.gather @!p0 [hbm4b:s1+s8], $0x80, $0x38;
	[tilespmem:$0x1B600] =	vst v63  }
0x282: {  	s0 =	sadd.s32 @!p0 $0x1C0, s0;
	s1 =	simm.s32 @!p0 $0x18E00  }
0x283: {  	[tilespmem:s1], [sflag:$0x1] =	stream.linear.gather @!p0 [hbm4b:s0+s8], $0x80, $0x38;
	[tilespmem:$0x1B600] =	vst v63  }
0x284: {  	_ =	swait.ge [sflag:s5], $0x6000  }
0x285: {  	[sflag:s5] =	ssyncset.done $0x0  }
0x286: {  	[sflag:s5] =	ssyncadd.s32 $0xFFFFA000  }
0x287: {  	_ =	swait.ge [sflag:s5], $0x400  }
0x288: {  	[sflag:s5] =	ssyncset.done $0x0  }
0x289: {  	s31 =	simm.s32 $0x0;
	s0 =	simm.s32 $0x0;
	[sflag:s5] =	ssyncadd.s32 $0xFFFFFC00  }
.LBB2_9:
0x28a: {  	s1 =	sshll.u32 s0, $0x8  }
0x28b: {  	s3 =	sand.u32 $0x3FFFFC00, s1  }
0x28c: {  	s10 =	sand.u32 $0x60, s31;
	s1 =	sadd.s32 $0xC000, s3  }
0x28d: {  	s8 =	sadd.s32 $0xC080, s3;
	s7 =	sor.u32 s10, s1  }
0x28e: {  	s12 =	sadd.s32 $0xC100, s3;
	s9 =	sor.u32 s10, s8;
	v2 =	vld [tilespmem:s7+$0x0]  }
0x28f: {  	s19 =	sadd.s32 $0xC180, s3;
	s11 =	sor.u32 s10, s12;
	v3 =	vld [tilespmem:s9+$0x0]  }
0x290: {  	s20 =	sadd.s32 $0xC200, s3;
	s13 =	sor.u32 s10, s19;
	v4 =	vld [tilespmem:s11+$0x0]  }
0x291: {  	s21 =	sadd.s32 $0xC280, s3;
	s14 =	sor.u32 s10, s20;
	v5 =	vld [tilespmem:s13+$0x0]  }
0x292: {  	s22 =	sadd.s32 $0xC300, s3;
	s15 =	sor.u32 s10, s21;
	v6 =	vld [tilespmem:s14+$0x0]  }
0x293: {  	s16 =	sor.u32 s10, s22;
	v7 =	vld [tilespmem:s15+$0x0];
	s9 =	sadd.s32 $0xC380, s3;
	v2 =	vmul.f32 $1.442695020e+00, v2  }
0x294: {  	s23 =	sadd.s32 $0xE000, s3;
	v8 =	vld [tilespmem:s16+$0x0];
	s17 =	sor.u32 s10, s9;
	v3 =	vmul.f32 $1.442695020e+00, v3  }
0x295: {  	s24 =	sor.u32 s10, s23;
	s11 =	sadd.s32 $0xE080, s3;
	v27 =	vld [tilespmem:s17+$0x0];
	(erf) = vpow2.f32 v2;
	v2 =	vmul.f32 $1.442695020e+00, v4  }
0x296: {  	v28 =	vld [tilespmem:s24+$0x0];
	s13 =	sadd.s32 $0xE100, s3;
	s25 =	sor.u32 s10, s11;
	(erf) = vpow2.f32 v3;
	v3 =	vmul.f32 $1.442695020e+00, v5  }
0x297: {  	s28 =	sadd.s32 $0xE180, s3;
	s26 =	sor.u32 s10, s13;
	v29 =	vld [tilespmem:s25+$0x0];
	(erf) = vpow2.f32 v2;
	v2 =	vmul.f32 $1.442695020e+00, v6  }
0x298: {  	s14 =	sor.u32 s10, s28;
	v30 =	vld [tilespmem:s26+$0x0];
	s17 =	sadd.s32 $0xE200, s3;
	(erf) = vpow2.f32 v3;
	v3 =	vmul.f32 $1.442695020e+00, v7  }
0x299: {  	v31 =	vld [tilespmem:s14+$0x0];
	s14 =	sadd.s32 $0xE280, s3;
	s15 =	sor.u32 s10, s17;
	(erf) = vpow2.f32 v2;
	v2 =	vmul.f32 $1.442695020e+00, v8  }
0x29a: {  	s16 =	sor.u32 s10, s14;
	v32 =	vld [tilespmem:s15+$0x0];
	s15 =	sadd.s32 $0xE300, s3;
	(erf) = vpow2.f32 v3;
	v3 =	vmul.f32 $1.442695020e+00, v27  }
0x29b: {  	v33 =	vld [tilespmem:s16+$0x0];
	s16 =	sadd.s32 $0xE380, s3;
	s24 =	sor.u32 s10, s15;
	(erf) = vpow2.f32 v2;
	v2 =	vmul.f32 $1.442695020e+00, v28  }
0x29c: {  	s25 =	sor.u32 s10, s16;
	v34 =	vld [tilespmem:s24+$0x0];
	(erf) = vpow2.f32 v3;
	v3 =	vmul.f32 $1.442695020e+00, v29  }
0x29d: {  	v35 =	vld [tilespmem:s25+$0x0];
	(erf) = vpow2.f32 v2;
	v2 =	vmul.f32 $1.442695020e+00, v30  }
0x29e: {  	s24 =	sadd.s32 $0x10000, s3;
	v13 =	vpop (erf);
	(erf) = vpow2.f32 v3;
	v3 =	vmul.f32 $1.442695020e+00, v31  }
0x29f: {  	s25 =	sadd.s32 $0x10080, s3;
	s26 =	sor.u32 s10, s24;
	v14 =	vpop (erf);
	(erf) = vpow2.f32 v2;
	v2 =	vmul.f32 $1.442695020e+00, v32  }
0x2a0: {  	v36 =	vld [tilespmem:s26+$0x0];
	s26 =	sor.u32 s10, s25;
	v15 =	vpop (erf);
	(erf) = vpow2.f32 v3;
	v3 =	vmul.f32 $1.442695020e+00, v33  }
0x2a1: {  	v37 =	vld [tilespmem:s26+$0x0];
	s26 =	sadd.s32 $0x10100, s3;
	v16 =	vpop (erf);
	(erf) = vpow2.f32 v2;
	v2 =	vmul.f32 $1.442695020e+00, v34  }
0x2a2: {  	s3 =	sor.u32 s10, s26;
	v17 =	vpop (erf);
	(erf) = vpow2.f32 v3;
	v3 =	vmul.f32 $1.442695020e+00, v35  }
0x2a3: {  	v18 =	vpop (erf);
	(erf) = vpow2.f32 v2;
	v2 =	vld [tilespmem:s3+$0x0]  }
0x2a4: {  	v19 =	vpop (erf);
	(erf) = vpow2.f32 v3  }
0x2a5: {  	v3 =	vmul.f32 $1.442695020e+00, v36;
	v20 =	vpop (erf)  }
0x2a6: {  	v38 =	vmul.f32 $1.442695020e+00, v37;
	v21 =	vpop (erf)  }
0x2a7: {  	(erf) = vpow2.f32 v3;
	v22 =	vpop (erf)  }
0x2a8: {  	(erf) = vpow2.f32 v38;
	v12 =	vpop (erf);
	v2 =	vmul.f32 $1.442695020e+00, v2  }
0x2a9: {  	v11 =	vpop (erf)  }
0x2aa: {  	v10 =	vpop (erf);
	(erf) = vpow2.f32 v2  }
0x2ab: {  	v39 =	vadd.f32 v16, v15;
	v41 =	vadd.f32 v18, v17;
	v9 =	vpop (erf)  }
0x2ac: {  	v42 =	vadd.f32 v20, v19;
	v23 =	vadd.f32 v22, v21;
	v40 =	vpop (erf)  }
0x2ad: {  	v2 =	vadd.f32 v14, v13;
	v24 =	vadd.f32 v11, v12;
	v43 =	vpop (erf)  }
0x2ae: {  	v25 =	vadd.f32 v9, v10;
	v26 =	vadd.f32 v43, v40  }
0x2af: {  	v6 =	vadd.f32 v42, v41;
	v2 =	vadd.f32 v39, v2  }
0x2b0: {  	v45 =	vadd.f32 v24, v23;
	v3 =	vpop (erf);
	v46 =	vadd.f32 v26, v25  }
0x2b1: {  	v2 =	vadd.f32 v6, v2;
	v44 =	vpop (erf)  }
0x2b2: {  	v47 =	vadd.f32 v44, v3;
	v7 =	vadd.f32 v46, v45  }
0x2b3: {  	v48 =	vpop (erf)  }
0x2b4: {  	v49 =	vadd.f32 v48, v47;
	v2 =	vadd.f32 v7, v2;
	_ =	sdelay $0x1  }
0x2b5: {  	v2 =	vadd.f32 v49, v2  }
0x2b6: {  	s7 =	sshll.u32 s0, $0x7  }
0x2b7: {  	s3 =	sand.u32 $0x3FFFFE00, s7;
	(erf) = vrcp.f32 v2  }
0x2b8: {  	s3 =	sadd.s32 $0x18000, s3  }
0x2b9: {  	s7 =	sor.u32 s10, s3  }
0x2ba: {  	v2 =	vld [tilespmem:s7+$0x100];
	_ =	sdelay $0x4  }
0x2bb: {  	vm0 =	veq.s32 v2, $0x0  }
0x2bc: {  	vm14 =	veq.s32 v2, $0x1;
	vm1 =	veq.s32 v2, $0x2;
	vm4 =	veq.s32 v2, $0x3;
	v50 =	vpop (erf)  }
0x2bd: {  	vm5 =	veq.s32 v2, $0x4;
	v13 =	vmul.f32 v50, v13;
	v14 =	vmul.f32 v50, v14  }
0x2be: {  	vm7 =	veq.s32 v2, $0x5;
	v15 =	vmul.f32 v50, v15;
	v16 =	vmul.f32 v50, v16  }
0x2bf: {  	vm11 =	veq.s32 v2, $0x6;
	v17 =	vmul.f32 v50, v17;
	v18 =	vmul.f32 v50, v18  }
0x2c0: {  	vm12 =	veq.s32 v2, $0x7;
	v19 =	vmul.f32 v50, v19;
	v20 =	vmul.f32 v50, v20  }
0x2c1: {  	vm13 =	veq.s32 v2, $0x8;
	v21 =	vmul.f32 v50, v21;
	v22 =	vmul.f32 v50, v22  }
0x2c2: {  	v12 =	vmul.f32 v50, v12;
	v11 =	vmul.f32 v50, v11;
	v51 =	vsub.f32 $2.000000000e+00, v13  }
0x2c3: {  	v10 =	vmul.f32 v50, v10;
	v52 =	vsub.f32 $2.000000000e+00, v14;
	v53 =	vsub.f32 $2.000000000e+00, v15  }
0x2c4: {  	v9 =	vmul.f32 v50, v9;
	v54 =	vsub.f32 $2.000000000e+00, v16;
	v55 =	vsub.f32 $2.000000000e+00, v17  }
0x2c5: {  	v8 =	vmul.f32 v50, v40;
	v56 =	vsub.f32 $2.000000000e+00, v18;
	v57 =	vsub.f32 $2.000000000e+00, v19  }
0x2c6: {  	v5 =	vmul.f32 v50, v43;
	v58 =	vsub.f32 $2.000000000e+00, v20;
	v59 =	vsub.f32 $2.000000000e+00, v21  }
0x2c7: {  	v3 =	vmul.f32 v50, v3;
	v60 =	vsub.f32 $2.000000000e+00, v22;
	v61 =	vsub.f32 $2.000000000e+00, v12  }
0x2c8: {  	v4 =	vmul.f32 v50, v44;
	v62 =	vsub.f32 $2.000000000e+00, v11;
	v63 =	vsub.f32 $2.000000000e+00, v10  }
0x2c9: {  	v6 =	vmul.f32 v50, v48;
	v26 =	vsub.f32 $2.000000000e+00, v9;
	v27 =	vsub.f32 $2.000000000e+00, v8  }
0x2ca: {  	v28 =	vsub.f32 $2.000000000e+00, v5;
	v13 =	vsel vm0, v51, v13;
	v14 =	vsel vm14, v52, v14  }
0x2cb: {  	v15 =	vsel vm1, v53, v15;
	v16 =	vsel vm4, v54, v16;
	v17 =	vsel vm5, v55, v17  }
0x2cc: {  	v18 =	vsel vm7, v56, v18;
	v19 =	vsel vm11, v57, v19;
	v20 =	vsel vm12, v58, v20  }
0x2cd: {  	v21 =	vsel vm13, v59, v21;
	v13 =	vmul.f32 $2.560000000e+02, v13;
	v14 =	vmul.f32 $2.560000000e+02, v14  }
0x2ce: {  	vm14 =	veq.s32 v2, $0x9;
	v15 =	vmul.f32 $2.560000000e+02, v15;
	v16 =	vmul.f32 $2.560000000e+02, v16  }
0x2cf: {  	vm11 =	veq.s32 v2, $0xD;
	v17 =	vmul.f32 $2.560000000e+02, v17;
	v18 =	vmul.f32 $2.560000000e+02, v18  }
0x2d0: {  	vm12 =	veq.s32 v2, $0xE;
	v19 =	vmul.f32 $2.560000000e+02, v19;
	v20 =	vmul.f32 $2.560000000e+02, v20  }
0x2d1: {  	v21 =	vmul.f32 $2.560000000e+02, v21;
	v22 =	vsel vm14, v60, v22;
	v9 =	vsel vm11, v26, v9  }
0x2d2: {  	v8 =	vsel vm12, v27, v8;
	v22 =	vmul.f32 $2.560000000e+02, v22;
	v9 =	vmul.f32 $2.560000000e+02, v9  }
0x2d3: {  	v8 =	vmul.f32 $2.560000000e+02, v8;
	v14 =	vadd.f32 $5.120000000e+02, v14;
	v15 =	vadd.f32 $1.024000000e+03, v15  }
0x2d4: {  	v13 =	vtrunc.f32 v13;
	v16 =	vadd.f32 $1.536000000e+03, v16;
	v17 =	vadd.f32 $2.048000000e+03, v17  }
0x2d5: {  	v18 =	vadd.f32 $2.560000000e+03, v18;
	v19 =	vadd.f32 $3.072000000e+03, v19;
	v13 =	vcvt.f32.s32 v13  }
0x2d6: {  	v20 =	vadd.f32 $3.584000000e+03, v20;
	v14 =	vtrunc.f32 v14;
	v15 =	vtrunc.f32 v15  }
0x2d7: {  	v21 =	vadd.f32 $4.096000000e+03, v21;
	v16 =	vtrunc.f32 v16;
	v17 =	vtrunc.f32 v17  }
0x2d8: {  	v29 =	vsub.f32 $2.000000000e+00, v3;
	v18 =	vtrunc.f32 v18;
	v19 =	vtrunc.f32 v19  }
0x2d9: {  	v30 =	vsub.f32 $2.000000000e+00, v4;
	v20 =	vtrunc.f32 v20;
	v21 =	vtrunc.f32 v21  }
0x2da: {  	v31 =	vsub.f32 $2.000000000e+00, v6;
	v14 =	vcvt.f32.s32 v14;
	v15 =	vcvt.f32.s32 v15  }
0x2db: {  	v22 =	vadd.f32 $4.608000000e+03, v22;
	v16 =	vcvt.f32.s32 v16;
	v17 =	vcvt.f32.s32 v17  }
0x2dc: {  	v9 =	vadd.f32 $6.656000000e+03, v9;
	v18 =	vcvt.f32.s32 v18;
	v19 =	vcvt.f32.s32 v19  }
0x2dd: {  	v8 =	vadd.f32 $7.168000000e+03, v8;
	v20 =	vcvt.f32.s32 v20;
	v21 =	vcvt.f32.s32 v21  }
0x2de: {  	vm15 =	vlt.s32 v13, $0x1FF;
	v22 =	vtrunc.f32 v22;
	v9 =	vtrunc.f32 v9  }
0x2df: {  	v8 =	vtrunc.f32 v8;
	v13 =	vnsel vm15, $0x1FF, v13;
	v22 =	vcvt.f32.s32 v22  }
0x2e0: {  	v9 =	vcvt.f32.s32 v9;
	v8 =	vcvt.f32.s32 v8;
	vm6 =	vlt.s32 v14, $0x3FF  }
0x2e1: {  	vm8 =	vlt.s32 v15, $0x5FF;
	vm9 =	vlt.s32 v16, $0x7FF;
	vm10 =	vlt.s32 v17, $0x9FF  }
0x2e2: {  	vm15 =	vlt.s32 v18, $0xBFF;
	vm4 =	vlt.s32 v19, $0xDFF;
	vm5 =	vlt.s32 v20, $0xFFF  }
0x2e3: {  	v14 =	vnsel vm6, $0x3FF, v14;
	v15 =	vnsel vm8, $0x5FF, v15;
	v16 =	vnsel vm9, $0x7FF, v16  }
0x2e4: {  	v17 =	vnsel vm10, $0x9FF, v17;
	v18 =	vnsel vm15, $0xBFF, v18;
	v19 =	vnsel vm4, $0xDFF, v19  }
0x2e5: {  	v20 =	vnsel vm5, $0xFFF, v20;
	vm6 =	vlt.s32 v21, $0x11FF;
	vm7 =	vlt.s32 v22, $0x13FF  }
0x2e6: {  	vm8 =	veq.s32 v2, $0xA;
	vm9 =	veq.s32 v2, $0xB;
	vm10 =	veq.s32 v2, $0xC  }
0x2e7: {  	vm4 =	vlt.s32 v9, $0x1BFF;
	vm5 =	veq.s32 v2, $0xF;
	v21 =	vnsel vm6, $0x11FF, v21  }
0x2e8: {  	v22 =	vnsel vm7, $0x13FF, v22;
	v12 =	vsel vm8, v61, v12;
	v11 =	vsel vm9, v62, v11  }
0x2e9: {  	v10 =	vsel vm10, v63, v10;
	v5 =	vsel vm5, v28, v5;
	vm6 =	veq.s32 v2, $0x10  }
0x2ea: {  	vm7 =	veq.s32 v2, $0x11;
	vm8 =	veq.s32 v2, $0x12;
	v12 =	vmul.f32 $2.560000000e+02, v12  }
0x2eb: {  	v33 =	vnsel vm4, $0x1BFF, v9;
	v11 =	vmul.f32 $2.560000000e+02, v11;
	v10 =	vmul.f32 $2.560000000e+02, v10  }
0x2ec: {  	v5 =	vmul.f32 $2.560000000e+02, v5;
	v3 =	vsel vm6, v29, v3;
	v4 =	vsel vm7, v30, v4  }
0x2ed: {  	v32 =	vsel vm8, v31, v6;
	v3 =	vmul.f32 $2.560000000e+02, v3;
	v12 =	vadd.f32 $5.120000000e+03, v12  }
0x2ee: {  	[tilespmem:v13+s18+$0x0] =	vst.idx.add.f32.msk $0xffff, v1;
	v4 =	vmul.f32 $2.560000000e+02, v4;
	v11 =	vadd.f32 $5.632000000e+03, v11;
	v10 =	vadd.f32 $6.144000000e+03, v10  }
0x2ef: {  	v2 =	vadd.f32 $7.680000000e+03, v5;
	v5 =	vmul.f32 $2.560000000e+02, v32;
	[tilespmem:v14+s18+$0x0] =	vst.idx.add.f32.msk $0xffff, v1;
	v12 =	vtrunc.f32 v12  }
0x2f0: {  	vm9 =	vlt.s32 v8, $0x1DFF;
	v11 =	vtrunc.f32 v11;
	[tilespmem:v15+s18+$0x0] =	vst.idx.add.f32.msk $0xffff, v1;
	v12 =	vcvt.f32.s32 v12  }
0x2f1: {  	v3 =	vadd.f32 $8.192000000e+03, v3;
	v10 =	vtrunc.f32 v10;
	v11 =	vcvt.f32.s32 v11;
	[tilespmem:v16+s18+$0x0] =	vst.idx.add.f32.msk $0xffff, v1  }
0x2f2: {  	v4 =	vadd.f32 $8.704000000e+03, v4;
	v10 =	vcvt.f32.s32 v10;
	[tilespmem:v17+s18+$0x0] =	vst.idx.add.f32.msk $0xffff, v1;
	vm13 =	vlt.s32 v12, $0x15FF  }
0x2f3: {  	v2 =	vtrunc.f32 v2;
	vm14 =	vlt.s32 v11, $0x17FF;
	[tilespmem:v18+s18+$0x0] =	vst.idx.add.f32.msk $0xffff, v1;
	v12 =	vnsel vm13, $0x15FF, v12  }
0x2f4: {  	v5 =	vadd.f32 $9.216000000e+03, v5;
	vm15 =	vlt.s32 v10, $0x19FF;
	v11 =	vnsel vm14, $0x17FF, v11;
	[tilespmem:v19+s18+$0x0] =	vst.idx.add.f32.msk $0xffff, v1  }
0x2f5: {  	v2 =	vcvt.f32.s32 v2;
	v3 =	vtrunc.f32 v3;
	v10 =	vnsel vm15, $0x19FF, v10;
	[tilespmem:v20+s18+$0x0] =	vst.idx.add.f32.msk $0xffff, v1  }
0x2f6: {  	v34 =	vnsel vm9, $0x1DFF, v8;
	v4 =	vtrunc.f32 v4;
	v3 =	vcvt.f32.s32 v3;
	[tilespmem:v21+s18+$0x0] =	vst.idx.add.f32.msk $0xffff, v1  }
0x2f7: {  	v4 =	vcvt.f32.s32 v4;
	v5 =	vtrunc.f32 v5;
	vm10 =	vlt.s32 v2, $0x1FFF;
	[tilespmem:v22+s18+$0x0] =	vst.idx.add.f32.msk $0xffff, v1  }
0x2f8: {  	v5 =	vcvt.f32.s32 v5;
	v2 =	vnsel vm10, $0x1FFF, v2;
	vm11 =	vlt.s32 v3, $0x21FF;
	[tilespmem:v12+s18+$0x0] =	vst.idx.add.f32.msk $0xffff, v1  }
0x2f9: {  	vm12 =	vlt.s32 v4, $0x23FF;
	v3 =	vnsel vm11, $0x21FF, v3;
	[tilespmem:v11+s18+$0x0] =	vst.idx.add.f32.msk $0xffff, v1  }
0x2fa: {  	v4 =	vnsel vm12, $0x23FF, v4;
	vm13 =	vlt.s32 v5, $0x25FF;
	[tilespmem:v10+s18+$0x0] =	vst.idx.add.f32.msk $0xffff, v1  }
0x2fb: {  	v5 =	vnsel vm13, $0x25FF, v5;
	[tilespmem:v33+s18+$0x0] =	vst.idx.add.f32.msk $0xffff, v1  }
0x2fc: {  	[tilespmem:v34+s18+$0x0] =	vst.idx.add.f32.msk $0xffff, v1  }
0x2fd: {  	[tilespmem:v2+s18+$0x0] =	vst.idx.add.f32.msk $0xffff, v1  }
0x2fe: {  	[tilespmem:v3+s18+$0x0] =	vst.idx.add.f32.msk $0xffff, v1  }
0x2ff: {  	s10 =	sor.u32 $0x10, s10;
	[tilespmem:v4+s18+$0x0] =	vst.idx.add.f32.msk $0xffff, v1  }
0x300: {  	s1 =	sor.u32 s10, s1;
	[tilespmem:v5+s18+$0x0] =	vst.idx.add.f32.msk $0xffff, v1  }
0x301: {  	s8 =	sor.u32 s10, s8;
	v2 =	vld [tilespmem:s1+$0x0]  }
0x302: {  	s12 =	sor.u32 s10, s12;
	v3 =	vld [tilespmem:s8+$0x0]  }
0x303: {  	s19 =	sor.u32 s10, s19;
	v4 =	vld [tilespmem:s12+$0x0]  }
0x304: {  	s20 =	sor.u32 s10, s20;
	v5 =	vld [tilespmem:s19+$0x0]  }
0x305: {  	s21 =	sor.u32 s10, s21;
	v6 =	vld [tilespmem:s20+$0x0]  }
0x306: {  	s7 =	sor.u32 s10, s22;
	v7 =	vld [tilespmem:s21+$0x0];
	v2 =	vmul.f32 $1.442695020e+00, v2  }
0x307: {  	v35 =	vld [tilespmem:s7+$0x0];
	s8 =	sor.u32 s10, s9;
	v3 =	vmul.f32 $1.442695020e+00, v3  }
0x308: {  	s9 =	sor.u32 s10, s23;
	v36 =	vld [tilespmem:s8+$0x0];
	(erf) = vpow2.f32 v2;
	v2 =	vmul.f32 $1.442695020e+00, v4  }
0x309: {  	s12 =	sor.u32 s10, s11;
	v37 =	vld [tilespmem:s9+$0x0];
	(erf) = vpow2.f32 v3;
	v3 =	vmul.f32 $1.442695020e+00, v5  }
0x30a: {  	s13 =	sor.u32 s10, s13;
	v38 =	vld [tilespmem:s12+$0x0];
	(erf) = vpow2.f32 v2;
	v2 =	vmul.f32 $1.442695020e+00, v6  }
0x30b: {  	v39 =	vld [tilespmem:s13+$0x0];
	s19 =	sor.u32 s10, s28;
	(erf) = vpow2.f32 v3;
	v3 =	vmul.f32 $1.442695020e+00, v7  }
0x30c: {  	s20 =	sor.u32 s10, s17;
	v40 =	vld [tilespmem:s19+$0x0];
	(erf) = vpow2.f32 v2;
	v2 =	vmul.f32 $1.442695020e+00, v35  }
0x30d: {  	s21 =	sor.u32 s10, s14;
	v41 =	vld [tilespmem:s20+$0x0];
	(erf) = vpow2.f32 v3;
	v3 =	vmul.f32 $1.442695020e+00, v36  }
0x30e: {  	s22 =	sor.u32 s10, s15;
	v42 =	vld [tilespmem:s21+$0x0];
	(erf) = vpow2.f32 v2;
	v2 =	vmul.f32 $1.442695020e+00, v37  }
0x30f: {  	v43 =	vld [tilespmem:s22+$0x0];
	s23 =	sor.u32 s10, s16;
	(erf) = vpow2.f32 v3;
	v3 =	vmul.f32 $1.442695020e+00, v38  }
0x310: {  	v44 =	vld [tilespmem:s23+$0x0];
	(erf) = vpow2.f32 v2;
	v2 =	vmul.f32 $1.442695020e+00, v39  }
0x311: {  	v45 =	vpop (erf);
	(erf) = vpow2.f32 v3;
	v3 =	vmul.f32 $1.442695020e+00, v40  }
0x312: {  	s24 =	sor.u32 s10, s24;
	v46 =	vpop (erf);
	(erf) = vpow2.f32 v2;
	v2 =	vmul.f32 $1.442695020e+00, v41  }
0x313: {  	s25 =	sor.u32 s10, s25;
	v47 =	vld [tilespmem:s24+$0x0];
	v48 =	vpop (erf);
	(erf) = vpow2.f32 v3;
	v3 =	vmul.f32 $1.442695020e+00, v42  }
0x314: {  	v49 =	vld [tilespmem:s25+$0x0];
	v50 =	vpop (erf);
	(erf) = vpow2.f32 v2;
	v2 =	vmul.f32 $1.442695020e+00, v43  }
0x315: {  	s26 =	sor.u32 s10, s26;
	v51 =	vpop (erf);
	(erf) = vpow2.f32 v3;
	v3 =	vmul.f32 $1.442695020e+00, v44  }
0x316: {  	v52 =	vpop (erf);
	(erf) = vpow2.f32 v2;
	v2 =	vld [tilespmem:s26+$0x0]  }
0x317: {  	v53 =	vpop (erf);
	(erf) = vpow2.f32 v3  }
0x318: {  	v3 =	vmul.f32 $1.442695020e+00, v47;
	v54 =	vpop (erf)  }
0x319: {  	v55 =	vmul.f32 $1.442695020e+00, v49;
	v56 =	vpop (erf)  }
0x31a: {  	(erf) = vpow2.f32 v3;
	v57 =	vpop (erf)  }
0x31b: {  	(erf) = vpow2.f32 v55;
	v58 =	vpop (erf);
	v2 =	vmul.f32 $1.442695020e+00, v2  }
0x31c: {  	v59 =	vpop (erf)  }
0x31d: {  	v60 =	vpop (erf);
	(erf) = vpow2.f32 v2  }
0x31e: {  	v62 =	vadd.f32 v46, v45;
	v63 =	vadd.f32 v50, v48;
	v61 =	vpop (erf)  }
0x31f: {  	v29 =	vadd.f32 v52, v51;
	v30 =	vadd.f32 v54, v53;
	v28 =	vpop (erf)  }
0x320: {  	v31 =	vadd.f32 v57, v56;
	v32 =	vadd.f32 v59, v58;
	v3 =	vpop (erf)  }
0x321: {  	v33 =	vadd.f32 v61, v60;
	v34 =	vadd.f32 v3, v28  }
0x322: {  	v5 =	vadd.f32 v63, v62;
	v6 =	vadd.f32 v30, v29  }
0x323: {  	v36 =	vadd.f32 v32, v31;
	v2 =	vpop (erf);
	v37 =	vadd.f32 v34, v33  }
0x324: {  	v5 =	vadd.f32 v6, v5;
	v35 =	vpop (erf)  }
0x325: {  	v38 =	vadd.f32 v35, v2;
	v8 =	vadd.f32 v37, v36  }
0x326: {  	v39 =	vpop (erf)  }
0x327: {  	v40 =	vadd.f32 v39, v38;
	v5 =	vadd.f32 v8, v5;
	_ =	sdelay $0x1  }
0x328: {  	v5 =	vadd.f32 v40, v5;
	_ =	sdelay $0x1  }
0x329: {  	(erf) = vrcp.f32 v5;
	_ =	sdelay $0x2  }
0x32a: {  	s28 =	sor.u32 s10, s3  }
0x32b: {  	v41 =	vld [tilespmem:s28+$0x100];
	_ =	sdelay $0x4  }
0x32c: {  	vm14 =	veq.s32 v41, $0x0;
	v42 =	vpop (erf)  }
0x32d: {  	vm15 =	veq.s32 v41, $0x1;
	vm5 =	veq.s32 v41, $0x2;
	v10 =	vmul.f32 v42, v45  }
0x32e: {  	vm6 =	veq.s32 v41, $0x3;
	v12 =	vmul.f32 v42, v46;
	v13 =	vmul.f32 v42, v48  }
0x32f: {  	vm7 =	veq.s32 v41, $0x4;
	v14 =	vmul.f32 v42, v50;
	v15 =	vmul.f32 v42, v51  }
0x330: {  	vm9 =	veq.s32 v41, $0x5;
	v16 =	vmul.f32 v42, v52;
	v17 =	vmul.f32 v42, v53  }
0x331: {  	vm13 =	veq.s32 v41, $0x6;
	v18 =	vmul.f32 v42, v54;
	v19 =	vmul.f32 v42, v56  }
0x332: {  	v20 =	vmul.f32 v42, v57;
	v21 =	vmul.f32 v42, v58;
	v43 =	vsub.f32 $2.000000000e+00, v10  }
0x333: {  	v22 =	vmul.f32 v42, v59;
	v44 =	vsub.f32 $2.000000000e+00, v12;
	v45 =	vsub.f32 $2.000000000e+00, v13  }
0x334: {  	v11 =	vmul.f32 v42, v60;
	v46 =	vsub.f32 $2.000000000e+00, v14;
	v47 =	vsub.f32 $2.000000000e+00, v15  }
0x335: {  	v9 =	vmul.f32 v42, v61;
	v48 =	vsub.f32 $2.000000000e+00, v16;
	v49 =	vsub.f32 $2.000000000e+00, v17  }
0x336: {  	v7 =	vmul.f32 v42, v28;
	v50 =	vsub.f32 $2.000000000e+00, v18;
	v51 =	vsub.f32 $2.000000000e+00, v19  }
0x337: {  	v3 =	vmul.f32 v42, v3;
	v52 =	vsub.f32 $2.000000000e+00, v20;
	v53 =	vsub.f32 $2.000000000e+00, v21  }
0x338: {  	v6 =	vmul.f32 v42, v39;
	v54 =	vsub.f32 $2.000000000e+00, v22;
	v55 =	vsub.f32 $2.000000000e+00, v11  }
0x339: {  	v2 =	vmul.f32 v42, v2;
	v56 =	vsub.f32 $2.000000000e+00, v9;
	v57 =	vsub.f32 $2.000000000e+00, v7  }
0x33a: {  	v4 =	vmul.f32 v42, v35;
	v58 =	vsub.f32 $2.000000000e+00, v3;
	v61 =	vsub.f32 $2.000000000e+00, v6  }
0x33b: {  	v10 =	vsel vm14, v43, v10;
	v12 =	vsel vm15, v44, v12;
	v13 =	vsel vm5, v45, v13  }
0x33c: {  	v14 =	vsel vm6, v46, v14;
	v15 =	vsel vm7, v47, v15;
	v16 =	vsel vm9, v48, v16  }
0x33d: {  	v17 =	vsel vm13, v49, v17;
	vm14 =	veq.s32 v41, $0x7;
	vm15 =	veq.s32 v41, $0x8  }
0x33e: {  	vm5 =	veq.s32 v41, $0x9;
	v10 =	vmul.f32 $2.560000000e+02, v10;
	v12 =	vmul.f32 $2.560000000e+02, v12  }
0x33f: {  	vm9 =	veq.s32 v41, $0xA;
	v13 =	vmul.f32 $2.560000000e+02, v13;
	v14 =	vmul.f32 $2.560000000e+02, v14  }
0x340: {  	vm13 =	veq.s32 v41, $0xD;
	v15 =	vmul.f32 $2.560000000e+02, v15;
	v16 =	vmul.f32 $2.560000000e+02, v16  }
0x341: {  	v17 =	vmul.f32 $2.560000000e+02, v17;
	v18 =	vsel vm14, v50, v18;
	v19 =	vsel vm15, v51, v19  }
0x342: {  	v20 =	vsel vm5, v52, v20;
	v21 =	vsel vm9, v53, v21;
	v9 =	vsel vm13, v56, v9  }
0x343: {  	vm5 =	veq.s32 v41, $0xE;
	v18 =	vmul.f32 $2.560000000e+02, v18;
	v19 =	vmul.f32 $2.560000000e+02, v19  }
0x344: {  	vm9 =	veq.s32 v41, $0x12;
	v20 =	vmul.f32 $2.560000000e+02, v20;
	v21 =	vmul.f32 $2.560000000e+02, v21  }
0x345: {  	v9 =	vmul.f32 $2.560000000e+02, v9;
	v7 =	vsel vm5, v57, v7;
	v5 =	vsel vm9, v61, v6  }
0x346: {  	v10 =	vtrunc.f32 v10;
	v12 =	vadd.f32 $5.120000000e+02, v12;
	v13 =	vadd.f32 $1.024000000e+03, v13  }
0x347: {  	v14 =	vadd.f32 $1.536000000e+03, v14;
	v15 =	vadd.f32 $2.048000000e+03, v15;
	v7 =	vmul.f32 $2.560000000e+02, v7  }
0x348: {  	v16 =	vadd.f32 $2.560000000e+03, v16;
	v5 =	vmul.f32 $2.560000000e+02, v5;
	v10 =	vcvt.f32.s32 v10  }
0x349: {  	v17 =	vadd.f32 $3.072000000e+03, v17;
	v12 =	vtrunc.f32 v12;
	v13 =	vtrunc.f32 v13  }
0x34a: {  	v59 =	vsub.f32 $2.000000000e+00, v2;
	v14 =	vtrunc.f32 v14;
	v15 =	vtrunc.f32 v15  }
0x34b: {  	v18 =	vadd.f32 $3.584000000e+03, v18;
	v16 =	vtrunc.f32 v16;
	v17 =	vtrunc.f32 v17  }
0x34c: {  	v19 =	vadd.f32 $4.096000000e+03, v19;
	v12 =	vcvt.f32.s32 v12;
	v13 =	vcvt.f32.s32 v13  }
0x34d: {  	v20 =	vadd.f32 $4.608000000e+03, v20;
	v14 =	vcvt.f32.s32 v14;
	v15 =	vcvt.f32.s32 v15  }
0x34e: {  	v21 =	vadd.f32 $5.120000000e+03, v21;
	v16 =	vcvt.f32.s32 v16;
	v17 =	vcvt.f32.s32 v17  }
0x34f: {  	v9 =	vadd.f32 $6.656000000e+03, v9;
	v18 =	vtrunc.f32 v18;
	v19 =	vtrunc.f32 v19  }
0x350: {  	v60 =	vsub.f32 $2.000000000e+00, v4;
	v20 =	vtrunc.f32 v20;
	v21 =	vtrunc.f32 v21  }
0x351: {  	v7 =	vadd.f32 $7.168000000e+03, v7;
	v9 =	vtrunc.f32 v9;
	v18 =	vcvt.f32.s32 v18  }
0x352: {  	v5 =	vadd.f32 $9.216000000e+03, v5;
	v19 =	vcvt.f32.s32 v19;
	v20 =	vcvt.f32.s32 v20  }
0x353: {  	vm4 =	vlt.s32 v10, $0x1FF;
	v21 =	vcvt.f32.s32 v21;
	v9 =	vcvt.f32.s32 v9  }
0x354: {  	v10 =	vnsel vm4, $0x1FF, v10;
	v62 =	vtrunc.f32 v7;
	v5 =	vtrunc.f32 v5  }
0x355: {  	vm8 =	vlt.s32 v12, $0x3FF;
	vm10 =	vlt.s32 v13, $0x5FF;
	vm11 =	vlt.s32 v14, $0x7FF  }
0x356: {  	vm12 =	vlt.s32 v15, $0x9FF;
	vm4 =	vlt.s32 v16, $0xBFF;
	vm6 =	vlt.s32 v17, $0xDFF  }
0x357: {  	v6 =	vcvt.f32.s32 v62;
	v12 =	vnsel vm8, $0x3FF, v12;
	v13 =	vnsel vm10, $0x5FF, v13  }
0x358: {  	v14 =	vnsel vm11, $0x7FF, v14;
	v15 =	vnsel vm12, $0x9FF, v15;
	v16 =	vnsel vm4, $0xBFF, v16  }
0x359: {  	vm7 =	vlt.s32 v18, $0xFFF;
	v17 =	vnsel vm6, $0xDFF, v17;
	vm8 =	vlt.s32 v19, $0x11FF  }
0x35a: {  	vm10 =	veq.s32 v41, $0xB;
	vm11 =	veq.s32 v41, $0xC;
	vm12 =	vlt.s32 v20, $0x13FF  }
0x35b: {  	vm14 =	vlt.s32 v21, $0x15FF;
	vm6 =	veq.s32 v41, $0xF;
	v18 =	vnsel vm7, $0xFFF, v18  }
0x35c: {  	v22 =	vsel vm10, v54, v22;
	v11 =	vsel vm11, v55, v11;
	v19 =	vnsel vm8, $0x11FF, v19  }
0x35d: {  	v20 =	vnsel vm12, $0x13FF, v20;
	v3 =	vsel vm6, v58, v3;
	v22 =	vmul.f32 $2.560000000e+02, v22  }
0x35e: {  	vm7 =	veq.s32 v41, $0x10;
	vm8 =	veq.s32 v41, $0x11;
	v11 =	vmul.f32 $2.560000000e+02, v11  }
0x35f: {  	v2 =	vsel vm7, v59, v2;
	v4 =	vsel vm8, v60, v4;
	[tilespmem:v10+s18+$0x0] =	vst.idx.add.f32.msk $0xffff, v1;
	v22 =	vadd.f32 $5.632000000e+03, v22  }
0x360: {  	v3 =	vmul.f32 $2.560000000e+02, v3;
	v2 =	vmul.f32 $2.560000000e+02, v2;
	v11 =	vadd.f32 $6.144000000e+03, v11;
	[tilespmem:v12+s18+$0x0] =	vst.idx.add.f32.msk $0xffff, v1  }
0x361: {  	v21 =	vnsel vm14, $0x15FF, v21;
	v4 =	vmul.f32 $2.560000000e+02, v4;
	v22 =	vtrunc.f32 v22;
	[tilespmem:v13+s18+$0x0] =	vst.idx.add.f32.msk $0xffff, v1  }
0x362: {  	vm10 =	vlt.s32 v9, $0x1BFF;
	v11 =	vtrunc.f32 v11;
	v22 =	vcvt.f32.s32 v22;
	[tilespmem:v14+s18+$0x0] =	vst.idx.add.f32.msk $0xffff, v1  }
0x363: {  	vm11 =	vlt.s32 v6, $0x1DFF;
	v3 =	vadd.f32 $7.680000000e+03, v3;
	v11 =	vcvt.f32.s32 v11;
	[tilespmem:v15+s18+$0x0] =	vst.idx.add.f32.msk $0xffff, v1  }
0x364: {  	v2 =	vadd.f32 $8.192000000e+03, v2;
	v4 =	vadd.f32 $8.704000000e+03, v4;
	vm15 =	vlt.s32 v22, $0x17FF;
	[tilespmem:v16+s18+$0x0] =	vst.idx.add.f32.msk $0xffff, v1  }
0x365: {  	v3 =	vtrunc.f32 v3;
	vm4 =	vlt.s32 v11, $0x19FF;
	v22 =	vnsel vm15, $0x17FF, v22;
	[tilespmem:v17+s18+$0x0] =	vst.idx.add.f32.msk $0xffff, v1  }
0x366: {  	v3 =	vcvt.f32.s32 v3;
	v2 =	vtrunc.f32 v2;
	v11 =	vnsel vm4, $0x19FF, v11;
	[tilespmem:v18+s18+$0x0] =	vst.idx.add.f32.msk $0xffff, v1  }
0x367: {  	v63 =	vnsel vm10, $0x1BFF, v9;
	v4 =	vtrunc.f32 v4;
	v2 =	vcvt.f32.s32 v2;
	[tilespmem:v19+s18+$0x0] =	vst.idx.add.f32.msk $0xffff, v1  }
0x368: {  	v6 =	vnsel vm11, $0x1DFF, v6;
	v4 =	vcvt.f32.s32 v4;
	vm12 =	vlt.s32 v3, $0x1FFF;
	[tilespmem:v20+s18+$0x0] =	vst.idx.add.f32.msk $0xffff, v1  }
0x369: {  	v5 =	vcvt.f32.s32 v5;
	v3 =	vnsel vm12, $0x1FFF, v3;
	vm13 =	vlt.s32 v2, $0x21FF;
	[tilespmem:v21+s18+$0x0] =	vst.idx.add.f32.msk $0xffff, v1  }
0x36a: {  	vm14 =	vlt.s32 v4, $0x23FF;
	v2 =	vnsel vm13, $0x21FF, v2;
	[tilespmem:v22+s18+$0x0] =	vst.idx.add.f32.msk $0xffff, v1  }
0x36b: {  	vm15 =	vlt.s32 v5, $0x25FF;
	v4 =	vnsel vm14, $0x23FF, v4;
	[tilespmem:v11+s18+$0x0] =	vst.idx.add.f32.msk $0xffff, v1  }
0x36c: {  	p1 =	sne.s32 s0, $0x1F;
	v5 =	vnsel vm15, $0x25FF, v5;
	[tilespmem:v63+s18+$0x0] =	vst.idx.add.f32.msk $0xffff, v1  }
.Ltmp5:
0x36d: {  	[tilespmem:v6+s18+$0x0] =	vst.idx.add.f32.msk $0xffff, v1;
	(pc) =	sbr.rel @p1 .LBB2_9-.Ltmp5, $4  }
0x36e: {  	[tilespmem:v3+s18+$0x0] =	vst.idx.add.f32.msk $0xffff, v1  }
0x36f: {  	[tilespmem:v2+s18+$0x0] =	vst.idx.add.f32.msk $0xffff, v1  }
0x370: {  	[tilespmem:v4+s18+$0x0] =	vst.idx.add.f32.msk $0xffff, v1  }
0x371: {  	s31 =	sadd.s32 $0x20, s31;
	s0 =	sadd.s32 $0x1, s0;
	[tilespmem:v5+s18+$0x0] =	vst.idx.add.f32.msk $0xffff, v1  }
0x372: {  	s0 =	rddreg [dreg:$0xc]  }
0x373: {  	s1 =	rddreg [dreg:$0x3]  }
0x374: {  	s3 =	rddreg [dreg:$0x2];
	s0 =	sadd.s32 @!p0 s30, s0  }
0x375: {  	s7 =	simm.s32 @!p0 $0x200000;
	s1 =	sadd.s32 @!p0 s1, s0;
	s0 =	sshll.u32 @!p0 s0, $0x2  }
0x376: {  	s8 =	simm.s32 @!p0 $0x6000;
	s1 =	sand.u32 @!p0 $0x1FFFF400, s1;
	s0 =	sadd.s32 @!p0 s6, s0  }
0x377: {  	s1 =	sadd.s32 @!p0 s3, s1;
	s3 =	simm.s32 @!p0 $0x2000;
	s0 =	sshrl.u32 @!p0 s0, $0x3  }
0x378: {  	[tilespmem:s8], [sflag:$0x1] =	stream.strided.gather @!p0 [hbm4b:s1+s3], $0x6000, s7, s3, $0x38;
	[tilespmem:$0x1B600] =	vst v63  }
0x379: {  	s0 =	sadd.s32 @!p0 s4, s0;
	s1 =	simm.s32 @!p0 $0x0;
	s3 =	simm.s32 @!p0 $0x18080  }
0x37a: {  	[tilespmem:s3], [sflag:$0x1] =	stream.linear.gather @!p0 [hbm4b:s0+s1], $0x80, $0x38;
	[tilespmem:$0x1B600] =	vst v63  }
0x37b: {  	s7 =	simm.s32 @!p0 $0x18280;
	s3 =	sadd.s32 @!p0 $0x40, s0  }
0x37c: {  	[tilespmem:s7], [sflag:$0x1] =	stream.linear.gather @!p0 [hbm4b:s3+s1], $0x80, $0x38;
	[tilespmem:$0x1B600] =	vst v63  }
0x37d: {  	s3 =	sadd.s32 @!p0 $0x80, s0;
	s7 =	simm.s32 @!p0 $0x18480  }
0x37e: {  	[tilespmem:s7], [sflag:$0x1] =	stream.linear.gather @!p0 [hbm4b:s3+s1], $0x80, $0x38;
	[tilespmem:$0x1B600] =	vst v63  }
0x37f: {  	s3 =	sadd.s32 @!p0 $0xC0, s0;
	s7 =	simm.s32 @!p0 $0x18680  }
0x380: {  	[tilespmem:s7], [sflag:$0x1] =	stream.linear.gather @!p0 [hbm4b:s3+s1], $0x80, $0x38;
	[tilespmem:$0x1B600] =	vst v63  }
0x381: {  	s3 =	sadd.s32 @!p0 $0x100, s0;
	s7 =	simm.s32 @!p0 $0x18880  }
0x382: {  	[tilespmem:s7], [sflag:$0x1] =	stream.linear.gather @!p0 [hbm4b:s3+s1], $0x80, $0x38;
	[tilespmem:$0x1B600] =	vst v63  }
0x383: {  	s3 =	sadd.s32 @!p0 $0x140, s0;
	s7 =	simm.s32 @!p0 $0x18A80  }
0x384: {  	[tilespmem:s7], [sflag:$0x1] =	stream.linear.gather @!p0 [hbm4b:s3+s1], $0x80, $0x38;
	[tilespmem:$0x1B600] =	vst v63  }
0x385: {  	s3 =	sadd.s32 @!p0 $0x180, s0;
	s7 =	simm.s32 @!p0 $0x18C80  }
0x386: {  	[tilespmem:s7], [sflag:$0x1] =	stream.linear.gather @!p0 [hbm4b:s3+s1], $0x80, $0x38;
	[tilespmem:$0x1B600] =	vst v63  }
0x387: {  	s0 =	sadd.s32 @!p0 $0x1C0, s0;
	s3 =	simm.s32 @!p0 $0x18E80  }
0x388: {  	[tilespmem:s3], [sflag:$0x1] =	stream.linear.gather @!p0 [hbm4b:s0+s1], $0x80, $0x38;
	[tilespmem:$0x1B600] =	vst v63  }
0x389: {  	_ =	swait.ge [sflag:s5], $0x6000  }
0x38a: {  	[sflag:s5] =	ssyncset.done $0x0  }
0x38b: {  	[sflag:s5] =	ssyncadd.s32 $0xFFFFA000  }
0x38c: {  	_ =	swait.ge [sflag:s5], $0x400  }
0x38d: {  	[sflag:s5] =	ssyncset.done $0x0  }
0x38e: {  	s31 =	simm.s32 $0x0;
	s0 =	simm.s32 $0x0;
	[sflag:s5] =	ssyncadd.s32 $0xFFFFFC00  }
.LBB2_11:
0x38f: {  	s1 =	sshll.u32 s0, $0x8  }
0x390: {  	s3 =	sand.u32 $0x3FFFFC00, s1  }
0x391: {  	s10 =	sand.u32 $0x60, s31;
	s1 =	sadd.s32 $0x12000, s3  }
0x392: {  	s8 =	sadd.s32 $0x12080, s3;
	s7 =	sor.u32 s10, s1  }
0x393: {  	s12 =	sadd.s32 $0x12100, s3;
	s9 =	sor.u32 s10, s8;
	v2 =	vld [tilespmem:s7+$0x0]  }
0x394: {  	s19 =	sadd.s32 $0x12180, s3;
	s11 =	sor.u32 s10, s12;
	v3 =	vld [tilespmem:s9+$0x0]  }
0x395: {  	s20 =	sadd.s32 $0x12200, s3;
	s13 =	sor.u32 s10, s19;
	v4 =	vld [tilespmem:s11+$0x0]  }
0x396: {  	s21 =	sadd.s32 $0x12280, s3;
	s14 =	sor.u32 s10, s20;
	v5 =	vld [tilespmem:s13+$0x0]  }
0x397: {  	s22 =	sadd.s32 $0x12300, s3;
	s15 =	sor.u32 s10, s21;
	v6 =	vld [tilespmem:s14+$0x0]  }
0x398: {  	s16 =	sor.u32 s10, s22;
	v7 =	vld [tilespmem:s15+$0x0];
	s9 =	sadd.s32 $0x12380, s3;
	v2 =	vmul.f32 $1.442695020e+00, v2  }
0x399: {  	s23 =	sadd.s32 $0x14000, s3;
	v8 =	vld [tilespmem:s16+$0x0];
	s17 =	sor.u32 s10, s9;
	v3 =	vmul.f32 $1.442695020e+00, v3  }
0x39a: {  	s24 =	sor.u32 s10, s23;
	s11 =	sadd.s32 $0x14080, s3;
	v27 =	vld [tilespmem:s17+$0x0];
	(erf) = vpow2.f32 v2;
	v2 =	vmul.f32 $1.442695020e+00, v4  }
0x39b: {  	v28 =	vld [tilespmem:s24+$0x0];
	s13 =	sadd.s32 $0x14100, s3;
	s25 =	sor.u32 s10, s11;
	(erf) = vpow2.f32 v3;
	v3 =	vmul.f32 $1.442695020e+00, v5  }
0x39c: {  	s28 =	sadd.s32 $0x14180, s3;
	s26 =	sor.u32 s10, s13;
	v29 =	vld [tilespmem:s25+$0x0];
	(erf) = vpow2.f32 v2;
	v2 =	vmul.f32 $1.442695020e+00, v6  }
0x39d: {  	s14 =	sor.u32 s10, s28;
	v30 =	vld [tilespmem:s26+$0x0];
	s17 =	sadd.s32 $0x14200, s3;
	(erf) = vpow2.f32 v3;
	v3 =	vmul.f32 $1.442695020e+00, v7  }
0x39e: {  	v31 =	vld [tilespmem:s14+$0x0];
	s14 =	sadd.s32 $0x14280, s3;
	s15 =	sor.u32 s10, s17;
	(erf) = vpow2.f32 v2;
	v2 =	vmul.f32 $1.442695020e+00, v8  }
0x39f: {  	s16 =	sor.u32 s10, s14;
	v32 =	vld [tilespmem:s15+$0x0];
	s15 =	sadd.s32 $0x14300, s3;
	(erf) = vpow2.f32 v3;
	v3 =	vmul.f32 $1.442695020e+00, v27  }
0x3a0: {  	v33 =	vld [tilespmem:s16+$0x0];
	s16 =	sadd.s32 $0x14380, s3;
	s24 =	sor.u32 s10, s15;
	(erf) = vpow2.f32 v2;
	v2 =	vmul.f32 $1.442695020e+00, v28  }
0x3a1: {  	s25 =	sor.u32 s10, s16;
	v34 =	vld [tilespmem:s24+$0x0];
	(erf) = vpow2.f32 v3;
	v3 =	vmul.f32 $1.442695020e+00, v29  }
0x3a2: {  	v35 =	vld [tilespmem:s25+$0x0];
	(erf) = vpow2.f32 v2;
	v2 =	vmul.f32 $1.442695020e+00, v30  }
0x3a3: {  	s24 =	sadd.s32 $0x16000, s3;
	v13 =	vpop (erf);
	(erf) = vpow2.f32 v3;
	v3 =	vmul.f32 $1.442695020e+00, v31  }
0x3a4: {  	s25 =	sadd.s32 $0x16080, s3;
	s26 =	sor.u32 s10, s24;
	v14 =	vpop (erf);
	(erf) = vpow2.f32 v2;
	v2 =	vmul.f32 $1.442695020e+00, v32  }
0x3a5: {  	v36 =	vld [tilespmem:s26+$0x0];
	s26 =	sor.u32 s10, s25;
	v15 =	vpop (erf);
	(erf) = vpow2.f32 v3;
	v3 =	vmul.f32 $1.442695020e+00, v33  }
0x3a6: {  	v37 =	vld [tilespmem:s26+$0x0];
	s26 =	sadd.s32 $0x16100, s3;
	v16 =	vpop (erf);
	(erf) = vpow2.f32 v2;
	v2 =	vmul.f32 $1.442695020e+00, v34  }
0x3a7: {  	s3 =	sor.u32 s10, s26;
	v17 =	vpop (erf);
	(erf) = vpow2.f32 v3;
	v3 =	vmul.f32 $1.442695020e+00, v35  }
0x3a8: {  	v18 =	vpop (erf);
	(erf) = vpow2.f32 v2;
	v2 =	vld [tilespmem:s3+$0x0]  }
0x3a9: {  	v19 =	vpop (erf);
	(erf) = vpow2.f32 v3  }
0x3aa: {  	v3 =	vmul.f32 $1.442695020e+00, v36;
	v20 =	vpop (erf)  }
0x3ab: {  	v38 =	vmul.f32 $1.442695020e+00, v37;
	v21 =	vpop (erf)  }
0x3ac: {  	(erf) = vpow2.f32 v3;
	v22 =	vpop (erf)  }
0x3ad: {  	(erf) = vpow2.f32 v38;
	v12 =	vpop (erf);
	v2 =	vmul.f32 $1.442695020e+00, v2  }
0x3ae: {  	v11 =	vpop (erf)  }
0x3af: {  	v10 =	vpop (erf);
	(erf) = vpow2.f32 v2  }
0x3b0: {  	v39 =	vadd.f32 v16, v15;
	v41 =	vadd.f32 v18, v17;
	v9 =	vpop (erf)  }
0x3b1: {  	v42 =	vadd.f32 v20, v19;
	v23 =	vadd.f32 v22, v21;
	v40 =	vpop (erf)  }
0x3b2: {  	v2 =	vadd.f32 v14, v13;
	v24 =	vadd.f32 v11, v12;
	v43 =	vpop (erf)  }
0x3b3: {  	v25 =	vadd.f32 v9, v10;
	v26 =	vadd.f32 v43, v40  }
0x3b4: {  	v6 =	vadd.f32 v42, v41;
	v2 =	vadd.f32 v39, v2  }
0x3b5: {  	v45 =	vadd.f32 v24, v23;
	v3 =	vpop (erf);
	v46 =	vadd.f32 v26, v25  }
0x3b6: {  	v2 =	vadd.f32 v6, v2;
	v44 =	vpop (erf)  }
0x3b7: {  	v47 =	vadd.f32 v44, v3;
	v7 =	vadd.f32 v46, v45  }
0x3b8: {  	v48 =	vpop (erf)  }
0x3b9: {  	v49 =	vadd.f32 v48, v47;
	v2 =	vadd.f32 v7, v2;
	_ =	sdelay $0x1  }
0x3ba: {  	v2 =	vadd.f32 v49, v2  }
0x3bb: {  	s7 =	sshll.u32 s0, $0x7  }
0x3bc: {  	s3 =	sand.u32 $0x3FFFFE00, s7;
	(erf) = vrcp.f32 v2  }
0x3bd: {  	s3 =	sadd.s32 $0x18000, s3  }
0x3be: {  	s7 =	sor.u32 s10, s3  }
0x3bf: {  	v2 =	vld [tilespmem:s7+$0x180];
	_ =	sdelay $0x4  }
0x3c0: {  	vm0 =	veq.s32 v2, $0x0  }
0x3c1: {  	vm14 =	veq.s32 v2, $0x1;
	vm1 =	veq.s32 v2, $0x2;
	vm4 =	veq.s32 v2, $0x3;
	v50 =	vpop (erf)  }
0x3c2: {  	vm5 =	veq.s32 v2, $0x4;
	v13 =	vmul.f32 v50, v13;
	v14 =	vmul.f32 v50, v14  }
0x3c3: {  	vm7 =	veq.s32 v2, $0x5;
	v15 =	vmul.f32 v50, v15;
	v16 =	vmul.f32 v50, v16  }
0x3c4: {  	vm11 =	veq.s32 v2, $0x6;
	v17 =	vmul.f32 v50, v17;
	v18 =	vmul.f32 v50, v18  }
0x3c5: {  	vm12 =	veq.s32 v2, $0x7;
	v19 =	vmul.f32 v50, v19;
	v20 =	vmul.f32 v50, v20  }
0x3c6: {  	vm13 =	veq.s32 v2, $0x8;
	v21 =	vmul.f32 v50, v21;
	v22 =	vmul.f32 v50, v22  }
0x3c7: {  	v12 =	vmul.f32 v50, v12;
	v11 =	vmul.f32 v50, v11;
	v51 =	vsub.f32 $2.000000000e+00, v13  }
0x3c8: {  	v10 =	vmul.f32 v50, v10;
	v52 =	vsub.f32 $2.000000000e+00, v14;
	v53 =	vsub.f32 $2.000000000e+00, v15  }
0x3c9: {  	v9 =	vmul.f32 v50, v9;
	v54 =	vsub.f32 $2.000000000e+00, v16;
	v55 =	vsub.f32 $2.000000000e+00, v17  }
0x3ca: {  	v8 =	vmul.f32 v50, v40;
	v56 =	vsub.f32 $2.000000000e+00, v18;
	v57 =	vsub.f32 $2.000000000e+00, v19  }
0x3cb: {  	v5 =	vmul.f32 v50, v43;
	v58 =	vsub.f32 $2.000000000e+00, v20;
	v59 =	vsub.f32 $2.000000000e+00, v21  }
0x3cc: {  	v3 =	vmul.f32 v50, v3;
	v60 =	vsub.f32 $2.000000000e+00, v22;
	v61 =	vsub.f32 $2.000000000e+00, v12  }
0x3cd: {  	v4 =	vmul.f32 v50, v44;
	v62 =	vsub.f32 $2.000000000e+00, v11;
	v63 =	vsub.f32 $2.000000000e+00, v10  }
0x3ce: {  	v6 =	vmul.f32 v50, v48;
	v26 =	vsub.f32 $2.000000000e+00, v9;
	v27 =	vsub.f32 $2.000000000e+00, v8  }
0x3cf: {  	v28 =	vsub.f32 $2.000000000e+00, v5;
	v13 =	vsel vm0, v51, v13;
	v14 =	vsel vm14, v52, v14  }
0x3d0: {  	v15 =	vsel vm1, v53, v15;
	v16 =	vsel vm4, v54, v16;
	v17 =	vsel vm5, v55, v17  }
0x3d1: {  	v18 =	vsel vm7, v56, v18;
	v19 =	vsel vm11, v57, v19;
	v20 =	vsel vm12, v58, v20  }
0x3d2: {  	v21 =	vsel vm13, v59, v21;
	v13 =	vmul.f32 $2.560000000e+02, v13;
	v14 =	vmul.f32 $2.560000000e+02, v14  }
0x3d3: {  	vm14 =	veq.s32 v2, $0x9;
	v15 =	vmul.f32 $2.560000000e+02, v15;
	v16 =	vmul.f32 $2.560000000e+02, v16  }
0x3d4: {  	vm11 =	veq.s32 v2, $0xD;
	v17 =	vmul.f32 $2.560000000e+02, v17;
	v18 =	vmul.f32 $2.560000000e+02, v18  }
0x3d5: {  	vm12 =	veq.s32 v2, $0xE;
	v19 =	vmul.f32 $2.560000000e+02, v19;
	v20 =	vmul.f32 $2.560000000e+02, v20  }
0x3d6: {  	v21 =	vmul.f32 $2.560000000e+02, v21;
	v22 =	vsel vm14, v60, v22;
	v9 =	vsel vm11, v26, v9  }
0x3d7: {  	v8 =	vsel vm12, v27, v8;
	v22 =	vmul.f32 $2.560000000e+02, v22;
	v9 =	vmul.f32 $2.560000000e+02, v9  }
0x3d8: {  	v8 =	vmul.f32 $2.560000000e+02, v8;
	v14 =	vadd.f32 $5.120000000e+02, v14;
	v15 =	vadd.f32 $1.024000000e+03, v15  }
0x3d9: {  	v13 =	vtrunc.f32 v13;
	v16 =	vadd.f32 $1.536000000e+03, v16;
	v17 =	vadd.f32 $2.048000000e+03, v17  }
0x3da: {  	v18 =	vadd.f32 $2.560000000e+03, v18;
	v19 =	vadd.f32 $3.072000000e+03, v19;
	v13 =	vcvt.f32.s32 v13  }
0x3db: {  	v20 =	vadd.f32 $3.584000000e+03, v20;
	v14 =	vtrunc.f32 v14;
	v15 =	vtrunc.f32 v15  }
0x3dc: {  	v21 =	vadd.f32 $4.096000000e+03, v21;
	v16 =	vtrunc.f32 v16;
	v17 =	vtrunc.f32 v17  }
0x3dd: {  	v29 =	vsub.f32 $2.000000000e+00, v3;
	v18 =	vtrunc.f32 v18;
	v19 =	vtrunc.f32 v19  }
0x3de: {  	v30 =	vsub.f32 $2.000000000e+00, v4;
	v20 =	vtrunc.f32 v20;
	v21 =	vtrunc.f32 v21  }
0x3df: {  	v31 =	vsub.f32 $2.000000000e+00, v6;
	v14 =	vcvt.f32.s32 v14;
	v15 =	vcvt.f32.s32 v15  }
0x3e0: {  	v22 =	vadd.f32 $4.608000000e+03, v22;
	v16 =	vcvt.f32.s32 v16;
	v17 =	vcvt.f32.s32 v17  }
0x3e1: {  	v9 =	vadd.f32 $6.656000000e+03, v9;
	v18 =	vcvt.f32.s32 v18;
	v19 =	vcvt.f32.s32 v19  }
0x3e2: {  	v8 =	vadd.f32 $7.168000000e+03, v8;
	v20 =	vcvt.f32.s32 v20;
	v21 =	vcvt.f32.s32 v21  }
0x3e3: {  	vm15 =	vlt.s32 v13, $0x1FF;
	v22 =	vtrunc.f32 v22;
	v9 =	vtrunc.f32 v9  }
0x3e4: {  	v8 =	vtrunc.f32 v8;
	v13 =	vnsel vm15, $0x1FF, v13;
	v22 =	vcvt.f32.s32 v22  }
0x3e5: {  	v9 =	vcvt.f32.s32 v9;
	v8 =	vcvt.f32.s32 v8;
	vm6 =	vlt.s32 v14, $0x3FF  }
0x3e6: {  	vm8 =	vlt.s32 v15, $0x5FF;
	vm9 =	vlt.s32 v16, $0x7FF;
	vm10 =	vlt.s32 v17, $0x9FF  }
0x3e7: {  	vm15 =	vlt.s32 v18, $0xBFF;
	vm4 =	vlt.s32 v19, $0xDFF;
	vm5 =	vlt.s32 v20, $0xFFF  }
0x3e8: {  	v14 =	vnsel vm6, $0x3FF, v14;
	v15 =	vnsel vm8, $0x5FF, v15;
	v16 =	vnsel vm9, $0x7FF, v16  }
0x3e9: {  	v17 =	vnsel vm10, $0x9FF, v17;
	v18 =	vnsel vm15, $0xBFF, v18;
	v19 =	vnsel vm4, $0xDFF, v19  }
0x3ea: {  	v20 =	vnsel vm5, $0xFFF, v20;
	vm6 =	vlt.s32 v21, $0x11FF;
	vm7 =	vlt.s32 v22, $0x13FF  }
0x3eb: {  	vm8 =	veq.s32 v2, $0xA;
	vm9 =	veq.s32 v2, $0xB;
	vm10 =	veq.s32 v2, $0xC  }
0x3ec: {  	vm4 =	vlt.s32 v9, $0x1BFF;
	vm5 =	veq.s32 v2, $0xF;
	v21 =	vnsel vm6, $0x11FF, v21  }
0x3ed: {  	v22 =	vnsel vm7, $0x13FF, v22;
	v12 =	vsel vm8, v61, v12;
	v11 =	vsel vm9, v62, v11  }
0x3ee: {  	v10 =	vsel vm10, v63, v10;
	v5 =	vsel vm5, v28, v5;
	vm6 =	veq.s32 v2, $0x10  }
0x3ef: {  	vm7 =	veq.s32 v2, $0x11;
	vm8 =	veq.s32 v2, $0x12;
	v12 =	vmul.f32 $2.560000000e+02, v12  }
0x3f0: {  	v33 =	vnsel vm4, $0x1BFF, v9;
	v11 =	vmul.f32 $2.560000000e+02, v11;
	v10 =	vmul.f32 $2.560000000e+02, v10  }
0x3f1: {  	v5 =	vmul.f32 $2.560000000e+02, v5;
	v3 =	vsel vm6, v29, v3;
	v4 =	vsel vm7, v30, v4  }
0x3f2: {  	v32 =	vsel vm8, v31, v6;
	v3 =	vmul.f32 $2.560000000e+02, v3;
	v12 =	vadd.f32 $5.120000000e+03, v12  }
0x3f3: {  	[tilespmem:v13+s18+$0x0] =	vst.idx.add.f32.msk $0xffff, v1;
	v4 =	vmul.f32 $2.560000000e+02, v4;
	v11 =	vadd.f32 $5.632000000e+03, v11;
	v10 =	vadd.f32 $6.144000000e+03, v10  }
0x3f4: {  	v2 =	vadd.f32 $7.680000000e+03, v5;
	v5 =	vmul.f32 $2.560000000e+02, v32;
	[tilespmem:v14+s18+$0x0] =	vst.idx.add.f32.msk $0xffff, v1;
	v12 =	vtrunc.f32 v12  }
0x3f5: {  	vm9 =	vlt.s32 v8, $0x1DFF;
	v11 =	vtrunc.f32 v11;
	[tilespmem:v15+s18+$0x0] =	vst.idx.add.f32.msk $0xffff, v1;
	v12 =	vcvt.f32.s32 v12  }
0x3f6: {  	v3 =	vadd.f32 $8.192000000e+03, v3;
	v10 =	vtrunc.f32 v10;
	v11 =	vcvt.f32.s32 v11;
	[tilespmem:v16+s18+$0x0] =	vst.idx.add.f32.msk $0xffff, v1  }
0x3f7: {  	v4 =	vadd.f32 $8.704000000e+03, v4;
	v10 =	vcvt.f32.s32 v10;
	[tilespmem:v17+s18+$0x0] =	vst.idx.add.f32.msk $0xffff, v1;
	vm13 =	vlt.s32 v12, $0x15FF  }
0x3f8: {  	v2 =	vtrunc.f32 v2;
	vm14 =	vlt.s32 v11, $0x17FF;
	[tilespmem:v18+s18+$0x0] =	vst.idx.add.f32.msk $0xffff, v1;
	v12 =	vnsel vm13, $0x15FF, v12  }
0x3f9: {  	v5 =	vadd.f32 $9.216000000e+03, v5;
	vm15 =	vlt.s32 v10, $0x19FF;
	v11 =	vnsel vm14, $0x17FF, v11;
	[tilespmem:v19+s18+$0x0] =	vst.idx.add.f32.msk $0xffff, v1  }
0x3fa: {  	v2 =	vcvt.f32.s32 v2;
	v3 =	vtrunc.f32 v3;
	v10 =	vnsel vm15, $0x19FF, v10;
	[tilespmem:v20+s18+$0x0] =	vst.idx.add.f32.msk $0xffff, v1  }
0x3fb: {  	v34 =	vnsel vm9, $0x1DFF, v8;
	v4 =	vtrunc.f32 v4;
	v3 =	vcvt.f32.s32 v3;
	[tilespmem:v21+s18+$0x0] =	vst.idx.add.f32.msk $0xffff, v1  }
0x3fc: {  	v4 =	vcvt.f32.s32 v4;
	v5 =	vtrunc.f32 v5;
	vm10 =	vlt.s32 v2, $0x1FFF;
	[tilespmem:v22+s18+$0x0] =	vst.idx.add.f32.msk $0xffff, v1  }
0x3fd: {  	v5 =	vcvt.f32.s32 v5;
	v2 =	vnsel vm10, $0x1FFF, v2;
	vm11 =	vlt.s32 v3, $0x21FF;
	[tilespmem:v12+s18+$0x0] =	vst.idx.add.f32.msk $0xffff, v1  }
0x3fe: {  	vm12 =	vlt.s32 v4, $0x23FF;
	v3 =	vnsel vm11, $0x21FF, v3;
	[tilespmem:v11+s18+$0x0] =	vst.idx.add.f32.msk $0xffff, v1  }
0x3ff: {  	v4 =	vnsel vm12, $0x23FF, v4;
	vm13 =	vlt.s32 v5, $0x25FF;
	[tilespmem:v10+s18+$0x0] =	vst.idx.add.f32.msk $0xffff, v1  }
0x400: {  	v5 =	vnsel vm13, $0x25FF, v5;
	[tilespmem:v33+s18+$0x0] =	vst.idx.add.f32.msk $0xffff, v1  }
0x401: {  	[tilespmem:v34+s18+$0x0] =	vst.idx.add.f32.msk $0xffff, v1  }
0x402: {  	[tilespmem:v2+s18+$0x0] =	vst.idx.add.f32.msk $0xffff, v1  }
0x403: {  	[tilespmem:v3+s18+$0x0] =	vst.idx.add.f32.msk $0xffff, v1  }
0x404: {  	s10 =	sor.u32 $0x10, s10;
	[tilespmem:v4+s18+$0x0] =	vst.idx.add.f32.msk $0xffff, v1  }
0x405: {  	s1 =	sor.u32 s10, s1;
	[tilespmem:v5+s18+$0x0] =	vst.idx.add.f32.msk $0xffff, v1  }
0x406: {  	s8 =	sor.u32 s10, s8;
	v2 =	vld [tilespmem:s1+$0x0]  }
0x407: {  	s12 =	sor.u32 s10, s12;
	v3 =	vld [tilespmem:s8+$0x0]  }
0x408: {  	s19 =	sor.u32 s10, s19;
	v4 =	vld [tilespmem:s12+$0x0]  }
0x409: {  	s20 =	sor.u32 s10, s20;
	v5 =	vld [tilespmem:s19+$0x0]  }
0x40a: {  	s21 =	sor.u32 s10, s21;
	v6 =	vld [tilespmem:s20+$0x0]  }
0x40b: {  	s7 =	sor.u32 s10, s22;
	v7 =	vld [tilespmem:s21+$0x0];
	v2 =	vmul.f32 $1.442695020e+00, v2  }
0x40c: {  	v35 =	vld [tilespmem:s7+$0x0];
	s8 =	sor.u32 s10, s9;
	v3 =	vmul.f32 $1.442695020e+00, v3  }
0x40d: {  	s9 =	sor.u32 s10, s23;
	v36 =	vld [tilespmem:s8+$0x0];
	(erf) = vpow2.f32 v2;
	v2 =	vmul.f32 $1.442695020e+00, v4  }
0x40e: {  	s12 =	sor.u32 s10, s11;
	v37 =	vld [tilespmem:s9+$0x0];
	(erf) = vpow2.f32 v3;
	v3 =	vmul.f32 $1.442695020e+00, v5  }
0x40f: {  	s13 =	sor.u32 s10, s13;
	v38 =	vld [tilespmem:s12+$0x0];
	(erf) = vpow2.f32 v2;
	v2 =	vmul.f32 $1.442695020e+00, v6  }
0x410: {  	v39 =	vld [tilespmem:s13+$0x0];
	s19 =	sor.u32 s10, s28;
	(erf) = vpow2.f32 v3;
	v3 =	vmul.f32 $1.442695020e+00, v7  }
0x411: {  	s20 =	sor.u32 s10, s17;
	v40 =	vld [tilespmem:s19+$0x0];
	(erf) = vpow2.f32 v2;
	v2 =	vmul.f32 $1.442695020e+00, v35  }
0x412: {  	s21 =	sor.u32 s10, s14;
	v41 =	vld [tilespmem:s20+$0x0];
	(erf) = vpow2.f32 v3;
	v3 =	vmul.f32 $1.442695020e+00, v36  }
0x413: {  	s22 =	sor.u32 s10, s15;
	v42 =	vld [tilespmem:s21+$0x0];
	(erf) = vpow2.f32 v2;
	v2 =	vmul.f32 $1.442695020e+00, v37  }
0x414: {  	v43 =	vld [tilespmem:s22+$0x0];
	s23 =	sor.u32 s10, s16;
	(erf) = vpow2.f32 v3;
	v3 =	vmul.f32 $1.442695020e+00, v38  }
0x415: {  	v44 =	vld [tilespmem:s23+$0x0];
	(erf) = vpow2.f32 v2;
	v2 =	vmul.f32 $1.442695020e+00, v39  }
0x416: {  	v45 =	vpop (erf);
	(erf) = vpow2.f32 v3;
	v3 =	vmul.f32 $1.442695020e+00, v40  }
0x417: {  	s24 =	sor.u32 s10, s24;
	v46 =	vpop (erf);
	(erf) = vpow2.f32 v2;
	v2 =	vmul.f32 $1.442695020e+00, v41  }
0x418: {  	s25 =	sor.u32 s10, s25;
	v47 =	vld [tilespmem:s24+$0x0];
	v48 =	vpop (erf);
	(erf) = vpow2.f32 v3;
	v3 =	vmul.f32 $1.442695020e+00, v42  }
0x419: {  	v49 =	vld [tilespmem:s25+$0x0];
	v50 =	vpop (erf);
	(erf) = vpow2.f32 v2;
	v2 =	vmul.f32 $1.442695020e+00, v43  }
0x41a: {  	s26 =	sor.u32 s10, s26;
	v51 =	vpop (erf);
	(erf) = vpow2.f32 v3;
	v3 =	vmul.f32 $1.442695020e+00, v44  }
0x41b: {  	v52 =	vpop (erf);
	(erf) = vpow2.f32 v2;
	v2 =	vld [tilespmem:s26+$0x0]  }
0x41c: {  	v53 =	vpop (erf);
	(erf) = vpow2.f32 v3  }
0x41d: {  	v3 =	vmul.f32 $1.442695020e+00, v47;
	v54 =	vpop (erf)  }
0x41e: {  	v55 =	vmul.f32 $1.442695020e+00, v49;
	v56 =	vpop (erf)  }
0x41f: {  	(erf) = vpow2.f32 v3;
	v57 =	vpop (erf)  }
0x420: {  	(erf) = vpow2.f32 v55;
	v58 =	vpop (erf);
	v2 =	vmul.f32 $1.442695020e+00, v2  }
0x421: {  	v59 =	vpop (erf)  }
0x422: {  	v60 =	vpop (erf);
	(erf) = vpow2.f32 v2  }
0x423: {  	v62 =	vadd.f32 v46, v45;
	v63 =	vadd.f32 v50, v48;
	v61 =	vpop (erf)  }
0x424: {  	v29 =	vadd.f32 v52, v51;
	v30 =	vadd.f32 v54, v53;
	v28 =	vpop (erf)  }
0x425: {  	v31 =	vadd.f32 v57, v56;
	v32 =	vadd.f32 v59, v58;
	v3 =	vpop (erf)  }
0x426: {  	v33 =	vadd.f32 v61, v60;
	v34 =	vadd.f32 v3, v28  }
0x427: {  	v5 =	vadd.f32 v63, v62;
	v6 =	vadd.f32 v30, v29  }
0x428: {  	v36 =	vadd.f32 v32, v31;
	v2 =	vpop (erf);
	v37 =	vadd.f32 v34, v33  }
0x429: {  	v5 =	vadd.f32 v6, v5;
	v35 =	vpop (erf)  }
0x42a: {  	v38 =	vadd.f32 v35, v2;
	v8 =	vadd.f32 v37, v36  }
0x42b: {  	v39 =	vpop (erf)  }
0x42c: {  	v40 =	vadd.f32 v39, v38;
	v5 =	vadd.f32 v8, v5;
	_ =	sdelay $0x1  }
0x42d: {  	v5 =	vadd.f32 v40, v5;
	_ =	sdelay $0x1  }
0x42e: {  	(erf) = vrcp.f32 v5;
	_ =	sdelay $0x2  }
0x42f: {  	s28 =	sor.u32 s10, s3  }
0x430: {  	v41 =	vld [tilespmem:s28+$0x180];
	_ =	sdelay $0x4  }
0x431: {  	vm14 =	veq.s32 v41, $0x0;
	v42 =	vpop (erf)  }
0x432: {  	vm15 =	veq.s32 v41, $0x1;
	vm5 =	veq.s32 v41, $0x2;
	v10 =	vmul.f32 v42, v45  }
0x433: {  	vm6 =	veq.s32 v41, $0x3;
	v12 =	vmul.f32 v42, v46;
	v13 =	vmul.f32 v42, v48  }
0x434: {  	vm7 =	veq.s32 v41, $0x4;
	v14 =	vmul.f32 v42, v50;
	v15 =	vmul.f32 v42, v51  }
0x435: {  	vm9 =	veq.s32 v41, $0x5;
	v16 =	vmul.f32 v42, v52;
	v17 =	vmul.f32 v42, v53  }
0x436: {  	vm13 =	veq.s32 v41, $0x6;
	v18 =	vmul.f32 v42, v54;
	v19 =	vmul.f32 v42, v56  }
0x437: {  	v20 =	vmul.f32 v42, v57;
	v21 =	vmul.f32 v42, v58;
	v43 =	vsub.f32 $2.000000000e+00, v10  }
0x438: {  	v22 =	vmul.f32 v42, v59;
	v44 =	vsub.f32 $2.000000000e+00, v12;
	v45 =	vsub.f32 $2.000000000e+00, v13  }
0x439: {  	v11 =	vmul.f32 v42, v60;
	v46 =	vsub.f32 $2.000000000e+00, v14;
	v47 =	vsub.f32 $2.000000000e+00, v15  }
0x43a: {  	v9 =	vmul.f32 v42, v61;
	v48 =	vsub.f32 $2.000000000e+00, v16;
	v49 =	vsub.f32 $2.000000000e+00, v17  }
0x43b: {  	v7 =	vmul.f32 v42, v28;
	v50 =	vsub.f32 $2.000000000e+00, v18;
	v51 =	vsub.f32 $2.000000000e+00, v19  }
0x43c: {  	v3 =	vmul.f32 v42, v3;
	v52 =	vsub.f32 $2.000000000e+00, v20;
	v53 =	vsub.f32 $2.000000000e+00, v21  }
0x43d: {  	v6 =	vmul.f32 v42, v39;
	v54 =	vsub.f32 $2.000000000e+00, v22;
	v55 =	vsub.f32 $2.000000000e+00, v11  }
0x43e: {  	v2 =	vmul.f32 v42, v2;
	v56 =	vsub.f32 $2.000000000e+00, v9;
	v57 =	vsub.f32 $2.000000000e+00, v7  }
0x43f: {  	v4 =	vmul.f32 v42, v35;
	v58 =	vsub.f32 $2.000000000e+00, v3;
	v61 =	vsub.f32 $2.000000000e+00, v6  }
0x440: {  	v10 =	vsel vm14, v43, v10;
	v12 =	vsel vm15, v44, v12;
	v13 =	vsel vm5, v45, v13  }
0x441: {  	v14 =	vsel vm6, v46, v14;
	v15 =	vsel vm7, v47, v15;
	v16 =	vsel vm9, v48, v16  }
0x442: {  	v17 =	vsel vm13, v49, v17;
	vm14 =	veq.s32 v41, $0x7;
	vm15 =	veq.s32 v41, $0x8  }
0x443: {  	vm5 =	veq.s32 v41, $0x9;
	v10 =	vmul.f32 $2.560000000e+02, v10;
	v12 =	vmul.f32 $2.560000000e+02, v12  }
0x444: {  	vm9 =	veq.s32 v41, $0xA;
	v13 =	vmul.f32 $2.560000000e+02, v13;
	v14 =	vmul.f32 $2.560000000e+02, v14  }
0x445: {  	vm13 =	veq.s32 v41, $0xD;
	v15 =	vmul.f32 $2.560000000e+02, v15;
	v16 =	vmul.f32 $2.560000000e+02, v16  }
0x446: {  	v17 =	vmul.f32 $2.560000000e+02, v17;
	v18 =	vsel vm14, v50, v18;
	v19 =	vsel vm15, v51, v19  }
0x447: {  	v20 =	vsel vm5, v52, v20;
	v21 =	vsel vm9, v53, v21;
	v9 =	vsel vm13, v56, v9  }
0x448: {  	vm5 =	veq.s32 v41, $0xE;
	v18 =	vmul.f32 $2.560000000e+02, v18;
	v19 =	vmul.f32 $2.560000000e+02, v19  }
0x449: {  	vm9 =	veq.s32 v41, $0x12;
	v20 =	vmul.f32 $2.560000000e+02, v20;
	v21 =	vmul.f32 $2.560000000e+02, v21  }
0x44a: {  	v9 =	vmul.f32 $2.560000000e+02, v9;
	v7 =	vsel vm5, v57, v7;
	v5 =	vsel vm9, v61, v6  }
0x44b: {  	v10 =	vtrunc.f32 v10;
	v12 =	vadd.f32 $5.120000000e+02, v12;
	v13 =	vadd.f32 $1.024000000e+03, v13  }
0x44c: {  	v14 =	vadd.f32 $1.536000000e+03, v14;
	v15 =	vadd.f32 $2.048000000e+03, v15;
	v7 =	vmul.f32 $2.560000000e+02, v7  }
0x44d: {  	v16 =	vadd.f32 $2.560000000e+03, v16;
	v5 =	vmul.f32 $2.560000000e+02, v5;
	v10 =	vcvt.f32.s32 v10  }
0x44e: {  	v17 =	vadd.f32 $3.072000000e+03, v17;
	v12 =	vtrunc.f32 v12;
	v13 =	vtrunc.f32 v13  }
0x44f: {  	v59 =	vsub.f32 $2.000000000e+00, v2;
	v14 =	vtrunc.f32 v14;
	v15 =	vtrunc.f32 v15  }
0x450: {  	v18 =	vadd.f32 $3.584000000e+03, v18;
	v16 =	vtrunc.f32 v16;
	v17 =	vtrunc.f32 v17  }
0x451: {  	v19 =	vadd.f32 $4.096000000e+03, v19;
	v12 =	vcvt.f32.s32 v12;
	v13 =	vcvt.f32.s32 v13  }
0x452: {  	v20 =	vadd.f32 $4.608000000e+03, v20;
	v14 =	vcvt.f32.s32 v14;
	v15 =	vcvt.f32.s32 v15  }
0x453: {  	v21 =	vadd.f32 $5.120000000e+03, v21;
	v16 =	vcvt.f32.s32 v16;
	v17 =	vcvt.f32.s32 v17  }
0x454: {  	v9 =	vadd.f32 $6.656000000e+03, v9;
	v18 =	vtrunc.f32 v18;
	v19 =	vtrunc.f32 v19  }
0x455: {  	v60 =	vsub.f32 $2.000000000e+00, v4;
	v20 =	vtrunc.f32 v20;
	v21 =	vtrunc.f32 v21  }
0x456: {  	v7 =	vadd.f32 $7.168000000e+03, v7;
	v9 =	vtrunc.f32 v9;
	v18 =	vcvt.f32.s32 v18  }
0x457: {  	v5 =	vadd.f32 $9.216000000e+03, v5;
	v19 =	vcvt.f32.s32 v19;
	v20 =	vcvt.f32.s32 v20  }
0x458: {  	vm4 =	vlt.s32 v10, $0x1FF;
	v21 =	vcvt.f32.s32 v21;
	v9 =	vcvt.f32.s32 v9  }
0x459: {  	v10 =	vnsel vm4, $0x1FF, v10;
	v62 =	vtrunc.f32 v7;
	v5 =	vtrunc.f32 v5  }
0x45a: {  	vm8 =	vlt.s32 v12, $0x3FF;
	vm10 =	vlt.s32 v13, $0x5FF;
	vm11 =	vlt.s32 v14, $0x7FF  }
0x45b: {  	vm12 =	vlt.s32 v15, $0x9FF;
	vm4 =	vlt.s32 v16, $0xBFF;
	vm6 =	vlt.s32 v17, $0xDFF  }
0x45c: {  	v6 =	vcvt.f32.s32 v62;
	v12 =	vnsel vm8, $0x3FF, v12;
	v13 =	vnsel vm10, $0x5FF, v13  }
0x45d: {  	v14 =	vnsel vm11, $0x7FF, v14;
	v15 =	vnsel vm12, $0x9FF, v15;
	v16 =	vnsel vm4, $0xBFF, v16  }
0x45e: {  	vm7 =	vlt.s32 v18, $0xFFF;
	v17 =	vnsel vm6, $0xDFF, v17;
	vm8 =	vlt.s32 v19, $0x11FF  }
0x45f: {  	vm10 =	veq.s32 v41, $0xB;
	vm11 =	veq.s32 v41, $0xC;
	vm12 =	vlt.s32 v20, $0x13FF  }
0x460: {  	vm14 =	vlt.s32 v21, $0x15FF;
	vm6 =	veq.s32 v41, $0xF;
	v18 =	vnsel vm7, $0xFFF, v18  }
0x461: {  	v22 =	vsel vm10, v54, v22;
	v11 =	vsel vm11, v55, v11;
	v19 =	vnsel vm8, $0x11FF, v19  }
0x462: {  	v20 =	vnsel vm12, $0x13FF, v20;
	v3 =	vsel vm6, v58, v3;
	v22 =	vmul.f32 $2.560000000e+02, v22  }
0x463: {  	vm7 =	veq.s32 v41, $0x10;
	vm8 =	veq.s32 v41, $0x11;
	v11 =	vmul.f32 $2.560000000e+02, v11  }
0x464: {  	v2 =	vsel vm7, v59, v2;
	v4 =	vsel vm8, v60, v4;
	[tilespmem:v10+s18+$0x0] =	vst.idx.add.f32.msk $0xffff, v1;
	v22 =	vadd.f32 $5.632000000e+03, v22  }
0x465: {  	v3 =	vmul.f32 $2.560000000e+02, v3;
	v2 =	vmul.f32 $2.560000000e+02, v2;
	v11 =	vadd.f32 $6.144000000e+03, v11;
	[tilespmem:v12+s18+$0x0] =	vst.idx.add.f32.msk $0xffff, v1  }
0x466: {  	v21 =	vnsel vm14, $0x15FF, v21;
	v4 =	vmul.f32 $2.560000000e+02, v4;
	v22 =	vtrunc.f32 v22;
	[tilespmem:v13+s18+$0x0] =	vst.idx.add.f32.msk $0xffff, v1  }
0x467: {  	vm10 =	vlt.s32 v9, $0x1BFF;
	v11 =	vtrunc.f32 v11;
	v22 =	vcvt.f32.s32 v22;
	[tilespmem:v14+s18+$0x0] =	vst.idx.add.f32.msk $0xffff, v1  }
0x468: {  	vm11 =	vlt.s32 v6, $0x1DFF;
	v3 =	vadd.f32 $7.680000000e+03, v3;
	v11 =	vcvt.f32.s32 v11;
	[tilespmem:v15+s18+$0x0] =	vst.idx.add.f32.msk $0xffff, v1  }
0x469: {  	v2 =	vadd.f32 $8.192000000e+03, v2;
	v4 =	vadd.f32 $8.704000000e+03, v4;
	vm15 =	vlt.s32 v22, $0x17FF;
	[tilespmem:v16+s18+$0x0] =	vst.idx.add.f32.msk $0xffff, v1  }
0x46a: {  	v3 =	vtrunc.f32 v3;
	vm4 =	vlt.s32 v11, $0x19FF;
	v22 =	vnsel vm15, $0x17FF, v22;
	[tilespmem:v17+s18+$0x0] =	vst.idx.add.f32.msk $0xffff, v1  }
0x46b: {  	v3 =	vcvt.f32.s32 v3;
	v2 =	vtrunc.f32 v2;
	v11 =	vnsel vm4, $0x19FF, v11;
	[tilespmem:v18+s18+$0x0] =	vst.idx.add.f32.msk $0xffff, v1  }
0x46c: {  	v63 =	vnsel vm10, $0x1BFF, v9;
	v4 =	vtrunc.f32 v4;
	v2 =	vcvt.f32.s32 v2;
	[tilespmem:v19+s18+$0x0] =	vst.idx.add.f32.msk $0xffff, v1  }
0x46d: {  	v6 =	vnsel vm11, $0x1DFF, v6;
	v4 =	vcvt.f32.s32 v4;
	vm12 =	vlt.s32 v3, $0x1FFF;
	[tilespmem:v20+s18+$0x0] =	vst.idx.add.f32.msk $0xffff, v1  }
0x46e: {  	v5 =	vcvt.f32.s32 v5;
	v3 =	vnsel vm12, $0x1FFF, v3;
	vm13 =	vlt.s32 v2, $0x21FF;
	[tilespmem:v21+s18+$0x0] =	vst.idx.add.f32.msk $0xffff, v1  }
0x46f: {  	vm14 =	vlt.s32 v4, $0x23FF;
	v2 =	vnsel vm13, $0x21FF, v2;
	[tilespmem:v22+s18+$0x0] =	vst.idx.add.f32.msk $0xffff, v1  }
0x470: {  	vm15 =	vlt.s32 v5, $0x25FF;
	v4 =	vnsel vm14, $0x23FF, v4;
	[tilespmem:v11+s18+$0x0] =	vst.idx.add.f32.msk $0xffff, v1  }
0x471: {  	p1 =	sne.s32 s0, $0x1F;
	v5 =	vnsel vm15, $0x25FF, v5;
	[tilespmem:v63+s18+$0x0] =	vst.idx.add.f32.msk $0xffff, v1  }
.Ltmp6:
0x472: {  	[tilespmem:v6+s18+$0x0] =	vst.idx.add.f32.msk $0xffff, v1;
	(pc) =	sbr.rel @p1 .LBB2_11-.Ltmp6, $4  }
0x473: {  	[tilespmem:v3+s18+$0x0] =	vst.idx.add.f32.msk $0xffff, v1  }
0x474: {  	[tilespmem:v2+s18+$0x0] =	vst.idx.add.f32.msk $0xffff, v1  }
0x475: {  	[tilespmem:v4+s18+$0x0] =	vst.idx.add.f32.msk $0xffff, v1  }
0x476: {  	s31 =	sadd.s32 $0x20, s31;
	s0 =	sadd.s32 $0x1, s0;
	[tilespmem:v5+s18+$0x0] =	vst.idx.add.f32.msk $0xffff, v1  }
.Ltmp7:
0x477: {  	(pc) =	sbr.rel @p0 .LBB2_14-.Ltmp7, $1  }
0x478: {  	_ =	sdelay $0x3  }
0x479: {  	s0 =	rddreg [dreg:$0xd]  }
0x47a: {  	s1 =	rddreg [dreg:$0x3]  }
0x47b: {  	s3 =	rddreg [dreg:$0x2];
	s0 =	sadd.s32 s30, s0  }
0x47c: {  	s7 =	simm.s32 $0x2000;
	s1 =	sadd.s32 s1, s0;
	s0 =	sshll.u32 s0, $0x2  }
0x47d: {  	s22 =	simm.s32 $0x200000;
	s1 =	sand.u32 $0x1FFFF800, s1;
	s0 =	sadd.s32 s6, s0  }
0x47e: {  	s13 =	simm.s32 $0xC000;
	s1 =	sadd.s32 s3, s1;
	s0 =	sshrl.u32 s0, $0x3  }
0x47f: {  	[tilespmem:s13], [sflag:$0x1] =	stream.strided.gather [hbm4b:s1+s7], $0x6000, s22, s7, $0x38;
	[tilespmem:$0x1B600] =	vst v63  }
0x480: {  	s14 =	simm.s32 $0x18100;
	s0 =	sadd.s32 s4, s0  }
0x481: {  	[tilespmem:s14], [sflag:$0x1] =	stream.linear.gather [hbm4b:s0+s2], $0x80, $0x38;
	[tilespmem:$0x1B600] =	vst v63  }
0x482: {  	s16 =	simm.s32 $0x18300;
	s15 =	sadd.s32 $0x40, s0  }
0x483: {  	[tilespmem:s16], [sflag:$0x1] =	stream.linear.gather [hbm4b:s15+s2], $0x80, $0x38;
	[tilespmem:$0x1B600] =	vst v63  }
0x484: {  	s19 =	simm.s32 $0x18500;
	s17 =	sadd.s32 $0x80, s0  }
0x485: {  	[tilespmem:s19], [sflag:$0x1] =	stream.linear.gather [hbm4b:s17+s2], $0x80, $0x38;
	[tilespmem:$0x1B600] =	vst v63  }
0x486: {  	s21 =	simm.s32 $0x18700;
	s20 =	sadd.s32 $0xC0, s0  }
0x487: {  	[tilespmem:s21], [sflag:$0x1] =	stream.linear.gather [hbm4b:s20+s2], $0x80, $0x38;
	[tilespmem:$0x1B600] =	vst v63  }
0x488: {  	s24 =	simm.s32 $0x18900;
	s23 =	sadd.s32 $0x100, s0  }
0x489: {  	[tilespmem:s24], [sflag:$0x1] =	stream.linear.gather [hbm4b:s23+s2], $0x80, $0x38;
	[tilespmem:$0x1B600] =	vst v63  }
0x48a: {  	s26 =	simm.s32 $0x18B00;
	s25 =	sadd.s32 $0x140, s0  }
0x48b: {  	[tilespmem:s26], [sflag:$0x1] =	stream.linear.gather [hbm4b:s25+s2], $0x80, $0x38;
	[tilespmem:$0x1B600] =	vst v63  }
.Ltmp8:
0x48c: {  	_ = 	snop;
	(pc) =	sbr.rel .LBB2_4-.Ltmp8, $4  }
0x48d: {  	s30 =	simm.s32 $0x18D00;
	s28 =	sadd.s32 $0x180, s0  }
0x48e: {  	[tilespmem:s30], [sflag:$0x1] =	stream.linear.gather [hbm4b:s28+s2], $0x80, $0x38;
	[tilespmem:$0x1B600] =	vst v63  }
0x48f: {  	s31 =	simm.s32 $0x18F00;
	s29 =	sadd.s32 $0x1, s29;
	s0 =	sadd.s32 $0x1C0, s0  }
0x490: {  	[tilespmem:s31], [sflag:$0x1] =	stream.linear.gather [hbm4b:s0+s2], $0x80, $0x38;
	[tilespmem:$0x1B600] =	vst v63  }
.LBB2_15:
0x491: {  	_ =	sfence.sel $0x180000  }
0x492: {  	[bflag:$0x0] =	sbarrier.arrive $0xFFFF  }
0x493: {  	_ =	strace $0x90000047  }
0x494: {  	s0 =	stileid.u32;
	[bflag:$0x2] =	sbarrier.arrive $0xFFFF  }
0x495: {  	p0 =	sne.s32 s0, $0x0;
	s0 =	rddreg [dreg:$0x1]  }
0x496: {  	s0 =	sadd.s32 @!p0 $0x100000, s0  }
0x497: {  	[sflag:s0] =	ssyncadd.tile.s32 @!p0 $0x1;
	_ =	shalt  }
.Lfunc_end2:
_tile_overlayer_lowered:
.L_overlay_start_2:
0x498: {  	(tag) =	ssettag $0x2  }
0x499: {  	s0 =	rddreg [dreg:$0x0];
	s2 =	stileid.u32  }
0x49a: {  	s1 =	rddreg [dreg:$0x1];
	p0 =	sne.s32 s2, $0x0  }
0x49b: {  	s3 =	rddreg [dreg:$0x2];
	[bflag:$0x3] =	sbarrier.arrive $0xFFFF;
	s2 =	simm.s32 @!p0 $0x1C02  }
0x49c: {  	[timem:s3], [sflag:s2] =	dma.local @!p0 [hbm:s0], s1  }
0x49d: {  	s0 =	simm.s32 @!p0 $0x2  }
0x49e: {  	_ =	swait.ge @!p0 [sflag:s0], s1  }
0x49f: {  	s1 =	ssub.s32 @!p0 $0x0, s1;
	[sflag:s0] =	ssyncset.done @!p0 $0x0  }
0x4a0: {  	[sflag:s0] =	ssyncadd.s32 @!p0 s1  }
0x4a1: {  	[bflag:$0x3] =	sbarrier.arrive $0xFFFF  }
0x4a2: {  	_ =	shalt  }

</sc_bundles>
